<compile_context>
chip_gen: v7x
topology: tpu7x:2x2x1
jax: 0.10.2.dev20260603
libtpu: 0.0.44.dev20260713+nightly
codegen_flags: <defaults>
</compile_context>

<pallas_src>
import functools

import jax
import jax.numpy as jnp
from jax import lax
from jax.experimental import pallas as pl
from jax.experimental.pallas import tpu as pltpu
from jax.experimental.pallas import tpu_sc as plsc

N_NODES = 10000
N_INC = 320000
TXT = 128
HID = 4096
F = 64

NC = 2
NS = 16
NW = NC * NS
EPT = N_INC // NW
BLK = 500
NB = EPT // BLK
N_PAD = 10240
RPT = N_PAD // NS

ROW_TILE = 400
FIN_TILE = 1280



def _mm_body(x_ref, w1_ref, b1_ref, th_ref, feat_ref, xw_ref):
    f = lax.dot_general(x_ref[...], w1_ref[...], (((1,), (1,)), ((), ())),
                        preferred_element_type=jnp.float32)
    f = jnp.maximum(f + b1_ref[...], 0.0)
    feat_ref[...] = f
    xw_ref[...] = jnp.dot(f, th_ref[...], preferred_element_type=jnp.float32)


def _matmuls(x, w1, b1r, theta):
    n = x.shape[0]
    return pl.pallas_call(
        _mm_body,
        grid=(n // ROW_TILE,),
        in_specs=[
            pl.BlockSpec((ROW_TILE, TXT), lambda i: (i, 0)),
            pl.BlockSpec((HID, TXT), lambda i: (0, 0)),
            pl.BlockSpec((1, HID), lambda i: (0, 0)),
            pl.BlockSpec((HID, F), lambda i: (0, 0)),
        ],
        out_specs=[
            pl.BlockSpec((ROW_TILE, HID), lambda i: (i, 0)),
            pl.BlockSpec((ROW_TILE, F), lambda i: (i, 0)),
        ],
        out_shape=[
            jax.ShapeDtypeStruct((n, HID), jnp.float32),
            jax.ShapeDtypeStruct((n, F), jnp.float32),
        ],
    )(x, w1, b1r, theta)



def _seg_main(table_s, acc_s, cnt_s, sidx_v, didx_v, rows, ones_v,
              gsem, ssem, csem):
    gd = [None, None]
    sd = [None, None]
    cd = [None, None]
    gd[0] = pltpu.async_copy(table_s.at[sidx_v.at[0]], rows[0], gsem[0])
    for b in range(NB):
        cur = b & 1
        nxt = cur ^ 1
        if b + 1 < NB:
            if b >= 1:
                sd[nxt].wait()
                cd[nxt].wait()
            gd[nxt] = pltpu.async_copy(table_s.at[sidx_v.at[b + 1]], rows[nxt], gsem[nxt])
        gd[cur].wait()
        cd[cur] = pltpu.async_copy(ones_v, cnt_s.at[didx_v.at[b]], csem, add=True)
        sd[cur] = pltpu.async_copy(rows[cur], acc_s.at[didx_v.at[b]], ssem[cur], add=True)
    sd[(NB - 1) & 1].wait()
    cd[(NB - 1) & 1].wait()
    if NB > 1:
        sd[NB & 1].wait()
        cd[NB & 1].wait()


def _seg_epilogue(acc_s, cnt_s, acc_part, cnt_part, c, row0):
    pltpu.sync_copy(acc_s.at[pl.ds(row0, RPT)], acc_part.at[c, pl.ds(row0, RPT)])
    pltpu.sync_copy(cnt_s.at[pl.ds(row0, RPT)], cnt_part.at[c, pl.ds(row0, RPT)])


def _make_seg_body(sr, dr):
    def body(table, g4, z2, z1, ones_h,
             acc_part, cnt_part,
             acc_s, cnt_s, sidx_v, didx_v, rows0, rows1, ones_v,
             gsem0, gsem1, ssem0, ssem1, csem):
        c = lax.axis_index("c")
        s = lax.axis_index("s")
        wid = c * NS + s
        row0 = pl.multiple_of(s * RPT, 8)

        pltpu.sync_copy(z2, acc_s.at[pl.ds(row0, RPT)])
        pltpu.sync_copy(z1, cnt_s.at[pl.ds(row0, RPT)])
        pltpu.sync_copy(ones_h, ones_v)
        pltpu.sync_copy(g4.at[sr, wid], sidx_v)
        pltpu.sync_copy(g4.at[dr, wid], didx_v)
        plsc.subcore_barrier()
        _seg_main(table, acc_s, cnt_s, sidx_v, didx_v, (rows0, rows1), ones_v,
                  (gsem0, gsem1), (ssem0, ssem1), csem)
        plsc.subcore_barrier()
        _seg_epilogue(acc_s, cnt_s, acc_part, cnt_part, c, row0)
    return body


_SEG_OUT = (
    jax.ShapeDtypeStruct((NC, N_PAD, F), jnp.float32),
    jax.ShapeDtypeStruct((NC, N_PAD), jnp.float32),
)
_SEG_MESH = plsc.VectorSubcoreMesh(
    core_axis_name="c", subcore_axis_name="s", num_cores=NC, num_subcores=NS
)
_SEG_SCRATCH = [
    pltpu.VMEM_SHARED((N_PAD, F), jnp.float32),
    pltpu.VMEM_SHARED((N_PAD,), jnp.float32),
    pltpu.VMEM((NB, BLK), jnp.int32),
    pltpu.VMEM((NB, BLK), jnp.int32),
    pltpu.VMEM((BLK, F), jnp.float32),
    pltpu.VMEM((BLK, F), jnp.float32),
    pltpu.VMEM((BLK,), jnp.float32),
]
_SEG_SEMS = [pltpu.SemaphoreType.DMA] * 5

_seg_ps1 = pl.kernel(
    _make_seg_body(0, 1),
    out_type=_SEG_OUT,
    mesh=_SEG_MESH,
    scratch_types=_SEG_SCRATCH + _SEG_SEMS,
    compiler_params=pltpu.CompilerParams(use_tc_tiling_on_sc=False),
)

_seg_ps2 = pl.kernel(
    _make_seg_body(1, 0),
    out_type=_SEG_OUT,
    mesh=_SEG_MESH,
    scratch_types=_SEG_SCRATCH + _SEG_SEMS,
    compiler_params=pltpu.CompilerParams(use_tc_tiling_on_sc=False),
)



def _comb_body(acc_ref, cnt_ref, out_ref):
    a = acc_ref[0] + acc_ref[1]
    cnt = cnt_ref[0] + cnt_ref[1]
    inv = jnp.where(cnt > 0.0, 1.0 / cnt, 0.0)
    out_ref[...] = a * inv[:, None]


def _combine(acc_p, cnt_p):
    return pl.pallas_call(
        _comb_body,
        grid=(N_PAD // FIN_TILE,),
        in_specs=[
            pl.BlockSpec((NC, FIN_TILE, F), lambda i: (0, i, 0)),
            pl.BlockSpec((NC, FIN_TILE), lambda i: (0, i)),
        ],
        out_specs=pl.BlockSpec((FIN_TILE, F), lambda i: (i, 0)),
        out_shape=jax.ShapeDtypeStruct((N_PAD, F), jnp.float32),
    )(acc_p, cnt_p)


def _fin_body(acc_ref, cnt_ref, bias_ref, hid_ref, code_ref):
    a = acc_ref[0] + acc_ref[1]
    cnt = cnt_ref[0] + cnt_ref[1]
    inv = jnp.where(cnt > 0.0, 1.0 / cnt, 0.0)
    h = a * inv[:, None] + bias_ref[...]
    hid_ref[...] = h
    code_ref[...] = jnp.tanh(h)


def _final(acc_p, cnt_p, biasr):
    n = N_NODES
    return pl.pallas_call(
        _fin_body,
        grid=(N_PAD // FIN_TILE,),
        in_specs=[
            pl.BlockSpec((NC, FIN_TILE, F), lambda i: (0, i, 0)),
            pl.BlockSpec((NC, FIN_TILE), lambda i: (0, i)),
            pl.BlockSpec((1, F), lambda i: (0, 0)),
        ],
        out_specs=[
            pl.BlockSpec((FIN_TILE, F), lambda i: (i, 0)),
            pl.BlockSpec((FIN_TILE, F), lambda i: (i, 0)),
        ],
        out_shape=[
            jax.ShapeDtypeStruct((n, F), jnp.float32),
            jax.ShapeDtypeStruct((n, F), jnp.float32),
        ],
    )(acc_p, cnt_p, biasr)



def kernel(x, G, W1, b1, theta, bias_h):
    b1r = b1.reshape(1, HID)
    biasr = bias_h.reshape(1, F)
    g4 = G.reshape(2, NW, NB, BLK)

    feat, xw = _matmuls(x, W1, b1r, theta)

    z2 = jnp.zeros((RPT, F), jnp.float32)
    z1 = jnp.zeros((RPT,), jnp.float32)
    ones = jnp.ones((BLK,), jnp.float32)

    he_acc_p, bcnt_p = _seg_ps1(xw, g4, z2, z1, ones)
    he_feat = _combine(he_acc_p, bcnt_p)
    nd_acc_p, dcnt_p = _seg_ps2(he_feat, g4, z2, z1, ones)
    hid, code = _final(nd_acc_p, dcnt_p, biasr)
    return (feat, hid, code)

# --- scband reference (transcript-rebuilt; emitter-appended) ---
"""Pipeline reference for scband-txt-net-2611340116407 (READ-ONLY COPY).

The authoritative reference and input builder live on the scoring server;
editing this copy changes nothing except your own understanding.
"""

import jax, jax.numpy as jnp
import numpy as np

N_NODES = 10000
N_HYPEREDGES = 10000
N_INC = 320000
TXT_FEAT_LEN = 128
HIDDEN = 4096
CODE_LEN = 64


def setup_inputs(seed: int = 0) -> dict:
    key = jax.random.key(seed)
    k1, k2, k3, k4 = jax.random.split(key, 4)
    x = jax.random.normal(k1, (N_NODES, TXT_FEAT_LEN), dtype=jnp.float32)
    # G is the precomputed hyperedge incidence index produced by edge_list():
    # row 0 = node index, row 1 = hyperedge index
    G = jax.random.randint(k2, (2, N_INC), 0, N_NODES, dtype=jnp.int32)
    # fc1: Linear(txt_feat_len, 4096), init normal(0, 0.3) per module
    W1 = jax.random.normal(k3, (HIDDEN, TXT_FEAT_LEN), dtype=jnp.float32) * 0.3
    b1 = jnp.zeros((HIDDEN,), dtype=jnp.float32)
    # HypergraphConv(4096, code_len) weight + bias
    theta = jax.random.normal(k4, (HIDDEN, CODE_LEN), dtype=jnp.float32) * (1.0 / np.sqrt(HIDDEN))
    bias_h = jnp.zeros((CODE_LEN,), dtype=jnp.float32)
    return {"x": x, "G": G, "W1": W1, "b1": b1, "theta": theta, "bias_h": bias_h}


def reference(x, G, W1, b1, theta, bias_h):
    # feat = relu(fc1(x))
    feat = jax.nn.relu(x @ W1.T + b1)
    # dropout(0.5) is identity at inference time
    node_idx = G[0]
    he_idx = G[1]
    # HypergraphConv: X' = D^{-1} H W B H^T (X Theta), W = I (unit hyperedge weights)
    xw = feat @ theta  # [N, code_len]
    ones = jnp.ones((node_idx.shape[0],), dtype=xw.dtype)
    D = jax.ops.segment_sum(ones, node_idx, num_segments=N_NODES)
    Dinv = jnp.where(D > 0, 1.0 / D, 0.0)
    Bdeg = jax.ops.segment_sum(ones, he_idx, num_segments=N_HYPEREDGES)
    Binv = jnp.where(Bdeg > 0, 1.0 / Bdeg, 0.0)
    # node -> hyperedge aggregation (gather xw at node_idx, scatter-add to hyperedges)
    he_feat = Binv[:, None] * jax.ops.segment_sum(xw[node_idx], he_idx, num_segments=N_HYPEREDGES)
    # hyperedge -> node aggregation (gather he_feat at he_idx, scatter-add to nodes)
    hid = Dinv[:, None] * jax.ops.segment_sum(he_feat[he_idx], node_idx, num_segments=N_NODES)
    hid = hid + bias_h
    alpha = 1.0
    code = jnp.tanh(alpha * hid)
    return (feat, hid, code)

if __name__ == "__main__":
    import jax
    _d = setup_inputs()
    print(jax.jit(kernel)(*tuple(_d.values())))

</pallas_src>

<mosaic_0001>
#map = affine_map<(d0, d1) -> (0, 0)>
#map1 = affine_map<(d0, d1) -> (0, 0, 0, 0)>
#map2 = affine_map<(d0, d1) -> (0)>
#map3 = affine_map<(d0, d1) -> (0, 0, 0)>
module attributes {stable_mosaic.version = 14 : i64} {
  func.func @body(%arg0: i32, %arg1: i32, %arg2: memref<10240x64xf32, #tpu.memory_space<hbm>>, %arg3: memref<2x32x20x500xi32, #tpu.memory_space<hbm>>, %arg4: memref<640x64xf32, #tpu.memory_space<hbm>>, %arg5: memref<640xf32, #tpu.memory_space<hbm>>, %arg6: memref<500xf32, #tpu.memory_space<hbm>>, %arg7: memref<2x10240x64xf32, #tpu.memory_space<hbm>>, %arg8: memref<2x10240xf32, #tpu.memory_space<hbm>>, %arg9: memref<10240x64xf32, #tpu.memory_space<vmem_shared>>, %arg10: memref<10240xf32, #tpu.memory_space<vmem_shared>>, %arg11: memref<20x500xi32, #tpu.memory_space<vmem>>, %arg12: memref<20x500xi32, #tpu.memory_space<vmem>>, %arg13: memref<500x64xf32, #tpu.memory_space<vmem>>, %arg14: memref<500x64xf32, #tpu.memory_space<vmem>>, %arg15: memref<500xf32, #tpu.memory_space<vmem>>, %arg16: memref<!tpu.dma_semaphore, #tpu.memory_space<semaphore_mem>>, %arg17: memref<!tpu.dma_semaphore, #tpu.memory_space<semaphore_mem>>, %arg18: memref<!tpu.dma_semaphore, #tpu.memory_space<semaphore_mem>>, %arg19: memref<!tpu.dma_semaphore, #tpu.memory_space<semaphore_mem>>, %arg20: memref<!tpu.dma_semaphore, #tpu.memory_space<semaphore_mem>>) attributes {dimension_semantics = [#tpu.dimension_semantics<core_parallel>, #tpu.dimension_semantics<subcore_parallel>], iteration_bounds = array<i64: 2, 16>, scalar_prefetch = 0 : i64, scratch_operands = 12 : i64, tpu.core_type = #tpu.core_type<sc_vector_subcore>, window_params = [{transform_indices = #map}, {transform_indices = #map1}, {transform_indices = #map}, {transform_indices = #map2}, {transform_indices = #map2}, {transform_indices = #map3}, {transform_indices = #map}]} {
    %mul3A = arith.constant 16 : i32
    %mul3A_0 = arith.muli %arg0, %mul3A : i32
    %add3A = arith.addi %mul3A_0, %arg1 : i32
    %mul3A_1 = arith.constant 640 : i32
    %mul3A_2 = arith.muli %arg1, %mul3A_1 : i32
    %multiple_of3A = tpu.assume_multiple %mul3A_2, 8 : i32
    "tpu.region"() ({
      %run_scoped3A_803 = tpu.sem_alloc : memref<!tpu.dma_semaphore, #tpu.memory_space<semaphore_mem>>
      %dma_start3A_804 = arith.constant 0 : i32
      %dma_start3A_805 = tpu.memref_slice %arg9[%multiple_of3A, %dma_start3A_804] : memref<10240x64xf32, #tpu.memory_space<vmem_shared>> -> memref<640x64xf32, #tpu.memory_space<vmem_shared>>
      tpu.enqueue_dma source(%arg4 : memref<640x64xf32, #tpu.memory_space<hbm>>) target(%dma_start3A_805 : memref<640x64xf32, #tpu.memory_space<vmem_shared>>) target_semaphore(%run_scoped3A_803 : memref<!tpu.dma_semaphore, #tpu.memory_space<semaphore_mem>>)
      %dma_wait3A_806 = arith.constant 0 : i32
      %dma_wait3A_807 = tpu.memref_slice %arg9[%multiple_of3A, %dma_wait3A_806] : memref<10240x64xf32, #tpu.memory_space<vmem_shared>> -> memref<640x64xf32, #tpu.memory_space<vmem_shared>>
      tpu.wait_dma2 semaphore(%run_scoped3A_803 : memref<!tpu.dma_semaphore, #tpu.memory_space<semaphore_mem>>) src(%arg4 : memref<640x64xf32, #tpu.memory_space<hbm>>) dst(%dma_wait3A_807 : memref<640x64xf32, #tpu.memory_space<vmem_shared>>)
      tpu.yield
    }) : () -> ()
    "tpu.region"() ({
      %run_scoped3A_803 = tpu.sem_alloc : memref<!tpu.dma_semaphore, #tpu.memory_space<semaphore_mem>>
      %dma_start3A_804 = tpu.memref_slice %arg10[%multiple_of3A] : memref<10240xf32, #tpu.memory_space<vmem_shared>> -> memref<640xf32, #tpu.memory_space<vmem_shared>>
      tpu.enqueue_dma source(%arg5 : memref<640xf32, #tpu.memory_space<hbm>>) target(%dma_start3A_804 : memref<640xf32, #tpu.memory_space<vmem_shared>>) target_semaphore(%run_scoped3A_803 : memref<!tpu.dma_semaphore, #tpu.memory_space<semaphore_mem>>)
      %dma_wait3A_805 = tpu.memref_slice %arg10[%multiple_of3A] : memref<10240xf32, #tpu.memory_space<vmem_shared>> -> memref<640xf32, #tpu.memory_space<vmem_shared>>
      tpu.wait_dma2 semaphore(%run_scoped3A_803 : memref<!tpu.dma_semaphore, #tpu.memory_space<semaphore_mem>>) src(%arg5 : memref<640xf32, #tpu.memory_space<hbm>>) dst(%dma_wait3A_805 : memref<640xf32, #tpu.memory_space<vmem_shared>>)
      tpu.yield
    }) : () -> ()
    "tpu.region"() ({
      %run_scoped3A_803 = tpu.sem_alloc : memref<!tpu.dma_semaphore, #tpu.memory_space<semaphore_mem>>
      tpu.enqueue_dma source(%arg6 : memref<500xf32, #tpu.memory_space<hbm>>) target(%arg15 : memref<500xf32, #tpu.memory_space<vmem>>) target_semaphore(%run_scoped3A_803 : memref<!tpu.dma_semaphore, #tpu.memory_space<semaphore_mem>>)
      tpu.wait_dma2 semaphore(%run_scoped3A_803 : memref<!tpu.dma_semaphore, #tpu.memory_space<semaphore_mem>>) src(%arg6 : memref<500xf32, #tpu.memory_space<hbm>>) dst(%arg15 : memref<500xf32, #tpu.memory_space<vmem>>)
      tpu.yield
    }) : () -> ()
    %run_scoped3A = arith.constant 1 : i32
    "tpu.region"() ({
      %run_scoped3A_803 = tpu.sem_alloc : memref<!tpu.dma_semaphore, #tpu.memory_space<semaphore_mem>>
      %dma_start3A_804 = arith.constant 0 : i32
      %dma_start3A_805 = arith.constant 0 : i32
      %dma_start3A_806 = tpu.memref_slice %arg3[%run_scoped3A, %add3A, %dma_start3A_804, %dma_start3A_805] : memref<2x32x20x500xi32, #tpu.memory_space<hbm>> -> memref<1x1x20x500xi32, #tpu.memory_space<hbm>>
      %dma_start3A_807 = tpu.memref_squeeze %dma_start3A_806 : memref<1x1x20x500xi32, #tpu.memory_space<hbm>> -> memref<20x500xi32, #tpu.memory_space<hbm>>
      %dma_start3A_808 = arith.constant 0 : i32
      %dma_start3A_809 = arith.constant 0 : i32
      %dma_start3A_810 = tpu.memref_slice %arg3[%run_scoped3A, %add3A, %dma_start3A_808, %dma_start3A_809] : memref<2x32x20x500xi32, #tpu.memory_space<hbm>> -> memref<1x1x20x500xi32, #tpu.memory_space<hbm>>
      %dma_start3A_811 = tpu.memref_squeeze %dma_start3A_810 : memref<1x1x20x500xi32, #tpu.memory_space<hbm>> -> memref<20x500xi32, #tpu.memory_space<hbm>>
      tpu.enqueue_dma source(%dma_start3A_811 : memref<20x500xi32, #tpu.memory_space<hbm>>) target(%arg11 : memref<20x500xi32, #tpu.memory_space<vmem>>) target_semaphore(%run_scoped3A_803 : memref<!tpu.dma_semaphore, #tpu.memory_space<semaphore_mem>>)
      %dma_wait3A_812 = arith.constant 0 : i32
      %dma_wait3A_813 = arith.constant 0 : i32
      %dma_wait3A_814 = tpu.memref_slice %arg3[%run_scoped3A, %add3A, %dma_wait3A_812, %dma_wait3A_813] : memref<2x32x20x500xi32, #tpu.memory_space<hbm>> -> memref<1x1x20x500xi32, #tpu.memory_space<hbm>>
      %dma_wait3A_815 = tpu.memref_squeeze %dma_wait3A_814 : memref<1x1x20x500xi32, #tpu.memory_space<hbm>> -> memref<20x500xi32, #tpu.memory_space<hbm>>
      %dma_wait3A_816 = arith.constant 0 : i32
      %dma_wait3A_817 = arith.constant 0 : i32
      %dma_wait3A_818 = tpu.memref_slice %arg3[%run_scoped3A, %add3A, %dma_wait3A_816, %dma_wait3A_817] : memref<2x32x20x500xi32, #tpu.memory_space<hbm>> -> memref<1x1x20x500xi32, #tpu.memory_space<hbm>>
      %dma_wait3A_819 = tpu.memref_squeeze %dma_wait3A_818 : memref<1x1x20x500xi32, #tpu.memory_space<hbm>> -> memref<20x500xi32, #tpu.memory_space<hbm>>
      tpu.wait_dma2 semaphore(%run_scoped3A_803 : memref<!tpu.dma_semaphore, #tpu.memory_space<semaphore_mem>>) src(%dma_wait3A_819 : memref<20x500xi32, #tpu.memory_space<hbm>>) dst(%arg11 : memref<20x500xi32, #tpu.memory_space<vmem>>)
      tpu.yield
    }) : () -> ()
    %run_scoped3A_3 = arith.constant 0 : i32
    "tpu.region"() ({
      %run_scoped3A_803 = tpu.sem_alloc : memref<!tpu.dma_semaphore, #tpu.memory_space<semaphore_mem>>
      %dma_start3A_804 = arith.constant 0 : i32
      %dma_start3A_805 = arith.constant 0 : i32
      %dma_start3A_806 = tpu.memref_slice %arg3[%run_scoped3A_3, %add3A, %dma_start3A_804, %dma_start3A_805] : memref<2x32x20x500xi32, #tpu.memory_space<hbm>> -> memref<1x1x20x500xi32, #tpu.memory_space<hbm>>
      %dma_start3A_807 = tpu.memref_squeeze %dma_start3A_806 : memref<1x1x20x500xi32, #tpu.memory_space<hbm>> -> memref<20x500xi32, #tpu.memory_space<hbm>>
      %dma_start3A_808 = arith.constant 0 : i32
      %dma_start3A_809 = arith.constant 0 : i32
      %dma_start3A_810 = tpu.memref_slice %arg3[%run_scoped3A_3, %add3A, %dma_start3A_808, %dma_start3A_809] : memref<2x32x20x500xi32, #tpu.memory_space<hbm>> -> memref<1x1x20x500xi32, #tpu.memory_space<hbm>>
      %dma_start3A_811 = tpu.memref_squeeze %dma_start3A_810 : memref<1x1x20x500xi32, #tpu.memory_space<hbm>> -> memref<20x500xi32, #tpu.memory_space<hbm>>
      tpu.enqueue_dma source(%dma_start3A_811 : memref<20x500xi32, #tpu.memory_space<hbm>>) target(%arg12 : memref<20x500xi32, #tpu.memory_space<vmem>>) target_semaphore(%run_scoped3A_803 : memref<!tpu.dma_semaphore, #tpu.memory_space<semaphore_mem>>)
      %dma_wait3A_812 = arith.constant 0 : i32
      %dma_wait3A_813 = arith.constant 0 : i32
      %dma_wait3A_814 = tpu.memref_slice %arg3[%run_scoped3A_3, %add3A, %dma_wait3A_812, %dma_wait3A_813] : memref<2x32x20x500xi32, #tpu.memory_space<hbm>> -> memref<1x1x20x500xi32, #tpu.memory_space<hbm>>
      %dma_wait3A_815 = tpu.memref_squeeze %dma_wait3A_814 : memref<1x1x20x500xi32, #tpu.memory_space<hbm>> -> memref<20x500xi32, #tpu.memory_space<hbm>>
      %dma_wait3A_816 = arith.constant 0 : i32
      %dma_wait3A_817 = arith.constant 0 : i32
      %dma_wait3A_818 = tpu.memref_slice %arg3[%run_scoped3A_3, %add3A, %dma_wait3A_816, %dma_wait3A_817] : memref<2x32x20x500xi32, #tpu.memory_space<hbm>> -> memref<1x1x20x500xi32, #tpu.memory_space<hbm>>
      %dma_wait3A_819 = tpu.memref_squeeze %dma_wait3A_818 : memref<1x1x20x500xi32, #tpu.memory_space<hbm>> -> memref<20x500xi32, #tpu.memory_space<hbm>>
      tpu.wait_dma2 semaphore(%run_scoped3A_803 : memref<!tpu.dma_semaphore, #tpu.memory_space<semaphore_mem>>) src(%dma_wait3A_819 : memref<20x500xi32, #tpu.memory_space<hbm>>) dst(%arg12 : memref<20x500xi32, #tpu.memory_space<vmem>>)
      tpu.yield
    }) : () -> ()
    %barrier3A = arith.constant 0 : index
    tpu.barrier barrier_id(%barrier3A)
    %dma_start3A = arith.constant 0 : i32
    %dma_start3A_4 = arith.constant 0 : i32
    %dma_start3A_5 = tpu.memref_slice %arg11[%dma_start3A, %dma_start3A_4] : memref<20x500xi32, #tpu.memory_space<vmem>> -> memref<1x500xi32, #tpu.memory_space<vmem>>
    %dma_start3A_6 = tpu.memref_squeeze %dma_start3A_5 : memref<1x500xi32, #tpu.memory_space<vmem>> -> memref<500xi32, #tpu.memory_space<vmem>>
    %dma_start3A_7 = arith.constant 0 : i32
    %dma_start3A_8 = arith.constant 0 : i32
    %dma_start3A_9 = tpu.memref_slice %arg2[%dma_start3A_7, %dma_start3A_8] : memref<10240x64xf32, #tpu.memory_space<hbm>> -> memref<10240x64xf32, #tpu.memory_space<hbm>>
    tpu.enqueue_indirect_dma source(%dma_start3A_9 : memref<10240x64xf32, #tpu.memory_space<hbm>>) target(%arg13 : memref<500x64xf32, #tpu.memory_space<vmem>>) offsets(%dma_start3A_6 : memref<500xi32, #tpu.memory_space<vmem>>) semaphore(%arg16 : memref<!tpu.dma_semaphore, #tpu.memory_space<semaphore_mem>>)
    %dma_start3A_10 = arith.constant 1 : i32
    %dma_start3A_11 = arith.constant 0 : i32
    %dma_start3A_12 = tpu.memref_slice %arg11[%dma_start3A_10, %dma_start3A_11] : memref<20x500xi32, #tpu.memory_space<vmem>> -> memref<1x500xi32, #tpu.memory_space<vmem>>
    %dma_start3A_13 = tpu.memref_squeeze %dma_start3A_12 : memref<1x500xi32, #tpu.memory_space<vmem>> -> memref<500xi32, #tpu.memory_space<vmem>>
    %dma_start3A_14 = arith.constant 0 : i32
    %dma_start3A_15 = arith.constant 0 : i32
    %dma_start3A_16 = tpu.memref_slice %arg2[%dma_start3A_14, %dma_start3A_15] : memref<10240x64xf32, #tpu.memory_space<hbm>> -> memref<10240x64xf32, #tpu.memory_space<hbm>>
    tpu.enqueue_indirect_dma source(%dma_start3A_16 : memref<10240x64xf32, #tpu.memory_space<hbm>>) target(%arg14 : memref<500x64xf32, #tpu.memory_space<vmem>>) offsets(%dma_start3A_13 : memref<500xi32, #tpu.memory_space<vmem>>) semaphore(%arg17 : memref<!tpu.dma_semaphore, #tpu.memory_space<semaphore_mem>>)
    %dma_wait3A = arith.constant 0 : i32
    %dma_wait3A_17 = arith.constant 0 : i32
    %dma_wait3A_18 = tpu.memref_slice %arg11[%dma_wait3A, %dma_wait3A_17] : memref<20x500xi32, #tpu.memory_space<vmem>> -> memref<1x500xi32, #tpu.memory_space<vmem>>
    %dma_wait3A_19 = tpu.memref_squeeze %dma_wait3A_18 : memref<1x500xi32, #tpu.memory_space<vmem>> -> memref<500xi32, #tpu.memory_space<vmem>>
    %dma_wait3A_20 = arith.constant 0 : i32
    %dma_wait3A_21 = arith.constant 0 : i32
    %dma_wait3A_22 = tpu.memref_slice %arg2[%dma_wait3A_20, %dma_wait3A_21] : memref<10240x64xf32, #tpu.memory_space<hbm>> -> memref<10240x64xf32, #tpu.memory_space<hbm>>
    tpu.wait_indirect_dma semaphore(%arg16 : memref<!tpu.dma_semaphore, #tpu.memory_space<semaphore_mem>>) src(%dma_wait3A_22 : memref<10240x64xf32, #tpu.memory_space<hbm>>) dst(%arg13 : memref<500x64xf32, #tpu.memory_space<vmem>>)
    %dma_start3A_23 = arith.constant 0 : i32
    %dma_start3A_24 = arith.constant 0 : i32
    %dma_start3A_25 = tpu.memref_slice %arg12[%dma_start3A_23, %dma_start3A_24] : memref<20x500xi32, #tpu.memory_space<vmem>> -> memref<1x500xi32, #tpu.memory_space<vmem>>
    %dma_start3A_26 = tpu.memref_squeeze %dma_start3A_25 : memref<1x500xi32, #tpu.memory_space<vmem>> -> memref<500xi32, #tpu.memory_space<vmem>>
    %dma_start3A_27 = arith.constant 0 : i32
    %dma_start3A_28 = tpu.memref_slice %arg10[%dma_start3A_27] : memref<10240xf32, #tpu.memory_space<vmem_shared>> -> memref<10240xf32, #tpu.memory_space<vmem_shared>>
    tpu.enqueue_indirect_dma source(%arg15 : memref<500xf32, #tpu.memory_space<vmem>>) target(%dma_start3A_28 : memref<10240xf32, #tpu.memory_space<vmem_shared>>) offsets(%dma_start3A_26 : memref<500xi32, #tpu.memory_space<vmem>>) semaphore(%arg20 : memref<!tpu.dma_semaphore, #tpu.memory_space<semaphore_mem>>) {add = true}
    %dma_start3A_29 = arith.constant 0 : i32
    %dma_start3A_30 = arith.constant 0 : i32
    %dma_start3A_31 = tpu.memref_slice %arg12[%dma_start3A_29, %dma_start3A_30] : memref<20x500xi32, #tpu.memory_space<vmem>> -> memref<1x500xi32, #tpu.memory_space<vmem>>
    %dma_start3A_32 = tpu.memref_squeeze %dma_start3A_31 : memref<1x500xi32, #tpu.memory_space<vmem>> -> memref<500xi32, #tpu.memory_space<vmem>>
    %dma_start3A_33 = arith.constant 0 : i32
    %dma_start3A_34 = arith.constant 0 : i32
    %dma_start3A_35 = tpu.memref_slice %arg9[%dma_start3A_33, %dma_start3A_34] : memref<10240x64xf32, #tpu.memory_space<vmem_shared>> -> memref<10240x64xf32, #tpu.memory_space<vmem_shared>>
    tpu.enqueue_indirect_dma source(%arg13 : memref<500x64xf32, #tpu.memory_space<vmem>>) target(%dma_start3A_35 : memref<10240x64xf32, #tpu.memory_space<vmem_shared>>) offsets(%dma_start3A_32 : memref<500xi32, #tpu.memory_space<vmem>>) semaphore(%arg18 : memref<!tpu.dma_semaphore, #tpu.memory_space<semaphore_mem>>) {add = true}
    %dma_wait3A_36 = arith.constant 0 : i32
    %dma_wait3A_37 = arith.constant 0 : i32
    %dma_wait3A_38 = tpu.memref_slice %arg12[%dma_wait3A_36, %dma_wait3A_37] : memref<20x500xi32, #tpu.memory_space<vmem>> -> memref<1x500xi32, #tpu.memory_space<vmem>>
    %dma_wait3A_39 = tpu.memref_squeeze %dma_wait3A_38 : memref<1x500xi32, #tpu.memory_space<vmem>> -> memref<500xi32, #tpu.memory_space<vmem>>
    %dma_wait3A_40 = arith.constant 0 : i32
    %dma_wait3A_41 = arith.constant 0 : i32
    %dma_wait3A_42 = tpu.memref_slice %arg9[%dma_wait3A_40, %dma_wait3A_41] : memref<10240x64xf32, #tpu.memory_space<vmem_shared>> -> memref<10240x64xf32, #tpu.memory_space<vmem_shared>>
    tpu.wait_indirect_dma semaphore(%arg18 : memref<!tpu.dma_semaphore, #tpu.memory_space<semaphore_mem>>) src(%arg13 : memref<500x64xf32, #tpu.memory_space<vmem>>) dst(%dma_wait3A_42 : memref<10240x64xf32, #tpu.memory_space<vmem_shared>>)
    %dma_wait3A_43 = arith.constant 0 : i32
    %dma_wait3A_44 = arith.constant 0 : i32
    %dma_wait3A_45 = tpu.memref_slice %arg12[%dma_wait3A_43, %dma_wait3A_44] : memref<20x500xi32, #tpu.memory_space<vmem>> -> memref<1x500xi32, #tpu.memory_space<vmem>>
    %dma_wait3A_46 = tpu.memref_squeeze %dma_wait3A_45 : memref<1x500xi32, #tpu.memory_space<vmem>> -> memref<500xi32, #tpu.memory_space<vmem>>
    %dma_wait3A_47 = arith.constant 0 : i32
    %dma_wait3A_48 = tpu.memref_slice %arg10[%dma_wait3A_47] : memref<10240xf32, #tpu.memory_space<vmem_shared>> -> memref<10240xf32, #tpu.memory_space<vmem_shared>>
    tpu.wait_indirect_dma semaphore(%arg20 : memref<!tpu.dma_semaphore, #tpu.memory_space<semaphore_mem>>) src(%arg15 : memref<500xf32, #tpu.memory_space<vmem>>) dst(%dma_wait3A_48 : memref<10240xf32, #tpu.memory_space<vmem_shared>>)
    %dma_start3A_49 = arith.constant 2 : i32
    %dma_start3A_50 = arith.constant 0 : i32
    %dma_start3A_51 = tpu.memref_slice %arg11[%dma_start3A_49, %dma_start3A_50] : memref<20x500xi32, #tpu.memory_space<vmem>> -> memref<1x500xi32, #tpu.memory_space<vmem>>
    %dma_start3A_52 = tpu.memref_squeeze %dma_start3A_51 : memref<1x500xi32, #tpu.memory_space<vmem>> -> memref<500xi32, #tpu.memory_space<vmem>>
    %dma_start3A_53 = arith.constant 0 : i32
    %dma_start3A_54 = arith.constant 0 : i32
    %dma_start3A_55 = tpu.memref_slice %arg2[%dma_start3A_53, %dma_start3A_54] : memref<10240x64xf32, #tpu.memory_space<hbm>> -> memref<10240x64xf32, #tpu.memory_space<hbm>>
    tpu.enqueue_indirect_dma source(%dma_start3A_55 : memref<10240x64xf32, #tpu.memory_space<hbm>>) target(%arg13 : memref<500x64xf32, #tpu.memory_space<vmem>>) offsets(%dma_start3A_52 : memref<500xi32, #tpu.memory_space<vmem>>) semaphore(%arg16 : memref<!tpu.dma_semaphore, #tpu.memory_space<semaphore_mem>>)
    %dma_wait3A_56 = arith.constant 1 : i32
    %dma_wait3A_57 = arith.constant 0 : i32
    %dma_wait3A_58 = tpu.memref_slice %arg11[%dma_wait3A_56, %dma_wait3A_57] : memref<20x500xi32, #tpu.memory_space<vmem>> -> memref<1x500xi32, #tpu.memory_space<vmem>>
    %dma_wait3A_59 = tpu.memref_squeeze %dma_wait3A_58 : memref<1x500xi32, #tpu.memory_space<vmem>> -> memref<500xi32, #tpu.memory_space<vmem>>
    %dma_wait3A_60 = arith.constant 0 : i32
    %dma_wait3A_61 = arith.constant 0 : i32
    %dma_wait3A_62 = tpu.memref_slice %arg2[%dma_wait3A_60, %dma_wait3A_61] : memref<10240x64xf32, #tpu.memory_space<hbm>> -> memref<10240x64xf32, #tpu.memory_space<hbm>>
    tpu.wait_indirect_dma semaphore(%arg17 : memref<!tpu.dma_semaphore, #tpu.memory_space<semaphore_mem>>) src(%dma_wait3A_62 : memref<10240x64xf32, #tpu.memory_space<hbm>>) dst(%arg14 : memref<500x64xf32, #tpu.memory_space<vmem>>)
    %dma_start3A_63 = arith.constant 1 : i32
    %dma_start3A_64 = arith.constant 0 : i32
    %dma_start3A_65 = tpu.memref_slice %arg12[%dma_start3A_63, %dma_start3A_64] : memref<20x500xi32, #tpu.memory_space<vmem>> -> memref<1x500xi32, #tpu.memory_space<vmem>>
    %dma_start3A_66 = tpu.memref_squeeze %dma_start3A_65 : memref<1x500xi32, #tpu.memory_space<vmem>> -> memref<500xi32, #tpu.memory_space<vmem>>
    %dma_start3A_67 = arith.constant 0 : i32
    %dma_start3A_68 = tpu.memref_slice %arg10[%dma_start3A_67] : memref<10240xf32, #tpu.memory_space<vmem_shared>> -> memref<10240xf32, #tpu.memory_space<vmem_shared>>
    tpu.enqueue_indirect_dma source(%arg15 : memref<500xf32, #tpu.memory_space<vmem>>) target(%dma_start3A_68 : memref<10240xf32, #tpu.memory_space<vmem_shared>>) offsets(%dma_start3A_66 : memref<500xi32, #tpu.memory_space<vmem>>) semaphore(%arg20 : memref<!tpu.dma_semaphore, #tpu.memory_space<semaphore_mem>>) {add = true}
    %dma_start3A_69 = arith.constant 1 : i32
    %dma_start3A_70 = arith.constant 0 : i32
    %dma_start3A_71 = tpu.memref_slice %arg12[%dma_start3A_69, %dma_start3A_70] : memref<20x500xi32, #tpu.memory_space<vmem>> -> memref<1x500xi32, #tpu.memory_space<vmem>>
    %dma_start3A_72 = tpu.memref_squeeze %dma_start3A_71 : memref<1x500xi32, #tpu.memory_space<vmem>> -> memref<500xi32, #tpu.memory_space<vmem>>
    %dma_start3A_73 = arith.constant 0 : i32
    %dma_start3A_74 = arith.constant 0 : i32
    %dma_start3A_75 = tpu.memref_slice %arg9[%dma_start3A_73, %dma_start3A_74] : memref<10240x64xf32, #tpu.memory_space<vmem_shared>> -> memref<10240x64xf32, #tpu.memory_space<vmem_shared>>
    tpu.enqueue_indirect_dma source(%arg14 : memref<500x64xf32, #tpu.memory_space<vmem>>) target(%dma_start3A_75 : memref<10240x64xf32, #tpu.memory_space<vmem_shared>>) offsets(%dma_start3A_72 : memref<500xi32, #tpu.memory_space<vmem>>) semaphore(%arg19 : memref<!tpu.dma_semaphore, #tpu.memory_space<semaphore_mem>>) {add = true}
    %dma_wait3A_76 = arith.constant 1 : i32
    %dma_wait3A_77 = arith.constant 0 : i32
    %dma_wait3A_78 = tpu.memref_slice %arg12[%dma_wait3A_76, %dma_wait3A_77] : memref<20x500xi32, #tpu.memory_space<vmem>> -> memref<1x500xi32, #tpu.memory_space<vmem>>
    %dma_wait3A_79 = tpu.memref_squeeze %dma_wait3A_78 : memref<1x500xi32, #tpu.memory_space<vmem>> -> memref<500xi32, #tpu.memory_space<vmem>>
    %dma_wait3A_80 = arith.constant 0 : i32
    %dma_wait3A_81 = arith.constant 0 : i32
    %dma_wait3A_82 = tpu.memref_slice %arg9[%dma_wait3A_80, %dma_wait3A_81] : memref<10240x64xf32, #tpu.memory_space<vmem_shared>> -> memref<10240x64xf32, #tpu.memory_space<vmem_shared>>
    tpu.wait_indirect_dma semaphore(%arg19 : memref<!tpu.dma_semaphore, #tpu.memory_space<semaphore_mem>>) src(%arg14 : memref<500x64xf32, #tpu.memory_space<vmem>>) dst(%dma_wait3A_82 : memref<10240x64xf32, #tpu.memory_space<vmem_shared>>)
    %dma_wait3A_83 = arith.constant 1 : i32
    %dma_wait3A_84 = arith.constant 0 : i32
    %dma_wait3A_85 = tpu.memref_slice %arg12[%dma_wait3A_83, %dma_wait3A_84] : memref<20x500xi32, #tpu.memory_space<vmem>> -> memref<1x500xi32, #tpu.memory_space<vmem>>
    %dma_wait3A_86 = tpu.memref_squeeze %dma_wait3A_85 : memref<1x500xi32, #tpu.memory_space<vmem>> -> memref<500xi32, #tpu.memory_space<vmem>>
    %dma_wait3A_87 = arith.constant 0 : i32
    %dma_wait3A_88 = tpu.memref_slice %arg10[%dma_wait3A_87] : memref<10240xf32, #tpu.memory_space<vmem_shared>> -> memref<10240xf32, #tpu.memory_space<vmem_shared>>
    tpu.wait_indirect_dma semaphore(%arg20 : memref<!tpu.dma_semaphore, #tpu.memory_space<semaphore_mem>>) src(%arg15 : memref<500xf32, #tpu.memory_space<vmem>>) dst(%dma_wait3A_88 : memref<10240xf32, #tpu.memory_space<vmem_shared>>)
    %dma_start3A_89 = arith.constant 3 : i32
    %dma_start3A_90 = arith.constant 0 : i32
    %dma_start3A_91 = tpu.memref_slice %arg11[%dma_start3A_89, %dma_start3A_90] : memref<20x500xi32, #tpu.memory_space<vmem>> -> memref<1x500xi32, #tpu.memory_space<vmem>>
    %dma_start3A_92 = tpu.memref_squeeze %dma_start3A_91 : memref<1x500xi32, #tpu.memory_space<vmem>> -> memref<500xi32, #tpu.memory_space<vmem>>
    %dma_start3A_93 = arith.constant 0 : i32
    %dma_start3A_94 = arith.constant 0 : i32
    %dma_start3A_95 = tpu.memref_slice %arg2[%dma_start3A_93, %dma_start3A_94] : memref<10240x64xf32, #tpu.memory_space<hbm>> -> memref<10240x64xf32, #tpu.memory_space<hbm>>
    tpu.enqueue_indirect_dma source(%dma_start3A_95 : memref<10240x64xf32, #tpu.memory_space<hbm>>) target(%arg14 : memref<500x64xf32, #tpu.memory_space<vmem>>) offsets(%dma_start3A_92 : memref<500xi32, #tpu.memory_space<vmem>>) semaphore(%arg17 : memref<!tpu.dma_semaphore, #tpu.memory_space<semaphore_mem>>)
    %dma_wait3A_96 = arith.constant 2 : i32
    %dma_wait3A_97 = arith.constant 0 : i32
    %dma_wait3A_98 = tpu.memref_slice %arg11[%dma_wait3A_96, %dma_wait3A_97] : memref<20x500xi32, #tpu.memory_space<vmem>> -> memref<1x500xi32, #tpu.memory_space<vmem>>
    %dma_wait3A_99 = tpu.memref_squeeze %dma_wait3A_98 : memref<1x500xi32, #tpu.memory_space<vmem>> -> memref<500xi32, #tpu.memory_space<vmem>>
    %dma_wait3A_100 = arith.constant 0 : i32
    %dma_wait3A_101 = arith.constant 0 : i32
    %dma_wait3A_102 = tpu.memref_slice %arg2[%dma_wait3A_100, %dma_wait3A_101] : memref<10240x64xf32, #tpu.memory_space<hbm>> -> memref<10240x64xf32, #tpu.memory_space<hbm>>
    tpu.wait_indirect_dma semaphore(%arg16 : memref<!tpu.dma_semaphore, #tpu.memory_space<semaphore_mem>>) src(%dma_wait3A_102 : memref<10240x64xf32, #tpu.memory_space<hbm>>) dst(%arg13 : memref<500x64xf32, #tpu.memory_space<vmem>>)
    %dma_start3A_103 = arith.constant 2 : i32
    %dma_start3A_104 = arith.constant 0 : i32
    %dma_start3A_105 = tpu.memref_slice %arg12[%dma_start3A_103, %dma_start3A_104] : memref<20x500xi32, #tpu.memory_space<vmem>> -> memref<1x500xi32, #tpu.memory_space<vmem>>
    %dma_start3A_106 = tpu.memref_squeeze %dma_start3A_105 : memref<1x500xi32, #tpu.memory_space<vmem>> -> memref<500xi32, #tpu.memory_space<vmem>>
    %dma_start3A_107 = arith.constant 0 : i32
    %dma_start3A_108 = tpu.memref_slice %arg10[%dma_start3A_107] : memref<10240xf32, #tpu.memory_space<vmem_shared>> -> memref<10240xf32, #tpu.memory_space<vmem_shared>>
    tpu.enqueue_indirect_dma source(%arg15 : memref<500xf32, #tpu.memory_space<vmem>>) target(%dma_start3A_108 : memref<10240xf32, #tpu.memory_space<vmem_shared>>) offsets(%dma_start3A_106 : memref<500xi32, #tpu.memory_space<vmem>>) semaphore(%arg20 : memref<!tpu.dma_semaphore, #tpu.memory_space<semaphore_mem>>) {add = true}
    %dma_start3A_109 = arith.constant 2 : i32
    %dma_start3A_110 = arith.constant 0 : i32
    %dma_start3A_111 = tpu.memref_slice %arg12[%dma_start3A_109, %dma_start3A_110] : memref<20x500xi32, #tpu.memory_space<vmem>> -> memref<1x500xi32, #tpu.memory_space<vmem>>
    %dma_start3A_112 = tpu.memref_squeeze %dma_start3A_111 : memref<1x500xi32, #tpu.memory_space<vmem>> -> memref<500xi32, #tpu.memory_space<vmem>>
    %dma_start3A_113 = arith.constant 0 : i32
    %dma_start3A_114 = arith.constant 0 : i32
    %dma_start3A_115 = tpu.memref_slice %arg9[%dma_start3A_113, %dma_start3A_114] : memref<10240x64xf32, #tpu.memory_space<vmem_shared>> -> memref<10240x64xf32, #tpu.memory_space<vmem_shared>>
    tpu.enqueue_indirect_dma source(%arg13 : memref<500x64xf32, #tpu.memory_space<vmem>>) target(%dma_start3A_115 : memref<10240x64xf32, #tpu.memory_space<vmem_shared>>) offsets(%dma_start3A_112 : memref<500xi32, #tpu.memory_space<vmem>>) semaphore(%arg18 : memref<!tpu.dma_semaphore, #tpu.memory_space<semaphore_mem>>) {add = true}
    %dma_wait3A_116 = arith.constant 2 : i32
    %dma_wait3A_117 = arith.constant 0 : i32
    %dma_wait3A_118 = tpu.memref_slice %arg12[%dma_wait3A_116, %dma_wait3A_117] : memref<20x500xi32, #tpu.memory_space<vmem>> -> memref<1x500xi32, #tpu.memory_space<vmem>>
    %dma_wait3A_119 = tpu.memref_squeeze %dma_wait3A_118 : memref<1x500xi32, #tpu.memory_space<vmem>> -> memref<500xi32, #tpu.memory_space<vmem>>
    %dma_wait3A_120 = arith.constant 0 : i32
    %dma_wait3A_121 = arith.constant 0 : i32
    %dma_wait3A_122 = tpu.memref_slice %arg9[%dma_wait3A_120, %dma_wait3A_121] : memref<10240x64xf32, #tpu.memory_space<vmem_shared>> -> memref<10240x64xf32, #tpu.memory_space<vmem_shared>>
    tpu.wait_indirect_dma semaphore(%arg18 : memref<!tpu.dma_semaphore, #tpu.memory_space<semaphore_mem>>) src(%arg13 : memref<500x64xf32, #tpu.memory_space<vmem>>) dst(%dma_wait3A_122 : memref<10240x64xf32, #tpu.memory_space<vmem_shared>>)
    %dma_wait3A_123 = arith.constant 2 : i32
    %dma_wait3A_124 = arith.constant 0 : i32
    %dma_wait3A_125 = tpu.memref_slice %arg12[%dma_wait3A_123, %dma_wait3A_124] : memref<20x500xi32, #tpu.memory_space<vmem>> -> memref<1x500xi32, #tpu.memory_space<vmem>>
    %dma_wait3A_126 = tpu.memref_squeeze %dma_wait3A_125 : memref<1x500xi32, #tpu.memory_space<vmem>> -> memref<500xi32, #tpu.memory_space<vmem>>
    %dma_wait3A_127 = arith.constant 0 : i32
    %dma_wait3A_128 = tpu.memref_slice %arg10[%dma_wait3A_127] : memref<10240xf32, #tpu.memory_space<vmem_shared>> -> memref<10240xf32, #tpu.memory_space<vmem_shared>>
    tpu.wait_indirect_dma semaphore(%arg20 : memref<!tpu.dma_semaphore, #tpu.memory_space<semaphore_mem>>) src(%arg15 : memref<500xf32, #tpu.memory_space<vmem>>) dst(%dma_wait3A_128 : memref<10240xf32, #tpu.memory_space<vmem_shared>>)
    %dma_start3A_129 = arith.constant 4 : i32
    %dma_start3A_130 = arith.constant 0 : i32
    %dma_start3A_131 = tpu.memref_slice %arg11[%dma_start3A_129, %dma_start3A_130] : memref<20x500xi32, #tpu.memory_space<vmem>> -> memref<1x500xi32, #tpu.memory_space<vmem>>
    %dma_start3A_132 = tpu.memref_squeeze %dma_start3A_131 : memref<1x500xi32, #tpu.memory_space<vmem>> -> memref<500xi32, #tpu.memory_space<vmem>>
    %dma_start3A_133 = arith.constant 0 : i32
    %dma_start3A_134 = arith.constant 0 : i32
    %dma_start3A_135 = tpu.memref_slice %arg2[%dma_start3A_133, %dma_start3A_134] : memref<10240x64xf32, #tpu.memory_space<hbm>> -> memref<10240x64xf32, #tpu.memory_space<hbm>>
    tpu.enqueue_indirect_dma source(%dma_start3A_135 : memref<10240x64xf32, #tpu.memory_space<hbm>>) target(%arg13 : memref<500x64xf32, #tpu.memory_space<vmem>>) offsets(%dma_start3A_132 : memref<500xi32, #tpu.memory_space<vmem>>) semaphore(%arg16 : memref<!tpu.dma_semaphore, #tpu.memory_space<semaphore_mem>>)
    %dma_wait3A_136 = arith.constant 3 : i32
    %dma_wait3A_137 = arith.constant 0 : i32
    %dma_wait3A_138 = tpu.memref_slice %arg11[%dma_wait3A_136, %dma_wait3A_137] : memref<20x500xi32, #tpu.memory_space<vmem>> -> memref<1x500xi32, #tpu.memory_space<vmem>>
    %dma_wait3A_139 = tpu.memref_squeeze %dma_wait3A_138 : memref<1x500xi32, #tpu.memory_space<vmem>> -> memref<500xi32, #tpu.memory_space<vmem>>
    %dma_wait3A_140 = arith.constant 0 : i32
    %dma_wait3A_141 = arith.constant 0 : i32
    %dma_wait3A_142 = tpu.memref_slice %arg2[%dma_wait3A_140, %dma_wait3A_141] : memref<10240x64xf32, #tpu.memory_space<hbm>> -> memref<10240x64xf32, #tpu.memory_space<hbm>>
    tpu.wait_indirect_dma semaphore(%arg17 : memref<!tpu.dma_semaphore, #tpu.memory_space<semaphore_mem>>) src(%dma_wait3A_142 : memref<10240x64xf32, #tpu.memory_space<hbm>>) dst(%arg14 : memref<500x64xf32, #tpu.memory_space<vmem>>)
    %dma_start3A_143 = arith.constant 3 : i32
    %dma_start3A_144 = arith.constant 0 : i32
    %dma_start3A_145 = tpu.memref_slice %arg12[%dma_start3A_143, %dma_start3A_144] : memref<20x500xi32, #tpu.memory_space<vmem>> -> memref<1x500xi32, #tpu.memory_space<vmem>>
    %dma_start3A_146 = tpu.memref_squeeze %dma_start3A_145 : memref<1x500xi32, #tpu.memory_space<vmem>> -> memref<500xi32, #tpu.memory_space<vmem>>
    %dma_start3A_147 = arith.constant 0 : i32
    %dma_start3A_148 = tpu.memref_slice %arg10[%dma_start3A_147] : memref<10240xf32, #tpu.memory_space<vmem_shared>> -> memref<10240xf32, #tpu.memory_space<vmem_shared>>
    tpu.enqueue_indirect_dma source(%arg15 : memref<500xf32, #tpu.memory_space<vmem>>) target(%dma_start3A_148 : memref<10240xf32, #tpu.memory_space<vmem_shared>>) offsets(%dma_start3A_146 : memref<500xi32, #tpu.memory_space<vmem>>) semaphore(%arg20 : memref<!tpu.dma_semaphore, #tpu.memory_space<semaphore_mem>>) {add = true}
    %dma_start3A_149 = arith.constant 3 : i32
    %dma_start3A_150 = arith.constant 0 : i32
    %dma_start3A_151 = tpu.memref_slice %arg12[%dma_start3A_149, %dma_start3A_150] : memref<20x500xi32, #tpu.memory_space<vmem>> -> memref<1x500xi32, #tpu.memory_space<vmem>>
    %dma_start3A_152 = tpu.memref_squeeze %dma_start3A_151 : memref<1x500xi32, #tpu.memory_space<vmem>> -> memref<500xi32, #tpu.memory_space<vmem>>
    %dma_start3A_153 = arith.constant 0 : i32
    %dma_start3A_154 = arith.constant 0 : i32
    %dma_start3A_155 = tpu.memref_slice %arg9[%dma_start3A_153, %dma_start3A_154] : memref<10240x64xf32, #tpu.memory_space<vmem_shared>> -> memref<10240x64xf32, #tpu.memory_space<vmem_shared>>
    tpu.enqueue_indirect_dma source(%arg14 : memref<500x64xf32, #tpu.memory_space<vmem>>) target(%dma_start3A_155 : memref<10240x64xf32, #tpu.memory_space<vmem_shared>>) offsets(%dma_start3A_152 : memref<500xi32, #tpu.memory_space<vmem>>) semaphore(%arg19 : memref<!tpu.dma_semaphore, #tpu.memory_space<semaphore_mem>>) {add = true}
    %dma_wait3A_156 = arith.constant 3 : i32
    %dma_wait3A_157 = arith.constant 0 : i32
    %dma_wait3A_158 = tpu.memref_slice %arg12[%dma_wait3A_156, %dma_wait3A_157] : memref<20x500xi32, #tpu.memory_space<vmem>> -> memref<1x500xi32, #tpu.memory_space<vmem>>
    %dma_wait3A_159 = tpu.memref_squeeze %dma_wait3A_158 : memref<1x500xi32, #tpu.memory_space<vmem>> -> memref<500xi32, #tpu.memory_space<vmem>>
    %dma_wait3A_160 = arith.constant 0 : i32
    %dma_wait3A_161 = arith.constant 0 : i32
    %dma_wait3A_162 = tpu.memref_slice %arg9[%dma_wait3A_160, %dma_wait3A_161] : memref<10240x64xf32, #tpu.memory_space<vmem_shared>> -> memref<10240x64xf32, #tpu.memory_space<vmem_shared>>
    tpu.wait_indirect_dma semaphore(%arg19 : memref<!tpu.dma_semaphore, #tpu.memory_space<semaphore_mem>>) src(%arg14 : memref<500x64xf32, #tpu.memory_space<vmem>>) dst(%dma_wait3A_162 : memref<10240x64xf32, #tpu.memory_space<vmem_shared>>)
    %dma_wait3A_163 = arith.constant 3 : i32
    %dma_wait3A_164 = arith.constant 0 : i32
    %dma_wait3A_165 = tpu.memref_slice %arg12[%dma_wait3A_163, %dma_wait3A_164] : memref<20x500xi32, #tpu.memory_space<vmem>> -> memref<1x500xi32, #tpu.memory_space<vmem>>
    %dma_wait3A_166 = tpu.memref_squeeze %dma_wait3A_165 : memref<1x500xi32, #tpu.memory_space<vmem>> -> memref<500xi32, #tpu.memory_space<vmem>>
    %dma_wait3A_167 = arith.constant 0 : i32
    %dma_wait3A_168 = tpu.memref_slice %arg10[%dma_wait3A_167] : memref<10240xf32, #tpu.memory_space<vmem_shared>> -> memref<10240xf32, #tpu.memory_space<vmem_shared>>
    tpu.wait_indirect_dma semaphore(%arg20 : memref<!tpu.dma_semaphore, #tpu.memory_space<semaphore_mem>>) src(%arg15 : memref<500xf32, #tpu.memory_space<vmem>>) dst(%dma_wait3A_168 : memref<10240xf32, #tpu.memory_space<vmem_shared>>)
    %dma_start3A_169 = arith.constant 5 : i32
    %dma_start3A_170 = arith.constant 0 : i32
    %dma_start3A_171 = tpu.memref_slice %arg11[%dma_start3A_169, %dma_start3A_170] : memref<20x500xi32, #tpu.memory_space<vmem>> -> memref<1x500xi32, #tpu.memory_space<vmem>>
    %dma_start3A_172 = tpu.memref_squeeze %dma_start3A_171 : memref<1x500xi32, #tpu.memory_space<vmem>> -> memref<500xi32, #tpu.memory_space<vmem>>
    %dma_start3A_173 = arith.constant 0 : i32
    %dma_start3A_174 = arith.constant 0 : i32
    %dma_start3A_175 = tpu.memref_slice %arg2[%dma_start3A_173, %dma_start3A_174] : memref<10240x64xf32, #tpu.memory_space<hbm>> -> memref<10240x64xf32, #tpu.memory_space<hbm>>
    tpu.enqueue_indirect_dma source(%dma_start3A_175 : memref<10240x64xf32, #tpu.memory_space<hbm>>) target(%arg14 : memref<500x64xf32, #tpu.memory_space<vmem>>) offsets(%dma_start3A_172 : memref<500xi32, #tpu.memory_space<vmem>>) semaphore(%arg17 : memref<!tpu.dma_semaphore, #tpu.memory_space<semaphore_mem>>)
    %dma_wait3A_176 = arith.constant 4 : i32
    %dma_wait3A_177 = arith.constant 0 : i32
    %dma_wait3A_178 = tpu.memref_slice %arg11[%dma_wait3A_176, %dma_wait3A_177] : memref<20x500xi32, #tpu.memory_space<vmem>> -> memref<1x500xi32, #tpu.memory_space<vmem>>
    %dma_wait3A_179 = tpu.memref_squeeze %dma_wait3A_178 : memref<1x500xi32, #tpu.memory_space<vmem>> -> memref<500xi32, #tpu.memory_space<vmem>>
    %dma_wait3A_180 = arith.constant 0 : i32
    %dma_wait3A_181 = arith.constant 0 : i32
    %dma_wait3A_182 = tpu.memref_slice %arg2[%dma_wait3A_180, %dma_wait3A_181] : memref<10240x64xf32, #tpu.memory_space<hbm>> -> memref<10240x64xf32, #tpu.memory_space<hbm>>
    tpu.wait_indirect_dma semaphore(%arg16 : memref<!tpu.dma_semaphore, #tpu.memory_space<semaphore_mem>>) src(%dma_wait3A_182 : memref<10240x64xf32, #tpu.memory_space<hbm>>) dst(%arg13 : memref<500x64xf32, #tpu.memory_space<vmem>>)
    %dma_start3A_183 = arith.constant 4 : i32
    %dma_start3A_184 = arith.constant 0 : i32
    %dma_start3A_185 = tpu.memref_slice %arg12[%dma_start3A_183, %dma_start3A_184] : memref<20x500xi32, #tpu.memory_space<vmem>> -> memref<1x500xi32, #tpu.memory_space<vmem>>
    %dma_start3A_186 = tpu.memref_squeeze %dma_start3A_185 : memref<1x500xi32, #tpu.memory_space<vmem>> -> memref<500xi32, #tpu.memory_space<vmem>>
    %dma_start3A_187 = arith.constant 0 : i32
    %dma_start3A_188 = tpu.memref_slice %arg10[%dma_start3A_187] : memref<10240xf32, #tpu.memory_space<vmem_shared>> -> memref<10240xf32, #tpu.memory_space<vmem_shared>>
    tpu.enqueue_indirect_dma source(%arg15 : memref<500xf32, #tpu.memory_space<vmem>>) target(%dma_start3A_188 : memref<10240xf32, #tpu.memory_space<vmem_shared>>) offsets(%dma_start3A_186 : memref<500xi32, #tpu.memory_space<vmem>>) semaphore(%arg20 : memref<!tpu.dma_semaphore, #tpu.memory_space<semaphore_mem>>) {add = true}
    %dma_start3A_189 = arith.constant 4 : i32
    %dma_start3A_190 = arith.constant 0 : i32
    %dma_start3A_191 = tpu.memref_slice %arg12[%dma_start3A_189, %dma_start3A_190] : memref<20x500xi32, #tpu.memory_space<vmem>> -> memref<1x500xi32, #tpu.memory_space<vmem>>
    %dma_start3A_192 = tpu.memref_squeeze %dma_start3A_191 : memref<1x500xi32, #tpu.memory_space<vmem>> -> memref<500xi32, #tpu.memory_space<vmem>>
    %dma_start3A_193 = arith.constant 0 : i32
    %dma_start3A_194 = arith.constant 0 : i32
    %dma_start3A_195 = tpu.memref_slice %arg9[%dma_start3A_193, %dma_start3A_194] : memref<10240x64xf32, #tpu.memory_space<vmem_shared>> -> memref<10240x64xf32, #tpu.memory_space<vmem_shared>>
    tpu.enqueue_indirect_dma source(%arg13 : memref<500x64xf32, #tpu.memory_space<vmem>>) target(%dma_start3A_195 : memref<10240x64xf32, #tpu.memory_space<vmem_shared>>) offsets(%dma_start3A_192 : memref<500xi32, #tpu.memory_space<vmem>>) semaphore(%arg18 : memref<!tpu.dma_semaphore, #tpu.memory_space<semaphore_mem>>) {add = true}
    %dma_wait3A_196 = arith.constant 4 : i32
    %dma_wait3A_197 = arith.constant 0 : i32
    %dma_wait3A_198 = tpu.memref_slice %arg12[%dma_wait3A_196, %dma_wait3A_197] : memref<20x500xi32, #tpu.memory_space<vmem>> -> memref<1x500xi32, #tpu.memory_space<vmem>>
    %dma_wait3A_199 = tpu.memref_squeeze %dma_wait3A_198 : memref<1x500xi32, #tpu.memory_space<vmem>> -> memref<500xi32, #tpu.memory_space<vmem>>
    %dma_wait3A_200 = arith.constant 0 : i32
    %dma_wait3A_201 = arith.constant 0 : i32
    %dma_wait3A_202 = tpu.memref_slice %arg9[%dma_wait3A_200, %dma_wait3A_201] : memref<10240x64xf32, #tpu.memory_space<vmem_shared>> -> memref<10240x64xf32, #tpu.memory_space<vmem_shared>>
    tpu.wait_indirect_dma semaphore(%arg18 : memref<!tpu.dma_semaphore, #tpu.memory_space<semaphore_mem>>) src(%arg13 : memref<500x64xf32, #tpu.memory_space<vmem>>) dst(%dma_wait3A_202 : memref<10240x64xf32, #tpu.memory_space<vmem_shared>>)
    %dma_wait3A_203 = arith.constant 4 : i32
    %dma_wait3A_204 = arith.constant 0 : i32
    %dma_wait3A_205 = tpu.memref_slice %arg12[%dma_wait3A_203, %dma_wait3A_204] : memref<20x500xi32, #tpu.memory_space<vmem>> -> memref<1x500xi32, #tpu.memory_space<vmem>>
    %dma_wait3A_206 = tpu.memref_squeeze %dma_wait3A_205 : memref<1x500xi32, #tpu.memory_space<vmem>> -> memref<500xi32, #tpu.memory_space<vmem>>
    %dma_wait3A_207 = arith.constant 0 : i32
    %dma_wait3A_208 = tpu.memref_slice %arg10[%dma_wait3A_207] : memref<10240xf32, #tpu.memory_space<vmem_shared>> -> memref<10240xf32, #tpu.memory_space<vmem_shared>>
    tpu.wait_indirect_dma semaphore(%arg20 : memref<!tpu.dma_semaphore, #tpu.memory_space<semaphore_mem>>) src(%arg15 : memref<500xf32, #tpu.memory_space<vmem>>) dst(%dma_wait3A_208 : memref<10240xf32, #tpu.memory_space<vmem_shared>>)
    %dma_start3A_209 = arith.constant 6 : i32
    %dma_start3A_210 = arith.constant 0 : i32
    %dma_start3A_211 = tpu.memref_slice %arg11[%dma_start3A_209, %dma_start3A_210] : memref<20x500xi32, #tpu.memory_space<vmem>> -> memref<1x500xi32, #tpu.memory_space<vmem>>
    %dma_start3A_212 = tpu.memref_squeeze %dma_start3A_211 : memref<1x500xi32, #tpu.memory_space<vmem>> -> memref<500xi32, #tpu.memory_space<vmem>>
    %dma_start3A_213 = arith.constant 0 : i32
    %dma_start3A_214 = arith.constant 0 : i32
    %dma_start3A_215 = tpu.memref_slice %arg2[%dma_start3A_213, %dma_start3A_214] : memref<10240x64xf32, #tpu.memory_space<hbm>> -> memref<10240x64xf32, #tpu.memory_space<hbm>>
    tpu.enqueue_indirect_dma source(%dma_start3A_215 : memref<10240x64xf32, #tpu.memory_space<hbm>>) target(%arg13 : memref<500x64xf32, #tpu.memory_space<vmem>>) offsets(%dma_start3A_212 : memref<500xi32, #tpu.memory_space<vmem>>) semaphore(%arg16 : memref<!tpu.dma_semaphore, #tpu.memory_space<semaphore_mem>>)
    %dma_wait3A_216 = arith.constant 5 : i32
    %dma_wait3A_217 = arith.constant 0 : i32
    %dma_wait3A_218 = tpu.memref_slice %arg11[%dma_wait3A_216, %dma_wait3A_217] : memref<20x500xi32, #tpu.memory_space<vmem>> -> memref<1x500xi32, #tpu.memory_space<vmem>>
    %dma_wait3A_219 = tpu.memref_squeeze %dma_wait3A_218 : memref<1x500xi32, #tpu.memory_space<vmem>> -> memref<500xi32, #tpu.memory_space<vmem>>
    %dma_wait3A_220 = arith.constant 0 : i32
    %dma_wait3A_221 = arith.constant 0 : i32
    %dma_wait3A_222 = tpu.memref_slice %arg2[%dma_wait3A_220, %dma_wait3A_221] : memref<10240x64xf32, #tpu.memory_space<hbm>> -> memref<10240x64xf32, #tpu.memory_space<hbm>>
    tpu.wait_indirect_dma semaphore(%arg17 : memref<!tpu.dma_semaphore, #tpu.memory_space<semaphore_mem>>) src(%dma_wait3A_222 : memref<10240x64xf32, #tpu.memory_space<hbm>>) dst(%arg14 : memref<500x64xf32, #tpu.memory_space<vmem>>)
    %dma_start3A_223 = arith.constant 5 : i32
    %dma_start3A_224 = arith.constant 0 : i32
    %dma_start3A_225 = tpu.memref_slice %arg12[%dma_start3A_223, %dma_start3A_224] : memref<20x500xi32, #tpu.memory_space<vmem>> -> memref<1x500xi32, #tpu.memory_space<vmem>>
    %dma_start3A_226 = tpu.memref_squeeze %dma_start3A_225 : memref<1x500xi32, #tpu.memory_space<vmem>> -> memref<500xi32, #tpu.memory_space<vmem>>
    %dma_start3A_227 = arith.constant 0 : i32
    %dma_start3A_228 = tpu.memref_slice %arg10[%dma_start3A_227] : memref<10240xf32, #tpu.memory_space<vmem_shared>> -> memref<10240xf32, #tpu.memory_space<vmem_shared>>
    tpu.enqueue_indirect_dma source(%arg15 : memref<500xf32, #tpu.memory_space<vmem>>) target(%dma_start3A_228 : memref<10240xf32, #tpu.memory_space<vmem_shared>>) offsets(%dma_start3A_226 : memref<500xi32, #tpu.memory_space<vmem>>) semaphore(%arg20 : memref<!tpu.dma_semaphore, #tpu.memory_space<semaphore_mem>>) {add = true}
    %dma_start3A_229 = arith.constant 5 : i32
    %dma_start3A_230 = arith.constant 0 : i32
    %dma_start3A_231 = tpu.memref_slice %arg12[%dma_start3A_229, %dma_start3A_230] : memref<20x500xi32, #tpu.memory_space<vmem>> -> memref<1x500xi32, #tpu.memory_space<vmem>>
    %dma_start3A_232 = tpu.memref_squeeze %dma_start3A_231 : memref<1x500xi32, #tpu.memory_space<vmem>> -> memref<500xi32, #tpu.memory_space<vmem>>
    %dma_start3A_233 = arith.constant 0 : i32
    %dma_start3A_234 = arith.constant 0 : i32
    %dma_start3A_235 = tpu.memref_slice %arg9[%dma_start3A_233, %dma_start3A_234] : memref<10240x64xf32, #tpu.memory_space<vmem_shared>> -> memref<10240x64xf32, #tpu.memory_space<vmem_shared>>
    tpu.enqueue_indirect_dma source(%arg14 : memref<500x64xf32, #tpu.memory_space<vmem>>) target(%dma_start3A_235 : memref<10240x64xf32, #tpu.memory_space<vmem_shared>>) offsets(%dma_start3A_232 : memref<500xi32, #tpu.memory_space<vmem>>) semaphore(%arg19 : memref<!tpu.dma_semaphore, #tpu.memory_space<semaphore_mem>>) {add = true}
    %dma_wait3A_236 = arith.constant 5 : i32
    %dma_wait3A_237 = arith.constant 0 : i32
    %dma_wait3A_238 = tpu.memref_slice %arg12[%dma_wait3A_236, %dma_wait3A_237] : memref<20x500xi32, #tpu.memory_space<vmem>> -> memref<1x500xi32, #tpu.memory_space<vmem>>
    %dma_wait3A_239 = tpu.memref_squeeze %dma_wait3A_238 : memref<1x500xi32, #tpu.memory_space<vmem>> -> memref<500xi32, #tpu.memory_space<vmem>>
    %dma_wait3A_240 = arith.constant 0 : i32
    %dma_wait3A_241 = arith.constant 0 : i32
    %dma_wait3A_242 = tpu.memref_slice %arg9[%dma_wait3A_240, %dma_wait3A_241] : memref<10240x64xf32, #tpu.memory_space<vmem_shared>> -> memref<10240x64xf32, #tpu.memory_space<vmem_shared>>
    tpu.wait_indirect_dma semaphore(%arg19 : memref<!tpu.dma_semaphore, #tpu.memory_space<semaphore_mem>>) src(%arg14 : memref<500x64xf32, #tpu.memory_space<vmem>>) dst(%dma_wait3A_242 : memref<10240x64xf32, #tpu.memory_space<vmem_shared>>)
    %dma_wait3A_243 = arith.constant 5 : i32
    %dma_wait3A_244 = arith.constant 0 : i32
    %dma_wait3A_245 = tpu.memref_slice %arg12[%dma_wait3A_243, %dma_wait3A_244] : memref<20x500xi32, #tpu.memory_space<vmem>> -> memref<1x500xi32, #tpu.memory_space<vmem>>
    %dma_wait3A_246 = tpu.memref_squeeze %dma_wait3A_245 : memref<1x500xi32, #tpu.memory_space<vmem>> -> memref<500xi32, #tpu.memory_space<vmem>>
    %dma_wait3A_247 = arith.constant 0 : i32
    %dma_wait3A_248 = tpu.memref_slice %arg10[%dma_wait3A_247] : memref<10240xf32, #tpu.memory_space<vmem_shared>> -> memref<10240xf32, #tpu.memory_space<vmem_shared>>
    tpu.wait_indirect_dma semaphore(%arg20 : memref<!tpu.dma_semaphore, #tpu.memory_space<semaphore_mem>>) src(%arg15 : memref<500xf32, #tpu.memory_space<vmem>>) dst(%dma_wait3A_248 : memref<10240xf32, #tpu.memory_space<vmem_shared>>)
    %dma_start3A_249 = arith.constant 7 : i32
    %dma_start3A_250 = arith.constant 0 : i32
    %dma_start3A_251 = tpu.memref_slice %arg11[%dma_start3A_249, %dma_start3A_250] : memref<20x500xi32, #tpu.memory_space<vmem>> -> memref<1x500xi32, #tpu.memory_space<vmem>>
    %dma_start3A_252 = tpu.memref_squeeze %dma_start3A_251 : memref<1x500xi32, #tpu.memory_space<vmem>> -> memref<500xi32, #tpu.memory_space<vmem>>
    %dma_start3A_253 = arith.constant 0 : i32
    %dma_start3A_254 = arith.constant 0 : i32
    %dma_start3A_255 = tpu.memref_slice %arg2[%dma_start3A_253, %dma_start3A_254] : memref<10240x64xf32, #tpu.memory_space<hbm>> -> memref<10240x64xf32, #tpu.memory_space<hbm>>
    tpu.enqueue_indirect_dma source(%dma_start3A_255 : memref<10240x64xf32, #tpu.memory_space<hbm>>) target(%arg14 : memref<500x64xf32, #tpu.memory_space<vmem>>) offsets(%dma_start3A_252 : memref<500xi32, #tpu.memory_space<vmem>>) semaphore(%arg17 : memref<!tpu.dma_semaphore, #tpu.memory_space<semaphore_mem>>)
    %dma_wait3A_256 = arith.constant 6 : i32
    %dma_wait3A_257 = arith.constant 0 : i32
    %dma_wait3A_258 = tpu.memref_slice %arg11[%dma_wait3A_256, %dma_wait3A_257] : memref<20x500xi32, #tpu.memory_space<vmem>> -> memref<1x500xi32, #tpu.memory_space<vmem>>
    %dma_wait3A_259 = tpu.memref_squeeze %dma_wait3A_258 : memref<1x500xi32, #tpu.memory_space<vmem>> -> memref<500xi32, #tpu.memory_space<vmem>>
    %dma_wait3A_260 = arith.constant 0 : i32
    %dma_wait3A_261 = arith.constant 0 : i32
    %dma_wait3A_262 = tpu.memref_slice %arg2[%dma_wait3A_260, %dma_wait3A_261] : memref<10240x64xf32, #tpu.memory_space<hbm>> -> memref<10240x64xf32, #tpu.memory_space<hbm>>
    tpu.wait_indirect_dma semaphore(%arg16 : memref<!tpu.dma_semaphore, #tpu.memory_space<semaphore_mem>>) src(%dma_wait3A_262 : memref<10240x64xf32, #tpu.memory_space<hbm>>) dst(%arg13 : memref<500x64xf32, #tpu.memory_space<vmem>>)
    %dma_start3A_263 = arith.constant 6 : i32
    %dma_start3A_264 = arith.constant 0 : i32
    %dma_start3A_265 = tpu.memref_slice %arg12[%dma_start3A_263, %dma_start3A_264] : memref<20x500xi32, #tpu.memory_space<vmem>> -> memref<1x500xi32, #tpu.memory_space<vmem>>
    %dma_start3A_266 = tpu.memref_squeeze %dma_start3A_265 : memref<1x500xi32, #tpu.memory_space<vmem>> -> memref<500xi32, #tpu.memory_space<vmem>>
    %dma_start3A_267 = arith.constant 0 : i32
    %dma_start3A_268 = tpu.memref_slice %arg10[%dma_start3A_267] : memref<10240xf32, #tpu.memory_space<vmem_shared>> -> memref<10240xf32, #tpu.memory_space<vmem_shared>>
    tpu.enqueue_indirect_dma source(%arg15 : memref<500xf32, #tpu.memory_space<vmem>>) target(%dma_start3A_268 : memref<10240xf32, #tpu.memory_space<vmem_shared>>) offsets(%dma_start3A_266 : memref<500xi32, #tpu.memory_space<vmem>>) semaphore(%arg20 : memref<!tpu.dma_semaphore, #tpu.memory_space<semaphore_mem>>) {add = true}
    %dma_start3A_269 = arith.constant 6 : i32
    %dma_start3A_270 = arith.constant 0 : i32
    %dma_start3A_271 = tpu.memref_slice %arg12[%dma_start3A_269, %dma_start3A_270] : memref<20x500xi32, #tpu.memory_space<vmem>> -> memref<1x500xi32, #tpu.memory_space<vmem>>
    %dma_start3A_272 = tpu.memref_squeeze %dma_start3A_271 : memref<1x500xi32, #tpu.memory_space<vmem>> -> memref<500xi32, #tpu.memory_space<vmem>>
    %dma_start3A_273 = arith.constant 0 : i32
    %dma_start3A_274 = arith.constant 0 : i32
    %dma_start3A_275 = tpu.memref_slice %arg9[%dma_start3A_273, %dma_start3A_274] : memref<10240x64xf32, #tpu.memory_space<vmem_shared>> -> memref<10240x64xf32, #tpu.memory_space<vmem_shared>>
    tpu.enqueue_indirect_dma source(%arg13 : memref<500x64xf32, #tpu.memory_space<vmem>>) target(%dma_start3A_275 : memref<10240x64xf32, #tpu.memory_space<vmem_shared>>) offsets(%dma_start3A_272 : memref<500xi32, #tpu.memory_space<vmem>>) semaphore(%arg18 : memref<!tpu.dma_semaphore, #tpu.memory_space<semaphore_mem>>) {add = true}
    %dma_wait3A_276 = arith.constant 6 : i32
    %dma_wait3A_277 = arith.constant 0 : i32
    %dma_wait3A_278 = tpu.memref_slice %arg12[%dma_wait3A_276, %dma_wait3A_277] : memref<20x500xi32, #tpu.memory_space<vmem>> -> memref<1x500xi32, #tpu.memory_space<vmem>>
    %dma_wait3A_279 = tpu.memref_squeeze %dma_wait3A_278 : memref<1x500xi32, #tpu.memory_space<vmem>> -> memref<500xi32, #tpu.memory_space<vmem>>
    %dma_wait3A_280 = arith.constant 0 : i32
    %dma_wait3A_281 = arith.constant 0 : i32
    %dma_wait3A_282 = tpu.memref_slice %arg9[%dma_wait3A_280, %dma_wait3A_281] : memref<10240x64xf32, #tpu.memory_space<vmem_shared>> -> memref<10240x64xf32, #tpu.memory_space<vmem_shared>>
    tpu.wait_indirect_dma semaphore(%arg18 : memref<!tpu.dma_semaphore, #tpu.memory_space<semaphore_mem>>) src(%arg13 : memref<500x64xf32, #tpu.memory_space<vmem>>) dst(%dma_wait3A_282 : memref<10240x64xf32, #tpu.memory_space<vmem_shared>>)
    %dma_wait3A_283 = arith.constant 6 : i32
    %dma_wait3A_284 = arith.constant 0 : i32
    %dma_wait3A_285 = tpu.memref_slice %arg12[%dma_wait3A_283, %dma_wait3A_284] : memref<20x500xi32, #tpu.memory_space<vmem>> -> memref<1x500xi32, #tpu.memory_space<vmem>>
    %dma_wait3A_286 = tpu.memref_squeeze %dma_wait3A_285 : memref<1x500xi32, #tpu.memory_space<vmem>> -> memref<500xi32, #tpu.memory_space<vmem>>
    %dma_wait3A_287 = arith.constant 0 : i32
    %dma_wait3A_288 = tpu.memref_slice %arg10[%dma_wait3A_287] : memref<10240xf32, #tpu.memory_space<vmem_shared>> -> memref<10240xf32, #tpu.memory_space<vmem_shared>>
    tpu.wait_indirect_dma semaphore(%arg20 : memref<!tpu.dma_semaphore, #tpu.memory_space<semaphore_mem>>) src(%arg15 : memref<500xf32, #tpu.memory_space<vmem>>) dst(%dma_wait3A_288 : memref<10240xf32, #tpu.memory_space<vmem_shared>>)
    %dma_start3A_289 = arith.constant 8 : i32
    %dma_start3A_290 = arith.constant 0 : i32
    %dma_start3A_291 = tpu.memref_slice %arg11[%dma_start3A_289, %dma_start3A_290] : memref<20x500xi32, #tpu.memory_space<vmem>> -> memref<1x500xi32, #tpu.memory_space<vmem>>
    %dma_start3A_292 = tpu.memref_squeeze %dma_start3A_291 : memref<1x500xi32, #tpu.memory_space<vmem>> -> memref<500xi32, #tpu.memory_space<vmem>>
    %dma_start3A_293 = arith.constant 0 : i32
    %dma_start3A_294 = arith.constant 0 : i32
    %dma_start3A_295 = tpu.memref_slice %arg2[%dma_start3A_293, %dma_start3A_294] : memref<10240x64xf32, #tpu.memory_space<hbm>> -> memref<10240x64xf32, #tpu.memory_space<hbm>>
    tpu.enqueue_indirect_dma source(%dma_start3A_295 : memref<10240x64xf32, #tpu.memory_space<hbm>>) target(%arg13 : memref<500x64xf32, #tpu.memory_space<vmem>>) offsets(%dma_start3A_292 : memref<500xi32, #tpu.memory_space<vmem>>) semaphore(%arg16 : memref<!tpu.dma_semaphore, #tpu.memory_space<semaphore_mem>>)
    %dma_wait3A_296 = arith.constant 7 : i32
    %dma_wait3A_297 = arith.constant 0 : i32
    %dma_wait3A_298 = tpu.memref_slice %arg11[%dma_wait3A_296, %dma_wait3A_297] : memref<20x500xi32, #tpu.memory_space<vmem>> -> memref<1x500xi32, #tpu.memory_space<vmem>>
    %dma_wait3A_299 = tpu.memref_squeeze %dma_wait3A_298 : memref<1x500xi32, #tpu.memory_space<vmem>> -> memref<500xi32, #tpu.memory_space<vmem>>
    %dma_wait3A_300 = arith.constant 0 : i32
    %dma_wait3A_301 = arith.constant 0 : i32
    %dma_wait3A_302 = tpu.memref_slice %arg2[%dma_wait3A_300, %dma_wait3A_301] : memref<10240x64xf32, #tpu.memory_space<hbm>> -> memref<10240x64xf32, #tpu.memory_space<hbm>>
    tpu.wait_indirect_dma semaphore(%arg17 : memref<!tpu.dma_semaphore, #tpu.memory_space<semaphore_mem>>) src(%dma_wait3A_302 : memref<10240x64xf32, #tpu.memory_space<hbm>>) dst(%arg14 : memref<500x64xf32, #tpu.memory_space<vmem>>)
    %dma_start3A_303 = arith.constant 7 : i32
    %dma_start3A_304 = arith.constant 0 : i32
    %dma_start3A_305 = tpu.memref_slice %arg12[%dma_start3A_303, %dma_start3A_304] : memref<20x500xi32, #tpu.memory_space<vmem>> -> memref<1x500xi32, #tpu.memory_space<vmem>>
    %dma_start3A_306 = tpu.memref_squeeze %dma_start3A_305 : memref<1x500xi32, #tpu.memory_space<vmem>> -> memref<500xi32, #tpu.memory_space<vmem>>
    %dma_start3A_307 = arith.constant 0 : i32
    %dma_start3A_308 = tpu.memref_slice %arg10[%dma_start3A_307] : memref<10240xf32, #tpu.memory_space<vmem_shared>> -> memref<10240xf32, #tpu.memory_space<vmem_shared>>
    tpu.enqueue_indirect_dma source(%arg15 : memref<500xf32, #tpu.memory_space<vmem>>) target(%dma_start3A_308 : memref<10240xf32, #tpu.memory_space<vmem_shared>>) offsets(%dma_start3A_306 : memref<500xi32, #tpu.memory_space<vmem>>) semaphore(%arg20 : memref<!tpu.dma_semaphore, #tpu.memory_space<semaphore_mem>>) {add = true}
    %dma_start3A_309 = arith.constant 7 : i32
    %dma_start3A_310 = arith.constant 0 : i32
    %dma_start3A_311 = tpu.memref_slice %arg12[%dma_start3A_309, %dma_start3A_310] : memref<20x500xi32, #tpu.memory_space<vmem>> -> memref<1x500xi32, #tpu.memory_space<vmem>>
    %dma_start3A_312 = tpu.memref_squeeze %dma_start3A_311 : memref<1x500xi32, #tpu.memory_space<vmem>> -> memref<500xi32, #tpu.memory_space<vmem>>
    %dma_start3A_313 = arith.constant 0 : i32
    %dma_start3A_314 = arith.constant 0 : i32
    %dma_start3A_315 = tpu.memref_slice %arg9[%dma_start3A_313, %dma_start3A_314] : memref<10240x64xf32, #tpu.memory_space<vmem_shared>> -> memref<10240x64xf32, #tpu.memory_space<vmem_shared>>
    tpu.enqueue_indirect_dma source(%arg14 : memref<500x64xf32, #tpu.memory_space<vmem>>) target(%dma_start3A_315 : memref<10240x64xf32, #tpu.memory_space<vmem_shared>>) offsets(%dma_start3A_312 : memref<500xi32, #tpu.memory_space<vmem>>) semaphore(%arg19 : memref<!tpu.dma_semaphore, #tpu.memory_space<semaphore_mem>>) {add = true}
    %dma_wait3A_316 = arith.constant 7 : i32
    %dma_wait3A_317 = arith.constant 0 : i32
    %dma_wait3A_318 = tpu.memref_slice %arg12[%dma_wait3A_316, %dma_wait3A_317] : memref<20x500xi32, #tpu.memory_space<vmem>> -> memref<1x500xi32, #tpu.memory_space<vmem>>
    %dma_wait3A_319 = tpu.memref_squeeze %dma_wait3A_318 : memref<1x500xi32, #tpu.memory_space<vmem>> -> memref<500xi32, #tpu.memory_space<vmem>>
    %dma_wait3A_320 = arith.constant 0 : i32
    %dma_wait3A_321 = arith.constant 0 : i32
    %dma_wait3A_322 = tpu.memref_slice %arg9[%dma_wait3A_320, %dma_wait3A_321] : memref<10240x64xf32, #tpu.memory_space<vmem_shared>> -> memref<10240x64xf32, #tpu.memory_space<vmem_shared>>
    tpu.wait_indirect_dma semaphore(%arg19 : memref<!tpu.dma_semaphore, #tpu.memory_space<semaphore_mem>>) src(%arg14 : memref<500x64xf32, #tpu.memory_space<vmem>>) dst(%dma_wait3A_322 : memref<10240x64xf32, #tpu.memory_space<vmem_shared>>)
    %dma_wait3A_323 = arith.constant 7 : i32
    %dma_wait3A_324 = arith.constant 0 : i32
    %dma_wait3A_325 = tpu.memref_slice %arg12[%dma_wait3A_323, %dma_wait3A_324] : memref<20x500xi32, #tpu.memory_space<vmem>> -> memref<1x500xi32, #tpu.memory_space<vmem>>
    %dma_wait3A_326 = tpu.memref_squeeze %dma_wait3A_325 : memref<1x500xi32, #tpu.memory_space<vmem>> -> memref<500xi32, #tpu.memory_space<vmem>>
    %dma_wait3A_327 = arith.constant 0 : i32
    %dma_wait3A_328 = tpu.memref_slice %arg10[%dma_wait3A_327] : memref<10240xf32, #tpu.memory_space<vmem_shared>> -> memref<10240xf32, #tpu.memory_space<vmem_shared>>
    tpu.wait_indirect_dma semaphore(%arg20 : memref<!tpu.dma_semaphore, #tpu.memory_space<semaphore_mem>>) src(%arg15 : memref<500xf32, #tpu.memory_space<vmem>>) dst(%dma_wait3A_328 : memref<10240xf32, #tpu.memory_space<vmem_shared>>)
    %dma_start3A_329 = arith.constant 9 : i32
    %dma_start3A_330 = arith.constant 0 : i32
    %dma_start3A_331 = tpu.memref_slice %arg11[%dma_start3A_329, %dma_start3A_330] : memref<20x500xi32, #tpu.memory_space<vmem>> -> memref<1x500xi32, #tpu.memory_space<vmem>>
    %dma_start3A_332 = tpu.memref_squeeze %dma_start3A_331 : memref<1x500xi32, #tpu.memory_space<vmem>> -> memref<500xi32, #tpu.memory_space<vmem>>
    %dma_start3A_333 = arith.constant 0 : i32
    %dma_start3A_334 = arith.constant 0 : i32
    %dma_start3A_335 = tpu.memref_slice %arg2[%dma_start3A_333, %dma_start3A_334] : memref<10240x64xf32, #tpu.memory_space<hbm>> -> memref<10240x64xf32, #tpu.memory_space<hbm>>
    tpu.enqueue_indirect_dma source(%dma_start3A_335 : memref<10240x64xf32, #tpu.memory_space<hbm>>) target(%arg14 : memref<500x64xf32, #tpu.memory_space<vmem>>) offsets(%dma_start3A_332 : memref<500xi32, #tpu.memory_space<vmem>>) semaphore(%arg17 : memref<!tpu.dma_semaphore, #tpu.memory_space<semaphore_mem>>)
    %dma_wait3A_336 = arith.constant 8 : i32
    %dma_wait3A_337 = arith.constant 0 : i32
    %dma_wait3A_338 = tpu.memref_slice %arg11[%dma_wait3A_336, %dma_wait3A_337] : memref<20x500xi32, #tpu.memory_space<vmem>> -> memref<1x500xi32, #tpu.memory_space<vmem>>
    %dma_wait3A_339 = tpu.memref_squeeze %dma_wait3A_338 : memref<1x500xi32, #tpu.memory_space<vmem>> -> memref<500xi32, #tpu.memory_space<vmem>>
    %dma_wait3A_340 = arith.constant 0 : i32
    %dma_wait3A_341 = arith.constant 0 : i32
    %dma_wait3A_342 = tpu.memref_slice %arg2[%dma_wait3A_340, %dma_wait3A_341] : memref<10240x64xf32, #tpu.memory_space<hbm>> -> memref<10240x64xf32, #tpu.memory_space<hbm>>
    tpu.wait_indirect_dma semaphore(%arg16 : memref<!tpu.dma_semaphore, #tpu.memory_space<semaphore_mem>>) src(%dma_wait3A_342 : memref<10240x64xf32, #tpu.memory_space<hbm>>) dst(%arg13 : memref<500x64xf32, #tpu.memory_space<vmem>>)
    %dma_start3A_343 = arith.constant 8 : i32
    %dma_start3A_344 = arith.constant 0 : i32
    %dma_start3A_345 = tpu.memref_slice %arg12[%dma_start3A_343, %dma_start3A_344] : memref<20x500xi32, #tpu.memory_space<vmem>> -> memref<1x500xi32, #tpu.memory_space<vmem>>
    %dma_start3A_346 = tpu.memref_squeeze %dma_start3A_345 : memref<1x500xi32, #tpu.memory_space<vmem>> -> memref<500xi32, #tpu.memory_space<vmem>>
    %dma_start3A_347 = arith.constant 0 : i32
    %dma_start3A_348 = tpu.memref_slice %arg10[%dma_start3A_347] : memref<10240xf32, #tpu.memory_space<vmem_shared>> -> memref<10240xf32, #tpu.memory_space<vmem_shared>>
    tpu.enqueue_indirect_dma source(%arg15 : memref<500xf32, #tpu.memory_space<vmem>>) target(%dma_start3A_348 : memref<10240xf32, #tpu.memory_space<vmem_shared>>) offsets(%dma_start3A_346 : memref<500xi32, #tpu.memory_space<vmem>>) semaphore(%arg20 : memref<!tpu.dma_semaphore, #tpu.memory_space<semaphore_mem>>) {add = true}
    %dma_start3A_349 = arith.constant 8 : i32
    %dma_start3A_350 = arith.constant 0 : i32
    %dma_start3A_351 = tpu.memref_slice %arg12[%dma_start3A_349, %dma_start3A_350] : memref<20x500xi32, #tpu.memory_space<vmem>> -> memref<1x500xi32, #tpu.memory_space<vmem>>
    %dma_start3A_352 = tpu.memref_squeeze %dma_start3A_351 : memref<1x500xi32, #tpu.memory_space<vmem>> -> memref<500xi32, #tpu.memory_space<vmem>>
    %dma_start3A_353 = arith.constant 0 : i32
    %dma_start3A_354 = arith.constant 0 : i32
    %dma_start3A_355 = tpu.memref_slice %arg9[%dma_start3A_353, %dma_start3A_354] : memref<10240x64xf32, #tpu.memory_space<vmem_shared>> -> memref<10240x64xf32, #tpu.memory_space<vmem_shared>>
    tpu.enqueue_indirect_dma source(%arg13 : memref<500x64xf32, #tpu.memory_space<vmem>>) target(%dma_start3A_355 : memref<10240x64xf32, #tpu.memory_space<vmem_shared>>) offsets(%dma_start3A_352 : memref<500xi32, #tpu.memory_space<vmem>>) semaphore(%arg18 : memref<!tpu.dma_semaphore, #tpu.memory_space<semaphore_mem>>) {add = true}
    %dma_wait3A_356 = arith.constant 8 : i32
    %dma_wait3A_357 = arith.constant 0 : i32
    %dma_wait3A_358 = tpu.memref_slice %arg12[%dma_wait3A_356, %dma_wait3A_357] : memref<20x500xi32, #tpu.memory_space<vmem>> -> memref<1x500xi32, #tpu.memory_space<vmem>>
    %dma_wait3A_359 = tpu.memref_squeeze %dma_wait3A_358 : memref<1x500xi32, #tpu.memory_space<vmem>> -> memref<500xi32, #tpu.memory_space<vmem>>
    %dma_wait3A_360 = arith.constant 0 : i32
    %dma_wait3A_361 = arith.constant 0 : i32
    %dma_wait3A_362 = tpu.memref_slice %arg9[%dma_wait3A_360, %dma_wait3A_361] : memref<10240x64xf32, #tpu.memory_space<vmem_shared>> -> memref<10240x64xf32, #tpu.memory_space<vmem_shared>>
    tpu.wait_indirect_dma semaphore(%arg18 : memref<!tpu.dma_semaphore, #tpu.memory_space<semaphore_mem>>) src(%arg13 : memref<500x64xf32, #tpu.memory_space<vmem>>) dst(%dma_wait3A_362 : memref<10240x64xf32, #tpu.memory_space<vmem_shared>>)
    %dma_wait3A_363 = arith.constant 8 : i32
    %dma_wait3A_364 = arith.constant 0 : i32
    %dma_wait3A_365 = tpu.memref_slice %arg12[%dma_wait3A_363, %dma_wait3A_364] : memref<20x500xi32, #tpu.memory_space<vmem>> -> memref<1x500xi32, #tpu.memory_space<vmem>>
    %dma_wait3A_366 = tpu.memref_squeeze %dma_wait3A_365 : memref<1x500xi32, #tpu.memory_space<vmem>> -> memref<500xi32, #tpu.memory_space<vmem>>
    %dma_wait3A_367 = arith.constant 0 : i32
    %dma_wait3A_368 = tpu.memref_slice %arg10[%dma_wait3A_367] : memref<10240xf32, #tpu.memory_space<vmem_shared>> -> memref<10240xf32, #tpu.memory_space<vmem_shared>>
    tpu.wait_indirect_dma semaphore(%arg20 : memref<!tpu.dma_semaphore, #tpu.memory_space<semaphore_mem>>) src(%arg15 : memref<500xf32, #tpu.memory_space<vmem>>) dst(%dma_wait3A_368 : memref<10240xf32, #tpu.memory_space<vmem_shared>>)
    %dma_start3A_369 = arith.constant 10 : i32
    %dma_start3A_370 = arith.constant 0 : i32
    %dma_start3A_371 = tpu.memref_slice %arg11[%dma_start3A_369, %dma_start3A_370] : memref<20x500xi32, #tpu.memory_space<vmem>> -> memref<1x500xi32, #tpu.memory_space<vmem>>
    %dma_start3A_372 = tpu.memref_squeeze %dma_start3A_371 : memref<1x500xi32, #tpu.memory_space<vmem>> -> memref<500xi32, #tpu.memory_space<vmem>>
    %dma_start3A_373 = arith.constant 0 : i32
    %dma_start3A_374 = arith.constant 0 : i32
    %dma_start3A_375 = tpu.memref_slice %arg2[%dma_start3A_373, %dma_start3A_374] : memref<10240x64xf32, #tpu.memory_space<hbm>> -> memref<10240x64xf32, #tpu.memory_space<hbm>>
    tpu.enqueue_indirect_dma source(%dma_start3A_375 : memref<10240x64xf32, #tpu.memory_space<hbm>>) target(%arg13 : memref<500x64xf32, #tpu.memory_space<vmem>>) offsets(%dma_start3A_372 : memref<500xi32, #tpu.memory_space<vmem>>) semaphore(%arg16 : memref<!tpu.dma_semaphore, #tpu.memory_space<semaphore_mem>>)
    %dma_wait3A_376 = arith.constant 9 : i32
    %dma_wait3A_377 = arith.constant 0 : i32
    %dma_wait3A_378 = tpu.memref_slice %arg11[%dma_wait3A_376, %dma_wait3A_377] : memref<20x500xi32, #tpu.memory_space<vmem>> -> memref<1x500xi32, #tpu.memory_space<vmem>>
    %dma_wait3A_379 = tpu.memref_squeeze %dma_wait3A_378 : memref<1x500xi32, #tpu.memory_space<vmem>> -> memref<500xi32, #tpu.memory_space<vmem>>
    %dma_wait3A_380 = arith.constant 0 : i32
    %dma_wait3A_381 = arith.constant 0 : i32
    %dma_wait3A_382 = tpu.memref_slice %arg2[%dma_wait3A_380, %dma_wait3A_381] : memref<10240x64xf32, #tpu.memory_space<hbm>> -> memref<10240x64xf32, #tpu.memory_space<hbm>>
    tpu.wait_indirect_dma semaphore(%arg17 : memref<!tpu.dma_semaphore, #tpu.memory_space<semaphore_mem>>) src(%dma_wait3A_382 : memref<10240x64xf32, #tpu.memory_space<hbm>>) dst(%arg14 : memref<500x64xf32, #tpu.memory_space<vmem>>)
    %dma_start3A_383 = arith.constant 9 : i32
    %dma_start3A_384 = arith.constant 0 : i32
    %dma_start3A_385 = tpu.memref_slice %arg12[%dma_start3A_383, %dma_start3A_384] : memref<20x500xi32, #tpu.memory_space<vmem>> -> memref<1x500xi32, #tpu.memory_space<vmem>>
    %dma_start3A_386 = tpu.memref_squeeze %dma_start3A_385 : memref<1x500xi32, #tpu.memory_space<vmem>> -> memref<500xi32, #tpu.memory_space<vmem>>
    %dma_start3A_387 = arith.constant 0 : i32
    %dma_start3A_388 = tpu.memref_slice %arg10[%dma_start3A_387] : memref<10240xf32, #tpu.memory_space<vmem_shared>> -> memref<10240xf32, #tpu.memory_space<vmem_shared>>
    tpu.enqueue_indirect_dma source(%arg15 : memref<500xf32, #tpu.memory_space<vmem>>) target(%dma_start3A_388 : memref<10240xf32, #tpu.memory_space<vmem_shared>>) offsets(%dma_start3A_386 : memref<500xi32, #tpu.memory_space<vmem>>) semaphore(%arg20 : memref<!tpu.dma_semaphore, #tpu.memory_space<semaphore_mem>>) {add = true}
    %dma_start3A_389 = arith.constant 9 : i32
    %dma_start3A_390 = arith.constant 0 : i32
    %dma_start3A_391 = tpu.memref_slice %arg12[%dma_start3A_389, %dma_start3A_390] : memref<20x500xi32, #tpu.memory_space<vmem>> -> memref<1x500xi32, #tpu.memory_space<vmem>>
    %dma_start3A_392 = tpu.memref_squeeze %dma_start3A_391 : memref<1x500xi32, #tpu.memory_space<vmem>> -> memref<500xi32, #tpu.memory_space<vmem>>
    %dma_start3A_393 = arith.constant 0 : i32
    %dma_start3A_394 = arith.constant 0 : i32
    %dma_start3A_395 = tpu.memref_slice %arg9[%dma_start3A_393, %dma_start3A_394] : memref<10240x64xf32, #tpu.memory_space<vmem_shared>> -> memref<10240x64xf32, #tpu.memory_space<vmem_shared>>
    tpu.enqueue_indirect_dma source(%arg14 : memref<500x64xf32, #tpu.memory_space<vmem>>) target(%dma_start3A_395 : memref<10240x64xf32, #tpu.memory_space<vmem_shared>>) offsets(%dma_start3A_392 : memref<500xi32, #tpu.memory_space<vmem>>) semaphore(%arg19 : memref<!tpu.dma_semaphore, #tpu.memory_space<semaphore_mem>>) {add = true}
    %dma_wait3A_396 = arith.constant 9 : i32
    %dma_wait3A_397 = arith.constant 0 : i32
    %dma_wait3A_398 = tpu.memref_slice %arg12[%dma_wait3A_396, %dma_wait3A_397] : memref<20x500xi32, #tpu.memory_space<vmem>> -> memref<1x500xi32, #tpu.memory_space<vmem>>
    %dma_wait3A_399 = tpu.memref_squeeze %dma_wait3A_398 : memref<1x500xi32, #tpu.memory_space<vmem>> -> memref<500xi32, #tpu.memory_space<vmem>>
    %dma_wait3A_400 = arith.constant 0 : i32
    %dma_wait3A_401 = arith.constant 0 : i32
    %dma_wait3A_402 = tpu.memref_slice %arg9[%dma_wait3A_400, %dma_wait3A_401] : memref<10240x64xf32, #tpu.memory_space<vmem_shared>> -> memref<10240x64xf32, #tpu.memory_space<vmem_shared>>
    tpu.wait_indirect_dma semaphore(%arg19 : memref<!tpu.dma_semaphore, #tpu.memory_space<semaphore_mem>>) src(%arg14 : memref<500x64xf32, #tpu.memory_space<vmem>>) dst(%dma_wait3A_402 : memref<10240x64xf32, #tpu.memory_space<vmem_shared>>)
    %dma_wait3A_403 = arith.constant 9 : i32
    %dma_wait3A_404 = arith.constant 0 : i32
    %dma_wait3A_405 = tpu.memref_slice %arg12[%dma_wait3A_403, %dma_wait3A_404] : memref<20x500xi32, #tpu.memory_space<vmem>> -> memref<1x500xi32, #tpu.memory_space<vmem>>
    %dma_wait3A_406 = tpu.memref_squeeze %dma_wait3A_405 : memref<1x500xi32, #tpu.memory_space<vmem>> -> memref<500xi32, #tpu.memory_space<vmem>>
    %dma_wait3A_407 = arith.constant 0 : i32
    %dma_wait3A_408 = tpu.memref_slice %arg10[%dma_wait3A_407] : memref<10240xf32, #tpu.memory_space<vmem_shared>> -> memref<10240xf32, #tpu.memory_space<vmem_shared>>
    tpu.wait_indirect_dma semaphore(%arg20 : memref<!tpu.dma_semaphore, #tpu.memory_space<semaphore_mem>>) src(%arg15 : memref<500xf32, #tpu.memory_space<vmem>>) dst(%dma_wait3A_408 : memref<10240xf32, #tpu.memory_space<vmem_shared>>)
    %dma_start3A_409 = arith.constant 11 : i32
    %dma_start3A_410 = arith.constant 0 : i32
    %dma_start3A_411 = tpu.memref_slice %arg11[%dma_start3A_409, %dma_start3A_410] : memref<20x500xi32, #tpu.memory_space<vmem>> -> memref<1x500xi32, #tpu.memory_space<vmem>>
    %dma_start3A_412 = tpu.memref_squeeze %dma_start3A_411 : memref<1x500xi32, #tpu.memory_space<vmem>> -> memref<500xi32, #tpu.memory_space<vmem>>
    %dma_start3A_413 = arith.constant 0 : i32
    %dma_start3A_414 = arith.constant 0 : i32
    %dma_start3A_415 = tpu.memref_slice %arg2[%dma_start3A_413, %dma_start3A_414] : memref<10240x64xf32, #tpu.memory_space<hbm>> -> memref<10240x64xf32, #tpu.memory_space<hbm>>
    tpu.enqueue_indirect_dma source(%dma_start3A_415 : memref<10240x64xf32, #tpu.memory_space<hbm>>) target(%arg14 : memref<500x64xf32, #tpu.memory_space<vmem>>) offsets(%dma_start3A_412 : memref<500xi32, #tpu.memory_space<vmem>>) semaphore(%arg17 : memref<!tpu.dma_semaphore, #tpu.memory_space<semaphore_mem>>)
    %dma_wait3A_416 = arith.constant 10 : i32
    %dma_wait3A_417 = arith.constant 0 : i32
    %dma_wait3A_418 = tpu.memref_slice %arg11[%dma_wait3A_416, %dma_wait3A_417] : memref<20x500xi32, #tpu.memory_space<vmem>> -> memref<1x500xi32, #tpu.memory_space<vmem>>
    %dma_wait3A_419 = tpu.memref_squeeze %dma_wait3A_418 : memref<1x500xi32, #tpu.memory_space<vmem>> -> memref<500xi32, #tpu.memory_space<vmem>>
    %dma_wait3A_420 = arith.constant 0 : i32
    %dma_wait3A_421 = arith.constant 0 : i32
    %dma_wait3A_422 = tpu.memref_slice %arg2[%dma_wait3A_420, %dma_wait3A_421] : memref<10240x64xf32, #tpu.memory_space<hbm>> -> memref<10240x64xf32, #tpu.memory_space<hbm>>
    tpu.wait_indirect_dma semaphore(%arg16 : memref<!tpu.dma_semaphore, #tpu.memory_space<semaphore_mem>>) src(%dma_wait3A_422 : memref<10240x64xf32, #tpu.memory_space<hbm>>) dst(%arg13 : memref<500x64xf32, #tpu.memory_space<vmem>>)
    %dma_start3A_423 = arith.constant 10 : i32
    %dma_start3A_424 = arith.constant 0 : i32
    %dma_start3A_425 = tpu.memref_slice %arg12[%dma_start3A_423, %dma_start3A_424] : memref<20x500xi32, #tpu.memory_space<vmem>> -> memref<1x500xi32, #tpu.memory_space<vmem>>
    %dma_start3A_426 = tpu.memref_squeeze %dma_start3A_425 : memref<1x500xi32, #tpu.memory_space<vmem>> -> memref<500xi32, #tpu.memory_space<vmem>>
    %dma_start3A_427 = arith.constant 0 : i32
    %dma_start3A_428 = tpu.memref_slice %arg10[%dma_start3A_427] : memref<10240xf32, #tpu.memory_space<vmem_shared>> -> memref<10240xf32, #tpu.memory_space<vmem_shared>>
    tpu.enqueue_indirect_dma source(%arg15 : memref<500xf32, #tpu.memory_space<vmem>>) target(%dma_start3A_428 : memref<10240xf32, #tpu.memory_space<vmem_shared>>) offsets(%dma_start3A_426 : memref<500xi32, #tpu.memory_space<vmem>>) semaphore(%arg20 : memref<!tpu.dma_semaphore, #tpu.memory_space<semaphore_mem>>) {add = true}
    %dma_start3A_429 = arith.constant 10 : i32
    %dma_start3A_430 = arith.constant 0 : i32
    %dma_start3A_431 = tpu.memref_slice %arg12[%dma_start3A_429, %dma_start3A_430] : memref<20x500xi32, #tpu.memory_space<vmem>> -> memref<1x500xi32, #tpu.memory_space<vmem>>
    %dma_start3A_432 = tpu.memref_squeeze %dma_start3A_431 : memref<1x500xi32, #tpu.memory_space<vmem>> -> memref<500xi32, #tpu.memory_space<vmem>>
    %dma_start3A_433 = arith.constant 0 : i32
    %dma_start3A_434 = arith.constant 0 : i32
    %dma_start3A_435 = tpu.memref_slice %arg9[%dma_start3A_433, %dma_start3A_434] : memref<10240x64xf32, #tpu.memory_space<vmem_shared>> -> memref<10240x64xf32, #tpu.memory_space<vmem_shared>>
    tpu.enqueue_indirect_dma source(%arg13 : memref<500x64xf32, #tpu.memory_space<vmem>>) target(%dma_start3A_435 : memref<10240x64xf32, #tpu.memory_space<vmem_shared>>) offsets(%dma_start3A_432 : memref<500xi32, #tpu.memory_space<vmem>>) semaphore(%arg18 : memref<!tpu.dma_semaphore, #tpu.memory_space<semaphore_mem>>) {add = true}
    %dma_wait3A_436 = arith.constant 10 : i32
    %dma_wait3A_437 = arith.constant 0 : i32
    %dma_wait3A_438 = tpu.memref_slice %arg12[%dma_wait3A_436, %dma_wait3A_437] : memref<20x500xi32, #tpu.memory_space<vmem>> -> memref<1x500xi32, #tpu.memory_space<vmem>>
    %dma_wait3A_439 = tpu.memref_squeeze %dma_wait3A_438 : memref<1x500xi32, #tpu.memory_space<vmem>> -> memref<500xi32, #tpu.memory_space<vmem>>
    %dma_wait3A_440 = arith.constant 0 : i32
    %dma_wait3A_441 = arith.constant 0 : i32
    %dma_wait3A_442 = tpu.memref_slice %arg9[%dma_wait3A_440, %dma_wait3A_441] : memref<10240x64xf32, #tpu.memory_space<vmem_shared>> -> memref<10240x64xf32, #tpu.memory_space<vmem_shared>>
    tpu.wait_indirect_dma semaphore(%arg18 : memref<!tpu.dma_semaphore, #tpu.memory_space<semaphore_mem>>) src(%arg13 : memref<500x64xf32, #tpu.memory_space<vmem>>) dst(%dma_wait3A_442 : memref<10240x64xf32, #tpu.memory_space<vmem_shared>>)
    %dma_wait3A_443 = arith.constant 10 : i32
    %dma_wait3A_444 = arith.constant 0 : i32
    %dma_wait3A_445 = tpu.memref_slice %arg12[%dma_wait3A_443, %dma_wait3A_444] : memref<20x500xi32, #tpu.memory_space<vmem>> -> memref<1x500xi32, #tpu.memory_space<vmem>>
    %dma_wait3A_446 = tpu.memref_squeeze %dma_wait3A_445 : memref<1x500xi32, #tpu.memory_space<vmem>> -> memref<500xi32, #tpu.memory_space<vmem>>
    %dma_wait3A_447 = arith.constant 0 : i32
    %dma_wait3A_448 = tpu.memref_slice %arg10[%dma_wait3A_447] : memref<10240xf32, #tpu.memory_space<vmem_shared>> -> memref<10240xf32, #tpu.memory_space<vmem_shared>>
    tpu.wait_indirect_dma semaphore(%arg20 : memref<!tpu.dma_semaphore, #tpu.memory_space<semaphore_mem>>) src(%arg15 : memref<500xf32, #tpu.memory_space<vmem>>) dst(%dma_wait3A_448 : memref<10240xf32, #tpu.memory_space<vmem_shared>>)
    %dma_start3A_449 = arith.constant 12 : i32
    %dma_start3A_450 = arith.constant 0 : i32
    %dma_start3A_451 = tpu.memref_slice %arg11[%dma_start3A_449, %dma_start3A_450] : memref<20x500xi32, #tpu.memory_space<vmem>> -> memref<1x500xi32, #tpu.memory_space<vmem>>
    %dma_start3A_452 = tpu.memref_squeeze %dma_start3A_451 : memref<1x500xi32, #tpu.memory_space<vmem>> -> memref<500xi32, #tpu.memory_space<vmem>>
    %dma_start3A_453 = arith.constant 0 : i32
    %dma_start3A_454 = arith.constant 0 : i32
    %dma_start3A_455 = tpu.memref_slice %arg2[%dma_start3A_453, %dma_start3A_454] : memref<10240x64xf32, #tpu.memory_space<hbm>> -> memref<10240x64xf32, #tpu.memory_space<hbm>>
    tpu.enqueue_indirect_dma source(%dma_start3A_455 : memref<10240x64xf32, #tpu.memory_space<hbm>>) target(%arg13 : memref<500x64xf32, #tpu.memory_space<vmem>>) offsets(%dma_start3A_452 : memref<500xi32, #tpu.memory_space<vmem>>) semaphore(%arg16 : memref<!tpu.dma_semaphore, #tpu.memory_space<semaphore_mem>>)
    %dma_wait3A_456 = arith.constant 11 : i32
    %dma_wait3A_457 = arith.constant 0 : i32
    %dma_wait3A_458 = tpu.memref_slice %arg11[%dma_wait3A_456, %dma_wait3A_457] : memref<20x500xi32, #tpu.memory_space<vmem>> -> memref<1x500xi32, #tpu.memory_space<vmem>>
    %dma_wait3A_459 = tpu.memref_squeeze %dma_wait3A_458 : memref<1x500xi32, #tpu.memory_space<vmem>> -> memref<500xi32, #tpu.memory_space<vmem>>
    %dma_wait3A_460 = arith.constant 0 : i32
    %dma_wait3A_461 = arith.constant 0 : i32
    %dma_wait3A_462 = tpu.memref_slice %arg2[%dma_wait3A_460, %dma_wait3A_461] : memref<10240x64xf32, #tpu.memory_space<hbm>> -> memref<10240x64xf32, #tpu.memory_space<hbm>>
    tpu.wait_indirect_dma semaphore(%arg17 : memref<!tpu.dma_semaphore, #tpu.memory_space<semaphore_mem>>) src(%dma_wait3A_462 : memref<10240x64xf32, #tpu.memory_space<hbm>>) dst(%arg14 : memref<500x64xf32, #tpu.memory_space<vmem>>)
    %dma_start3A_463 = arith.constant 11 : i32
    %dma_start3A_464 = arith.constant 0 : i32
    %dma_start3A_465 = tpu.memref_slice %arg12[%dma_start3A_463, %dma_start3A_464] : memref<20x500xi32, #tpu.memory_space<vmem>> -> memref<1x500xi32, #tpu.memory_space<vmem>>
    %dma_start3A_466 = tpu.memref_squeeze %dma_start3A_465 : memref<1x500xi32, #tpu.memory_space<vmem>> -> memref<500xi32, #tpu.memory_space<vmem>>
    %dma_start3A_467 = arith.constant 0 : i32
    %dma_start3A_468 = tpu.memref_slice %arg10[%dma_start3A_467] : memref<10240xf32, #tpu.memory_space<vmem_shared>> -> memref<10240xf32, #tpu.memory_space<vmem_shared>>
    tpu.enqueue_indirect_dma source(%arg15 : memref<500xf32, #tpu.memory_space<vmem>>) target(%dma_start3A_468 : memref<10240xf32, #tpu.memory_space<vmem_shared>>) offsets(%dma_start3A_466 : memref<500xi32, #tpu.memory_space<vmem>>) semaphore(%arg20 : memref<!tpu.dma_semaphore, #tpu.memory_space<semaphore_mem>>) {add = true}
    %dma_start3A_469 = arith.constant 11 : i32
    %dma_start3A_470 = arith.constant 0 : i32
    %dma_start3A_471 = tpu.memref_slice %arg12[%dma_start3A_469, %dma_start3A_470] : memref<20x500xi32, #tpu.memory_space<vmem>> -> memref<1x500xi32, #tpu.memory_space<vmem>>
    %dma_start3A_472 = tpu.memref_squeeze %dma_start3A_471 : memref<1x500xi32, #tpu.memory_space<vmem>> -> memref<500xi32, #tpu.memory_space<vmem>>
    %dma_start3A_473 = arith.constant 0 : i32
    %dma_start3A_474 = arith.constant 0 : i32
    %dma_start3A_475 = tpu.memref_slice %arg9[%dma_start3A_473, %dma_start3A_474] : memref<10240x64xf32, #tpu.memory_space<vmem_shared>> -> memref<10240x64xf32, #tpu.memory_space<vmem_shared>>
    tpu.enqueue_indirect_dma source(%arg14 : memref<500x64xf32, #tpu.memory_space<vmem>>) target(%dma_start3A_475 : memref<10240x64xf32, #tpu.memory_space<vmem_shared>>) offsets(%dma_start3A_472 : memref<500xi32, #tpu.memory_space<vmem>>) semaphore(%arg19 : memref<!tpu.dma_semaphore, #tpu.memory_space<semaphore_mem>>) {add = true}
    %dma_wait3A_476 = arith.constant 11 : i32
    %dma_wait3A_477 = arith.constant 0 : i32
    %dma_wait3A_478 = tpu.memref_slice %arg12[%dma_wait3A_476, %dma_wait3A_477] : memref<20x500xi32, #tpu.memory_space<vmem>> -> memref<1x500xi32, #tpu.memory_space<vmem>>
    %dma_wait3A_479 = tpu.memref_squeeze %dma_wait3A_478 : memref<1x500xi32, #tpu.memory_space<vmem>> -> memref<500xi32, #tpu.memory_space<vmem>>
    %dma_wait3A_480 = arith.constant 0 : i32
    %dma_wait3A_481 = arith.constant 0 : i32
    %dma_wait3A_482 = tpu.memref_slice %arg9[%dma_wait3A_480, %dma_wait3A_481] : memref<10240x64xf32, #tpu.memory_space<vmem_shared>> -> memref<10240x64xf32, #tpu.memory_space<vmem_shared>>
    tpu.wait_indirect_dma semaphore(%arg19 : memref<!tpu.dma_semaphore, #tpu.memory_space<semaphore_mem>>) src(%arg14 : memref<500x64xf32, #tpu.memory_space<vmem>>) dst(%dma_wait3A_482 : memref<10240x64xf32, #tpu.memory_space<vmem_shared>>)
    %dma_wait3A_483 = arith.constant 11 : i32
    %dma_wait3A_484 = arith.constant 0 : i32
    %dma_wait3A_485 = tpu.memref_slice %arg12[%dma_wait3A_483, %dma_wait3A_484] : memref<20x500xi32, #tpu.memory_space<vmem>> -> memref<1x500xi32, #tpu.memory_space<vmem>>
    %dma_wait3A_486 = tpu.memref_squeeze %dma_wait3A_485 : memref<1x500xi32, #tpu.memory_space<vmem>> -> memref<500xi32, #tpu.memory_space<vmem>>
    %dma_wait3A_487 = arith.constant 0 : i32
    %dma_wait3A_488 = tpu.memref_slice %arg10[%dma_wait3A_487] : memref<10240xf32, #tpu.memory_space<vmem_shared>> -> memref<10240xf32, #tpu.memory_space<vmem_shared>>
    tpu.wait_indirect_dma semaphore(%arg20 : memref<!tpu.dma_semaphore, #tpu.memory_space<semaphore_mem>>) src(%arg15 : memref<500xf32, #tpu.memory_space<vmem>>) dst(%dma_wait3A_488 : memref<10240xf32, #tpu.memory_space<vmem_shared>>)
    %dma_start3A_489 = arith.constant 13 : i32
    %dma_start3A_490 = arith.constant 0 : i32
    %dma_start3A_491 = tpu.memref_slice %arg11[%dma_start3A_489, %dma_start3A_490] : memref<20x500xi32, #tpu.memory_space<vmem>> -> memref<1x500xi32, #tpu.memory_space<vmem>>
    %dma_start3A_492 = tpu.memref_squeeze %dma_start3A_491 : memref<1x500xi32, #tpu.memory_space<vmem>> -> memref<500xi32, #tpu.memory_space<vmem>>
    %dma_start3A_493 = arith.constant 0 : i32
    %dma_start3A_494 = arith.constant 0 : i32
    %dma_start3A_495 = tpu.memref_slice %arg2[%dma_start3A_493, %dma_start3A_494] : memref<10240x64xf32, #tpu.memory_space<hbm>> -> memref<10240x64xf32, #tpu.memory_space<hbm>>
    tpu.enqueue_indirect_dma source(%dma_start3A_495 : memref<10240x64xf32, #tpu.memory_space<hbm>>) target(%arg14 : memref<500x64xf32, #tpu.memory_space<vmem>>) offsets(%dma_start3A_492 : memref<500xi32, #tpu.memory_space<vmem>>) semaphore(%arg17 : memref<!tpu.dma_semaphore, #tpu.memory_space<semaphore_mem>>)
    %dma_wait3A_496 = arith.constant 12 : i32
    %dma_wait3A_497 = arith.constant 0 : i32
    %dma_wait3A_498 = tpu.memref_slice %arg11[%dma_wait3A_496, %dma_wait3A_497] : memref<20x500xi32, #tpu.memory_space<vmem>> -> memref<1x500xi32, #tpu.memory_space<vmem>>
    %dma_wait3A_499 = tpu.memref_squeeze %dma_wait3A_498 : memref<1x500xi32, #tpu.memory_space<vmem>> -> memref<500xi32, #tpu.memory_space<vmem>>
    %dma_wait3A_500 = arith.constant 0 : i32
    %dma_wait3A_501 = arith.constant 0 : i32
    %dma_wait3A_502 = tpu.memref_slice %arg2[%dma_wait3A_500, %dma_wait3A_501] : memref<10240x64xf32, #tpu.memory_space<hbm>> -> memref<10240x64xf32, #tpu.memory_space<hbm>>
    tpu.wait_indirect_dma semaphore(%arg16 : memref<!tpu.dma_semaphore, #tpu.memory_space<semaphore_mem>>) src(%dma_wait3A_502 : memref<10240x64xf32, #tpu.memory_space<hbm>>) dst(%arg13 : memref<500x64xf32, #tpu.memory_space<vmem>>)
    %dma_start3A_503 = arith.constant 12 : i32
    %dma_start3A_504 = arith.constant 0 : i32
    %dma_start3A_505 = tpu.memref_slice %arg12[%dma_start3A_503, %dma_start3A_504] : memref<20x500xi32, #tpu.memory_space<vmem>> -> memref<1x500xi32, #tpu.memory_space<vmem>>
    %dma_start3A_506 = tpu.memref_squeeze %dma_start3A_505 : memref<1x500xi32, #tpu.memory_space<vmem>> -> memref<500xi32, #tpu.memory_space<vmem>>
    %dma_start3A_507 = arith.constant 0 : i32
    %dma_start3A_508 = tpu.memref_slice %arg10[%dma_start3A_507] : memref<10240xf32, #tpu.memory_space<vmem_shared>> -> memref<10240xf32, #tpu.memory_space<vmem_shared>>
    tpu.enqueue_indirect_dma source(%arg15 : memref<500xf32, #tpu.memory_space<vmem>>) target(%dma_start3A_508 : memref<10240xf32, #tpu.memory_space<vmem_shared>>) offsets(%dma_start3A_506 : memref<500xi32, #tpu.memory_space<vmem>>) semaphore(%arg20 : memref<!tpu.dma_semaphore, #tpu.memory_space<semaphore_mem>>) {add = true}
    %dma_start3A_509 = arith.constant 12 : i32
    %dma_start3A_510 = arith.constant 0 : i32
    %dma_start3A_511 = tpu.memref_slice %arg12[%dma_start3A_509, %dma_start3A_510] : memref<20x500xi32, #tpu.memory_space<vmem>> -> memref<1x500xi32, #tpu.memory_space<vmem>>
    %dma_start3A_512 = tpu.memref_squeeze %dma_start3A_511 : memref<1x500xi32, #tpu.memory_space<vmem>> -> memref<500xi32, #tpu.memory_space<vmem>>
    %dma_start3A_513 = arith.constant 0 : i32
    %dma_start3A_514 = arith.constant 0 : i32
    %dma_start3A_515 = tpu.memref_slice %arg9[%dma_start3A_513, %dma_start3A_514] : memref<10240x64xf32, #tpu.memory_space<vmem_shared>> -> memref<10240x64xf32, #tpu.memory_space<vmem_shared>>
    tpu.enqueue_indirect_dma source(%arg13 : memref<500x64xf32, #tpu.memory_space<vmem>>) target(%dma_start3A_515 : memref<10240x64xf32, #tpu.memory_space<vmem_shared>>) offsets(%dma_start3A_512 : memref<500xi32, #tpu.memory_space<vmem>>) semaphore(%arg18 : memref<!tpu.dma_semaphore, #tpu.memory_space<semaphore_mem>>) {add = true}
    %dma_wait3A_516 = arith.constant 12 : i32
    %dma_wait3A_517 = arith.constant 0 : i32
    %dma_wait3A_518 = tpu.memref_slice %arg12[%dma_wait3A_516, %dma_wait3A_517] : memref<20x500xi32, #tpu.memory_space<vmem>> -> memref<1x500xi32, #tpu.memory_space<vmem>>
    %dma_wait3A_519 = tpu.memref_squeeze %dma_wait3A_518 : memref<1x500xi32, #tpu.memory_space<vmem>> -> memref<500xi32, #tpu.memory_space<vmem>>
    %dma_wait3A_520 = arith.constant 0 : i32
    %dma_wait3A_521 = arith.constant 0 : i32
    %dma_wait3A_522 = tpu.memref_slice %arg9[%dma_wait3A_520, %dma_wait3A_521] : memref<10240x64xf32, #tpu.memory_space<vmem_shared>> -> memref<10240x64xf32, #tpu.memory_space<vmem_shared>>
    tpu.wait_indirect_dma semaphore(%arg18 : memref<!tpu.dma_semaphore, #tpu.memory_space<semaphore_mem>>) src(%arg13 : memref<500x64xf32, #tpu.memory_space<vmem>>) dst(%dma_wait3A_522 : memref<10240x64xf32, #tpu.memory_space<vmem_shared>>)
    %dma_wait3A_523 = arith.constant 12 : i32
    %dma_wait3A_524 = arith.constant 0 : i32
    %dma_wait3A_525 = tpu.memref_slice %arg12[%dma_wait3A_523, %dma_wait3A_524] : memref<20x500xi32, #tpu.memory_space<vmem>> -> memref<1x500xi32, #tpu.memory_space<vmem>>
    %dma_wait3A_526 = tpu.memref_squeeze %dma_wait3A_525 : memref<1x500xi32, #tpu.memory_space<vmem>> -> memref<500xi32, #tpu.memory_space<vmem>>
    %dma_wait3A_527 = arith.constant 0 : i32
    %dma_wait3A_528 = tpu.memref_slice %arg10[%dma_wait3A_527] : memref<10240xf32, #tpu.memory_space<vmem_shared>> -> memref<10240xf32, #tpu.memory_space<vmem_shared>>
    tpu.wait_indirect_dma semaphore(%arg20 : memref<!tpu.dma_semaphore, #tpu.memory_space<semaphore_mem>>) src(%arg15 : memref<500xf32, #tpu.memory_space<vmem>>) dst(%dma_wait3A_528 : memref<10240xf32, #tpu.memory_space<vmem_shared>>)
    %dma_start3A_529 = arith.constant 14 : i32
    %dma_start3A_530 = arith.constant 0 : i32
    %dma_start3A_531 = tpu.memref_slice %arg11[%dma_start3A_529, %dma_start3A_530] : memref<20x500xi32, #tpu.memory_space<vmem>> -> memref<1x500xi32, #tpu.memory_space<vmem>>
    %dma_start3A_532 = tpu.memref_squeeze %dma_start3A_531 : memref<1x500xi32, #tpu.memory_space<vmem>> -> memref<500xi32, #tpu.memory_space<vmem>>
    %dma_start3A_533 = arith.constant 0 : i32
    %dma_start3A_534 = arith.constant 0 : i32
    %dma_start3A_535 = tpu.memref_slice %arg2[%dma_start3A_533, %dma_start3A_534] : memref<10240x64xf32, #tpu.memory_space<hbm>> -> memref<10240x64xf32, #tpu.memory_space<hbm>>
    tpu.enqueue_indirect_dma source(%dma_start3A_535 : memref<10240x64xf32, #tpu.memory_space<hbm>>) target(%arg13 : memref<500x64xf32, #tpu.memory_space<vmem>>) offsets(%dma_start3A_532 : memref<500xi32, #tpu.memory_space<vmem>>) semaphore(%arg16 : memref<!tpu.dma_semaphore, #tpu.memory_space<semaphore_mem>>)
    %dma_wait3A_536 = arith.constant 13 : i32
    %dma_wait3A_537 = arith.constant 0 : i32
    %dma_wait3A_538 = tpu.memref_slice %arg11[%dma_wait3A_536, %dma_wait3A_537] : memref<20x500xi32, #tpu.memory_space<vmem>> -> memref<1x500xi32, #tpu.memory_space<vmem>>
    %dma_wait3A_539 = tpu.memref_squeeze %dma_wait3A_538 : memref<1x500xi32, #tpu.memory_space<vmem>> -> memref<500xi32, #tpu.memory_space<vmem>>
    %dma_wait3A_540 = arith.constant 0 : i32
    %dma_wait3A_541 = arith.constant 0 : i32
    %dma_wait3A_542 = tpu.memref_slice %arg2[%dma_wait3A_540, %dma_wait3A_541] : memref<10240x64xf32, #tpu.memory_space<hbm>> -> memref<10240x64xf32, #tpu.memory_space<hbm>>
    tpu.wait_indirect_dma semaphore(%arg17 : memref<!tpu.dma_semaphore, #tpu.memory_space<semaphore_mem>>) src(%dma_wait3A_542 : memref<10240x64xf32, #tpu.memory_space<hbm>>) dst(%arg14 : memref<500x64xf32, #tpu.memory_space<vmem>>)
    %dma_start3A_543 = arith.constant 13 : i32
    %dma_start3A_544 = arith.constant 0 : i32
    %dma_start3A_545 = tpu.memref_slice %arg12[%dma_start3A_543, %dma_start3A_544] : memref<20x500xi32, #tpu.memory_space<vmem>> -> memref<1x500xi32, #tpu.memory_space<vmem>>
    %dma_start3A_546 = tpu.memref_squeeze %dma_start3A_545 : memref<1x500xi32, #tpu.memory_space<vmem>> -> memref<500xi32, #tpu.memory_space<vmem>>
    %dma_start3A_547 = arith.constant 0 : i32
    %dma_start3A_548 = tpu.memref_slice %arg10[%dma_start3A_547] : memref<10240xf32, #tpu.memory_space<vmem_shared>> -> memref<10240xf32, #tpu.memory_space<vmem_shared>>
    tpu.enqueue_indirect_dma source(%arg15 : memref<500xf32, #tpu.memory_space<vmem>>) target(%dma_start3A_548 : memref<10240xf32, #tpu.memory_space<vmem_shared>>) offsets(%dma_start3A_546 : memref<500xi32, #tpu.memory_space<vmem>>) semaphore(%arg20 : memref<!tpu.dma_semaphore, #tpu.memory_space<semaphore_mem>>) {add = true}
    %dma_start3A_549 = arith.constant 13 : i32
    %dma_start3A_550 = arith.constant 0 : i32
    %dma_start3A_551 = tpu.memref_slice %arg12[%dma_start3A_549, %dma_start3A_550] : memref<20x500xi32, #tpu.memory_space<vmem>> -> memref<1x500xi32, #tpu.memory_space<vmem>>
    %dma_start3A_552 = tpu.memref_squeeze %dma_start3A_551 : memref<1x500xi32, #tpu.memory_space<vmem>> -> memref<500xi32, #tpu.memory_space<vmem>>
    %dma_start3A_553 = arith.constant 0 : i32
    %dma_start3A_554 = arith.constant 0 : i32
    %dma_start3A_555 = tpu.memref_slice %arg9[%dma_start3A_553, %dma_start3A_554] : memref<10240x64xf32, #tpu.memory_space<vmem_shared>> -> memref<10240x64xf32, #tpu.memory_space<vmem_shared>>
    tpu.enqueue_indirect_dma source(%arg14 : memref<500x64xf32, #tpu.memory_space<vmem>>) target(%dma_start3A_555 : memref<10240x64xf32, #tpu.memory_space<vmem_shared>>) offsets(%dma_start3A_552 : memref<500xi32, #tpu.memory_space<vmem>>) semaphore(%arg19 : memref<!tpu.dma_semaphore, #tpu.memory_space<semaphore_mem>>) {add = true}
    %dma_wait3A_556 = arith.constant 13 : i32
    %dma_wait3A_557 = arith.constant 0 : i32
    %dma_wait3A_558 = tpu.memref_slice %arg12[%dma_wait3A_556, %dma_wait3A_557] : memref<20x500xi32, #tpu.memory_space<vmem>> -> memref<1x500xi32, #tpu.memory_space<vmem>>
    %dma_wait3A_559 = tpu.memref_squeeze %dma_wait3A_558 : memref<1x500xi32, #tpu.memory_space<vmem>> -> memref<500xi32, #tpu.memory_space<vmem>>
    %dma_wait3A_560 = arith.constant 0 : i32
    %dma_wait3A_561 = arith.constant 0 : i32
    %dma_wait3A_562 = tpu.memref_slice %arg9[%dma_wait3A_560, %dma_wait3A_561] : memref<10240x64xf32, #tpu.memory_space<vmem_shared>> -> memref<10240x64xf32, #tpu.memory_space<vmem_shared>>
    tpu.wait_indirect_dma semaphore(%arg19 : memref<!tpu.dma_semaphore, #tpu.memory_space<semaphore_mem>>) src(%arg14 : memref<500x64xf32, #tpu.memory_space<vmem>>) dst(%dma_wait3A_562 : memref<10240x64xf32, #tpu.memory_space<vmem_shared>>)
    %dma_wait3A_563 = arith.constant 13 : i32
    %dma_wait3A_564 = arith.constant 0 : i32
    %dma_wait3A_565 = tpu.memref_slice %arg12[%dma_wait3A_563, %dma_wait3A_564] : memref<20x500xi32, #tpu.memory_space<vmem>> -> memref<1x500xi32, #tpu.memory_space<vmem>>
    %dma_wait3A_566 = tpu.memref_squeeze %dma_wait3A_565 : memref<1x500xi32, #tpu.memory_space<vmem>> -> memref<500xi32, #tpu.memory_space<vmem>>
    %dma_wait3A_567 = arith.constant 0 : i32
    %dma_wait3A_568 = tpu.memref_slice %arg10[%dma_wait3A_567] : memref<10240xf32, #tpu.memory_space<vmem_shared>> -> memref<10240xf32, #tpu.memory_space<vmem_shared>>
    tpu.wait_indirect_dma semaphore(%arg20 : memref<!tpu.dma_semaphore, #tpu.memory_space<semaphore_mem>>) src(%arg15 : memref<500xf32, #tpu.memory_space<vmem>>) dst(%dma_wait3A_568 : memref<10240xf32, #tpu.memory_space<vmem_shared>>)
    %dma_start3A_569 = arith.constant 15 : i32
    %dma_start3A_570 = arith.constant 0 : i32
    %dma_start3A_571 = tpu.memref_slice %arg11[%dma_start3A_569, %dma_start3A_570] : memref<20x500xi32, #tpu.memory_space<vmem>> -> memref<1x500xi32, #tpu.memory_space<vmem>>
    %dma_start3A_572 = tpu.memref_squeeze %dma_start3A_571 : memref<1x500xi32, #tpu.memory_space<vmem>> -> memref<500xi32, #tpu.memory_space<vmem>>
    %dma_start3A_573 = arith.constant 0 : i32
    %dma_start3A_574 = arith.constant 0 : i32
    %dma_start3A_575 = tpu.memref_slice %arg2[%dma_start3A_573, %dma_start3A_574] : memref<10240x64xf32, #tpu.memory_space<hbm>> -> memref<10240x64xf32, #tpu.memory_space<hbm>>
    tpu.enqueue_indirect_dma source(%dma_start3A_575 : memref<10240x64xf32, #tpu.memory_space<hbm>>) target(%arg14 : memref<500x64xf32, #tpu.memory_space<vmem>>) offsets(%dma_start3A_572 : memref<500xi32, #tpu.memory_space<vmem>>) semaphore(%arg17 : memref<!tpu.dma_semaphore, #tpu.memory_space<semaphore_mem>>)
    %dma_wait3A_576 = arith.constant 14 : i32
    %dma_wait3A_577 = arith.constant 0 : i32
    %dma_wait3A_578 = tpu.memref_slice %arg11[%dma_wait3A_576, %dma_wait3A_577] : memref<20x500xi32, #tpu.memory_space<vmem>> -> memref<1x500xi32, #tpu.memory_space<vmem>>
    %dma_wait3A_579 = tpu.memref_squeeze %dma_wait3A_578 : memref<1x500xi32, #tpu.memory_space<vmem>> -> memref<500xi32, #tpu.memory_space<vmem>>
    %dma_wait3A_580 = arith.constant 0 : i32
    %dma_wait3A_581 = arith.constant 0 : i32
    %dma_wait3A_582 = tpu.memref_slice %arg2[%dma_wait3A_580, %dma_wait3A_581] : memref<10240x64xf32, #tpu.memory_space<hbm>> -> memref<10240x64xf32, #tpu.memory_space<hbm>>
    tpu.wait_indirect_dma semaphore(%arg16 : memref<!tpu.dma_semaphore, #tpu.memory_space<semaphore_mem>>) src(%dma_wait3A_582 : memref<10240x64xf32, #tpu.memory_space<hbm>>) dst(%arg13 : memref<500x64xf32, #tpu.memory_space<vmem>>)
    %dma_start3A_583 = arith.constant 14 : i32
    %dma_start3A_584 = arith.constant 0 : i32
    %dma_start3A_585 = tpu.memref_slice %arg12[%dma_start3A_583, %dma_start3A_584] : memref<20x500xi32, #tpu.memory_space<vmem>> -> memref<1x500xi32, #tpu.memory_space<vmem>>
    %dma_start3A_586 = tpu.memref_squeeze %dma_start3A_585 : memref<1x500xi32, #tpu.memory_space<vmem>> -> memref<500xi32, #tpu.memory_space<vmem>>
    %dma_start3A_587 = arith.constant 0 : i32
    %dma_start3A_588 = tpu.memref_slice %arg10[%dma_start3A_587] : memref<10240xf32, #tpu.memory_space<vmem_shared>> -> memref<10240xf32, #tpu.memory_space<vmem_shared>>
    tpu.enqueue_indirect_dma source(%arg15 : memref<500xf32, #tpu.memory_space<vmem>>) target(%dma_start3A_588 : memref<10240xf32, #tpu.memory_space<vmem_shared>>) offsets(%dma_start3A_586 : memref<500xi32, #tpu.memory_space<vmem>>) semaphore(%arg20 : memref<!tpu.dma_semaphore, #tpu.memory_space<semaphore_mem>>) {add = true}
    %dma_start3A_589 = arith.constant 14 : i32
    %dma_start3A_590 = arith.constant 0 : i32
    %dma_start3A_591 = tpu.memref_slice %arg12[%dma_start3A_589, %dma_start3A_590] : memref<20x500xi32, #tpu.memory_space<vmem>> -> memref<1x500xi32, #tpu.memory_space<vmem>>
    %dma_start3A_592 = tpu.memref_squeeze %dma_start3A_591 : memref<1x500xi32, #tpu.memory_space<vmem>> -> memref<500xi32, #tpu.memory_space<vmem>>
    %dma_start3A_593 = arith.constant 0 : i32
    %dma_start3A_594 = arith.constant 0 : i32
    %dma_start3A_595 = tpu.memref_slice %arg9[%dma_start3A_593, %dma_start3A_594] : memref<10240x64xf32, #tpu.memory_space<vmem_shared>> -> memref<10240x64xf32, #tpu.memory_space<vmem_shared>>
    tpu.enqueue_indirect_dma source(%arg13 : memref<500x64xf32, #tpu.memory_space<vmem>>) target(%dma_start3A_595 : memref<10240x64xf32, #tpu.memory_space<vmem_shared>>) offsets(%dma_start3A_592 : memref<500xi32, #tpu.memory_space<vmem>>) semaphore(%arg18 : memref<!tpu.dma_semaphore, #tpu.memory_space<semaphore_mem>>) {add = true}
    %dma_wait3A_596 = arith.constant 14 : i32
    %dma_wait3A_597 = arith.constant 0 : i32
    %dma_wait3A_598 = tpu.memref_slice %arg12[%dma_wait3A_596, %dma_wait3A_597] : memref<20x500xi32, #tpu.memory_space<vmem>> -> memref<1x500xi32, #tpu.memory_space<vmem>>
    %dma_wait3A_599 = tpu.memref_squeeze %dma_wait3A_598 : memref<1x500xi32, #tpu.memory_space<vmem>> -> memref<500xi32, #tpu.memory_space<vmem>>
    %dma_wait3A_600 = arith.constant 0 : i32
    %dma_wait3A_601 = arith.constant 0 : i32
    %dma_wait3A_602 = tpu.memref_slice %arg9[%dma_wait3A_600, %dma_wait3A_601] : memref<10240x64xf32, #tpu.memory_space<vmem_shared>> -> memref<10240x64xf32, #tpu.memory_space<vmem_shared>>
    tpu.wait_indirect_dma semaphore(%arg18 : memref<!tpu.dma_semaphore, #tpu.memory_space<semaphore_mem>>) src(%arg13 : memref<500x64xf32, #tpu.memory_space<vmem>>) dst(%dma_wait3A_602 : memref<10240x64xf32, #tpu.memory_space<vmem_shared>>)
    %dma_wait3A_603 = arith.constant 14 : i32
    %dma_wait3A_604 = arith.constant 0 : i32
    %dma_wait3A_605 = tpu.memref_slice %arg12[%dma_wait3A_603, %dma_wait3A_604] : memref<20x500xi32, #tpu.memory_space<vmem>> -> memref<1x500xi32, #tpu.memory_space<vmem>>
    %dma_wait3A_606 = tpu.memref_squeeze %dma_wait3A_605 : memref<1x500xi32, #tpu.memory_space<vmem>> -> memref<500xi32, #tpu.memory_space<vmem>>
    %dma_wait3A_607 = arith.constant 0 : i32
    %dma_wait3A_608 = tpu.memref_slice %arg10[%dma_wait3A_607] : memref<10240xf32, #tpu.memory_space<vmem_shared>> -> memref<10240xf32, #tpu.memory_space<vmem_shared>>
    tpu.wait_indirect_dma semaphore(%arg20 : memref<!tpu.dma_semaphore, #tpu.memory_space<semaphore_mem>>) src(%arg15 : memref<500xf32, #tpu.memory_space<vmem>>) dst(%dma_wait3A_608 : memref<10240xf32, #tpu.memory_space<vmem_shared>>)
    %dma_start3A_609 = arith.constant 16 : i32
    %dma_start3A_610 = arith.constant 0 : i32
    %dma_start3A_611 = tpu.memref_slice %arg11[%dma_start3A_609, %dma_start3A_610] : memref<20x500xi32, #tpu.memory_space<vmem>> -> memref<1x500xi32, #tpu.memory_space<vmem>>
    %dma_start3A_612 = tpu.memref_squeeze %dma_start3A_611 : memref<1x500xi32, #tpu.memory_space<vmem>> -> memref<500xi32, #tpu.memory_space<vmem>>
    %dma_start3A_613 = arith.constant 0 : i32
    %dma_start3A_614 = arith.constant 0 : i32
    %dma_start3A_615 = tpu.memref_slice %arg2[%dma_start3A_613, %dma_start3A_614] : memref<10240x64xf32, #tpu.memory_space<hbm>> -> memref<10240x64xf32, #tpu.memory_space<hbm>>
    tpu.enqueue_indirect_dma source(%dma_start3A_615 : memref<10240x64xf32, #tpu.memory_space<hbm>>) target(%arg13 : memref<500x64xf32, #tpu.memory_space<vmem>>) offsets(%dma_start3A_612 : memref<500xi32, #tpu.memory_space<vmem>>) semaphore(%arg16 : memref<!tpu.dma_semaphore, #tpu.memory_space<semaphore_mem>>)
    %dma_wait3A_616 = arith.constant 15 : i32
    %dma_wait3A_617 = arith.constant 0 : i32
    %dma_wait3A_618 = tpu.memref_slice %arg11[%dma_wait3A_616, %dma_wait3A_617] : memref<20x500xi32, #tpu.memory_space<vmem>> -> memref<1x500xi32, #tpu.memory_space<vmem>>
    %dma_wait3A_619 = tpu.memref_squeeze %dma_wait3A_618 : memref<1x500xi32, #tpu.memory_space<vmem>> -> memref<500xi32, #tpu.memory_space<vmem>>
    %dma_wait3A_620 = arith.constant 0 : i32
    %dma_wait3A_621 = arith.constant 0 : i32
    %dma_wait3A_622 = tpu.memref_slice %arg2[%dma_wait3A_620, %dma_wait3A_621] : memref<10240x64xf32, #tpu.memory_space<hbm>> -> memref<10240x64xf32, #tpu.memory_space<hbm>>
    tpu.wait_indirect_dma semaphore(%arg17 : memref<!tpu.dma_semaphore, #tpu.memory_space<semaphore_mem>>) src(%dma_wait3A_622 : memref<10240x64xf32, #tpu.memory_space<hbm>>) dst(%arg14 : memref<500x64xf32, #tpu.memory_space<vmem>>)
    %dma_start3A_623 = arith.constant 15 : i32
    %dma_start3A_624 = arith.constant 0 : i32
    %dma_start3A_625 = tpu.memref_slice %arg12[%dma_start3A_623, %dma_start3A_624] : memref<20x500xi32, #tpu.memory_space<vmem>> -> memref<1x500xi32, #tpu.memory_space<vmem>>
    %dma_start3A_626 = tpu.memref_squeeze %dma_start3A_625 : memref<1x500xi32, #tpu.memory_space<vmem>> -> memref<500xi32, #tpu.memory_space<vmem>>
    %dma_start3A_627 = arith.constant 0 : i32
    %dma_start3A_628 = tpu.memref_slice %arg10[%dma_start3A_627] : memref<10240xf32, #tpu.memory_space<vmem_shared>> -> memref<10240xf32, #tpu.memory_space<vmem_shared>>
    tpu.enqueue_indirect_dma source(%arg15 : memref<500xf32, #tpu.memory_space<vmem>>) target(%dma_start3A_628 : memref<10240xf32, #tpu.memory_space<vmem_shared>>) offsets(%dma_start3A_626 : memref<500xi32, #tpu.memory_space<vmem>>) semaphore(%arg20 : memref<!tpu.dma_semaphore, #tpu.memory_space<semaphore_mem>>) {add = true}
    %dma_start3A_629 = arith.constant 15 : i32
    %dma_start3A_630 = arith.constant 0 : i32
    %dma_start3A_631 = tpu.memref_slice %arg12[%dma_start3A_629, %dma_start3A_630] : memref<20x500xi32, #tpu.memory_space<vmem>> -> memref<1x500xi32, #tpu.memory_space<vmem>>
    %dma_start3A_632 = tpu.memref_squeeze %dma_start3A_631 : memref<1x500xi32, #tpu.memory_space<vmem>> -> memref<500xi32, #tpu.memory_space<vmem>>
    %dma_start3A_633 = arith.constant 0 : i32
    %dma_start3A_634 = arith.constant 0 : i32
    %dma_start3A_635 = tpu.memref_slice %arg9[%dma_start3A_633, %dma_start3A_634] : memref<10240x64xf32, #tpu.memory_space<vmem_shared>> -> memref<10240x64xf32, #tpu.memory_space<vmem_shared>>
    tpu.enqueue_indirect_dma source(%arg14 : memref<500x64xf32, #tpu.memory_space<vmem>>) target(%dma_start3A_635 : memref<10240x64xf32, #tpu.memory_space<vmem_shared>>) offsets(%dma_start3A_632 : memref<500xi32, #tpu.memory_space<vmem>>) semaphore(%arg19 : memref<!tpu.dma_semaphore, #tpu.memory_space<semaphore_mem>>) {add = true}
    %dma_wait3A_636 = arith.constant 15 : i32
    %dma_wait3A_637 = arith.constant 0 : i32
    %dma_wait3A_638 = tpu.memref_slice %arg12[%dma_wait3A_636, %dma_wait3A_637] : memref<20x500xi32, #tpu.memory_space<vmem>> -> memref<1x500xi32, #tpu.memory_space<vmem>>
    %dma_wait3A_639 = tpu.memref_squeeze %dma_wait3A_638 : memref<1x500xi32, #tpu.memory_space<vmem>> -> memref<500xi32, #tpu.memory_space<vmem>>
    %dma_wait3A_640 = arith.constant 0 : i32
    %dma_wait3A_641 = arith.constant 0 : i32
    %dma_wait3A_642 = tpu.memref_slice %arg9[%dma_wait3A_640, %dma_wait3A_641] : memref<10240x64xf32, #tpu.memory_space<vmem_shared>> -> memref<10240x64xf32, #tpu.memory_space<vmem_shared>>
    tpu.wait_indirect_dma semaphore(%arg19 : memref<!tpu.dma_semaphore, #tpu.memory_space<semaphore_mem>>) src(%arg14 : memref<500x64xf32, #tpu.memory_space<vmem>>) dst(%dma_wait3A_642 : memref<10240x64xf32, #tpu.memory_space<vmem_shared>>)
    %dma_wait3A_643 = arith.constant 15 : i32
    %dma_wait3A_644 = arith.constant 0 : i32
    %dma_wait3A_645 = tpu.memref_slice %arg12[%dma_wait3A_643, %dma_wait3A_644] : memref<20x500xi32, #tpu.memory_space<vmem>> -> memref<1x500xi32, #tpu.memory_space<vmem>>
    %dma_wait3A_646 = tpu.memref_squeeze %dma_wait3A_645 : memref<1x500xi32, #tpu.memory_space<vmem>> -> memref<500xi32, #tpu.memory_space<vmem>>
    %dma_wait3A_647 = arith.constant 0 : i32
    %dma_wait3A_648 = tpu.memref_slice %arg10[%dma_wait3A_647] : memref<10240xf32, #tpu.memory_space<vmem_shared>> -> memref<10240xf32, #tpu.memory_space<vmem_shared>>
    tpu.wait_indirect_dma semaphore(%arg20 : memref<!tpu.dma_semaphore, #tpu.memory_space<semaphore_mem>>) src(%arg15 : memref<500xf32, #tpu.memory_space<vmem>>) dst(%dma_wait3A_648 : memref<10240xf32, #tpu.memory_space<vmem_shared>>)
    %dma_start3A_649 = arith.constant 17 : i32
    %dma_start3A_650 = arith.constant 0 : i32
    %dma_start3A_651 = tpu.memref_slice %arg11[%dma_start3A_649, %dma_start3A_650] : memref<20x500xi32, #tpu.memory_space<vmem>> -> memref<1x500xi32, #tpu.memory_space<vmem>>
    %dma_start3A_652 = tpu.memref_squeeze %dma_start3A_651 : memref<1x500xi32, #tpu.memory_space<vmem>> -> memref<500xi32, #tpu.memory_space<vmem>>
    %dma_start3A_653 = arith.constant 0 : i32
    %dma_start3A_654 = arith.constant 0 : i32
    %dma_start3A_655 = tpu.memref_slice %arg2[%dma_start3A_653, %dma_start3A_654] : memref<10240x64xf32, #tpu.memory_space<hbm>> -> memref<10240x64xf32, #tpu.memory_space<hbm>>
    tpu.enqueue_indirect_dma source(%dma_start3A_655 : memref<10240x64xf32, #tpu.memory_space<hbm>>) target(%arg14 : memref<500x64xf32, #tpu.memory_space<vmem>>) offsets(%dma_start3A_652 : memref<500xi32, #tpu.memory_space<vmem>>) semaphore(%arg17 : memref<!tpu.dma_semaphore, #tpu.memory_space<semaphore_mem>>)
    %dma_wait3A_656 = arith.constant 16 : i32
    %dma_wait3A_657 = arith.constant 0 : i32
    %dma_wait3A_658 = tpu.memref_slice %arg11[%dma_wait3A_656, %dma_wait3A_657] : memref<20x500xi32, #tpu.memory_space<vmem>> -> memref<1x500xi32, #tpu.memory_space<vmem>>
    %dma_wait3A_659 = tpu.memref_squeeze %dma_wait3A_658 : memref<1x500xi32, #tpu.memory_space<vmem>> -> memref<500xi32, #tpu.memory_space<vmem>>
    %dma_wait3A_660 = arith.constant 0 : i32
    %dma_wait3A_661 = arith.constant 0 : i32
    %dma_wait3A_662 = tpu.memref_slice %arg2[%dma_wait3A_660, %dma_wait3A_661] : memref<10240x64xf32, #tpu.memory_space<hbm>> -> memref<10240x64xf32, #tpu.memory_space<hbm>>
    tpu.wait_indirect_dma semaphore(%arg16 : memref<!tpu.dma_semaphore, #tpu.memory_space<semaphore_mem>>) src(%dma_wait3A_662 : memref<10240x64xf32, #tpu.memory_space<hbm>>) dst(%arg13 : memref<500x64xf32, #tpu.memory_space<vmem>>)
    %dma_start3A_663 = arith.constant 16 : i32
    %dma_start3A_664 = arith.constant 0 : i32
    %dma_start3A_665 = tpu.memref_slice %arg12[%dma_start3A_663, %dma_start3A_664] : memref<20x500xi32, #tpu.memory_space<vmem>> -> memref<1x500xi32, #tpu.memory_space<vmem>>
    %dma_start3A_666 = tpu.memref_squeeze %dma_start3A_665 : memref<1x500xi32, #tpu.memory_space<vmem>> -> memref<500xi32, #tpu.memory_space<vmem>>
    %dma_start3A_667 = arith.constant 0 : i32
    %dma_start3A_668 = tpu.memref_slice %arg10[%dma_start3A_667] : memref<10240xf32, #tpu.memory_space<vmem_shared>> -> memref<10240xf32, #tpu.memory_space<vmem_shared>>
    tpu.enqueue_indirect_dma source(%arg15 : memref<500xf32, #tpu.memory_space<vmem>>) target(%dma_start3A_668 : memref<10240xf32, #tpu.memory_space<vmem_shared>>) offsets(%dma_start3A_666 : memref<500xi32, #tpu.memory_space<vmem>>) semaphore(%arg20 : memref<!tpu.dma_semaphore, #tpu.memory_space<semaphore_mem>>) {add = true}
    %dma_start3A_669 = arith.constant 16 : i32
    %dma_start3A_670 = arith.constant 0 : i32
    %dma_start3A_671 = tpu.memref_slice %arg12[%dma_start3A_669, %dma_start3A_670] : memref<20x500xi32, #tpu.memory_space<vmem>> -> memref<1x500xi32, #tpu.memory_space<vmem>>
    %dma_start3A_672 = tpu.memref_squeeze %dma_start3A_671 : memref<1x500xi32, #tpu.memory_space<vmem>> -> memref<500xi32, #tpu.memory_space<vmem>>
    %dma_start3A_673 = arith.constant 0 : i32
    %dma_start3A_674 = arith.constant 0 : i32
    %dma_start3A_675 = tpu.memref_slice %arg9[%dma_start3A_673, %dma_start3A_674] : memref<10240x64xf32, #tpu.memory_space<vmem_shared>> -> memref<10240x64xf32, #tpu.memory_space<vmem_shared>>
    tpu.enqueue_indirect_dma source(%arg13 : memref<500x64xf32, #tpu.memory_space<vmem>>) target(%dma_start3A_675 : memref<10240x64xf32, #tpu.memory_space<vmem_shared>>) offsets(%dma_start3A_672 : memref<500xi32, #tpu.memory_space<vmem>>) semaphore(%arg18 : memref<!tpu.dma_semaphore, #tpu.memory_space<semaphore_mem>>) {add = true}
    %dma_wait3A_676 = arith.constant 16 : i32
    %dma_wait3A_677 = arith.constant 0 : i32
    %dma_wait3A_678 = tpu.memref_slice %arg12[%dma_wait3A_676, %dma_wait3A_677] : memref<20x500xi32, #tpu.memory_space<vmem>> -> memref<1x500xi32, #tpu.memory_space<vmem>>
    %dma_wait3A_679 = tpu.memref_squeeze %dma_wait3A_678 : memref<1x500xi32, #tpu.memory_space<vmem>> -> memref<500xi32, #tpu.memory_space<vmem>>
    %dma_wait3A_680 = arith.constant 0 : i32
    %dma_wait3A_681 = arith.constant 0 : i32
    %dma_wait3A_682 = tpu.memref_slice %arg9[%dma_wait3A_680, %dma_wait3A_681] : memref<10240x64xf32, #tpu.memory_space<vmem_shared>> -> memref<10240x64xf32, #tpu.memory_space<vmem_shared>>
    tpu.wait_indirect_dma semaphore(%arg18 : memref<!tpu.dma_semaphore, #tpu.memory_space<semaphore_mem>>) src(%arg13 : memref<500x64xf32, #tpu.memory_space<vmem>>) dst(%dma_wait3A_682 : memref<10240x64xf32, #tpu.memory_space<vmem_shared>>)
    %dma_wait3A_683 = arith.constant 16 : i32
    %dma_wait3A_684 = arith.constant 0 : i32
    %dma_wait3A_685 = tpu.memref_slice %arg12[%dma_wait3A_683, %dma_wait3A_684] : memref<20x500xi32, #tpu.memory_space<vmem>> -> memref<1x500xi32, #tpu.memory_space<vmem>>
    %dma_wait3A_686 = tpu.memref_squeeze %dma_wait3A_685 : memref<1x500xi32, #tpu.memory_space<vmem>> -> memref<500xi32, #tpu.memory_space<vmem>>
    %dma_wait3A_687 = arith.constant 0 : i32
    %dma_wait3A_688 = tpu.memref_slice %arg10[%dma_wait3A_687] : memref<10240xf32, #tpu.memory_space<vmem_shared>> -> memref<10240xf32, #tpu.memory_space<vmem_shared>>
    tpu.wait_indirect_dma semaphore(%arg20 : memref<!tpu.dma_semaphore, #tpu.memory_space<semaphore_mem>>) src(%arg15 : memref<500xf32, #tpu.memory_space<vmem>>) dst(%dma_wait3A_688 : memref<10240xf32, #tpu.memory_space<vmem_shared>>)
    %dma_start3A_689 = arith.constant 18 : i32
    %dma_start3A_690 = arith.constant 0 : i32
    %dma_start3A_691 = tpu.memref_slice %arg11[%dma_start3A_689, %dma_start3A_690] : memref<20x500xi32, #tpu.memory_space<vmem>> -> memref<1x500xi32, #tpu.memory_space<vmem>>
    %dma_start3A_692 = tpu.memref_squeeze %dma_start3A_691 : memref<1x500xi32, #tpu.memory_space<vmem>> -> memref<500xi32, #tpu.memory_space<vmem>>
    %dma_start3A_693 = arith.constant 0 : i32
    %dma_start3A_694 = arith.constant 0 : i32
    %dma_start3A_695 = tpu.memref_slice %arg2[%dma_start3A_693, %dma_start3A_694] : memref<10240x64xf32, #tpu.memory_space<hbm>> -> memref<10240x64xf32, #tpu.memory_space<hbm>>
    tpu.enqueue_indirect_dma source(%dma_start3A_695 : memref<10240x64xf32, #tpu.memory_space<hbm>>) target(%arg13 : memref<500x64xf32, #tpu.memory_space<vmem>>) offsets(%dma_start3A_692 : memref<500xi32, #tpu.memory_space<vmem>>) semaphore(%arg16 : memref<!tpu.dma_semaphore, #tpu.memory_space<semaphore_mem>>)
    %dma_wait3A_696 = arith.constant 17 : i32
    %dma_wait3A_697 = arith.constant 0 : i32
    %dma_wait3A_698 = tpu.memref_slice %arg11[%dma_wait3A_696, %dma_wait3A_697] : memref<20x500xi32, #tpu.memory_space<vmem>> -> memref<1x500xi32, #tpu.memory_space<vmem>>
    %dma_wait3A_699 = tpu.memref_squeeze %dma_wait3A_698 : memref<1x500xi32, #tpu.memory_space<vmem>> -> memref<500xi32, #tpu.memory_space<vmem>>
    %dma_wait3A_700 = arith.constant 0 : i32
    %dma_wait3A_701 = arith.constant 0 : i32
    %dma_wait3A_702 = tpu.memref_slice %arg2[%dma_wait3A_700, %dma_wait3A_701] : memref<10240x64xf32, #tpu.memory_space<hbm>> -> memref<10240x64xf32, #tpu.memory_space<hbm>>
    tpu.wait_indirect_dma semaphore(%arg17 : memref<!tpu.dma_semaphore, #tpu.memory_space<semaphore_mem>>) src(%dma_wait3A_702 : memref<10240x64xf32, #tpu.memory_space<hbm>>) dst(%arg14 : memref<500x64xf32, #tpu.memory_space<vmem>>)
    %dma_start3A_703 = arith.constant 17 : i32
    %dma_start3A_704 = arith.constant 0 : i32
    %dma_start3A_705 = tpu.memref_slice %arg12[%dma_start3A_703, %dma_start3A_704] : memref<20x500xi32, #tpu.memory_space<vmem>> -> memref<1x500xi32, #tpu.memory_space<vmem>>
    %dma_start3A_706 = tpu.memref_squeeze %dma_start3A_705 : memref<1x500xi32, #tpu.memory_space<vmem>> -> memref<500xi32, #tpu.memory_space<vmem>>
    %dma_start3A_707 = arith.constant 0 : i32
    %dma_start3A_708 = tpu.memref_slice %arg10[%dma_start3A_707] : memref<10240xf32, #tpu.memory_space<vmem_shared>> -> memref<10240xf32, #tpu.memory_space<vmem_shared>>
    tpu.enqueue_indirect_dma source(%arg15 : memref<500xf32, #tpu.memory_space<vmem>>) target(%dma_start3A_708 : memref<10240xf32, #tpu.memory_space<vmem_shared>>) offsets(%dma_start3A_706 : memref<500xi32, #tpu.memory_space<vmem>>) semaphore(%arg20 : memref<!tpu.dma_semaphore, #tpu.memory_space<semaphore_mem>>) {add = true}
    %dma_start3A_709 = arith.constant 17 : i32
    %dma_start3A_710 = arith.constant 0 : i32
    %dma_start3A_711 = tpu.memref_slice %arg12[%dma_start3A_709, %dma_start3A_710] : memref<20x500xi32, #tpu.memory_space<vmem>> -> memref<1x500xi32, #tpu.memory_space<vmem>>
    %dma_start3A_712 = tpu.memref_squeeze %dma_start3A_711 : memref<1x500xi32, #tpu.memory_space<vmem>> -> memref<500xi32, #tpu.memory_space<vmem>>
    %dma_start3A_713 = arith.constant 0 : i32
    %dma_start3A_714 = arith.constant 0 : i32
    %dma_start3A_715 = tpu.memref_slice %arg9[%dma_start3A_713, %dma_start3A_714] : memref<10240x64xf32, #tpu.memory_space<vmem_shared>> -> memref<10240x64xf32, #tpu.memory_space<vmem_shared>>
    tpu.enqueue_indirect_dma source(%arg14 : memref<500x64xf32, #tpu.memory_space<vmem>>) target(%dma_start3A_715 : memref<10240x64xf32, #tpu.memory_space<vmem_shared>>) offsets(%dma_start3A_712 : memref<500xi32, #tpu.memory_space<vmem>>) semaphore(%arg19 : memref<!tpu.dma_semaphore, #tpu.memory_space<semaphore_mem>>) {add = true}
    %dma_wait3A_716 = arith.constant 17 : i32
    %dma_wait3A_717 = arith.constant 0 : i32
    %dma_wait3A_718 = tpu.memref_slice %arg12[%dma_wait3A_716, %dma_wait3A_717] : memref<20x500xi32, #tpu.memory_space<vmem>> -> memref<1x500xi32, #tpu.memory_space<vmem>>
    %dma_wait3A_719 = tpu.memref_squeeze %dma_wait3A_718 : memref<1x500xi32, #tpu.memory_space<vmem>> -> memref<500xi32, #tpu.memory_space<vmem>>
    %dma_wait3A_720 = arith.constant 0 : i32
    %dma_wait3A_721 = arith.constant 0 : i32
    %dma_wait3A_722 = tpu.memref_slice %arg9[%dma_wait3A_720, %dma_wait3A_721] : memref<10240x64xf32, #tpu.memory_space<vmem_shared>> -> memref<10240x64xf32, #tpu.memory_space<vmem_shared>>
    tpu.wait_indirect_dma semaphore(%arg19 : memref<!tpu.dma_semaphore, #tpu.memory_space<semaphore_mem>>) src(%arg14 : memref<500x64xf32, #tpu.memory_space<vmem>>) dst(%dma_wait3A_722 : memref<10240x64xf32, #tpu.memory_space<vmem_shared>>)
    %dma_wait3A_723 = arith.constant 17 : i32
    %dma_wait3A_724 = arith.constant 0 : i32
    %dma_wait3A_725 = tpu.memref_slice %arg12[%dma_wait3A_723, %dma_wait3A_724] : memref<20x500xi32, #tpu.memory_space<vmem>> -> memref<1x500xi32, #tpu.memory_space<vmem>>
    %dma_wait3A_726 = tpu.memref_squeeze %dma_wait3A_725 : memref<1x500xi32, #tpu.memory_space<vmem>> -> memref<500xi32, #tpu.memory_space<vmem>>
    %dma_wait3A_727 = arith.constant 0 : i32
    %dma_wait3A_728 = tpu.memref_slice %arg10[%dma_wait3A_727] : memref<10240xf32, #tpu.memory_space<vmem_shared>> -> memref<10240xf32, #tpu.memory_space<vmem_shared>>
    tpu.wait_indirect_dma semaphore(%arg20 : memref<!tpu.dma_semaphore, #tpu.memory_space<semaphore_mem>>) src(%arg15 : memref<500xf32, #tpu.memory_space<vmem>>) dst(%dma_wait3A_728 : memref<10240xf32, #tpu.memory_space<vmem_shared>>)
    %dma_start3A_729 = arith.constant 19 : i32
    %dma_start3A_730 = arith.constant 0 : i32
    %dma_start3A_731 = tpu.memref_slice %arg11[%dma_start3A_729, %dma_start3A_730] : memref<20x500xi32, #tpu.memory_space<vmem>> -> memref<1x500xi32, #tpu.memory_space<vmem>>
    %dma_start3A_732 = tpu.memref_squeeze %dma_start3A_731 : memref<1x500xi32, #tpu.memory_space<vmem>> -> memref<500xi32, #tpu.memory_space<vmem>>
    %dma_start3A_733 = arith.constant 0 : i32
    %dma_start3A_734 = arith.constant 0 : i32
    %dma_start3A_735 = tpu.memref_slice %arg2[%dma_start3A_733, %dma_start3A_734] : memref<10240x64xf32, #tpu.memory_space<hbm>> -> memref<10240x64xf32, #tpu.memory_space<hbm>>
    tpu.enqueue_indirect_dma source(%dma_start3A_735 : memref<10240x64xf32, #tpu.memory_space<hbm>>) target(%arg14 : memref<500x64xf32, #tpu.memory_space<vmem>>) offsets(%dma_start3A_732 : memref<500xi32, #tpu.memory_space<vmem>>) semaphore(%arg17 : memref<!tpu.dma_semaphore, #tpu.memory_space<semaphore_mem>>)
    %dma_wait3A_736 = arith.constant 18 : i32
    %dma_wait3A_737 = arith.constant 0 : i32
    %dma_wait3A_738 = tpu.memref_slice %arg11[%dma_wait3A_736, %dma_wait3A_737] : memref<20x500xi32, #tpu.memory_space<vmem>> -> memref<1x500xi32, #tpu.memory_space<vmem>>
    %dma_wait3A_739 = tpu.memref_squeeze %dma_wait3A_738 : memref<1x500xi32, #tpu.memory_space<vmem>> -> memref<500xi32, #tpu.memory_space<vmem>>
    %dma_wait3A_740 = arith.constant 0 : i32
    %dma_wait3A_741 = arith.constant 0 : i32
    %dma_wait3A_742 = tpu.memref_slice %arg2[%dma_wait3A_740, %dma_wait3A_741] : memref<10240x64xf32, #tpu.memory_space<hbm>> -> memref<10240x64xf32, #tpu.memory_space<hbm>>
    tpu.wait_indirect_dma semaphore(%arg16 : memref<!tpu.dma_semaphore, #tpu.memory_space<semaphore_mem>>) src(%dma_wait3A_742 : memref<10240x64xf32, #tpu.memory_space<hbm>>) dst(%arg13 : memref<500x64xf32, #tpu.memory_space<vmem>>)
    %dma_start3A_743 = arith.constant 18 : i32
    %dma_start3A_744 = arith.constant 0 : i32
    %dma_start3A_745 = tpu.memref_slice %arg12[%dma_start3A_743, %dma_start3A_744] : memref<20x500xi32, #tpu.memory_space<vmem>> -> memref<1x500xi32, #tpu.memory_space<vmem>>
    %dma_start3A_746 = tpu.memref_squeeze %dma_start3A_745 : memref<1x500xi32, #tpu.memory_space<vmem>> -> memref<500xi32, #tpu.memory_space<vmem>>
    %dma_start3A_747 = arith.constant 0 : i32
    %dma_start3A_748 = tpu.memref_slice %arg10[%dma_start3A_747] : memref<10240xf32, #tpu.memory_space<vmem_shared>> -> memref<10240xf32, #tpu.memory_space<vmem_shared>>
    tpu.enqueue_indirect_dma source(%arg15 : memref<500xf32, #tpu.memory_space<vmem>>) target(%dma_start3A_748 : memref<10240xf32, #tpu.memory_space<vmem_shared>>) offsets(%dma_start3A_746 : memref<500xi32, #tpu.memory_space<vmem>>) semaphore(%arg20 : memref<!tpu.dma_semaphore, #tpu.memory_space<semaphore_mem>>) {add = true}
    %dma_start3A_749 = arith.constant 18 : i32
    %dma_start3A_750 = arith.constant 0 : i32
    %dma_start3A_751 = tpu.memref_slice %arg12[%dma_start3A_749, %dma_start3A_750] : memref<20x500xi32, #tpu.memory_space<vmem>> -> memref<1x500xi32, #tpu.memory_space<vmem>>
    %dma_start3A_752 = tpu.memref_squeeze %dma_start3A_751 : memref<1x500xi32, #tpu.memory_space<vmem>> -> memref<500xi32, #tpu.memory_space<vmem>>
    %dma_start3A_753 = arith.constant 0 : i32
    %dma_start3A_754 = arith.constant 0 : i32
    %dma_start3A_755 = tpu.memref_slice %arg9[%dma_start3A_753, %dma_start3A_754] : memref<10240x64xf32, #tpu.memory_space<vmem_shared>> -> memref<10240x64xf32, #tpu.memory_space<vmem_shared>>
    tpu.enqueue_indirect_dma source(%arg13 : memref<500x64xf32, #tpu.memory_space<vmem>>) target(%dma_start3A_755 : memref<10240x64xf32, #tpu.memory_space<vmem_shared>>) offsets(%dma_start3A_752 : memref<500xi32, #tpu.memory_space<vmem>>) semaphore(%arg18 : memref<!tpu.dma_semaphore, #tpu.memory_space<semaphore_mem>>) {add = true}
    %dma_wait3A_756 = arith.constant 19 : i32
    %dma_wait3A_757 = arith.constant 0 : i32
    %dma_wait3A_758 = tpu.memref_slice %arg11[%dma_wait3A_756, %dma_wait3A_757] : memref<20x500xi32, #tpu.memory_space<vmem>> -> memref<1x500xi32, #tpu.memory_space<vmem>>
    %dma_wait3A_759 = tpu.memref_squeeze %dma_wait3A_758 : memref<1x500xi32, #tpu.memory_space<vmem>> -> memref<500xi32, #tpu.memory_space<vmem>>
    %dma_wait3A_760 = arith.constant 0 : i32
    %dma_wait3A_761 = arith.constant 0 : i32
    %dma_wait3A_762 = tpu.memref_slice %arg2[%dma_wait3A_760, %dma_wait3A_761] : memref<10240x64xf32, #tpu.memory_space<hbm>> -> memref<10240x64xf32, #tpu.memory_space<hbm>>
    tpu.wait_indirect_dma semaphore(%arg17 : memref<!tpu.dma_semaphore, #tpu.memory_space<semaphore_mem>>) src(%dma_wait3A_762 : memref<10240x64xf32, #tpu.memory_space<hbm>>) dst(%arg14 : memref<500x64xf32, #tpu.memory_space<vmem>>)
    %dma_start3A_763 = arith.constant 19 : i32
    %dma_start3A_764 = arith.constant 0 : i32
    %dma_start3A_765 = tpu.memref_slice %arg12[%dma_start3A_763, %dma_start3A_764] : memref<20x500xi32, #tpu.memory_space<vmem>> -> memref<1x500xi32, #tpu.memory_space<vmem>>
    %dma_start3A_766 = tpu.memref_squeeze %dma_start3A_765 : memref<1x500xi32, #tpu.memory_space<vmem>> -> memref<500xi32, #tpu.memory_space<vmem>>
    %dma_start3A_767 = arith.constant 0 : i32
    %dma_start3A_768 = tpu.memref_slice %arg10[%dma_start3A_767] : memref<10240xf32, #tpu.memory_space<vmem_shared>> -> memref<10240xf32, #tpu.memory_space<vmem_shared>>
    tpu.enqueue_indirect_dma source(%arg15 : memref<500xf32, #tpu.memory_space<vmem>>) target(%dma_start3A_768 : memref<10240xf32, #tpu.memory_space<vmem_shared>>) offsets(%dma_start3A_766 : memref<500xi32, #tpu.memory_space<vmem>>) semaphore(%arg20 : memref<!tpu.dma_semaphore, #tpu.memory_space<semaphore_mem>>) {add = true}
    %dma_start3A_769 = arith.constant 19 : i32
    %dma_start3A_770 = arith.constant 0 : i32
    %dma_start3A_771 = tpu.memref_slice %arg12[%dma_start3A_769, %dma_start3A_770] : memref<20x500xi32, #tpu.memory_space<vmem>> -> memref<1x500xi32, #tpu.memory_space<vmem>>
    %dma_start3A_772 = tpu.memref_squeeze %dma_start3A_771 : memref<1x500xi32, #tpu.memory_space<vmem>> -> memref<500xi32, #tpu.memory_space<vmem>>
    %dma_start3A_773 = arith.constant 0 : i32
    %dma_start3A_774 = arith.constant 0 : i32
    %dma_start3A_775 = tpu.memref_slice %arg9[%dma_start3A_773, %dma_start3A_774] : memref<10240x64xf32, #tpu.memory_space<vmem_shared>> -> memref<10240x64xf32, #tpu.memory_space<vmem_shared>>
    tpu.enqueue_indirect_dma source(%arg14 : memref<500x64xf32, #tpu.memory_space<vmem>>) target(%dma_start3A_775 : memref<10240x64xf32, #tpu.memory_space<vmem_shared>>) offsets(%dma_start3A_772 : memref<500xi32, #tpu.memory_space<vmem>>) semaphore(%arg19 : memref<!tpu.dma_semaphore, #tpu.memory_space<semaphore_mem>>) {add = true}
    %dma_wait3A_776 = arith.constant 19 : i32
    %dma_wait3A_777 = arith.constant 0 : i32
    %dma_wait3A_778 = tpu.memref_slice %arg12[%dma_wait3A_776, %dma_wait3A_777] : memref<20x500xi32, #tpu.memory_space<vmem>> -> memref<1x500xi32, #tpu.memory_space<vmem>>
    %dma_wait3A_779 = tpu.memref_squeeze %dma_wait3A_778 : memref<1x500xi32, #tpu.memory_space<vmem>> -> memref<500xi32, #tpu.memory_space<vmem>>
    %dma_wait3A_780 = arith.constant 0 : i32
    %dma_wait3A_781 = arith.constant 0 : i32
    %dma_wait3A_782 = tpu.memref_slice %arg9[%dma_wait3A_780, %dma_wait3A_781] : memref<10240x64xf32, #tpu.memory_space<vmem_shared>> -> memref<10240x64xf32, #tpu.memory_space<vmem_shared>>
    tpu.wait_indirect_dma semaphore(%arg19 : memref<!tpu.dma_semaphore, #tpu.memory_space<semaphore_mem>>) src(%arg14 : memref<500x64xf32, #tpu.memory_space<vmem>>) dst(%dma_wait3A_782 : memref<10240x64xf32, #tpu.memory_space<vmem_shared>>)
    %dma_wait3A_783 = arith.constant 19 : i32
    %dma_wait3A_784 = arith.constant 0 : i32
    %dma_wait3A_785 = tpu.memref_slice %arg12[%dma_wait3A_783, %dma_wait3A_784] : memref<20x500xi32, #tpu.memory_space<vmem>> -> memref<1x500xi32, #tpu.memory_space<vmem>>
    %dma_wait3A_786 = tpu.memref_squeeze %dma_wait3A_785 : memref<1x500xi32, #tpu.memory_space<vmem>> -> memref<500xi32, #tpu.memory_space<vmem>>
    %dma_wait3A_787 = arith.constant 0 : i32
    %dma_wait3A_788 = tpu.memref_slice %arg10[%dma_wait3A_787] : memref<10240xf32, #tpu.memory_space<vmem_shared>> -> memref<10240xf32, #tpu.memory_space<vmem_shared>>
    tpu.wait_indirect_dma semaphore(%arg20 : memref<!tpu.dma_semaphore, #tpu.memory_space<semaphore_mem>>) src(%arg15 : memref<500xf32, #tpu.memory_space<vmem>>) dst(%dma_wait3A_788 : memref<10240xf32, #tpu.memory_space<vmem_shared>>)
    %dma_wait3A_789 = arith.constant 18 : i32
    %dma_wait3A_790 = arith.constant 0 : i32
    %dma_wait3A_791 = tpu.memref_slice %arg12[%dma_wait3A_789, %dma_wait3A_790] : memref<20x500xi32, #tpu.memory_space<vmem>> -> memref<1x500xi32, #tpu.memory_space<vmem>>
    %dma_wait3A_792 = tpu.memref_squeeze %dma_wait3A_791 : memref<1x500xi32, #tpu.memory_space<vmem>> -> memref<500xi32, #tpu.memory_space<vmem>>
    %dma_wait3A_793 = arith.constant 0 : i32
    %dma_wait3A_794 = arith.constant 0 : i32
    %dma_wait3A_795 = tpu.memref_slice %arg9[%dma_wait3A_793, %dma_wait3A_794] : memref<10240x64xf32, #tpu.memory_space<vmem_shared>> -> memref<10240x64xf32, #tpu.memory_space<vmem_shared>>
    tpu.wait_indirect_dma semaphore(%arg18 : memref<!tpu.dma_semaphore, #tpu.memory_space<semaphore_mem>>) src(%arg13 : memref<500x64xf32, #tpu.memory_space<vmem>>) dst(%dma_wait3A_795 : memref<10240x64xf32, #tpu.memory_space<vmem_shared>>)
    %dma_wait3A_796 = arith.constant 18 : i32
    %dma_wait3A_797 = arith.constant 0 : i32
    %dma_wait3A_798 = tpu.memref_slice %arg12[%dma_wait3A_796, %dma_wait3A_797] : memref<20x500xi32, #tpu.memory_space<vmem>> -> memref<1x500xi32, #tpu.memory_space<vmem>>
    %dma_wait3A_799 = tpu.memref_squeeze %dma_wait3A_798 : memref<1x500xi32, #tpu.memory_space<vmem>> -> memref<500xi32, #tpu.memory_space<vmem>>
    %dma_wait3A_800 = arith.constant 0 : i32
    %dma_wait3A_801 = tpu.memref_slice %arg10[%dma_wait3A_800] : memref<10240xf32, #tpu.memory_space<vmem_shared>> -> memref<10240xf32, #tpu.memory_space<vmem_shared>>
    tpu.wait_indirect_dma semaphore(%arg20 : memref<!tpu.dma_semaphore, #tpu.memory_space<semaphore_mem>>) src(%arg15 : memref<500xf32, #tpu.memory_space<vmem>>) dst(%dma_wait3A_801 : memref<10240xf32, #tpu.memory_space<vmem_shared>>)
    %barrier3A_802 = arith.constant 0 : index
    tpu.barrier barrier_id(%barrier3A_802)
    "tpu.region"() ({
      %run_scoped3A_803 = tpu.sem_alloc : memref<!tpu.dma_semaphore, #tpu.memory_space<semaphore_mem>>
      %dma_start3A_804 = arith.constant 0 : i32
      %dma_start3A_805 = tpu.memref_slice %arg7[%arg0, %multiple_of3A, %dma_start3A_804] : memref<2x10240x64xf32, #tpu.memory_space<hbm>> -> memref<1x640x64xf32, #tpu.memory_space<hbm>>
      %dma_start3A_806 = tpu.memref_squeeze %dma_start3A_805 : memref<1x640x64xf32, #tpu.memory_space<hbm>> -> memref<640x64xf32, #tpu.memory_space<hbm>>
      %dma_start3A_807 = arith.constant 0 : i32
      %dma_start3A_808 = tpu.memref_slice %arg9[%multiple_of3A, %dma_start3A_807] : memref<10240x64xf32, #tpu.memory_space<vmem_shared>> -> memref<640x64xf32, #tpu.memory_space<vmem_shared>>
      tpu.enqueue_dma source(%dma_start3A_808 : memref<640x64xf32, #tpu.memory_space<vmem_shared>>) target(%dma_start3A_806 : memref<640x64xf32, #tpu.memory_space<hbm>>) target_semaphore(%run_scoped3A_803 : memref<!tpu.dma_semaphore, #tpu.memory_space<semaphore_mem>>)
      %dma_wait3A_809 = arith.constant 0 : i32
      %dma_wait3A_810 = tpu.memref_slice %arg7[%arg0, %multiple_of3A, %dma_wait3A_809] : memref<2x10240x64xf32, #tpu.memory_space<hbm>> -> memref<1x640x64xf32, #tpu.memory_space<hbm>>
      %dma_wait3A_811 = tpu.memref_squeeze %dma_wait3A_810 : memref<1x640x64xf32, #tpu.memory_space<hbm>> -> memref<640x64xf32, #tpu.memory_space<hbm>>
      %dma_wait3A_812 = arith.constant 0 : i32
      %dma_wait3A_813 = tpu.memref_slice %arg9[%multiple_of3A, %dma_wait3A_812] : memref<10240x64xf32, #tpu.memory_space<vmem_shared>> -> memref<640x64xf32, #tpu.memory_space<vmem_shared>>
      tpu.wait_dma2 semaphore(%run_scoped3A_803 : memref<!tpu.dma_semaphore, #tpu.memory_space<semaphore_mem>>) src(%dma_wait3A_813 : memref<640x64xf32, #tpu.memory_space<vmem_shared>>) dst(%dma_wait3A_811 : memref<640x64xf32, #tpu.memory_space<hbm>>)
      tpu.yield
    }) : () -> ()
    "tpu.region"() ({
      %run_scoped3A_803 = tpu.sem_alloc : memref<!tpu.dma_semaphore, #tpu.memory_space<semaphore_mem>>
      %dma_start3A_804 = tpu.memref_slice %arg8[%arg0, %multiple_of3A] : memref<2x10240xf32, #tpu.memory_space<hbm>> -> memref<1x640xf32, #tpu.memory_space<hbm>>
      %dma_start3A_805 = tpu.memref_squeeze %dma_start3A_804 : memref<1x640xf32, #tpu.memory_space<hbm>> -> memref<640xf32, #tpu.memory_space<hbm>>
      %dma_start3A_806 = tpu.memref_slice %arg10[%multiple_of3A] : memref<10240xf32, #tpu.memory_space<vmem_shared>> -> memref<640xf32, #tpu.memory_space<vmem_shared>>
      tpu.enqueue_dma source(%dma_start3A_806 : memref<640xf32, #tpu.memory_space<vmem_shared>>) target(%dma_start3A_805 : memref<640xf32, #tpu.memory_space<hbm>>) target_semaphore(%run_scoped3A_803 : memref<!tpu.dma_semaphore, #tpu.memory_space<semaphore_mem>>)
      %dma_wait3A_807 = tpu.memref_slice %arg8[%arg0, %multiple_of3A] : memref<2x10240xf32, #tpu.memory_space<hbm>> -> memref<1x640xf32, #tpu.memory_space<hbm>>
      %dma_wait3A_808 = tpu.memref_squeeze %dma_wait3A_807 : memref<1x640xf32, #tpu.memory_space<hbm>> -> memref<640xf32, #tpu.memory_space<hbm>>
      %dma_wait3A_809 = tpu.memref_slice %arg10[%multiple_of3A] : memref<10240xf32, #tpu.memory_space<vmem_shared>> -> memref<640xf32, #tpu.memory_space<vmem_shared>>
      tpu.wait_dma2 semaphore(%run_scoped3A_803 : memref<!tpu.dma_semaphore, #tpu.memory_space<semaphore_mem>>) src(%dma_wait3A_809 : memref<640xf32, #tpu.memory_space<vmem_shared>>) dst(%dma_wait3A_808 : memref<640xf32, #tpu.memory_space<hbm>>)
      tpu.yield
    }) : () -> ()
    return
  }
}

#map = affine_map<(d0, d1) -> (0, 0)>
#map1 = affine_map<(d0, d1) -> (0, 0, 0, 0)>
#map2 = affine_map<(d0, d1) -> (0)>
#map3 = affine_map<(d0, d1) -> (0, 0, 0)>
module attributes {stable_mosaic.version = 14 : i64} {
  func.func @body(%arg0: i32, %arg1: i32, %arg2: memref<10000x64xf32, #tpu.memory_space<hbm>>, %arg3: memref<2x32x20x500xi32, #tpu.memory_space<hbm>>, %arg4: memref<640x64xf32, #tpu.memory_space<hbm>>, %arg5: memref<640xf32, #tpu.memory_space<hbm>>, %arg6: memref<500xf32, #tpu.memory_space<hbm>>, %arg7: memref<2x10240x64xf32, #tpu.memory_space<hbm>>, %arg8: memref<2x10240xf32, #tpu.memory_space<hbm>>, %arg9: memref<10240x64xf32, #tpu.memory_space<vmem_shared>>, %arg10: memref<10240xf32, #tpu.memory_space<vmem_shared>>, %arg11: memref<20x500xi32, #tpu.memory_space<vmem>>, %arg12: memref<20x500xi32, #tpu.memory_space<vmem>>, %arg13: memref<500x64xf32, #tpu.memory_space<vmem>>, %arg14: memref<500x64xf32, #tpu.memory_space<vmem>>, %arg15: memref<500xf32, #tpu.memory_space<vmem>>, %arg16: memref<!tpu.dma_semaphore, #tpu.memory_space<semaphore_mem>>, %arg17: memref<!tpu.dma_semaphore, #tpu.memory_space<semaphore_mem>>, %arg18: memref<!tpu.dma_semaphore, #tpu.memory_space<semaphore_mem>>, %arg19: memref<!tpu.dma_semaphore, #tpu.memory_space<semaphore_mem>>, %arg20: memref<!tpu.dma_semaphore, #tpu.memory_space<semaphore_mem>>) attributes {dimension_semantics = [#tpu.dimension_semantics<core_parallel>, #tpu.dimension_semantics<subcore_parallel>], iteration_bounds = array<i64: 2, 16>, scalar_prefetch = 0 : i64, scratch_operands = 12 : i64, tpu.core_type = #tpu.core_type<sc_vector_subcore>, window_params = [{transform_indices = #map}, {transform_indices = #map1}, {transform_indices = #map}, {transform_indices = #map2}, {transform_indices = #map2}, {transform_indices = #map3}, {transform_indices = #map}]} {
    %mul3A = arith.constant 16 : i32
    %mul3A_0 = arith.muli %arg0, %mul3A : i32
    %add3A = arith.addi %mul3A_0, %arg1 : i32
    %mul3A_1 = arith.constant 640 : i32
    %mul3A_2 = arith.muli %arg1, %mul3A_1 : i32
    %multiple_of3A = tpu.assume_multiple %mul3A_2, 8 : i32
    "tpu.region"() ({
      %run_scoped3A_803 = tpu.sem_alloc : memref<!tpu.dma_semaphore, #tpu.memory_space<semaphore_mem>>
      %dma_start3A_804 = arith.constant 0 : i32
      %dma_start3A_805 = tpu.memref_slice %arg9[%multiple_of3A, %dma_start3A_804] : memref<10240x64xf32, #tpu.memory_space<vmem_shared>> -> memref<640x64xf32, #tpu.memory_space<vmem_shared>>
      tpu.enqueue_dma source(%arg4 : memref<640x64xf32, #tpu.memory_space<hbm>>) target(%dma_start3A_805 : memref<640x64xf32, #tpu.memory_space<vmem_shared>>) target_semaphore(%run_scoped3A_803 : memref<!tpu.dma_semaphore, #tpu.memory_space<semaphore_mem>>)
      %dma_wait3A_806 = arith.constant 0 : i32
      %dma_wait3A_807 = tpu.memref_slice %arg9[%multiple_of3A, %dma_wait3A_806] : memref<10240x64xf32, #tpu.memory_space<vmem_shared>> -> memref<640x64xf32, #tpu.memory_space<vmem_shared>>
      tpu.wait_dma2 semaphore(%run_scoped3A_803 : memref<!tpu.dma_semaphore, #tpu.memory_space<semaphore_mem>>) src(%arg4 : memref<640x64xf32, #tpu.memory_space<hbm>>) dst(%dma_wait3A_807 : memref<640x64xf32, #tpu.memory_space<vmem_shared>>)
      tpu.yield
    }) : () -> ()
    "tpu.region"() ({
      %run_scoped3A_803 = tpu.sem_alloc : memref<!tpu.dma_semaphore, #tpu.memory_space<semaphore_mem>>
      %dma_start3A_804 = tpu.memref_slice %arg10[%multiple_of3A] : memref<10240xf32, #tpu.memory_space<vmem_shared>> -> memref<640xf32, #tpu.memory_space<vmem_shared>>
      tpu.enqueue_dma source(%arg5 : memref<640xf32, #tpu.memory_space<hbm>>) target(%dma_start3A_804 : memref<640xf32, #tpu.memory_space<vmem_shared>>) target_semaphore(%run_scoped3A_803 : memref<!tpu.dma_semaphore, #tpu.memory_space<semaphore_mem>>)
      %dma_wait3A_805 = tpu.memref_slice %arg10[%multiple_of3A] : memref<10240xf32, #tpu.memory_space<vmem_shared>> -> memref<640xf32, #tpu.memory_space<vmem_shared>>
      tpu.wait_dma2 semaphore(%run_scoped3A_803 : memref<!tpu.dma_semaphore, #tpu.memory_space<semaphore_mem>>) src(%arg5 : memref<640xf32, #tpu.memory_space<hbm>>) dst(%dma_wait3A_805 : memref<640xf32, #tpu.memory_space<vmem_shared>>)
      tpu.yield
    }) : () -> ()
    "tpu.region"() ({
      %run_scoped3A_803 = tpu.sem_alloc : memref<!tpu.dma_semaphore, #tpu.memory_space<semaphore_mem>>
      tpu.enqueue_dma source(%arg6 : memref<500xf32, #tpu.memory_space<hbm>>) target(%arg15 : memref<500xf32, #tpu.memory_space<vmem>>) target_semaphore(%run_scoped3A_803 : memref<!tpu.dma_semaphore, #tpu.memory_space<semaphore_mem>>)
      tpu.wait_dma2 semaphore(%run_scoped3A_803 : memref<!tpu.dma_semaphore, #tpu.memory_space<semaphore_mem>>) src(%arg6 : memref<500xf32, #tpu.memory_space<hbm>>) dst(%arg15 : memref<500xf32, #tpu.memory_space<vmem>>)
      tpu.yield
    }) : () -> ()
    %run_scoped3A = arith.constant 0 : i32
    "tpu.region"() ({
      %run_scoped3A_803 = tpu.sem_alloc : memref<!tpu.dma_semaphore, #tpu.memory_space<semaphore_mem>>
      %dma_start3A_804 = arith.constant 0 : i32
      %dma_start3A_805 = arith.constant 0 : i32
      %dma_start3A_806 = tpu.memref_slice %arg3[%run_scoped3A, %add3A, %dma_start3A_804, %dma_start3A_805] : memref<2x32x20x500xi32, #tpu.memory_space<hbm>> -> memref<1x1x20x500xi32, #tpu.memory_space<hbm>>
      %dma_start3A_807 = tpu.memref_squeeze %dma_start3A_806 : memref<1x1x20x500xi32, #tpu.memory_space<hbm>> -> memref<20x500xi32, #tpu.memory_space<hbm>>
      %dma_start3A_808 = arith.constant 0 : i32
      %dma_start3A_809 = arith.constant 0 : i32
      %dma_start3A_810 = tpu.memref_slice %arg3[%run_scoped3A, %add3A, %dma_start3A_808, %dma_start3A_809] : memref<2x32x20x500xi32, #tpu.memory_space<hbm>> -> memref<1x1x20x500xi32, #tpu.memory_space<hbm>>
      %dma_start3A_811 = tpu.memref_squeeze %dma_start3A_810 : memref<1x1x20x500xi32, #tpu.memory_space<hbm>> -> memref<20x500xi32, #tpu.memory_space<hbm>>
      tpu.enqueue_dma source(%dma_start3A_811 : memref<20x500xi32, #tpu.memory_space<hbm>>) target(%arg11 : memref<20x500xi32, #tpu.memory_space<vmem>>) target_semaphore(%run_scoped3A_803 : memref<!tpu.dma_semaphore, #tpu.memory_space<semaphore_mem>>)
      %dma_wait3A_812 = arith.constant 0 : i32
      %dma_wait3A_813 = arith.constant 0 : i32
      %dma_wait3A_814 = tpu.memref_slice %arg3[%run_scoped3A, %add3A, %dma_wait3A_812, %dma_wait3A_813] : memref<2x32x20x500xi32, #tpu.memory_space<hbm>> -> memref<1x1x20x500xi32, #tpu.memory_space<hbm>>
      %dma_wait3A_815 = tpu.memref_squeeze %dma_wait3A_814 : memref<1x1x20x500xi32, #tpu.memory_space<hbm>> -> memref<20x500xi32, #tpu.memory_space<hbm>>
      %dma_wait3A_816 = arith.constant 0 : i32
      %dma_wait3A_817 = arith.constant 0 : i32
      %dma_wait3A_818 = tpu.memref_slice %arg3[%run_scoped3A, %add3A, %dma_wait3A_816, %dma_wait3A_817] : memref<2x32x20x500xi32, #tpu.memory_space<hbm>> -> memref<1x1x20x500xi32, #tpu.memory_space<hbm>>
      %dma_wait3A_819 = tpu.memref_squeeze %dma_wait3A_818 : memref<1x1x20x500xi32, #tpu.memory_space<hbm>> -> memref<20x500xi32, #tpu.memory_space<hbm>>
      tpu.wait_dma2 semaphore(%run_scoped3A_803 : memref<!tpu.dma_semaphore, #tpu.memory_space<semaphore_mem>>) src(%dma_wait3A_819 : memref<20x500xi32, #tpu.memory_space<hbm>>) dst(%arg11 : memref<20x500xi32, #tpu.memory_space<vmem>>)
      tpu.yield
    }) : () -> ()
    %run_scoped3A_3 = arith.constant 1 : i32
    "tpu.region"() ({
      %run_scoped3A_803 = tpu.sem_alloc : memref<!tpu.dma_semaphore, #tpu.memory_space<semaphore_mem>>
      %dma_start3A_804 = arith.constant 0 : i32
      %dma_start3A_805 = arith.constant 0 : i32
      %dma_start3A_806 = tpu.memref_slice %arg3[%run_scoped3A_3, %add3A, %dma_start3A_804, %dma_start3A_805] : memref<2x32x20x500xi32, #tpu.memory_space<hbm>> -> memref<1x1x20x500xi32, #tpu.memory_space<hbm>>
      %dma_start3A_807 = tpu.memref_squeeze %dma_start3A_806 : memref<1x1x20x500xi32, #tpu.memory_space<hbm>> -> memref<20x500xi32, #tpu.memory_space<hbm>>
      %dma_start3A_808 = arith.constant 0 : i32
      %dma_start3A_809 = arith.constant 0 : i32
      %dma_start3A_810 = tpu.memref_slice %arg3[%run_scoped3A_3, %add3A, %dma_start3A_808, %dma_start3A_809] : memref<2x32x20x500xi32, #tpu.memory_space<hbm>> -> memref<1x1x20x500xi32, #tpu.memory_space<hbm>>
      %dma_start3A_811 = tpu.memref_squeeze %dma_start3A_810 : memref<1x1x20x500xi32, #tpu.memory_space<hbm>> -> memref<20x500xi32, #tpu.memory_space<hbm>>
      tpu.enqueue_dma source(%dma_start3A_811 : memref<20x500xi32, #tpu.memory_space<hbm>>) target(%arg12 : memref<20x500xi32, #tpu.memory_space<vmem>>) target_semaphore(%run_scoped3A_803 : memref<!tpu.dma_semaphore, #tpu.memory_space<semaphore_mem>>)
      %dma_wait3A_812 = arith.constant 0 : i32
      %dma_wait3A_813 = arith.constant 0 : i32
      %dma_wait3A_814 = tpu.memref_slice %arg3[%run_scoped3A_3, %add3A, %dma_wait3A_812, %dma_wait3A_813] : memref<2x32x20x500xi32, #tpu.memory_space<hbm>> -> memref<1x1x20x500xi32, #tpu.memory_space<hbm>>
      %dma_wait3A_815 = tpu.memref_squeeze %dma_wait3A_814 : memref<1x1x20x500xi32, #tpu.memory_space<hbm>> -> memref<20x500xi32, #tpu.memory_space<hbm>>
      %dma_wait3A_816 = arith.constant 0 : i32
      %dma_wait3A_817 = arith.constant 0 : i32
      %dma_wait3A_818 = tpu.memref_slice %arg3[%run_scoped3A_3, %add3A, %dma_wait3A_816, %dma_wait3A_817] : memref<2x32x20x500xi32, #tpu.memory_space<hbm>> -> memref<1x1x20x500xi32, #tpu.memory_space<hbm>>
      %dma_wait3A_819 = tpu.memref_squeeze %dma_wait3A_818 : memref<1x1x20x500xi32, #tpu.memory_space<hbm>> -> memref<20x500xi32, #tpu.memory_space<hbm>>
      tpu.wait_dma2 semaphore(%run_scoped3A_803 : memref<!tpu.dma_semaphore, #tpu.memory_space<semaphore_mem>>) src(%dma_wait3A_819 : memref<20x500xi32, #tpu.memory_space<hbm>>) dst(%arg12 : memref<20x500xi32, #tpu.memory_space<vmem>>)
      tpu.yield
    }) : () -> ()
    %barrier3A = arith.constant 0 : index
    tpu.barrier barrier_id(%barrier3A)
    %dma_start3A = arith.constant 0 : i32
    %dma_start3A_4 = arith.constant 0 : i32
    %dma_start3A_5 = tpu.memref_slice %arg11[%dma_start3A, %dma_start3A_4] : memref<20x500xi32, #tpu.memory_space<vmem>> -> memref<1x500xi32, #tpu.memory_space<vmem>>
    %dma_start3A_6 = tpu.memref_squeeze %dma_start3A_5 : memref<1x500xi32, #tpu.memory_space<vmem>> -> memref<500xi32, #tpu.memory_space<vmem>>
    %dma_start3A_7 = arith.constant 0 : i32
    %dma_start3A_8 = arith.constant 0 : i32
    %dma_start3A_9 = tpu.memref_slice %arg2[%dma_start3A_7, %dma_start3A_8] : memref<10000x64xf32, #tpu.memory_space<hbm>> -> memref<10000x64xf32, #tpu.memory_space<hbm>>
    tpu.enqueue_indirect_dma source(%dma_start3A_9 : memref<10000x64xf32, #tpu.memory_space<hbm>>) target(%arg13 : memref<500x64xf32, #tpu.memory_space<vmem>>) offsets(%dma_start3A_6 : memref<500xi32, #tpu.memory_space<vmem>>) semaphore(%arg16 : memref<!tpu.dma_semaphore, #tpu.memory_space<semaphore_mem>>)
    %dma_start3A_10 = arith.constant 1 : i32
    %dma_start3A_11 = arith.constant 0 : i32
    %dma_start3A_12 = tpu.memref_slice %arg11[%dma_start3A_10, %dma_start3A_11] : memref<20x500xi32, #tpu.memory_space<vmem>> -> memref<1x500xi32, #tpu.memory_space<vmem>>
    %dma_start3A_13 = tpu.memref_squeeze %dma_start3A_12 : memref<1x500xi32, #tpu.memory_space<vmem>> -> memref<500xi32, #tpu.memory_space<vmem>>
    %dma_start3A_14 = arith.constant 0 : i32
    %dma_start3A_15 = arith.constant 0 : i32
    %dma_start3A_16 = tpu.memref_slice %arg2[%dma_start3A_14, %dma_start3A_15] : memref<10000x64xf32, #tpu.memory_space<hbm>> -> memref<10000x64xf32, #tpu.memory_space<hbm>>
    tpu.enqueue_indirect_dma source(%dma_start3A_16 : memref<10000x64xf32, #tpu.memory_space<hbm>>) target(%arg14 : memref<500x64xf32, #tpu.memory_space<vmem>>) offsets(%dma_start3A_13 : memref<500xi32, #tpu.memory_space<vmem>>) semaphore(%arg17 : memref<!tpu.dma_semaphore, #tpu.memory_space<semaphore_mem>>)
    %dma_wait3A = arith.constant 0 : i32
    %dma_wait3A_17 = arith.constant 0 : i32
    %dma_wait3A_18 = tpu.memref_slice %arg11[%dma_wait3A, %dma_wait3A_17] : memref<20x500xi32, #tpu.memory_space<vmem>> -> memref<1x500xi32, #tpu.memory_space<vmem>>
    %dma_wait3A_19 = tpu.memref_squeeze %dma_wait3A_18 : memref<1x500xi32, #tpu.memory_space<vmem>> -> memref<500xi32, #tpu.memory_space<vmem>>
    %dma_wait3A_20 = arith.constant 0 : i32
    %dma_wait3A_21 = arith.constant 0 : i32
    %dma_wait3A_22 = tpu.memref_slice %arg2[%dma_wait3A_20, %dma_wait3A_21] : memref<10000x64xf32, #tpu.memory_space<hbm>> -> memref<10000x64xf32, #tpu.memory_space<hbm>>
    tpu.wait_indirect_dma semaphore(%arg16 : memref<!tpu.dma_semaphore, #tpu.memory_space<semaphore_mem>>) src(%dma_wait3A_22 : memref<10000x64xf32, #tpu.memory_space<hbm>>) dst(%arg13 : memref<500x64xf32, #tpu.memory_space<vmem>>)
    %dma_start3A_23 = arith.constant 0 : i32
    %dma_start3A_24 = arith.constant 0 : i32
    %dma_start3A_25 = tpu.memref_slice %arg12[%dma_start3A_23, %dma_start3A_24] : memref<20x500xi32, #tpu.memory_space<vmem>> -> memref<1x500xi32, #tpu.memory_space<vmem>>
    %dma_start3A_26 = tpu.memref_squeeze %dma_start3A_25 : memref<1x500xi32, #tpu.memory_space<vmem>> -> memref<500xi32, #tpu.memory_space<vmem>>
    %dma_start3A_27 = arith.constant 0 : i32
    %dma_start3A_28 = tpu.memref_slice %arg10[%dma_start3A_27] : memref<10240xf32, #tpu.memory_space<vmem_shared>> -> memref<10240xf32, #tpu.memory_space<vmem_shared>>
    tpu.enqueue_indirect_dma source(%arg15 : memref<500xf32, #tpu.memory_space<vmem>>) target(%dma_start3A_28 : memref<10240xf32, #tpu.memory_space<vmem_shared>>) offsets(%dma_start3A_26 : memref<500xi32, #tpu.memory_space<vmem>>) semaphore(%arg20 : memref<!tpu.dma_semaphore, #tpu.memory_space<semaphore_mem>>) {add = true}
    %dma_start3A_29 = arith.constant 0 : i32
    %dma_start3A_30 = arith.constant 0 : i32
    %dma_start3A_31 = tpu.memref_slice %arg12[%dma_start3A_29, %dma_start3A_30] : memref<20x500xi32, #tpu.memory_space<vmem>> -> memref<1x500xi32, #tpu.memory_space<vmem>>
    %dma_start3A_32 = tpu.memref_squeeze %dma_start3A_31 : memref<1x500xi32, #tpu.memory_space<vmem>> -> memref<500xi32, #tpu.memory_space<vmem>>
    %dma_start3A_33 = arith.constant 0 : i32
    %dma_start3A_34 = arith.constant 0 : i32
    %dma_start3A_35 = tpu.memref_slice %arg9[%dma_start3A_33, %dma_start3A_34] : memref<10240x64xf32, #tpu.memory_space<vmem_shared>> -> memref<10240x64xf32, #tpu.memory_space<vmem_shared>>
    tpu.enqueue_indirect_dma source(%arg13 : memref<500x64xf32, #tpu.memory_space<vmem>>) target(%dma_start3A_35 : memref<10240x64xf32, #tpu.memory_space<vmem_shared>>) offsets(%dma_start3A_32 : memref<500xi32, #tpu.memory_space<vmem>>) semaphore(%arg18 : memref<!tpu.dma_semaphore, #tpu.memory_space<semaphore_mem>>) {add = true}
    %dma_wait3A_36 = arith.constant 0 : i32
    %dma_wait3A_37 = arith.constant 0 : i32
    %dma_wait3A_38 = tpu.memref_slice %arg12[%dma_wait3A_36, %dma_wait3A_37] : memref<20x500xi32, #tpu.memory_space<vmem>> -> memref<1x500xi32, #tpu.memory_space<vmem>>
    %dma_wait3A_39 = tpu.memref_squeeze %dma_wait3A_38 : memref<1x500xi32, #tpu.memory_space<vmem>> -> memref<500xi32, #tpu.memory_space<vmem>>
    %dma_wait3A_40 = arith.constant 0 : i32
    %dma_wait3A_41 = arith.constant 0 : i32
    %dma_wait3A_42 = tpu.memref_slice %arg9[%dma_wait3A_40, %dma_wait3A_41] : memref<10240x64xf32, #tpu.memory_space<vmem_shared>> -> memref<10240x64xf32, #tpu.memory_space<vmem_shared>>
    tpu.wait_indirect_dma semaphore(%arg18 : memref<!tpu.dma_semaphore, #tpu.memory_space<semaphore_mem>>) src(%arg13 : memref<500x64xf32, #tpu.memory_space<vmem>>) dst(%dma_wait3A_42 : memref<10240x64xf32, #tpu.memory_space<vmem_shared>>)
    %dma_wait3A_43 = arith.constant 0 : i32
    %dma_wait3A_44 = arith.constant 0 : i32
    %dma_wait3A_45 = tpu.memref_slice %arg12[%dma_wait3A_43, %dma_wait3A_44] : memref<20x500xi32, #tpu.memory_space<vmem>> -> memref<1x500xi32, #tpu.memory_space<vmem>>
    %dma_wait3A_46 = tpu.memref_squeeze %dma_wait3A_45 : memref<1x500xi32, #tpu.memory_space<vmem>> -> memref<500xi32, #tpu.memory_space<vmem>>
    %dma_wait3A_47 = arith.constant 0 : i32
    %dma_wait3A_48 = tpu.memref_slice %arg10[%dma_wait3A_47] : memref<10240xf32, #tpu.memory_space<vmem_shared>> -> memref<10240xf32, #tpu.memory_space<vmem_shared>>
    tpu.wait_indirect_dma semaphore(%arg20 : memref<!tpu.dma_semaphore, #tpu.memory_space<semaphore_mem>>) src(%arg15 : memref<500xf32, #tpu.memory_space<vmem>>) dst(%dma_wait3A_48 : memref<10240xf32, #tpu.memory_space<vmem_shared>>)
    %dma_start3A_49 = arith.constant 2 : i32
    %dma_start3A_50 = arith.constant 0 : i32
    %dma_start3A_51 = tpu.memref_slice %arg11[%dma_start3A_49, %dma_start3A_50] : memref<20x500xi32, #tpu.memory_space<vmem>> -> memref<1x500xi32, #tpu.memory_space<vmem>>
    %dma_start3A_52 = tpu.memref_squeeze %dma_start3A_51 : memref<1x500xi32, #tpu.memory_space<vmem>> -> memref<500xi32, #tpu.memory_space<vmem>>
    %dma_start3A_53 = arith.constant 0 : i32
    %dma_start3A_54 = arith.constant 0 : i32
    %dma_start3A_55 = tpu.memref_slice %arg2[%dma_start3A_53, %dma_start3A_54] : memref<10000x64xf32, #tpu.memory_space<hbm>> -> memref<10000x64xf32, #tpu.memory_space<hbm>>
    tpu.enqueue_indirect_dma source(%dma_start3A_55 : memref<10000x64xf32, #tpu.memory_space<hbm>>) target(%arg13 : memref<500x64xf32, #tpu.memory_space<vmem>>) offsets(%dma_start3A_52 : memref<500xi32, #tpu.memory_space<vmem>>) semaphore(%arg16 : memref<!tpu.dma_semaphore, #tpu.memory_space<semaphore_mem>>)
    %dma_wait3A_56 = arith.constant 1 : i32
    %dma_wait3A_57 = arith.constant 0 : i32
    %dma_wait3A_58 = tpu.memref_slice %arg11[%dma_wait3A_56, %dma_wait3A_57] : memref<20x500xi32, #tpu.memory_space<vmem>> -> memref<1x500xi32, #tpu.memory_space<vmem>>
    %dma_wait3A_59 = tpu.memref_squeeze %dma_wait3A_58 : memref<1x500xi32, #tpu.memory_space<vmem>> -> memref<500xi32, #tpu.memory_space<vmem>>
    %dma_wait3A_60 = arith.constant 0 : i32
    %dma_wait3A_61 = arith.constant 0 : i32
    %dma_wait3A_62 = tpu.memref_slice %arg2[%dma_wait3A_60, %dma_wait3A_61] : memref<10000x64xf32, #tpu.memory_space<hbm>> -> memref<10000x64xf32, #tpu.memory_space<hbm>>
    tpu.wait_indirect_dma semaphore(%arg17 : memref<!tpu.dma_semaphore, #tpu.memory_space<semaphore_mem>>) src(%dma_wait3A_62 : memref<10000x64xf32, #tpu.memory_space<hbm>>) dst(%arg14 : memref<500x64xf32, #tpu.memory_space<vmem>>)
    %dma_start3A_63 = arith.constant 1 : i32
    %dma_start3A_64 = arith.constant 0 : i32
    %dma_start3A_65 = tpu.memref_slice %arg12[%dma_start3A_63, %dma_start3A_64] : memref<20x500xi32, #tpu.memory_space<vmem>> -> memref<1x500xi32, #tpu.memory_space<vmem>>
    %dma_start3A_66 = tpu.memref_squeeze %dma_start3A_65 : memref<1x500xi32, #tpu.memory_space<vmem>> -> memref<500xi32, #tpu.memory_space<vmem>>
    %dma_start3A_67 = arith.constant 0 : i32
    %dma_start3A_68 = tpu.memref_slice %arg10[%dma_start3A_67] : memref<10240xf32, #tpu.memory_space<vmem_shared>> -> memref<10240xf32, #tpu.memory_space<vmem_shared>>
    tpu.enqueue_indirect_dma source(%arg15 : memref<500xf32, #tpu.memory_space<vmem>>) target(%dma_start3A_68 : memref<10240xf32, #tpu.memory_space<vmem_shared>>) offsets(%dma_start3A_66 : memref<500xi32, #tpu.memory_space<vmem>>) semaphore(%arg20 : memref<!tpu.dma_semaphore, #tpu.memory_space<semaphore_mem>>) {add = true}
    %dma_start3A_69 = arith.constant 1 : i32
    %dma_start3A_70 = arith.constant 0 : i32
    %dma_start3A_71 = tpu.memref_slice %arg12[%dma_start3A_69, %dma_start3A_70] : memref<20x500xi32, #tpu.memory_space<vmem>> -> memref<1x500xi32, #tpu.memory_space<vmem>>
    %dma_start3A_72 = tpu.memref_squeeze %dma_start3A_71 : memref<1x500xi32, #tpu.memory_space<vmem>> -> memref<500xi32, #tpu.memory_space<vmem>>
    %dma_start3A_73 = arith.constant 0 : i32
    %dma_start3A_74 = arith.constant 0 : i32
    %dma_start3A_75 = tpu.memref_slice %arg9[%dma_start3A_73, %dma_start3A_74] : memref<10240x64xf32, #tpu.memory_space<vmem_shared>> -> memref<10240x64xf32, #tpu.memory_space<vmem_shared>>
    tpu.enqueue_indirect_dma source(%arg14 : memref<500x64xf32, #tpu.memory_space<vmem>>) target(%dma_start3A_75 : memref<10240x64xf32, #tpu.memory_space<vmem_shared>>) offsets(%dma_start3A_72 : memref<500xi32, #tpu.memory_space<vmem>>) semaphore(%arg19 : memref<!tpu.dma_semaphore, #tpu.memory_space<semaphore_mem>>) {add = true}
    %dma_wait3A_76 = arith.constant 1 : i32
    %dma_wait3A_77 = arith.constant 0 : i32
    %dma_wait3A_78 = tpu.memref_slice %arg12[%dma_wait3A_76, %dma_wait3A_77] : memref<20x500xi32, #tpu.memory_space<vmem>> -> memref<1x500xi32, #tpu.memory_space<vmem>>
    %dma_wait3A_79 = tpu.memref_squeeze %dma_wait3A_78 : memref<1x500xi32, #tpu.memory_space<vmem>> -> memref<500xi32, #tpu.memory_space<vmem>>
    %dma_wait3A_80 = arith.constant 0 : i32
    %dma_wait3A_81 = arith.constant 0 : i32
    %dma_wait3A_82 = tpu.memref_slice %arg9[%dma_wait3A_80, %dma_wait3A_81] : memref<10240x64xf32, #tpu.memory_space<vmem_shared>> -> memref<10240x64xf32, #tpu.memory_space<vmem_shared>>
    tpu.wait_indirect_dma semaphore(%arg19 : memref<!tpu.dma_semaphore, #tpu.memory_space<semaphore_mem>>) src(%arg14 : memref<500x64xf32, #tpu.memory_space<vmem>>) dst(%dma_wait3A_82 : memref<10240x64xf32, #tpu.memory_space<vmem_shared>>)
    %dma_wait3A_83 = arith.constant 1 : i32
    %dma_wait3A_84 = arith.constant 0 : i32
    %dma_wait3A_85 = tpu.memref_slice %arg12[%dma_wait3A_83, %dma_wait3A_84] : memref<20x500xi32, #tpu.memory_space<vmem>> -> memref<1x500xi32, #tpu.memory_space<vmem>>
    %dma_wait3A_86 = tpu.memref_squeeze %dma_wait3A_85 : memref<1x500xi32, #tpu.memory_space<vmem>> -> memref<500xi32, #tpu.memory_space<vmem>>
    %dma_wait3A_87 = arith.constant 0 : i32
    %dma_wait3A_88 = tpu.memref_slice %arg10[%dma_wait3A_87] : memref<10240xf32, #tpu.memory_space<vmem_shared>> -> memref<10240xf32, #tpu.memory_space<vmem_shared>>
    tpu.wait_indirect_dma semaphore(%arg20 : memref<!tpu.dma_semaphore, #tpu.memory_space<semaphore_mem>>) src(%arg15 : memref<500xf32, #tpu.memory_space<vmem>>) dst(%dma_wait3A_88 : memref<10240xf32, #tpu.memory_space<vmem_shared>>)
    %dma_start3A_89 = arith.constant 3 : i32
    %dma_start3A_90 = arith.constant 0 : i32
    %dma_start3A_91 = tpu.memref_slice %arg11[%dma_start3A_89, %dma_start3A_90] : memref<20x500xi32, #tpu.memory_space<vmem>> -> memref<1x500xi32, #tpu.memory_space<vmem>>
    %dma_start3A_92 = tpu.memref_squeeze %dma_start3A_91 : memref<1x500xi32, #tpu.memory_space<vmem>> -> memref<500xi32, #tpu.memory_space<vmem>>
    %dma_start3A_93 = arith.constant 0 : i32
    %dma_start3A_94 = arith.constant 0 : i32
    %dma_start3A_95 = tpu.memref_slice %arg2[%dma_start3A_93, %dma_start3A_94] : memref<10000x64xf32, #tpu.memory_space<hbm>> -> memref<10000x64xf32, #tpu.memory_space<hbm>>
    tpu.enqueue_indirect_dma source(%dma_start3A_95 : memref<10000x64xf32, #tpu.memory_space<hbm>>) target(%arg14 : memref<500x64xf32, #tpu.memory_space<vmem>>) offsets(%dma_start3A_92 : memref<500xi32, #tpu.memory_space<vmem>>) semaphore(%arg17 : memref<!tpu.dma_semaphore, #tpu.memory_space<semaphore_mem>>)
    %dma_wait3A_96 = arith.constant 2 : i32
    %dma_wait3A_97 = arith.constant 0 : i32
    %dma_wait3A_98 = tpu.memref_slice %arg11[%dma_wait3A_96, %dma_wait3A_97] : memref<20x500xi32, #tpu.memory_space<vmem>> -> memref<1x500xi32, #tpu.memory_space<vmem>>
    %dma_wait3A_99 = tpu.memref_squeeze %dma_wait3A_98 : memref<1x500xi32, #tpu.memory_space<vmem>> -> memref<500xi32, #tpu.memory_space<vmem>>
    %dma_wait3A_100 = arith.constant 0 : i32
    %dma_wait3A_101 = arith.constant 0 : i32
    %dma_wait3A_102 = tpu.memref_slice %arg2[%dma_wait3A_100, %dma_wait3A_101] : memref<10000x64xf32, #tpu.memory_space<hbm>> -> memref<10000x64xf32, #tpu.memory_space<hbm>>
    tpu.wait_indirect_dma semaphore(%arg16 : memref<!tpu.dma_semaphore, #tpu.memory_space<semaphore_mem>>) src(%dma_wait3A_102 : memref<10000x64xf32, #tpu.memory_space<hbm>>) dst(%arg13 : memref<500x64xf32, #tpu.memory_space<vmem>>)
    %dma_start3A_103 = arith.constant 2 : i32
    %dma_start3A_104 = arith.constant 0 : i32
    %dma_start3A_105 = tpu.memref_slice %arg12[%dma_start3A_103, %dma_start3A_104] : memref<20x500xi32, #tpu.memory_space<vmem>> -> memref<1x500xi32, #tpu.memory_space<vmem>>
    %dma_start3A_106 = tpu.memref_squeeze %dma_start3A_105 : memref<1x500xi32, #tpu.memory_space<vmem>> -> memref<500xi32, #tpu.memory_space<vmem>>
    %dma_start3A_107 = arith.constant 0 : i32
    %dma_start3A_108 = tpu.memref_slice %arg10[%dma_start3A_107] : memref<10240xf32, #tpu.memory_space<vmem_shared>> -> memref<10240xf32, #tpu.memory_space<vmem_shared>>
    tpu.enqueue_indirect_dma source(%arg15 : memref<500xf32, #tpu.memory_space<vmem>>) target(%dma_start3A_108 : memref<10240xf32, #tpu.memory_space<vmem_shared>>) offsets(%dma_start3A_106 : memref<500xi32, #tpu.memory_space<vmem>>) semaphore(%arg20 : memref<!tpu.dma_semaphore, #tpu.memory_space<semaphore_mem>>) {add = true}
    %dma_start3A_109 = arith.constant 2 : i32
    %dma_start3A_110 = arith.constant 0 : i32
    %dma_start3A_111 = tpu.memref_slice %arg12[%dma_start3A_109, %dma_start3A_110] : memref<20x500xi32, #tpu.memory_space<vmem>> -> memref<1x500xi32, #tpu.memory_space<vmem>>
    %dma_start3A_112 = tpu.memref_squeeze %dma_start3A_111 : memref<1x500xi32, #tpu.memory_space<vmem>> -> memref<500xi32, #tpu.memory_space<vmem>>
    %dma_start3A_113 = arith.constant 0 : i32
    %dma_start3A_114 = arith.constant 0 : i32
    %dma_start3A_115 = tpu.memref_slice %arg9[%dma_start3A_113, %dma_start3A_114] : memref<10240x64xf32, #tpu.memory_space<vmem_shared>> -> memref<10240x64xf32, #tpu.memory_space<vmem_shared>>
    tpu.enqueue_indirect_dma source(%arg13 : memref<500x64xf32, #tpu.memory_space<vmem>>) target(%dma_start3A_115 : memref<10240x64xf32, #tpu.memory_space<vmem_shared>>) offsets(%dma_start3A_112 : memref<500xi32, #tpu.memory_space<vmem>>) semaphore(%arg18 : memref<!tpu.dma_semaphore, #tpu.memory_space<semaphore_mem>>) {add = true}
    %dma_wait3A_116 = arith.constant 2 : i32
    %dma_wait3A_117 = arith.constant 0 : i32
    %dma_wait3A_118 = tpu.memref_slice %arg12[%dma_wait3A_116, %dma_wait3A_117] : memref<20x500xi32, #tpu.memory_space<vmem>> -> memref<1x500xi32, #tpu.memory_space<vmem>>
    %dma_wait3A_119 = tpu.memref_squeeze %dma_wait3A_118 : memref<1x500xi32, #tpu.memory_space<vmem>> -> memref<500xi32, #tpu.memory_space<vmem>>
    %dma_wait3A_120 = arith.constant 0 : i32
    %dma_wait3A_121 = arith.constant 0 : i32
    %dma_wait3A_122 = tpu.memref_slice %arg9[%dma_wait3A_120, %dma_wait3A_121] : memref<10240x64xf32, #tpu.memory_space<vmem_shared>> -> memref<10240x64xf32, #tpu.memory_space<vmem_shared>>
    tpu.wait_indirect_dma semaphore(%arg18 : memref<!tpu.dma_semaphore, #tpu.memory_space<semaphore_mem>>) src(%arg13 : memref<500x64xf32, #tpu.memory_space<vmem>>) dst(%dma_wait3A_122 : memref<10240x64xf32, #tpu.memory_space<vmem_shared>>)
    %dma_wait3A_123 = arith.constant 2 : i32
    %dma_wait3A_124 = arith.constant 0 : i32
    %dma_wait3A_125 = tpu.memref_slice %arg12[%dma_wait3A_123, %dma_wait3A_124] : memref<20x500xi32, #tpu.memory_space<vmem>> -> memref<1x500xi32, #tpu.memory_space<vmem>>
    %dma_wait3A_126 = tpu.memref_squeeze %dma_wait3A_125 : memref<1x500xi32, #tpu.memory_space<vmem>> -> memref<500xi32, #tpu.memory_space<vmem>>
    %dma_wait3A_127 = arith.constant 0 : i32
    %dma_wait3A_128 = tpu.memref_slice %arg10[%dma_wait3A_127] : memref<10240xf32, #tpu.memory_space<vmem_shared>> -> memref<10240xf32, #tpu.memory_space<vmem_shared>>
    tpu.wait_indirect_dma semaphore(%arg20 : memref<!tpu.dma_semaphore, #tpu.memory_space<semaphore_mem>>) src(%arg15 : memref<500xf32, #tpu.memory_space<vmem>>) dst(%dma_wait3A_128 : memref<10240xf32, #tpu.memory_space<vmem_shared>>)
    %dma_start3A_129 = arith.constant 4 : i32
    %dma_start3A_130 = arith.constant 0 : i32
    %dma_start3A_131 = tpu.memref_slice %arg11[%dma_start3A_129, %dma_start3A_130] : memref<20x500xi32, #tpu.memory_space<vmem>> -> memref<1x500xi32, #tpu.memory_space<vmem>>
    %dma_start3A_132 = tpu.memref_squeeze %dma_start3A_131 : memref<1x500xi32, #tpu.memory_space<vmem>> -> memref<500xi32, #tpu.memory_space<vmem>>
    %dma_start3A_133 = arith.constant 0 : i32
    %dma_start3A_134 = arith.constant 0 : i32
    %dma_start3A_135 = tpu.memref_slice %arg2[%dma_start3A_133, %dma_start3A_134] : memref<10000x64xf32, #tpu.memory_space<hbm>> -> memref<10000x64xf32, #tpu.memory_space<hbm>>
    tpu.enqueue_indirect_dma source(%dma_start3A_135 : memref<10000x64xf32, #tpu.memory_space<hbm>>) target(%arg13 : memref<500x64xf32, #tpu.memory_space<vmem>>) offsets(%dma_start3A_132 : memref<500xi32, #tpu.memory_space<vmem>>) semaphore(%arg16 : memref<!tpu.dma_semaphore, #tpu.memory_space<semaphore_mem>>)
    %dma_wait3A_136 = arith.constant 3 : i32
    %dma_wait3A_137 = arith.constant 0 : i32
    %dma_wait3A_138 = tpu.memref_slice %arg11[%dma_wait3A_136, %dma_wait3A_137] : memref<20x500xi32, #tpu.memory_space<vmem>> -> memref<1x500xi32, #tpu.memory_space<vmem>>
    %dma_wait3A_139 = tpu.memref_squeeze %dma_wait3A_138 : memref<1x500xi32, #tpu.memory_space<vmem>> -> memref<500xi32, #tpu.memory_space<vmem>>
    %dma_wait3A_140 = arith.constant 0 : i32
    %dma_wait3A_141 = arith.constant 0 : i32
    %dma_wait3A_142 = tpu.memref_slice %arg2[%dma_wait3A_140, %dma_wait3A_141] : memref<10000x64xf32, #tpu.memory_space<hbm>> -> memref<10000x64xf32, #tpu.memory_space<hbm>>
    tpu.wait_indirect_dma semaphore(%arg17 : memref<!tpu.dma_semaphore, #tpu.memory_space<semaphore_mem>>) src(%dma_wait3A_142 : memref<10000x64xf32, #tpu.memory_space<hbm>>) dst(%arg14 : memref<500x64xf32, #tpu.memory_space<vmem>>)
    %dma_start3A_143 = arith.constant 3 : i32
    %dma_start3A_144 = arith.constant 0 : i32
    %dma_start3A_145 = tpu.memref_slice %arg12[%dma_start3A_143, %dma_start3A_144] : memref<20x500xi32, #tpu.memory_space<vmem>> -> memref<1x500xi32, #tpu.memory_space<vmem>>
    %dma_start3A_146 = tpu.memref_squeeze %dma_start3A_145 : memref<1x500xi32, #tpu.memory_space<vmem>> -> memref<500xi32, #tpu.memory_space<vmem>>
    %dma_start3A_147 = arith.constant 0 : i32
    %dma_start3A_148 = tpu.memref_slice %arg10[%dma_start3A_147] : memref<10240xf32, #tpu.memory_space<vmem_shared>> -> memref<10240xf32, #tpu.memory_space<vmem_shared>>
    tpu.enqueue_indirect_dma source(%arg15 : memref<500xf32, #tpu.memory_space<vmem>>) target(%dma_start3A_148 : memref<10240xf32, #tpu.memory_space<vmem_shared>>) offsets(%dma_start3A_146 : memref<500xi32, #tpu.memory_space<vmem>>) semaphore(%arg20 : memref<!tpu.dma_semaphore, #tpu.memory_space<semaphore_mem>>) {add = true}
    %dma_start3A_149 = arith.constant 3 : i32
    %dma_start3A_150 = arith.constant 0 : i32
    %dma_start3A_151 = tpu.memref_slice %arg12[%dma_start3A_149, %dma_start3A_150] : memref<20x500xi32, #tpu.memory_space<vmem>> -> memref<1x500xi32, #tpu.memory_space<vmem>>
    %dma_start3A_152 = tpu.memref_squeeze %dma_start3A_151 : memref<1x500xi32, #tpu.memory_space<vmem>> -> memref<500xi32, #tpu.memory_space<vmem>>
    %dma_start3A_153 = arith.constant 0 : i32
    %dma_start3A_154 = arith.constant 0 : i32
    %dma_start3A_155 = tpu.memref_slice %arg9[%dma_start3A_153, %dma_start3A_154] : memref<10240x64xf32, #tpu.memory_space<vmem_shared>> -> memref<10240x64xf32, #tpu.memory_space<vmem_shared>>
    tpu.enqueue_indirect_dma source(%arg14 : memref<500x64xf32, #tpu.memory_space<vmem>>) target(%dma_start3A_155 : memref<10240x64xf32, #tpu.memory_space<vmem_shared>>) offsets(%dma_start3A_152 : memref<500xi32, #tpu.memory_space<vmem>>) semaphore(%arg19 : memref<!tpu.dma_semaphore, #tpu.memory_space<semaphore_mem>>) {add = true}
    %dma_wait3A_156 = arith.constant 3 : i32
    %dma_wait3A_157 = arith.constant 0 : i32
    %dma_wait3A_158 = tpu.memref_slice %arg12[%dma_wait3A_156, %dma_wait3A_157] : memref<20x500xi32, #tpu.memory_space<vmem>> -> memref<1x500xi32, #tpu.memory_space<vmem>>
    %dma_wait3A_159 = tpu.memref_squeeze %dma_wait3A_158 : memref<1x500xi32, #tpu.memory_space<vmem>> -> memref<500xi32, #tpu.memory_space<vmem>>
    %dma_wait3A_160 = arith.constant 0 : i32
    %dma_wait3A_161 = arith.constant 0 : i32
    %dma_wait3A_162 = tpu.memref_slice %arg9[%dma_wait3A_160, %dma_wait3A_161] : memref<10240x64xf32, #tpu.memory_space<vmem_shared>> -> memref<10240x64xf32, #tpu.memory_space<vmem_shared>>
    tpu.wait_indirect_dma semaphore(%arg19 : memref<!tpu.dma_semaphore, #tpu.memory_space<semaphore_mem>>) src(%arg14 : memref<500x64xf32, #tpu.memory_space<vmem>>) dst(%dma_wait3A_162 : memref<10240x64xf32, #tpu.memory_space<vmem_shared>>)
    %dma_wait3A_163 = arith.constant 3 : i32
    %dma_wait3A_164 = arith.constant 0 : i32
    %dma_wait3A_165 = tpu.memref_slice %arg12[%dma_wait3A_163, %dma_wait3A_164] : memref<20x500xi32, #tpu.memory_space<vmem>> -> memref<1x500xi32, #tpu.memory_space<vmem>>
    %dma_wait3A_166 = tpu.memref_squeeze %dma_wait3A_165 : memref<1x500xi32, #tpu.memory_space<vmem>> -> memref<500xi32, #tpu.memory_space<vmem>>
    %dma_wait3A_167 = arith.constant 0 : i32
    %dma_wait3A_168 = tpu.memref_slice %arg10[%dma_wait3A_167] : memref<10240xf32, #tpu.memory_space<vmem_shared>> -> memref<10240xf32, #tpu.memory_space<vmem_shared>>
    tpu.wait_indirect_dma semaphore(%arg20 : memref<!tpu.dma_semaphore, #tpu.memory_space<semaphore_mem>>) src(%arg15 : memref<500xf32, #tpu.memory_space<vmem>>) dst(%dma_wait3A_168 : memref<10240xf32, #tpu.memory_space<vmem_shared>>)
    %dma_start3A_169 = arith.constant 5 : i32
    %dma_start3A_170 = arith.constant 0 : i32
    %dma_start3A_171 = tpu.memref_slice %arg11[%dma_start3A_169, %dma_start3A_170] : memref<20x500xi32, #tpu.memory_space<vmem>> -> memref<1x500xi32, #tpu.memory_space<vmem>>
    %dma_start3A_172 = tpu.memref_squeeze %dma_start3A_171 : memref<1x500xi32, #tpu.memory_space<vmem>> -> memref<500xi32, #tpu.memory_space<vmem>>
    %dma_start3A_173 = arith.constant 0 : i32
    %dma_start3A_174 = arith.constant 0 : i32
    %dma_start3A_175 = tpu.memref_slice %arg2[%dma_start3A_173, %dma_start3A_174] : memref<10000x64xf32, #tpu.memory_space<hbm>> -> memref<10000x64xf32, #tpu.memory_space<hbm>>
    tpu.enqueue_indirect_dma source(%dma_start3A_175 : memref<10000x64xf32, #tpu.memory_space<hbm>>) target(%arg14 : memref<500x64xf32, #tpu.memory_space<vmem>>) offsets(%dma_start3A_172 : memref<500xi32, #tpu.memory_space<vmem>>) semaphore(%arg17 : memref<!tpu.dma_semaphore, #tpu.memory_space<semaphore_mem>>)
    %dma_wait3A_176 = arith.constant 4 : i32
    %dma_wait3A_177 = arith.constant 0 : i32
    %dma_wait3A_178 = tpu.memref_slice %arg11[%dma_wait3A_176, %dma_wait3A_177] : memref<20x500xi32, #tpu.memory_space<vmem>> -> memref<1x500xi32, #tpu.memory_space<vmem>>
    %dma_wait3A_179 = tpu.memref_squeeze %dma_wait3A_178 : memref<1x500xi32, #tpu.memory_space<vmem>> -> memref<500xi32, #tpu.memory_space<vmem>>
    %dma_wait3A_180 = arith.constant 0 : i32
    %dma_wait3A_181 = arith.constant 0 : i32
    %dma_wait3A_182 = tpu.memref_slice %arg2[%dma_wait3A_180, %dma_wait3A_181] : memref<10000x64xf32, #tpu.memory_space<hbm>> -> memref<10000x64xf32, #tpu.memory_space<hbm>>
    tpu.wait_indirect_dma semaphore(%arg16 : memref<!tpu.dma_semaphore, #tpu.memory_space<semaphore_mem>>) src(%dma_wait3A_182 : memref<10000x64xf32, #tpu.memory_space<hbm>>) dst(%arg13 : memref<500x64xf32, #tpu.memory_space<vmem>>)
    %dma_start3A_183 = arith.constant 4 : i32
    %dma_start3A_184 = arith.constant 0 : i32
    %dma_start3A_185 = tpu.memref_slice %arg12[%dma_start3A_183, %dma_start3A_184] : memref<20x500xi32, #tpu.memory_space<vmem>> -> memref<1x500xi32, #tpu.memory_space<vmem>>
    %dma_start3A_186 = tpu.memref_squeeze %dma_start3A_185 : memref<1x500xi32, #tpu.memory_space<vmem>> -> memref<500xi32, #tpu.memory_space<vmem>>
    %dma_start3A_187 = arith.constant 0 : i32
    %dma_start3A_188 = tpu.memref_slice %arg10[%dma_start3A_187] : memref<10240xf32, #tpu.memory_space<vmem_shared>> -> memref<10240xf32, #tpu.memory_space<vmem_shared>>
    tpu.enqueue_indirect_dma source(%arg15 : memref<500xf32, #tpu.memory_space<vmem>>) target(%dma_start3A_188 : memref<10240xf32, #tpu.memory_space<vmem_shared>>) offsets(%dma_start3A_186 : memref<500xi32, #tpu.memory_space<vmem>>) semaphore(%arg20 : memref<!tpu.dma_semaphore, #tpu.memory_space<semaphore_mem>>) {add = true}
    %dma_start3A_189 = arith.constant 4 : i32
    %dma_start3A_190 = arith.constant 0 : i32
    %dma_start3A_191 = tpu.memref_slice %arg12[%dma_start3A_189, %dma_start3A_190] : memref<20x500xi32, #tpu.memory_space<vmem>> -> memref<1x500xi32, #tpu.memory_space<vmem>>
    %dma_start3A_192 = tpu.memref_squeeze %dma_start3A_191 : memref<1x500xi32, #tpu.memory_space<vmem>> -> memref<500xi32, #tpu.memory_space<vmem>>
    %dma_start3A_193 = arith.constant 0 : i32
    %dma_start3A_194 = arith.constant 0 : i32
    %dma_start3A_195 = tpu.memref_slice %arg9[%dma_start3A_193, %dma_start3A_194] : memref<10240x64xf32, #tpu.memory_space<vmem_shared>> -> memref<10240x64xf32, #tpu.memory_space<vmem_shared>>
    tpu.enqueue_indirect_dma source(%arg13 : memref<500x64xf32, #tpu.memory_space<vmem>>) target(%dma_start3A_195 : memref<10240x64xf32, #tpu.memory_space<vmem_shared>>) offsets(%dma_start3A_192 : memref<500xi32, #tpu.memory_space<vmem>>) semaphore(%arg18 : memref<!tpu.dma_semaphore, #tpu.memory_space<semaphore_mem>>) {add = true}
    %dma_wait3A_196 = arith.constant 4 : i32
    %dma_wait3A_197 = arith.constant 0 : i32
    %dma_wait3A_198 = tpu.memref_slice %arg12[%dma_wait3A_196, %dma_wait3A_197] : memref<20x500xi32, #tpu.memory_space<vmem>> -> memref<1x500xi32, #tpu.memory_space<vmem>>
    %dma_wait3A_199 = tpu.memref_squeeze %dma_wait3A_198 : memref<1x500xi32, #tpu.memory_space<vmem>> -> memref<500xi32, #tpu.memory_space<vmem>>
    %dma_wait3A_200 = arith.constant 0 : i32
    %dma_wait3A_201 = arith.constant 0 : i32
    %dma_wait3A_202 = tpu.memref_slice %arg9[%dma_wait3A_200, %dma_wait3A_201] : memref<10240x64xf32, #tpu.memory_space<vmem_shared>> -> memref<10240x64xf32, #tpu.memory_space<vmem_shared>>
    tpu.wait_indirect_dma semaphore(%arg18 : memref<!tpu.dma_semaphore, #tpu.memory_space<semaphore_mem>>) src(%arg13 : memref<500x64xf32, #tpu.memory_space<vmem>>) dst(%dma_wait3A_202 : memref<10240x64xf32, #tpu.memory_space<vmem_shared>>)
    %dma_wait3A_203 = arith.constant 4 : i32
    %dma_wait3A_204 = arith.constant 0 : i32
    %dma_wait3A_205 = tpu.memref_slice %arg12[%dma_wait3A_203, %dma_wait3A_204] : memref<20x500xi32, #tpu.memory_space<vmem>> -> memref<1x500xi32, #tpu.memory_space<vmem>>
    %dma_wait3A_206 = tpu.memref_squeeze %dma_wait3A_205 : memref<1x500xi32, #tpu.memory_space<vmem>> -> memref<500xi32, #tpu.memory_space<vmem>>
    %dma_wait3A_207 = arith.constant 0 : i32
    %dma_wait3A_208 = tpu.memref_slice %arg10[%dma_wait3A_207] : memref<10240xf32, #tpu.memory_space<vmem_shared>> -> memref<10240xf32, #tpu.memory_space<vmem_shared>>
    tpu.wait_indirect_dma semaphore(%arg20 : memref<!tpu.dma_semaphore, #tpu.memory_space<semaphore_mem>>) src(%arg15 : memref<500xf32, #tpu.memory_space<vmem>>) dst(%dma_wait3A_208 : memref<10240xf32, #tpu.memory_space<vmem_shared>>)
    %dma_start3A_209 = arith.constant 6 : i32
    %dma_start3A_210 = arith.constant 0 : i32
    %dma_start3A_211 = tpu.memref_slice %arg11[%dma_start3A_209, %dma_start3A_210] : memref<20x500xi32, #tpu.memory_space<vmem>> -> memref<1x500xi32, #tpu.memory_space<vmem>>
    %dma_start3A_212 = tpu.memref_squeeze %dma_start3A_211 : memref<1x500xi32, #tpu.memory_space<vmem>> -> memref<500xi32, #tpu.memory_space<vmem>>
    %dma_start3A_213 = arith.constant 0 : i32
    %dma_start3A_214 = arith.constant 0 : i32
    %dma_start3A_215 = tpu.memref_slice %arg2[%dma_start3A_213, %dma_start3A_214] : memref<10000x64xf32, #tpu.memory_space<hbm>> -> memref<10000x64xf32, #tpu.memory_space<hbm>>
    tpu.enqueue_indirect_dma source(%dma_start3A_215 : memref<10000x64xf32, #tpu.memory_space<hbm>>) target(%arg13 : memref<500x64xf32, #tpu.memory_space<vmem>>) offsets(%dma_start3A_212 : memref<500xi32, #tpu.memory_space<vmem>>) semaphore(%arg16 : memref<!tpu.dma_semaphore, #tpu.memory_space<semaphore_mem>>)
    %dma_wait3A_216 = arith.constant 5 : i32
    %dma_wait3A_217 = arith.constant 0 : i32
    %dma_wait3A_218 = tpu.memref_slice %arg11[%dma_wait3A_216, %dma_wait3A_217] : memref<20x500xi32, #tpu.memory_space<vmem>> -> memref<1x500xi32, #tpu.memory_space<vmem>>
    %dma_wait3A_219 = tpu.memref_squeeze %dma_wait3A_218 : memref<1x500xi32, #tpu.memory_space<vmem>> -> memref<500xi32, #tpu.memory_space<vmem>>
    %dma_wait3A_220 = arith.constant 0 : i32
    %dma_wait3A_221 = arith.constant 0 : i32
    %dma_wait3A_222 = tpu.memref_slice %arg2[%dma_wait3A_220, %dma_wait3A_221] : memref<10000x64xf32, #tpu.memory_space<hbm>> -> memref<10000x64xf32, #tpu.memory_space<hbm>>
    tpu.wait_indirect_dma semaphore(%arg17 : memref<!tpu.dma_semaphore, #tpu.memory_space<semaphore_mem>>) src(%dma_wait3A_222 : memref<10000x64xf32, #tpu.memory_space<hbm>>) dst(%arg14 : memref<500x64xf32, #tpu.memory_space<vmem>>)
    %dma_start3A_223 = arith.constant 5 : i32
    %dma_start3A_224 = arith.constant 0 : i32
    %dma_start3A_225 = tpu.memref_slice %arg12[%dma_start3A_223, %dma_start3A_224] : memref<20x500xi32, #tpu.memory_space<vmem>> -> memref<1x500xi32, #tpu.memory_space<vmem>>
    %dma_start3A_226 = tpu.memref_squeeze %dma_start3A_225 : memref<1x500xi32, #tpu.memory_space<vmem>> -> memref<500xi32, #tpu.memory_space<vmem>>
    %dma_start3A_227 = arith.constant 0 : i32
    %dma_start3A_228 = tpu.memref_slice %arg10[%dma_start3A_227] : memref<10240xf32, #tpu.memory_space<vmem_shared>> -> memref<10240xf32, #tpu.memory_space<vmem_shared>>
    tpu.enqueue_indirect_dma source(%arg15 : memref<500xf32, #tpu.memory_space<vmem>>) target(%dma_start3A_228 : memref<10240xf32, #tpu.memory_space<vmem_shared>>) offsets(%dma_start3A_226 : memref<500xi32, #tpu.memory_space<vmem>>) semaphore(%arg20 : memref<!tpu.dma_semaphore, #tpu.memory_space<semaphore_mem>>) {add = true}
    %dma_start3A_229 = arith.constant 5 : i32
    %dma_start3A_230 = arith.constant 0 : i32
    %dma_start3A_231 = tpu.memref_slice %arg12[%dma_start3A_229, %dma_start3A_230] : memref<20x500xi32, #tpu.memory_space<vmem>> -> memref<1x500xi32, #tpu.memory_space<vmem>>
    %dma_start3A_232 = tpu.memref_squeeze %dma_start3A_231 : memref<1x500xi32, #tpu.memory_space<vmem>> -> memref<500xi32, #tpu.memory_space<vmem>>
    %dma_start3A_233 = arith.constant 0 : i32
    %dma_start3A_234 = arith.constant 0 : i32
    %dma_start3A_235 = tpu.memref_slice %arg9[%dma_start3A_233, %dma_start3A_234] : memref<10240x64xf32, #tpu.memory_space<vmem_shared>> -> memref<10240x64xf32, #tpu.memory_space<vmem_shared>>
    tpu.enqueue_indirect_dma source(%arg14 : memref<500x64xf32, #tpu.memory_space<vmem>>) target(%dma_start3A_235 : memref<10240x64xf32, #tpu.memory_space<vmem_shared>>) offsets(%dma_start3A_232 : memref<500xi32, #tpu.memory_space<vmem>>) semaphore(%arg19 : memref<!tpu.dma_semaphore, #tpu.memory_space<semaphore_mem>>) {add = true}
    %dma_wait3A_236 = arith.constant 5 : i32
    %dma_wait3A_237 = arith.constant 0 : i32
    %dma_wait3A_238 = tpu.memref_slice %arg12[%dma_wait3A_236, %dma_wait3A_237] : memref<20x500xi32, #tpu.memory_space<vmem>> -> memref<1x500xi32, #tpu.memory_space<vmem>>
    %dma_wait3A_239 = tpu.memref_squeeze %dma_wait3A_238 : memref<1x500xi32, #tpu.memory_space<vmem>> -> memref<500xi32, #tpu.memory_space<vmem>>
    %dma_wait3A_240 = arith.constant 0 : i32
    %dma_wait3A_241 = arith.constant 0 : i32
    %dma_wait3A_242 = tpu.memref_slice %arg9[%dma_wait3A_240, %dma_wait3A_241] : memref<10240x64xf32, #tpu.memory_space<vmem_shared>> -> memref<10240x64xf32, #tpu.memory_space<vmem_shared>>
    tpu.wait_indirect_dma semaphore(%arg19 : memref<!tpu.dma_semaphore, #tpu.memory_space<semaphore_mem>>) src(%arg14 : memref<500x64xf32, #tpu.memory_space<vmem>>) dst(%dma_wait3A_242 : memref<10240x64xf32, #tpu.memory_space<vmem_shared>>)
    %dma_wait3A_243 = arith.constant 5 : i32
    %dma_wait3A_244 = arith.constant 0 : i32
    %dma_wait3A_245 = tpu.memref_slice %arg12[%dma_wait3A_243, %dma_wait3A_244] : memref<20x500xi32, #tpu.memory_space<vmem>> -> memref<1x500xi32, #tpu.memory_space<vmem>>
    %dma_wait3A_246 = tpu.memref_squeeze %dma_wait3A_245 : memref<1x500xi32, #tpu.memory_space<vmem>> -> memref<500xi32, #tpu.memory_space<vmem>>
    %dma_wait3A_247 = arith.constant 0 : i32
    %dma_wait3A_248 = tpu.memref_slice %arg10[%dma_wait3A_247] : memref<10240xf32, #tpu.memory_space<vmem_shared>> -> memref<10240xf32, #tpu.memory_space<vmem_shared>>
    tpu.wait_indirect_dma semaphore(%arg20 : memref<!tpu.dma_semaphore, #tpu.memory_space<semaphore_mem>>) src(%arg15 : memref<500xf32, #tpu.memory_space<vmem>>) dst(%dma_wait3A_248 : memref<10240xf32, #tpu.memory_space<vmem_shared>>)
    %dma_start3A_249 = arith.constant 7 : i32
    %dma_start3A_250 = arith.constant 0 : i32
    %dma_start3A_251 = tpu.memref_slice %arg11[%dma_start3A_249, %dma_start3A_250] : memref<20x500xi32, #tpu.memory_space<vmem>> -> memref<1x500xi32, #tpu.memory_space<vmem>>
    %dma_start3A_252 = tpu.memref_squeeze %dma_start3A_251 : memref<1x500xi32, #tpu.memory_space<vmem>> -> memref<500xi32, #tpu.memory_space<vmem>>
    %dma_start3A_253 = arith.constant 0 : i32
    %dma_start3A_254 = arith.constant 0 : i32
    %dma_start3A_255 = tpu.memref_slice %arg2[%dma_start3A_253, %dma_start3A_254] : memref<10000x64xf32, #tpu.memory_space<hbm>> -> memref<10000x64xf32, #tpu.memory_space<hbm>>
    tpu.enqueue_indirect_dma source(%dma_start3A_255 : memref<10000x64xf32, #tpu.memory_space<hbm>>) target(%arg14 : memref<500x64xf32, #tpu.memory_space<vmem>>) offsets(%dma_start3A_252 : memref<500xi32, #tpu.memory_space<vmem>>) semaphore(%arg17 : memref<!tpu.dma_semaphore, #tpu.memory_space<semaphore_mem>>)
    %dma_wait3A_256 = arith.constant 6 : i32
    %dma_wait3A_257 = arith.constant 0 : i32
    %dma_wait3A_258 = tpu.memref_slice %arg11[%dma_wait3A_256, %dma_wait3A_257] : memref<20x500xi32, #tpu.memory_space<vmem>> -> memref<1x500xi32, #tpu.memory_space<vmem>>
    %dma_wait3A_259 = tpu.memref_squeeze %dma_wait3A_258 : memref<1x500xi32, #tpu.memory_space<vmem>> -> memref<500xi32, #tpu.memory_space<vmem>>
    %dma_wait3A_260 = arith.constant 0 : i32
    %dma_wait3A_261 = arith.constant 0 : i32
    %dma_wait3A_262 = tpu.memref_slice %arg2[%dma_wait3A_260, %dma_wait3A_261] : memref<10000x64xf32, #tpu.memory_space<hbm>> -> memref<10000x64xf32, #tpu.memory_space<hbm>>
    tpu.wait_indirect_dma semaphore(%arg16 : memref<!tpu.dma_semaphore, #tpu.memory_space<semaphore_mem>>) src(%dma_wait3A_262 : memref<10000x64xf32, #tpu.memory_space<hbm>>) dst(%arg13 : memref<500x64xf32, #tpu.memory_space<vmem>>)
    %dma_start3A_263 = arith.constant 6 : i32
    %dma_start3A_264 = arith.constant 0 : i32
    %dma_start3A_265 = tpu.memref_slice %arg12[%dma_start3A_263, %dma_start3A_264] : memref<20x500xi32, #tpu.memory_space<vmem>> -> memref<1x500xi32, #tpu.memory_space<vmem>>
    %dma_start3A_266 = tpu.memref_squeeze %dma_start3A_265 : memref<1x500xi32, #tpu.memory_space<vmem>> -> memref<500xi32, #tpu.memory_space<vmem>>
    %dma_start3A_267 = arith.constant 0 : i32
    %dma_start3A_268 = tpu.memref_slice %arg10[%dma_start3A_267] : memref<10240xf32, #tpu.memory_space<vmem_shared>> -> memref<10240xf32, #tpu.memory_space<vmem_shared>>
    tpu.enqueue_indirect_dma source(%arg15 : memref<500xf32, #tpu.memory_space<vmem>>) target(%dma_start3A_268 : memref<10240xf32, #tpu.memory_space<vmem_shared>>) offsets(%dma_start3A_266 : memref<500xi32, #tpu.memory_space<vmem>>) semaphore(%arg20 : memref<!tpu.dma_semaphore, #tpu.memory_space<semaphore_mem>>) {add = true}
    %dma_start3A_269 = arith.constant 6 : i32
    %dma_start3A_270 = arith.constant 0 : i32
    %dma_start3A_271 = tpu.memref_slice %arg12[%dma_start3A_269, %dma_start3A_270] : memref<20x500xi32, #tpu.memory_space<vmem>> -> memref<1x500xi32, #tpu.memory_space<vmem>>
    %dma_start3A_272 = tpu.memref_squeeze %dma_start3A_271 : memref<1x500xi32, #tpu.memory_space<vmem>> -> memref<500xi32, #tpu.memory_space<vmem>>
    %dma_start3A_273 = arith.constant 0 : i32
    %dma_start3A_274 = arith.constant 0 : i32
    %dma_start3A_275 = tpu.memref_slice %arg9[%dma_start3A_273, %dma_start3A_274] : memref<10240x64xf32, #tpu.memory_space<vmem_shared>> -> memref<10240x64xf32, #tpu.memory_space<vmem_shared>>
    tpu.enqueue_indirect_dma source(%arg13 : memref<500x64xf32, #tpu.memory_space<vmem>>) target(%dma_start3A_275 : memref<10240x64xf32, #tpu.memory_space<vmem_shared>>) offsets(%dma_start3A_272 : memref<500xi32, #tpu.memory_space<vmem>>) semaphore(%arg18 : memref<!tpu.dma_semaphore, #tpu.memory_space<semaphore_mem>>) {add = true}
    %dma_wait3A_276 = arith.constant 6 : i32
    %dma_wait3A_277 = arith.constant 0 : i32
    %dma_wait3A_278 = tpu.memref_slice %arg12[%dma_wait3A_276, %dma_wait3A_277] : memref<20x500xi32, #tpu.memory_space<vmem>> -> memref<1x500xi32, #tpu.memory_space<vmem>>
    %dma_wait3A_279 = tpu.memref_squeeze %dma_wait3A_278 : memref<1x500xi32, #tpu.memory_space<vmem>> -> memref<500xi32, #tpu.memory_space<vmem>>
    %dma_wait3A_280 = arith.constant 0 : i32
    %dma_wait3A_281 = arith.constant 0 : i32
    %dma_wait3A_282 = tpu.memref_slice %arg9[%dma_wait3A_280, %dma_wait3A_281] : memref<10240x64xf32, #tpu.memory_space<vmem_shared>> -> memref<10240x64xf32, #tpu.memory_space<vmem_shared>>
    tpu.wait_indirect_dma semaphore(%arg18 : memref<!tpu.dma_semaphore, #tpu.memory_space<semaphore_mem>>) src(%arg13 : memref<500x64xf32, #tpu.memory_space<vmem>>) dst(%dma_wait3A_282 : memref<10240x64xf32, #tpu.memory_space<vmem_shared>>)
    %dma_wait3A_283 = arith.constant 6 : i32
    %dma_wait3A_284 = arith.constant 0 : i32
    %dma_wait3A_285 = tpu.memref_slice %arg12[%dma_wait3A_283, %dma_wait3A_284] : memref<20x500xi32, #tpu.memory_space<vmem>> -> memref<1x500xi32, #tpu.memory_space<vmem>>
    %dma_wait3A_286 = tpu.memref_squeeze %dma_wait3A_285 : memref<1x500xi32, #tpu.memory_space<vmem>> -> memref<500xi32, #tpu.memory_space<vmem>>
    %dma_wait3A_287 = arith.constant 0 : i32
    %dma_wait3A_288 = tpu.memref_slice %arg10[%dma_wait3A_287] : memref<10240xf32, #tpu.memory_space<vmem_shared>> -> memref<10240xf32, #tpu.memory_space<vmem_shared>>
    tpu.wait_indirect_dma semaphore(%arg20 : memref<!tpu.dma_semaphore, #tpu.memory_space<semaphore_mem>>) src(%arg15 : memref<500xf32, #tpu.memory_space<vmem>>) dst(%dma_wait3A_288 : memref<10240xf32, #tpu.memory_space<vmem_shared>>)
    %dma_start3A_289 = arith.constant 8 : i32
    %dma_start3A_290 = arith.constant 0 : i32
    %dma_start3A_291 = tpu.memref_slice %arg11[%dma_start3A_289, %dma_start3A_290] : memref<20x500xi32, #tpu.memory_space<vmem>> -> memref<1x500xi32, #tpu.memory_space<vmem>>
    %dma_start3A_292 = tpu.memref_squeeze %dma_start3A_291 : memref<1x500xi32, #tpu.memory_space<vmem>> -> memref<500xi32, #tpu.memory_space<vmem>>
    %dma_start3A_293 = arith.constant 0 : i32
    %dma_start3A_294 = arith.constant 0 : i32
    %dma_start3A_295 = tpu.memref_slice %arg2[%dma_start3A_293, %dma_start3A_294] : memref<10000x64xf32, #tpu.memory_space<hbm>> -> memref<10000x64xf32, #tpu.memory_space<hbm>>
    tpu.enqueue_indirect_dma source(%dma_start3A_295 : memref<10000x64xf32, #tpu.memory_space<hbm>>) target(%arg13 : memref<500x64xf32, #tpu.memory_space<vmem>>) offsets(%dma_start3A_292 : memref<500xi32, #tpu.memory_space<vmem>>) semaphore(%arg16 : memref<!tpu.dma_semaphore, #tpu.memory_space<semaphore_mem>>)
    %dma_wait3A_296 = arith.constant 7 : i32
    %dma_wait3A_297 = arith.constant 0 : i32
    %dma_wait3A_298 = tpu.memref_slice %arg11[%dma_wait3A_296, %dma_wait3A_297] : memref<20x500xi32, #tpu.memory_space<vmem>> -> memref<1x500xi32, #tpu.memory_space<vmem>>
    %dma_wait3A_299 = tpu.memref_squeeze %dma_wait3A_298 : memref<1x500xi32, #tpu.memory_space<vmem>> -> memref<500xi32, #tpu.memory_space<vmem>>
    %dma_wait3A_300 = arith.constant 0 : i32
    %dma_wait3A_301 = arith.constant 0 : i32
    %dma_wait3A_302 = tpu.memref_slice %arg2[%dma_wait3A_300, %dma_wait3A_301] : memref<10000x64xf32, #tpu.memory_space<hbm>> -> memref<10000x64xf32, #tpu.memory_space<hbm>>
    tpu.wait_indirect_dma semaphore(%arg17 : memref<!tpu.dma_semaphore, #tpu.memory_space<semaphore_mem>>) src(%dma_wait3A_302 : memref<10000x64xf32, #tpu.memory_space<hbm>>) dst(%arg14 : memref<500x64xf32, #tpu.memory_space<vmem>>)
    %dma_start3A_303 = arith.constant 7 : i32
    %dma_start3A_304 = arith.constant 0 : i32
    %dma_start3A_305 = tpu.memref_slice %arg12[%dma_start3A_303, %dma_start3A_304] : memref<20x500xi32, #tpu.memory_space<vmem>> -> memref<1x500xi32, #tpu.memory_space<vmem>>
    %dma_start3A_306 = tpu.memref_squeeze %dma_start3A_305 : memref<1x500xi32, #tpu.memory_space<vmem>> -> memref<500xi32, #tpu.memory_space<vmem>>
    %dma_start3A_307 = arith.constant 0 : i32
    %dma_start3A_308 = tpu.memref_slice %arg10[%dma_start3A_307] : memref<10240xf32, #tpu.memory_space<vmem_shared>> -> memref<10240xf32, #tpu.memory_space<vmem_shared>>
    tpu.enqueue_indirect_dma source(%arg15 : memref<500xf32, #tpu.memory_space<vmem>>) target(%dma_start3A_308 : memref<10240xf32, #tpu.memory_space<vmem_shared>>) offsets(%dma_start3A_306 : memref<500xi32, #tpu.memory_space<vmem>>) semaphore(%arg20 : memref<!tpu.dma_semaphore, #tpu.memory_space<semaphore_mem>>) {add = true}
    %dma_start3A_309 = arith.constant 7 : i32
    %dma_start3A_310 = arith.constant 0 : i32
    %dma_start3A_311 = tpu.memref_slice %arg12[%dma_start3A_309, %dma_start3A_310] : memref<20x500xi32, #tpu.memory_space<vmem>> -> memref<1x500xi32, #tpu.memory_space<vmem>>
    %dma_start3A_312 = tpu.memref_squeeze %dma_start3A_311 : memref<1x500xi32, #tpu.memory_space<vmem>> -> memref<500xi32, #tpu.memory_space<vmem>>
    %dma_start3A_313 = arith.constant 0 : i32
    %dma_start3A_314 = arith.constant 0 : i32
    %dma_start3A_315 = tpu.memref_slice %arg9[%dma_start3A_313, %dma_start3A_314] : memref<10240x64xf32, #tpu.memory_space<vmem_shared>> -> memref<10240x64xf32, #tpu.memory_space<vmem_shared>>
    tpu.enqueue_indirect_dma source(%arg14 : memref<500x64xf32, #tpu.memory_space<vmem>>) target(%dma_start3A_315 : memref<10240x64xf32, #tpu.memory_space<vmem_shared>>) offsets(%dma_start3A_312 : memref<500xi32, #tpu.memory_space<vmem>>) semaphore(%arg19 : memref<!tpu.dma_semaphore, #tpu.memory_space<semaphore_mem>>) {add = true}
    %dma_wait3A_316 = arith.constant 7 : i32
    %dma_wait3A_317 = arith.constant 0 : i32
    %dma_wait3A_318 = tpu.memref_slice %arg12[%dma_wait3A_316, %dma_wait3A_317] : memref<20x500xi32, #tpu.memory_space<vmem>> -> memref<1x500xi32, #tpu.memory_space<vmem>>
    %dma_wait3A_319 = tpu.memref_squeeze %dma_wait3A_318 : memref<1x500xi32, #tpu.memory_space<vmem>> -> memref<500xi32, #tpu.memory_space<vmem>>
    %dma_wait3A_320 = arith.constant 0 : i32
    %dma_wait3A_321 = arith.constant 0 : i32
    %dma_wait3A_322 = tpu.memref_slice %arg9[%dma_wait3A_320, %dma_wait3A_321] : memref<10240x64xf32, #tpu.memory_space<vmem_shared>> -> memref<10240x64xf32, #tpu.memory_space<vmem_shared>>
    tpu.wait_indirect_dma semaphore(%arg19 : memref<!tpu.dma_semaphore, #tpu.memory_space<semaphore_mem>>) src(%arg14 : memref<500x64xf32, #tpu.memory_space<vmem>>) dst(%dma_wait3A_322 : memref<10240x64xf32, #tpu.memory_space<vmem_shared>>)
    %dma_wait3A_323 = arith.constant 7 : i32
    %dma_wait3A_324 = arith.constant 0 : i32
    %dma_wait3A_325 = tpu.memref_slice %arg12[%dma_wait3A_323, %dma_wait3A_324] : memref<20x500xi32, #tpu.memory_space<vmem>> -> memref<1x500xi32, #tpu.memory_space<vmem>>
    %dma_wait3A_326 = tpu.memref_squeeze %dma_wait3A_325 : memref<1x500xi32, #tpu.memory_space<vmem>> -> memref<500xi32, #tpu.memory_space<vmem>>
    %dma_wait3A_327 = arith.constant 0 : i32
    %dma_wait3A_328 = tpu.memref_slice %arg10[%dma_wait3A_327] : memref<10240xf32, #tpu.memory_space<vmem_shared>> -> memref<10240xf32, #tpu.memory_space<vmem_shared>>
    tpu.wait_indirect_dma semaphore(%arg20 : memref<!tpu.dma_semaphore, #tpu.memory_space<semaphore_mem>>) src(%arg15 : memref<500xf32, #tpu.memory_space<vmem>>) dst(%dma_wait3A_328 : memref<10240xf32, #tpu.memory_space<vmem_shared>>)
    %dma_start3A_329 = arith.constant 9 : i32
    %dma_start3A_330 = arith.constant 0 : i32
    %dma_start3A_331 = tpu.memref_slice %arg11[%dma_start3A_329, %dma_start3A_330] : memref<20x500xi32, #tpu.memory_space<vmem>> -> memref<1x500xi32, #tpu.memory_space<vmem>>
    %dma_start3A_332 = tpu.memref_squeeze %dma_start3A_331 : memref<1x500xi32, #tpu.memory_space<vmem>> -> memref<500xi32, #tpu.memory_space<vmem>>
    %dma_start3A_333 = arith.constant 0 : i32
    %dma_start3A_334 = arith.constant 0 : i32
    %dma_start3A_335 = tpu.memref_slice %arg2[%dma_start3A_333, %dma_start3A_334] : memref<10000x64xf32, #tpu.memory_space<hbm>> -> memref<10000x64xf32, #tpu.memory_space<hbm>>
    tpu.enqueue_indirect_dma source(%dma_start3A_335 : memref<10000x64xf32, #tpu.memory_space<hbm>>) target(%arg14 : memref<500x64xf32, #tpu.memory_space<vmem>>) offsets(%dma_start3A_332 : memref<500xi32, #tpu.memory_space<vmem>>) semaphore(%arg17 : memref<!tpu.dma_semaphore, #tpu.memory_space<semaphore_mem>>)
    %dma_wait3A_336 = arith.constant 8 : i32
    %dma_wait3A_337 = arith.constant 0 : i32
    %dma_wait3A_338 = tpu.memref_slice %arg11[%dma_wait3A_336, %dma_wait3A_337] : memref<20x500xi32, #tpu.memory_space<vmem>> -> memref<1x500xi32, #tpu.memory_space<vmem>>
    %dma_wait3A_339 = tpu.memref_squeeze %dma_wait3A_338 : memref<1x500xi32, #tpu.memory_space<vmem>> -> memref<500xi32, #tpu.memory_space<vmem>>
    %dma_wait3A_340 = arith.constant 0 : i32
    %dma_wait3A_341 = arith.constant 0 : i32
    %dma_wait3A_342 = tpu.memref_slice %arg2[%dma_wait3A_340, %dma_wait3A_341] : memref<10000x64xf32, #tpu.memory_space<hbm>> -> memref<10000x64xf32, #tpu.memory_space<hbm>>
    tpu.wait_indirect_dma semaphore(%arg16 : memref<!tpu.dma_semaphore, #tpu.memory_space<semaphore_mem>>) src(%dma_wait3A_342 : memref<10000x64xf32, #tpu.memory_space<hbm>>) dst(%arg13 : memref<500x64xf32, #tpu.memory_space<vmem>>)
    %dma_start3A_343 = arith.constant 8 : i32
    %dma_start3A_344 = arith.constant 0 : i32
    %dma_start3A_345 = tpu.memref_slice %arg12[%dma_start3A_343, %dma_start3A_344] : memref<20x500xi32, #tpu.memory_space<vmem>> -> memref<1x500xi32, #tpu.memory_space<vmem>>
    %dma_start3A_346 = tpu.memref_squeeze %dma_start3A_345 : memref<1x500xi32, #tpu.memory_space<vmem>> -> memref<500xi32, #tpu.memory_space<vmem>>
    %dma_start3A_347 = arith.constant 0 : i32
    %dma_start3A_348 = tpu.memref_slice %arg10[%dma_start3A_347] : memref<10240xf32, #tpu.memory_space<vmem_shared>> -> memref<10240xf32, #tpu.memory_space<vmem_shared>>
    tpu.enqueue_indirect_dma source(%arg15 : memref<500xf32, #tpu.memory_space<vmem>>) target(%dma_start3A_348 : memref<10240xf32, #tpu.memory_space<vmem_shared>>) offsets(%dma_start3A_346 : memref<500xi32, #tpu.memory_space<vmem>>) semaphore(%arg20 : memref<!tpu.dma_semaphore, #tpu.memory_space<semaphore_mem>>) {add = true}
    %dma_start3A_349 = arith.constant 8 : i32
    %dma_start3A_350 = arith.constant 0 : i32
    %dma_start3A_351 = tpu.memref_slice %arg12[%dma_start3A_349, %dma_start3A_350] : memref<20x500xi32, #tpu.memory_space<vmem>> -> memref<1x500xi32, #tpu.memory_space<vmem>>
    %dma_start3A_352 = tpu.memref_squeeze %dma_start3A_351 : memref<1x500xi32, #tpu.memory_space<vmem>> -> memref<500xi32, #tpu.memory_space<vmem>>
    %dma_start3A_353 = arith.constant 0 : i32
    %dma_start3A_354 = arith.constant 0 : i32
    %dma_start3A_355 = tpu.memref_slice %arg9[%dma_start3A_353, %dma_start3A_354] : memref<10240x64xf32, #tpu.memory_space<vmem_shared>> -> memref<10240x64xf32, #tpu.memory_space<vmem_shared>>
    tpu.enqueue_indirect_dma source(%arg13 : memref<500x64xf32, #tpu.memory_space<vmem>>) target(%dma_start3A_355 : memref<10240x64xf32, #tpu.memory_space<vmem_shared>>) offsets(%dma_start3A_352 : memref<500xi32, #tpu.memory_space<vmem>>) semaphore(%arg18 : memref<!tpu.dma_semaphore, #tpu.memory_space<semaphore_mem>>) {add = true}
    %dma_wait3A_356 = arith.constant 8 : i32
    %dma_wait3A_357 = arith.constant 0 : i32
    %dma_wait3A_358 = tpu.memref_slice %arg12[%dma_wait3A_356, %dma_wait3A_357] : memref<20x500xi32, #tpu.memory_space<vmem>> -> memref<1x500xi32, #tpu.memory_space<vmem>>
    %dma_wait3A_359 = tpu.memref_squeeze %dma_wait3A_358 : memref<1x500xi32, #tpu.memory_space<vmem>> -> memref<500xi32, #tpu.memory_space<vmem>>
    %dma_wait3A_360 = arith.constant 0 : i32
    %dma_wait3A_361 = arith.constant 0 : i32
    %dma_wait3A_362 = tpu.memref_slice %arg9[%dma_wait3A_360, %dma_wait3A_361] : memref<10240x64xf32, #tpu.memory_space<vmem_shared>> -> memref<10240x64xf32, #tpu.memory_space<vmem_shared>>
    tpu.wait_indirect_dma semaphore(%arg18 : memref<!tpu.dma_semaphore, #tpu.memory_space<semaphore_mem>>) src(%arg13 : memref<500x64xf32, #tpu.memory_space<vmem>>) dst(%dma_wait3A_362 : memref<10240x64xf32, #tpu.memory_space<vmem_shared>>)
    %dma_wait3A_363 = arith.constant 8 : i32
    %dma_wait3A_364 = arith.constant 0 : i32
    %dma_wait3A_365 = tpu.memref_slice %arg12[%dma_wait3A_363, %dma_wait3A_364] : memref<20x500xi32, #tpu.memory_space<vmem>> -> memref<1x500xi32, #tpu.memory_space<vmem>>
    %dma_wait3A_366 = tpu.memref_squeeze %dma_wait3A_365 : memref<1x500xi32, #tpu.memory_space<vmem>> -> memref<500xi32, #tpu.memory_space<vmem>>
    %dma_wait3A_367 = arith.constant 0 : i32
    %dma_wait3A_368 = tpu.memref_slice %arg10[%dma_wait3A_367] : memref<10240xf32, #tpu.memory_space<vmem_shared>> -> memref<10240xf32, #tpu.memory_space<vmem_shared>>
    tpu.wait_indirect_dma semaphore(%arg20 : memref<!tpu.dma_semaphore, #tpu.memory_space<semaphore_mem>>) src(%arg15 : memref<500xf32, #tpu.memory_space<vmem>>) dst(%dma_wait3A_368 : memref<10240xf32, #tpu.memory_space<vmem_shared>>)
    %dma_start3A_369 = arith.constant 10 : i32
    %dma_start3A_370 = arith.constant 0 : i32
    %dma_start3A_371 = tpu.memref_slice %arg11[%dma_start3A_369, %dma_start3A_370] : memref<20x500xi32, #tpu.memory_space<vmem>> -> memref<1x500xi32, #tpu.memory_space<vmem>>
    %dma_start3A_372 = tpu.memref_squeeze %dma_start3A_371 : memref<1x500xi32, #tpu.memory_space<vmem>> -> memref<500xi32, #tpu.memory_space<vmem>>
    %dma_start3A_373 = arith.constant 0 : i32
    %dma_start3A_374 = arith.constant 0 : i32
    %dma_start3A_375 = tpu.memref_slice %arg2[%dma_start3A_373, %dma_start3A_374] : memref<10000x64xf32, #tpu.memory_space<hbm>> -> memref<10000x64xf32, #tpu.memory_space<hbm>>
    tpu.enqueue_indirect_dma source(%dma_start3A_375 : memref<10000x64xf32, #tpu.memory_space<hbm>>) target(%arg13 : memref<500x64xf32, #tpu.memory_space<vmem>>) offsets(%dma_start3A_372 : memref<500xi32, #tpu.memory_space<vmem>>) semaphore(%arg16 : memref<!tpu.dma_semaphore, #tpu.memory_space<semaphore_mem>>)
    %dma_wait3A_376 = arith.constant 9 : i32
    %dma_wait3A_377 = arith.constant 0 : i32
    %dma_wait3A_378 = tpu.memref_slice %arg11[%dma_wait3A_376, %dma_wait3A_377] : memref<20x500xi32, #tpu.memory_space<vmem>> -> memref<1x500xi32, #tpu.memory_space<vmem>>
    %dma_wait3A_379 = tpu.memref_squeeze %dma_wait3A_378 : memref<1x500xi32, #tpu.memory_space<vmem>> -> memref<500xi32, #tpu.memory_space<vmem>>
    %dma_wait3A_380 = arith.constant 0 : i32
    %dma_wait3A_381 = arith.constant 0 : i32
    %dma_wait3A_382 = tpu.memref_slice %arg2[%dma_wait3A_380, %dma_wait3A_381] : memref<10000x64xf32, #tpu.memory_space<hbm>> -> memref<10000x64xf32, #tpu.memory_space<hbm>>
    tpu.wait_indirect_dma semaphore(%arg17 : memref<!tpu.dma_semaphore, #tpu.memory_space<semaphore_mem>>) src(%dma_wait3A_382 : memref<10000x64xf32, #tpu.memory_space<hbm>>) dst(%arg14 : memref<500x64xf32, #tpu.memory_space<vmem>>)
    %dma_start3A_383 = arith.constant 9 : i32
    %dma_start3A_384 = arith.constant 0 : i32
    %dma_start3A_385 = tpu.memref_slice %arg12[%dma_start3A_383, %dma_start3A_384] : memref<20x500xi32, #tpu.memory_space<vmem>> -> memref<1x500xi32, #tpu.memory_space<vmem>>
    %dma_start3A_386 = tpu.memref_squeeze %dma_start3A_385 : memref<1x500xi32, #tpu.memory_space<vmem>> -> memref<500xi32, #tpu.memory_space<vmem>>
    %dma_start3A_387 = arith.constant 0 : i32
    %dma_start3A_388 = tpu.memref_slice %arg10[%dma_start3A_387] : memref<10240xf32, #tpu.memory_space<vmem_shared>> -> memref<10240xf32, #tpu.memory_space<vmem_shared>>
    tpu.enqueue_indirect_dma source(%arg15 : memref<500xf32, #tpu.memory_space<vmem>>) target(%dma_start3A_388 : memref<10240xf32, #tpu.memory_space<vmem_shared>>) offsets(%dma_start3A_386 : memref<500xi32, #tpu.memory_space<vmem>>) semaphore(%arg20 : memref<!tpu.dma_semaphore, #tpu.memory_space<semaphore_mem>>) {add = true}
    %dma_start3A_389 = arith.constant 9 : i32
    %dma_start3A_390 = arith.constant 0 : i32
    %dma_start3A_391 = tpu.memref_slice %arg12[%dma_start3A_389, %dma_start3A_390] : memref<20x500xi32, #tpu.memory_space<vmem>> -> memref<1x500xi32, #tpu.memory_space<vmem>>
    %dma_start3A_392 = tpu.memref_squeeze %dma_start3A_391 : memref<1x500xi32, #tpu.memory_space<vmem>> -> memref<500xi32, #tpu.memory_space<vmem>>
    %dma_start3A_393 = arith.constant 0 : i32
    %dma_start3A_394 = arith.constant 0 : i32
    %dma_start3A_395 = tpu.memref_slice %arg9[%dma_start3A_393, %dma_start3A_394] : memref<10240x64xf32, #tpu.memory_space<vmem_shared>> -> memref<10240x64xf32, #tpu.memory_space<vmem_shared>>
    tpu.enqueue_indirect_dma source(%arg14 : memref<500x64xf32, #tpu.memory_space<vmem>>) target(%dma_start3A_395 : memref<10240x64xf32, #tpu.memory_space<vmem_shared>>) offsets(%dma_start3A_392 : memref<500xi32, #tpu.memory_space<vmem>>) semaphore(%arg19 : memref<!tpu.dma_semaphore, #tpu.memory_space<semaphore_mem>>) {add = true}
    %dma_wait3A_396 = arith.constant 9 : i32
    %dma_wait3A_397 = arith.constant 0 : i32
    %dma_wait3A_398 = tpu.memref_slice %arg12[%dma_wait3A_396, %dma_wait3A_397] : memref<20x500xi32, #tpu.memory_space<vmem>> -> memref<1x500xi32, #tpu.memory_space<vmem>>
    %dma_wait3A_399 = tpu.memref_squeeze %dma_wait3A_398 : memref<1x500xi32, #tpu.memory_space<vmem>> -> memref<500xi32, #tpu.memory_space<vmem>>
    %dma_wait3A_400 = arith.constant 0 : i32
    %dma_wait3A_401 = arith.constant 0 : i32
    %dma_wait3A_402 = tpu.memref_slice %arg9[%dma_wait3A_400, %dma_wait3A_401] : memref<10240x64xf32, #tpu.memory_space<vmem_shared>> -> memref<10240x64xf32, #tpu.memory_space<vmem_shared>>
    tpu.wait_indirect_dma semaphore(%arg19 : memref<!tpu.dma_semaphore, #tpu.memory_space<semaphore_mem>>) src(%arg14 : memref<500x64xf32, #tpu.memory_space<vmem>>) dst(%dma_wait3A_402 : memref<10240x64xf32, #tpu.memory_space<vmem_shared>>)
    %dma_wait3A_403 = arith.constant 9 : i32
    %dma_wait3A_404 = arith.constant 0 : i32
    %dma_wait3A_405 = tpu.memref_slice %arg12[%dma_wait3A_403, %dma_wait3A_404] : memref<20x500xi32, #tpu.memory_space<vmem>> -> memref<1x500xi32, #tpu.memory_space<vmem>>
    %dma_wait3A_406 = tpu.memref_squeeze %dma_wait3A_405 : memref<1x500xi32, #tpu.memory_space<vmem>> -> memref<500xi32, #tpu.memory_space<vmem>>
    %dma_wait3A_407 = arith.constant 0 : i32
    %dma_wait3A_408 = tpu.memref_slice %arg10[%dma_wait3A_407] : memref<10240xf32, #tpu.memory_space<vmem_shared>> -> memref<10240xf32, #tpu.memory_space<vmem_shared>>
    tpu.wait_indirect_dma semaphore(%arg20 : memref<!tpu.dma_semaphore, #tpu.memory_space<semaphore_mem>>) src(%arg15 : memref<500xf32, #tpu.memory_space<vmem>>) dst(%dma_wait3A_408 : memref<10240xf32, #tpu.memory_space<vmem_shared>>)
    %dma_start3A_409 = arith.constant 11 : i32
    %dma_start3A_410 = arith.constant 0 : i32
    %dma_start3A_411 = tpu.memref_slice %arg11[%dma_start3A_409, %dma_start3A_410] : memref<20x500xi32, #tpu.memory_space<vmem>> -> memref<1x500xi32, #tpu.memory_space<vmem>>
    %dma_start3A_412 = tpu.memref_squeeze %dma_start3A_411 : memref<1x500xi32, #tpu.memory_space<vmem>> -> memref<500xi32, #tpu.memory_space<vmem>>
    %dma_start3A_413 = arith.constant 0 : i32
    %dma_start3A_414 = arith.constant 0 : i32
    %dma_start3A_415 = tpu.memref_slice %arg2[%dma_start3A_413, %dma_start3A_414] : memref<10000x64xf32, #tpu.memory_space<hbm>> -> memref<10000x64xf32, #tpu.memory_space<hbm>>
    tpu.enqueue_indirect_dma source(%dma_start3A_415 : memref<10000x64xf32, #tpu.memory_space<hbm>>) target(%arg14 : memref<500x64xf32, #tpu.memory_space<vmem>>) offsets(%dma_start3A_412 : memref<500xi32, #tpu.memory_space<vmem>>) semaphore(%arg17 : memref<!tpu.dma_semaphore, #tpu.memory_space<semaphore_mem>>)
    %dma_wait3A_416 = arith.constant 10 : i32
    %dma_wait3A_417 = arith.constant 0 : i32
    %dma_wait3A_418 = tpu.memref_slice %arg11[%dma_wait3A_416, %dma_wait3A_417] : memref<20x500xi32, #tpu.memory_space<vmem>> -> memref<1x500xi32, #tpu.memory_space<vmem>>
    %dma_wait3A_419 = tpu.memref_squeeze %dma_wait3A_418 : memref<1x500xi32, #tpu.memory_space<vmem>> -> memref<500xi32, #tpu.memory_space<vmem>>
    %dma_wait3A_420 = arith.constant 0 : i32
    %dma_wait3A_421 = arith.constant 0 : i32
    %dma_wait3A_422 = tpu.memref_slice %arg2[%dma_wait3A_420, %dma_wait3A_421] : memref<10000x64xf32, #tpu.memory_space<hbm>> -> memref<10000x64xf32, #tpu.memory_space<hbm>>
    tpu.wait_indirect_dma semaphore(%arg16 : memref<!tpu.dma_semaphore, #tpu.memory_space<semaphore_mem>>) src(%dma_wait3A_422 : memref<10000x64xf32, #tpu.memory_space<hbm>>) dst(%arg13 : memref<500x64xf32, #tpu.memory_space<vmem>>)
    %dma_start3A_423 = arith.constant 10 : i32
    %dma_start3A_424 = arith.constant 0 : i32
    %dma_start3A_425 = tpu.memref_slice %arg12[%dma_start3A_423, %dma_start3A_424] : memref<20x500xi32, #tpu.memory_space<vmem>> -> memref<1x500xi32, #tpu.memory_space<vmem>>
    %dma_start3A_426 = tpu.memref_squeeze %dma_start3A_425 : memref<1x500xi32, #tpu.memory_space<vmem>> -> memref<500xi32, #tpu.memory_space<vmem>>
    %dma_start3A_427 = arith.constant 0 : i32
    %dma_start3A_428 = tpu.memref_slice %arg10[%dma_start3A_427] : memref<10240xf32, #tpu.memory_space<vmem_shared>> -> memref<10240xf32, #tpu.memory_space<vmem_shared>>
    tpu.enqueue_indirect_dma source(%arg15 : memref<500xf32, #tpu.memory_space<vmem>>) target(%dma_start3A_428 : memref<10240xf32, #tpu.memory_space<vmem_shared>>) offsets(%dma_start3A_426 : memref<500xi32, #tpu.memory_space<vmem>>) semaphore(%arg20 : memref<!tpu.dma_semaphore, #tpu.memory_space<semaphore_mem>>) {add = true}
    %dma_start3A_429 = arith.constant 10 : i32
    %dma_start3A_430 = arith.constant 0 : i32
    %dma_start3A_431 = tpu.memref_slice %arg12[%dma_start3A_429, %dma_start3A_430] : memref<20x500xi32, #tpu.memory_space<vmem>> -> memref<1x500xi32, #tpu.memory_space<vmem>>
    %dma_start3A_432 = tpu.memref_squeeze %dma_start3A_431 : memref<1x500xi32, #tpu.memory_space<vmem>> -> memref<500xi32, #tpu.memory_space<vmem>>
    %dma_start3A_433 = arith.constant 0 : i32
    %dma_start3A_434 = arith.constant 0 : i32
    %dma_start3A_435 = tpu.memref_slice %arg9[%dma_start3A_433, %dma_start3A_434] : memref<10240x64xf32, #tpu.memory_space<vmem_shared>> -> memref<10240x64xf32, #tpu.memory_space<vmem_shared>>
    tpu.enqueue_indirect_dma source(%arg13 : memref<500x64xf32, #tpu.memory_space<vmem>>) target(%dma_start3A_435 : memref<10240x64xf32, #tpu.memory_space<vmem_shared>>) offsets(%dma_start3A_432 : memref<500xi32, #tpu.memory_space<vmem>>) semaphore(%arg18 : memref<!tpu.dma_semaphore, #tpu.memory_space<semaphore_mem>>) {add = true}
    %dma_wait3A_436 = arith.constant 10 : i32
    %dma_wait3A_437 = arith.constant 0 : i32
    %dma_wait3A_438 = tpu.memref_slice %arg12[%dma_wait3A_436, %dma_wait3A_437] : memref<20x500xi32, #tpu.memory_space<vmem>> -> memref<1x500xi32, #tpu.memory_space<vmem>>
    %dma_wait3A_439 = tpu.memref_squeeze %dma_wait3A_438 : memref<1x500xi32, #tpu.memory_space<vmem>> -> memref<500xi32, #tpu.memory_space<vmem>>
    %dma_wait3A_440 = arith.constant 0 : i32
    %dma_wait3A_441 = arith.constant 0 : i32
    %dma_wait3A_442 = tpu.memref_slice %arg9[%dma_wait3A_440, %dma_wait3A_441] : memref<10240x64xf32, #tpu.memory_space<vmem_shared>> -> memref<10240x64xf32, #tpu.memory_space<vmem_shared>>
    tpu.wait_indirect_dma semaphore(%arg18 : memref<!tpu.dma_semaphore, #tpu.memory_space<semaphore_mem>>) src(%arg13 : memref<500x64xf32, #tpu.memory_space<vmem>>) dst(%dma_wait3A_442 : memref<10240x64xf32, #tpu.memory_space<vmem_shared>>)
    %dma_wait3A_443 = arith.constant 10 : i32
    %dma_wait3A_444 = arith.constant 0 : i32
    %dma_wait3A_445 = tpu.memref_slice %arg12[%dma_wait3A_443, %dma_wait3A_444] : memref<20x500xi32, #tpu.memory_space<vmem>> -> memref<1x500xi32, #tpu.memory_space<vmem>>
    %dma_wait3A_446 = tpu.memref_squeeze %dma_wait3A_445 : memref<1x500xi32, #tpu.memory_space<vmem>> -> memref<500xi32, #tpu.memory_space<vmem>>
    %dma_wait3A_447 = arith.constant 0 : i32
    %dma_wait3A_448 = tpu.memref_slice %arg10[%dma_wait3A_447] : memref<10240xf32, #tpu.memory_space<vmem_shared>> -> memref<10240xf32, #tpu.memory_space<vmem_shared>>
    tpu.wait_indirect_dma semaphore(%arg20 : memref<!tpu.dma_semaphore, #tpu.memory_space<semaphore_mem>>) src(%arg15 : memref<500xf32, #tpu.memory_space<vmem>>) dst(%dma_wait3A_448 : memref<10240xf32, #tpu.memory_space<vmem_shared>>)
    %dma_start3A_449 = arith.constant 12 : i32
    %dma_start3A_450 = arith.constant 0 : i32
    %dma_start3A_451 = tpu.memref_slice %arg11[%dma_start3A_449, %dma_start3A_450] : memref<20x500xi32, #tpu.memory_space<vmem>> -> memref<1x500xi32, #tpu.memory_space<vmem>>
    %dma_start3A_452 = tpu.memref_squeeze %dma_start3A_451 : memref<1x500xi32, #tpu.memory_space<vmem>> -> memref<500xi32, #tpu.memory_space<vmem>>
    %dma_start3A_453 = arith.constant 0 : i32
    %dma_start3A_454 = arith.constant 0 : i32
    %dma_start3A_455 = tpu.memref_slice %arg2[%dma_start3A_453, %dma_start3A_454] : memref<10000x64xf32, #tpu.memory_space<hbm>> -> memref<10000x64xf32, #tpu.memory_space<hbm>>
    tpu.enqueue_indirect_dma source(%dma_start3A_455 : memref<10000x64xf32, #tpu.memory_space<hbm>>) target(%arg13 : memref<500x64xf32, #tpu.memory_space<vmem>>) offsets(%dma_start3A_452 : memref<500xi32, #tpu.memory_space<vmem>>) semaphore(%arg16 : memref<!tpu.dma_semaphore, #tpu.memory_space<semaphore_mem>>)
    %dma_wait3A_456 = arith.constant 11 : i32
    %dma_wait3A_457 = arith.constant 0 : i32
    %dma_wait3A_458 = tpu.memref_slice %arg11[%dma_wait3A_456, %dma_wait3A_457] : memref<20x500xi32, #tpu.memory_space<vmem>> -> memref<1x500xi32, #tpu.memory_space<vmem>>
    %dma_wait3A_459 = tpu.memref_squeeze %dma_wait3A_458 : memref<1x500xi32, #tpu.memory_space<vmem>> -> memref<500xi32, #tpu.memory_space<vmem>>
    %dma_wait3A_460 = arith.constant 0 : i32
    %dma_wait3A_461 = arith.constant 0 : i32
    %dma_wait3A_462 = tpu.memref_slice %arg2[%dma_wait3A_460, %dma_wait3A_461] : memref<10000x64xf32, #tpu.memory_space<hbm>> -> memref<10000x64xf32, #tpu.memory_space<hbm>>
    tpu.wait_indirect_dma semaphore(%arg17 : memref<!tpu.dma_semaphore, #tpu.memory_space<semaphore_mem>>) src(%dma_wait3A_462 : memref<10000x64xf32, #tpu.memory_space<hbm>>) dst(%arg14 : memref<500x64xf32, #tpu.memory_space<vmem>>)
    %dma_start3A_463 = arith.constant 11 : i32
    %dma_start3A_464 = arith.constant 0 : i32
    %dma_start3A_465 = tpu.memref_slice %arg12[%dma_start3A_463, %dma_start3A_464] : memref<20x500xi32, #tpu.memory_space<vmem>> -> memref<1x500xi32, #tpu.memory_space<vmem>>
    %dma_start3A_466 = tpu.memref_squeeze %dma_start3A_465 : memref<1x500xi32, #tpu.memory_space<vmem>> -> memref<500xi32, #tpu.memory_space<vmem>>
    %dma_start3A_467 = arith.constant 0 : i32
    %dma_start3A_468 = tpu.memref_slice %arg10[%dma_start3A_467] : memref<10240xf32, #tpu.memory_space<vmem_shared>> -> memref<10240xf32, #tpu.memory_space<vmem_shared>>
    tpu.enqueue_indirect_dma source(%arg15 : memref<500xf32, #tpu.memory_space<vmem>>) target(%dma_start3A_468 : memref<10240xf32, #tpu.memory_space<vmem_shared>>) offsets(%dma_start3A_466 : memref<500xi32, #tpu.memory_space<vmem>>) semaphore(%arg20 : memref<!tpu.dma_semaphore, #tpu.memory_space<semaphore_mem>>) {add = true}
    %dma_start3A_469 = arith.constant 11 : i32
    %dma_start3A_470 = arith.constant 0 : i32
    %dma_start3A_471 = tpu.memref_slice %arg12[%dma_start3A_469, %dma_start3A_470] : memref<20x500xi32, #tpu.memory_space<vmem>> -> memref<1x500xi32, #tpu.memory_space<vmem>>
    %dma_start3A_472 = tpu.memref_squeeze %dma_start3A_471 : memref<1x500xi32, #tpu.memory_space<vmem>> -> memref<500xi32, #tpu.memory_space<vmem>>
    %dma_start3A_473 = arith.constant 0 : i32
    %dma_start3A_474 = arith.constant 0 : i32
    %dma_start3A_475 = tpu.memref_slice %arg9[%dma_start3A_473, %dma_start3A_474] : memref<10240x64xf32, #tpu.memory_space<vmem_shared>> -> memref<10240x64xf32, #tpu.memory_space<vmem_shared>>
    tpu.enqueue_indirect_dma source(%arg14 : memref<500x64xf32, #tpu.memory_space<vmem>>) target(%dma_start3A_475 : memref<10240x64xf32, #tpu.memory_space<vmem_shared>>) offsets(%dma_start3A_472 : memref<500xi32, #tpu.memory_space<vmem>>) semaphore(%arg19 : memref<!tpu.dma_semaphore, #tpu.memory_space<semaphore_mem>>) {add = true}
    %dma_wait3A_476 = arith.constant 11 : i32
    %dma_wait3A_477 = arith.constant 0 : i32
    %dma_wait3A_478 = tpu.memref_slice %arg12[%dma_wait3A_476, %dma_wait3A_477] : memref<20x500xi32, #tpu.memory_space<vmem>> -> memref<1x500xi32, #tpu.memory_space<vmem>>
    %dma_wait3A_479 = tpu.memref_squeeze %dma_wait3A_478 : memref<1x500xi32, #tpu.memory_space<vmem>> -> memref<500xi32, #tpu.memory_space<vmem>>
    %dma_wait3A_480 = arith.constant 0 : i32
    %dma_wait3A_481 = arith.constant 0 : i32
    %dma_wait3A_482 = tpu.memref_slice %arg9[%dma_wait3A_480, %dma_wait3A_481] : memref<10240x64xf32, #tpu.memory_space<vmem_shared>> -> memref<10240x64xf32, #tpu.memory_space<vmem_shared>>
    tpu.wait_indirect_dma semaphore(%arg19 : memref<!tpu.dma_semaphore, #tpu.memory_space<semaphore_mem>>) src(%arg14 : memref<500x64xf32, #tpu.memory_space<vmem>>) dst(%dma_wait3A_482 : memref<10240x64xf32, #tpu.memory_space<vmem_shared>>)
    %dma_wait3A_483 = arith.constant 11 : i32
    %dma_wait3A_484 = arith.constant 0 : i32
    %dma_wait3A_485 = tpu.memref_slice %arg12[%dma_wait3A_483, %dma_wait3A_484] : memref<20x500xi32, #tpu.memory_space<vmem>> -> memref<1x500xi32, #tpu.memory_space<vmem>>
    %dma_wait3A_486 = tpu.memref_squeeze %dma_wait3A_485 : memref<1x500xi32, #tpu.memory_space<vmem>> -> memref<500xi32, #tpu.memory_space<vmem>>
    %dma_wait3A_487 = arith.constant 0 : i32
    %dma_wait3A_488 = tpu.memref_slice %arg10[%dma_wait3A_487] : memref<10240xf32, #tpu.memory_space<vmem_shared>> -> memref<10240xf32, #tpu.memory_space<vmem_shared>>
    tpu.wait_indirect_dma semaphore(%arg20 : memref<!tpu.dma_semaphore, #tpu.memory_space<semaphore_mem>>) src(%arg15 : memref<500xf32, #tpu.memory_space<vmem>>) dst(%dma_wait3A_488 : memref<10240xf32, #tpu.memory_space<vmem_shared>>)
    %dma_start3A_489 = arith.constant 13 : i32
    %dma_start3A_490 = arith.constant 0 : i32
    %dma_start3A_491 = tpu.memref_slice %arg11[%dma_start3A_489, %dma_start3A_490] : memref<20x500xi32, #tpu.memory_space<vmem>> -> memref<1x500xi32, #tpu.memory_space<vmem>>
    %dma_start3A_492 = tpu.memref_squeeze %dma_start3A_491 : memref<1x500xi32, #tpu.memory_space<vmem>> -> memref<500xi32, #tpu.memory_space<vmem>>
    %dma_start3A_493 = arith.constant 0 : i32
    %dma_start3A_494 = arith.constant 0 : i32
    %dma_start3A_495 = tpu.memref_slice %arg2[%dma_start3A_493, %dma_start3A_494] : memref<10000x64xf32, #tpu.memory_space<hbm>> -> memref<10000x64xf32, #tpu.memory_space<hbm>>
    tpu.enqueue_indirect_dma source(%dma_start3A_495 : memref<10000x64xf32, #tpu.memory_space<hbm>>) target(%arg14 : memref<500x64xf32, #tpu.memory_space<vmem>>) offsets(%dma_start3A_492 : memref<500xi32, #tpu.memory_space<vmem>>) semaphore(%arg17 : memref<!tpu.dma_semaphore, #tpu.memory_space<semaphore_mem>>)
    %dma_wait3A_496 = arith.constant 12 : i32
    %dma_wait3A_497 = arith.constant 0 : i32
    %dma_wait3A_498 = tpu.memref_slice %arg11[%dma_wait3A_496, %dma_wait3A_497] : memref<20x500xi32, #tpu.memory_space<vmem>> -> memref<1x500xi32, #tpu.memory_space<vmem>>
    %dma_wait3A_499 = tpu.memref_squeeze %dma_wait3A_498 : memref<1x500xi32, #tpu.memory_space<vmem>> -> memref<500xi32, #tpu.memory_space<vmem>>
    %dma_wait3A_500 = arith.constant 0 : i32
    %dma_wait3A_501 = arith.constant 0 : i32
    %dma_wait3A_502 = tpu.memref_slice %arg2[%dma_wait3A_500, %dma_wait3A_501] : memref<10000x64xf32, #tpu.memory_space<hbm>> -> memref<10000x64xf32, #tpu.memory_space<hbm>>
    tpu.wait_indirect_dma semaphore(%arg16 : memref<!tpu.dma_semaphore, #tpu.memory_space<semaphore_mem>>) src(%dma_wait3A_502 : memref<10000x64xf32, #tpu.memory_space<hbm>>) dst(%arg13 : memref<500x64xf32, #tpu.memory_space<vmem>>)
    %dma_start3A_503 = arith.constant 12 : i32
    %dma_start3A_504 = arith.constant 0 : i32
    %dma_start3A_505 = tpu.memref_slice %arg12[%dma_start3A_503, %dma_start3A_504] : memref<20x500xi32, #tpu.memory_space<vmem>> -> memref<1x500xi32, #tpu.memory_space<vmem>>
    %dma_start3A_506 = tpu.memref_squeeze %dma_start3A_505 : memref<1x500xi32, #tpu.memory_space<vmem>> -> memref<500xi32, #tpu.memory_space<vmem>>
    %dma_start3A_507 = arith.constant 0 : i32
    %dma_start3A_508 = tpu.memref_slice %arg10[%dma_start3A_507] : memref<10240xf32, #tpu.memory_space<vmem_shared>> -> memref<10240xf32, #tpu.memory_space<vmem_shared>>
    tpu.enqueue_indirect_dma source(%arg15 : memref<500xf32, #tpu.memory_space<vmem>>) target(%dma_start3A_508 : memref<10240xf32, #tpu.memory_space<vmem_shared>>) offsets(%dma_start3A_506 : memref<500xi32, #tpu.memory_space<vmem>>) semaphore(%arg20 : memref<!tpu.dma_semaphore, #tpu.memory_space<semaphore_mem>>) {add = true}
    %dma_start3A_509 = arith.constant 12 : i32
    %dma_start3A_510 = arith.constant 0 : i32
    %dma_start3A_511 = tpu.memref_slice %arg12[%dma_start3A_509, %dma_start3A_510] : memref<20x500xi32, #tpu.memory_space<vmem>> -> memref<1x500xi32, #tpu.memory_space<vmem>>
    %dma_start3A_512 = tpu.memref_squeeze %dma_start3A_511 : memref<1x500xi32, #tpu.memory_space<vmem>> -> memref<500xi32, #tpu.memory_space<vmem>>
    %dma_start3A_513 = arith.constant 0 : i32
    %dma_start3A_514 = arith.constant 0 : i32
    %dma_start3A_515 = tpu.memref_slice %arg9[%dma_start3A_513, %dma_start3A_514] : memref<10240x64xf32, #tpu.memory_space<vmem_shared>> -> memref<10240x64xf32, #tpu.memory_space<vmem_shared>>
    tpu.enqueue_indirect_dma source(%arg13 : memref<500x64xf32, #tpu.memory_space<vmem>>) target(%dma_start3A_515 : memref<10240x64xf32, #tpu.memory_space<vmem_shared>>) offsets(%dma_start3A_512 : memref<500xi32, #tpu.memory_space<vmem>>) semaphore(%arg18 : memref<!tpu.dma_semaphore, #tpu.memory_space<semaphore_mem>>) {add = true}
    %dma_wait3A_516 = arith.constant 12 : i32
    %dma_wait3A_517 = arith.constant 0 : i32
    %dma_wait3A_518 = tpu.memref_slice %arg12[%dma_wait3A_516, %dma_wait3A_517] : memref<20x500xi32, #tpu.memory_space<vmem>> -> memref<1x500xi32, #tpu.memory_space<vmem>>
    %dma_wait3A_519 = tpu.memref_squeeze %dma_wait3A_518 : memref<1x500xi32, #tpu.memory_space<vmem>> -> memref<500xi32, #tpu.memory_space<vmem>>
    %dma_wait3A_520 = arith.constant 0 : i32
    %dma_wait3A_521 = arith.constant 0 : i32
    %dma_wait3A_522 = tpu.memref_slice %arg9[%dma_wait3A_520, %dma_wait3A_521] : memref<10240x64xf32, #tpu.memory_space<vmem_shared>> -> memref<10240x64xf32, #tpu.memory_space<vmem_shared>>
    tpu.wait_indirect_dma semaphore(%arg18 : memref<!tpu.dma_semaphore, #tpu.memory_space<semaphore_mem>>) src(%arg13 : memref<500x64xf32, #tpu.memory_space<vmem>>) dst(%dma_wait3A_522 : memref<10240x64xf32, #tpu.memory_space<vmem_shared>>)
    %dma_wait3A_523 = arith.constant 12 : i32
    %dma_wait3A_524 = arith.constant 0 : i32
    %dma_wait3A_525 = tpu.memref_slice %arg12[%dma_wait3A_523, %dma_wait3A_524] : memref<20x500xi32, #tpu.memory_space<vmem>> -> memref<1x500xi32, #tpu.memory_space<vmem>>
    %dma_wait3A_526 = tpu.memref_squeeze %dma_wait3A_525 : memref<1x500xi32, #tpu.memory_space<vmem>> -> memref<500xi32, #tpu.memory_space<vmem>>
    %dma_wait3A_527 = arith.constant 0 : i32
    %dma_wait3A_528 = tpu.memref_slice %arg10[%dma_wait3A_527] : memref<10240xf32, #tpu.memory_space<vmem_shared>> -> memref<10240xf32, #tpu.memory_space<vmem_shared>>
    tpu.wait_indirect_dma semaphore(%arg20 : memref<!tpu.dma_semaphore, #tpu.memory_space<semaphore_mem>>) src(%arg15 : memref<500xf32, #tpu.memory_space<vmem>>) dst(%dma_wait3A_528 : memref<10240xf32, #tpu.memory_space<vmem_shared>>)
    %dma_start3A_529 = arith.constant 14 : i32
    %dma_start3A_530 = arith.constant 0 : i32
    %dma_start3A_531 = tpu.memref_slice %arg11[%dma_start3A_529, %dma_start3A_530] : memref<20x500xi32, #tpu.memory_space<vmem>> -> memref<1x500xi32, #tpu.memory_space<vmem>>
    %dma_start3A_532 = tpu.memref_squeeze %dma_start3A_531 : memref<1x500xi32, #tpu.memory_space<vmem>> -> memref<500xi32, #tpu.memory_space<vmem>>
    %dma_start3A_533 = arith.constant 0 : i32
    %dma_start3A_534 = arith.constant 0 : i32
    %dma_start3A_535 = tpu.memref_slice %arg2[%dma_start3A_533, %dma_start3A_534] : memref<10000x64xf32, #tpu.memory_space<hbm>> -> memref<10000x64xf32, #tpu.memory_space<hbm>>
    tpu.enqueue_indirect_dma source(%dma_start3A_535 : memref<10000x64xf32, #tpu.memory_space<hbm>>) target(%arg13 : memref<500x64xf32, #tpu.memory_space<vmem>>) offsets(%dma_start3A_532 : memref<500xi32, #tpu.memory_space<vmem>>) semaphore(%arg16 : memref<!tpu.dma_semaphore, #tpu.memory_space<semaphore_mem>>)
    %dma_wait3A_536 = arith.constant 13 : i32
    %dma_wait3A_537 = arith.constant 0 : i32
    %dma_wait3A_538 = tpu.memref_slice %arg11[%dma_wait3A_536, %dma_wait3A_537] : memref<20x500xi32, #tpu.memory_space<vmem>> -> memref<1x500xi32, #tpu.memory_space<vmem>>
    %dma_wait3A_539 = tpu.memref_squeeze %dma_wait3A_538 : memref<1x500xi32, #tpu.memory_space<vmem>> -> memref<500xi32, #tpu.memory_space<vmem>>
    %dma_wait3A_540 = arith.constant 0 : i32
    %dma_wait3A_541 = arith.constant 0 : i32
    %dma_wait3A_542 = tpu.memref_slice %arg2[%dma_wait3A_540, %dma_wait3A_541] : memref<10000x64xf32, #tpu.memory_space<hbm>> -> memref<10000x64xf32, #tpu.memory_space<hbm>>
    tpu.wait_indirect_dma semaphore(%arg17 : memref<!tpu.dma_semaphore, #tpu.memory_space<semaphore_mem>>) src(%dma_wait3A_542 : memref<10000x64xf32, #tpu.memory_space<hbm>>) dst(%arg14 : memref<500x64xf32, #tpu.memory_space<vmem>>)
    %dma_start3A_543 = arith.constant 13 : i32
    %dma_start3A_544 = arith.constant 0 : i32
    %dma_start3A_545 = tpu.memref_slice %arg12[%dma_start3A_543, %dma_start3A_544] : memref<20x500xi32, #tpu.memory_space<vmem>> -> memref<1x500xi32, #tpu.memory_space<vmem>>
    %dma_start3A_546 = tpu.memref_squeeze %dma_start3A_545 : memref<1x500xi32, #tpu.memory_space<vmem>> -> memref<500xi32, #tpu.memory_space<vmem>>
    %dma_start3A_547 = arith.constant 0 : i32
    %dma_start3A_548 = tpu.memref_slice %arg10[%dma_start3A_547] : memref<10240xf32, #tpu.memory_space<vmem_shared>> -> memref<10240xf32, #tpu.memory_space<vmem_shared>>
    tpu.enqueue_indirect_dma source(%arg15 : memref<500xf32, #tpu.memory_space<vmem>>) target(%dma_start3A_548 : memref<10240xf32, #tpu.memory_space<vmem_shared>>) offsets(%dma_start3A_546 : memref<500xi32, #tpu.memory_space<vmem>>) semaphore(%arg20 : memref<!tpu.dma_semaphore, #tpu.memory_space<semaphore_mem>>) {add = true}
    %dma_start3A_549 = arith.constant 13 : i32
    %dma_start3A_550 = arith.constant 0 : i32
    %dma_start3A_551 = tpu.memref_slice %arg12[%dma_start3A_549, %dma_start3A_550] : memref<20x500xi32, #tpu.memory_space<vmem>> -> memref<1x500xi32, #tpu.memory_space<vmem>>
    %dma_start3A_552 = tpu.memref_squeeze %dma_start3A_551 : memref<1x500xi32, #tpu.memory_space<vmem>> -> memref<500xi32, #tpu.memory_space<vmem>>
    %dma_start3A_553 = arith.constant 0 : i32
    %dma_start3A_554 = arith.constant 0 : i32
    %dma_start3A_555 = tpu.memref_slice %arg9[%dma_start3A_553, %dma_start3A_554] : memref<10240x64xf32, #tpu.memory_space<vmem_shared>> -> memref<10240x64xf32, #tpu.memory_space<vmem_shared>>
    tpu.enqueue_indirect_dma source(%arg14 : memref<500x64xf32, #tpu.memory_space<vmem>>) target(%dma_start3A_555 : memref<10240x64xf32, #tpu.memory_space<vmem_shared>>) offsets(%dma_start3A_552 : memref<500xi32, #tpu.memory_space<vmem>>) semaphore(%arg19 : memref<!tpu.dma_semaphore, #tpu.memory_space<semaphore_mem>>) {add = true}
    %dma_wait3A_556 = arith.constant 13 : i32
    %dma_wait3A_557 = arith.constant 0 : i32
    %dma_wait3A_558 = tpu.memref_slice %arg12[%dma_wait3A_556, %dma_wait3A_557] : memref<20x500xi32, #tpu.memory_space<vmem>> -> memref<1x500xi32, #tpu.memory_space<vmem>>
    %dma_wait3A_559 = tpu.memref_squeeze %dma_wait3A_558 : memref<1x500xi32, #tpu.memory_space<vmem>> -> memref<500xi32, #tpu.memory_space<vmem>>
    %dma_wait3A_560 = arith.constant 0 : i32
    %dma_wait3A_561 = arith.constant 0 : i32
    %dma_wait3A_562 = tpu.memref_slice %arg9[%dma_wait3A_560, %dma_wait3A_561] : memref<10240x64xf32, #tpu.memory_space<vmem_shared>> -> memref<10240x64xf32, #tpu.memory_space<vmem_shared>>
    tpu.wait_indirect_dma semaphore(%arg19 : memref<!tpu.dma_semaphore, #tpu.memory_space<semaphore_mem>>) src(%arg14 : memref<500x64xf32, #tpu.memory_space<vmem>>) dst(%dma_wait3A_562 : memref<10240x64xf32, #tpu.memory_space<vmem_shared>>)
    %dma_wait3A_563 = arith.constant 13 : i32
    %dma_wait3A_564 = arith.constant 0 : i32
    %dma_wait3A_565 = tpu.memref_slice %arg12[%dma_wait3A_563, %dma_wait3A_564] : memref<20x500xi32, #tpu.memory_space<vmem>> -> memref<1x500xi32, #tpu.memory_space<vmem>>
    %dma_wait3A_566 = tpu.memref_squeeze %dma_wait3A_565 : memref<1x500xi32, #tpu.memory_space<vmem>> -> memref<500xi32, #tpu.memory_space<vmem>>
    %dma_wait3A_567 = arith.constant 0 : i32
    %dma_wait3A_568 = tpu.memref_slice %arg10[%dma_wait3A_567] : memref<10240xf32, #tpu.memory_space<vmem_shared>> -> memref<10240xf32, #tpu.memory_space<vmem_shared>>
    tpu.wait_indirect_dma semaphore(%arg20 : memref<!tpu.dma_semaphore, #tpu.memory_space<semaphore_mem>>) src(%arg15 : memref<500xf32, #tpu.memory_space<vmem>>) dst(%dma_wait3A_568 : memref<10240xf32, #tpu.memory_space<vmem_shared>>)
    %dma_start3A_569 = arith.constant 15 : i32
    %dma_start3A_570 = arith.constant 0 : i32
    %dma_start3A_571 = tpu.memref_slice %arg11[%dma_start3A_569, %dma_start3A_570] : memref<20x500xi32, #tpu.memory_space<vmem>> -> memref<1x500xi32, #tpu.memory_space<vmem>>
    %dma_start3A_572 = tpu.memref_squeeze %dma_start3A_571 : memref<1x500xi32, #tpu.memory_space<vmem>> -> memref<500xi32, #tpu.memory_space<vmem>>
    %dma_start3A_573 = arith.constant 0 : i32
    %dma_start3A_574 = arith.constant 0 : i32
    %dma_start3A_575 = tpu.memref_slice %arg2[%dma_start3A_573, %dma_start3A_574] : memref<10000x64xf32, #tpu.memory_space<hbm>> -> memref<10000x64xf32, #tpu.memory_space<hbm>>
    tpu.enqueue_indirect_dma source(%dma_start3A_575 : memref<10000x64xf32, #tpu.memory_space<hbm>>) target(%arg14 : memref<500x64xf32, #tpu.memory_space<vmem>>) offsets(%dma_start3A_572 : memref<500xi32, #tpu.memory_space<vmem>>) semaphore(%arg17 : memref<!tpu.dma_semaphore, #tpu.memory_space<semaphore_mem>>)
    %dma_wait3A_576 = arith.constant 14 : i32
    %dma_wait3A_577 = arith.constant 0 : i32
    %dma_wait3A_578 = tpu.memref_slice %arg11[%dma_wait3A_576, %dma_wait3A_577] : memref<20x500xi32, #tpu.memory_space<vmem>> -> memref<1x500xi32, #tpu.memory_space<vmem>>
    %dma_wait3A_579 = tpu.memref_squeeze %dma_wait3A_578 : memref<1x500xi32, #tpu.memory_space<vmem>> -> memref<500xi32, #tpu.memory_space<vmem>>
    %dma_wait3A_580 = arith.constant 0 : i32
    %dma_wait3A_581 = arith.constant 0 : i32
    %dma_wait3A_582 = tpu.memref_slice %arg2[%dma_wait3A_580, %dma_wait3A_581] : memref<10000x64xf32, #tpu.memory_space<hbm>> -> memref<10000x64xf32, #tpu.memory_space<hbm>>
    tpu.wait_indirect_dma semaphore(%arg16 : memref<!tpu.dma_semaphore, #tpu.memory_space<semaphore_mem>>) src(%dma_wait3A_582 : memref<10000x64xf32, #tpu.memory_space<hbm>>) dst(%arg13 : memref<500x64xf32, #tpu.memory_space<vmem>>)
    %dma_start3A_583 = arith.constant 14 : i32
    %dma_start3A_584 = arith.constant 0 : i32
    %dma_start3A_585 = tpu.memref_slice %arg12[%dma_start3A_583, %dma_start3A_584] : memref<20x500xi32, #tpu.memory_space<vmem>> -> memref<1x500xi32, #tpu.memory_space<vmem>>
    %dma_start3A_586 = tpu.memref_squeeze %dma_start3A_585 : memref<1x500xi32, #tpu.memory_space<vmem>> -> memref<500xi32, #tpu.memory_space<vmem>>
    %dma_start3A_587 = arith.constant 0 : i32
    %dma_start3A_588 = tpu.memref_slice %arg10[%dma_start3A_587] : memref<10240xf32, #tpu.memory_space<vmem_shared>> -> memref<10240xf32, #tpu.memory_space<vmem_shared>>
    tpu.enqueue_indirect_dma source(%arg15 : memref<500xf32, #tpu.memory_space<vmem>>) target(%dma_start3A_588 : memref<10240xf32, #tpu.memory_space<vmem_shared>>) offsets(%dma_start3A_586 : memref<500xi32, #tpu.memory_space<vmem>>) semaphore(%arg20 : memref<!tpu.dma_semaphore, #tpu.memory_space<semaphore_mem>>) {add = true}
    %dma_start3A_589 = arith.constant 14 : i32
    %dma_start3A_590 = arith.constant 0 : i32
    %dma_start3A_591 = tpu.memref_slice %arg12[%dma_start3A_589, %dma_start3A_590] : memref<20x500xi32, #tpu.memory_space<vmem>> -> memref<1x500xi32, #tpu.memory_space<vmem>>
    %dma_start3A_592 = tpu.memref_squeeze %dma_start3A_591 : memref<1x500xi32, #tpu.memory_space<vmem>> -> memref<500xi32, #tpu.memory_space<vmem>>
    %dma_start3A_593 = arith.constant 0 : i32
    %dma_start3A_594 = arith.constant 0 : i32
    %dma_start3A_595 = tpu.memref_slice %arg9[%dma_start3A_593, %dma_start3A_594] : memref<10240x64xf32, #tpu.memory_space<vmem_shared>> -> memref<10240x64xf32, #tpu.memory_space<vmem_shared>>
    tpu.enqueue_indirect_dma source(%arg13 : memref<500x64xf32, #tpu.memory_space<vmem>>) target(%dma_start3A_595 : memref<10240x64xf32, #tpu.memory_space<vmem_shared>>) offsets(%dma_start3A_592 : memref<500xi32, #tpu.memory_space<vmem>>) semaphore(%arg18 : memref<!tpu.dma_semaphore, #tpu.memory_space<semaphore_mem>>) {add = true}
    %dma_wait3A_596 = arith.constant 14 : i32
    %dma_wait3A_597 = arith.constant 0 : i32
    %dma_wait3A_598 = tpu.memref_slice %arg12[%dma_wait3A_596, %dma_wait3A_597] : memref<20x500xi32, #tpu.memory_space<vmem>> -> memref<1x500xi32, #tpu.memory_space<vmem>>
    %dma_wait3A_599 = tpu.memref_squeeze %dma_wait3A_598 : memref<1x500xi32, #tpu.memory_space<vmem>> -> memref<500xi32, #tpu.memory_space<vmem>>
    %dma_wait3A_600 = arith.constant 0 : i32
    %dma_wait3A_601 = arith.constant 0 : i32
    %dma_wait3A_602 = tpu.memref_slice %arg9[%dma_wait3A_600, %dma_wait3A_601] : memref<10240x64xf32, #tpu.memory_space<vmem_shared>> -> memref<10240x64xf32, #tpu.memory_space<vmem_shared>>
    tpu.wait_indirect_dma semaphore(%arg18 : memref<!tpu.dma_semaphore, #tpu.memory_space<semaphore_mem>>) src(%arg13 : memref<500x64xf32, #tpu.memory_space<vmem>>) dst(%dma_wait3A_602 : memref<10240x64xf32, #tpu.memory_space<vmem_shared>>)
    %dma_wait3A_603 = arith.constant 14 : i32
    %dma_wait3A_604 = arith.constant 0 : i32
    %dma_wait3A_605 = tpu.memref_slice %arg12[%dma_wait3A_603, %dma_wait3A_604] : memref<20x500xi32, #tpu.memory_space<vmem>> -> memref<1x500xi32, #tpu.memory_space<vmem>>
    %dma_wait3A_606 = tpu.memref_squeeze %dma_wait3A_605 : memref<1x500xi32, #tpu.memory_space<vmem>> -> memref<500xi32, #tpu.memory_space<vmem>>
    %dma_wait3A_607 = arith.constant 0 : i32
    %dma_wait3A_608 = tpu.memref_slice %arg10[%dma_wait3A_607] : memref<10240xf32, #tpu.memory_space<vmem_shared>> -> memref<10240xf32, #tpu.memory_space<vmem_shared>>
    tpu.wait_indirect_dma semaphore(%arg20 : memref<!tpu.dma_semaphore, #tpu.memory_space<semaphore_mem>>) src(%arg15 : memref<500xf32, #tpu.memory_space<vmem>>) dst(%dma_wait3A_608 : memref<10240xf32, #tpu.memory_space<vmem_shared>>)
    %dma_start3A_609 = arith.constant 16 : i32
    %dma_start3A_610 = arith.constant 0 : i32
    %dma_start3A_611 = tpu.memref_slice %arg11[%dma_start3A_609, %dma_start3A_610] : memref<20x500xi32, #tpu.memory_space<vmem>> -> memref<1x500xi32, #tpu.memory_space<vmem>>
    %dma_start3A_612 = tpu.memref_squeeze %dma_start3A_611 : memref<1x500xi32, #tpu.memory_space<vmem>> -> memref<500xi32, #tpu.memory_space<vmem>>
    %dma_start3A_613 = arith.constant 0 : i32
    %dma_start3A_614 = arith.constant 0 : i32
    %dma_start3A_615 = tpu.memref_slice %arg2[%dma_start3A_613, %dma_start3A_614] : memref<10000x64xf32, #tpu.memory_space<hbm>> -> memref<10000x64xf32, #tpu.memory_space<hbm>>
    tpu.enqueue_indirect_dma source(%dma_start3A_615 : memref<10000x64xf32, #tpu.memory_space<hbm>>) target(%arg13 : memref<500x64xf32, #tpu.memory_space<vmem>>) offsets(%dma_start3A_612 : memref<500xi32, #tpu.memory_space<vmem>>) semaphore(%arg16 : memref<!tpu.dma_semaphore, #tpu.memory_space<semaphore_mem>>)
    %dma_wait3A_616 = arith.constant 15 : i32
    %dma_wait3A_617 = arith.constant 0 : i32
    %dma_wait3A_618 = tpu.memref_slice %arg11[%dma_wait3A_616, %dma_wait3A_617] : memref<20x500xi32, #tpu.memory_space<vmem>> -> memref<1x500xi32, #tpu.memory_space<vmem>>
    %dma_wait3A_619 = tpu.memref_squeeze %dma_wait3A_618 : memref<1x500xi32, #tpu.memory_space<vmem>> -> memref<500xi32, #tpu.memory_space<vmem>>
    %dma_wait3A_620 = arith.constant 0 : i32
    %dma_wait3A_621 = arith.constant 0 : i32
    %dma_wait3A_622 = tpu.memref_slice %arg2[%dma_wait3A_620, %dma_wait3A_621] : memref<10000x64xf32, #tpu.memory_space<hbm>> -> memref<10000x64xf32, #tpu.memory_space<hbm>>
    tpu.wait_indirect_dma semaphore(%arg17 : memref<!tpu.dma_semaphore, #tpu.memory_space<semaphore_mem>>) src(%dma_wait3A_622 : memref<10000x64xf32, #tpu.memory_space<hbm>>) dst(%arg14 : memref<500x64xf32, #tpu.memory_space<vmem>>)
    %dma_start3A_623 = arith.constant 15 : i32
    %dma_start3A_624 = arith.constant 0 : i32
    %dma_start3A_625 = tpu.memref_slice %arg12[%dma_start3A_623, %dma_start3A_624] : memref<20x500xi32, #tpu.memory_space<vmem>> -> memref<1x500xi32, #tpu.memory_space<vmem>>
    %dma_start3A_626 = tpu.memref_squeeze %dma_start3A_625 : memref<1x500xi32, #tpu.memory_space<vmem>> -> memref<500xi32, #tpu.memory_space<vmem>>
    %dma_start3A_627 = arith.constant 0 : i32
    %dma_start3A_628 = tpu.memref_slice %arg10[%dma_start3A_627] : memref<10240xf32, #tpu.memory_space<vmem_shared>> -> memref<10240xf32, #tpu.memory_space<vmem_shared>>
    tpu.enqueue_indirect_dma source(%arg15 : memref<500xf32, #tpu.memory_space<vmem>>) target(%dma_start3A_628 : memref<10240xf32, #tpu.memory_space<vmem_shared>>) offsets(%dma_start3A_626 : memref<500xi32, #tpu.memory_space<vmem>>) semaphore(%arg20 : memref<!tpu.dma_semaphore, #tpu.memory_space<semaphore_mem>>) {add = true}
    %dma_start3A_629 = arith.constant 15 : i32
    %dma_start3A_630 = arith.constant 0 : i32
    %dma_start3A_631 = tpu.memref_slice %arg12[%dma_start3A_629, %dma_start3A_630] : memref<20x500xi32, #tpu.memory_space<vmem>> -> memref<1x500xi32, #tpu.memory_space<vmem>>
    %dma_start3A_632 = tpu.memref_squeeze %dma_start3A_631 : memref<1x500xi32, #tpu.memory_space<vmem>> -> memref<500xi32, #tpu.memory_space<vmem>>
    %dma_start3A_633 = arith.constant 0 : i32
    %dma_start3A_634 = arith.constant 0 : i32
    %dma_start3A_635 = tpu.memref_slice %arg9[%dma_start3A_633, %dma_start3A_634] : memref<10240x64xf32, #tpu.memory_space<vmem_shared>> -> memref<10240x64xf32, #tpu.memory_space<vmem_shared>>
    tpu.enqueue_indirect_dma source(%arg14 : memref<500x64xf32, #tpu.memory_space<vmem>>) target(%dma_start3A_635 : memref<10240x64xf32, #tpu.memory_space<vmem_shared>>) offsets(%dma_start3A_632 : memref<500xi32, #tpu.memory_space<vmem>>) semaphore(%arg19 : memref<!tpu.dma_semaphore, #tpu.memory_space<semaphore_mem>>) {add = true}
    %dma_wait3A_636 = arith.constant 15 : i32
    %dma_wait3A_637 = arith.constant 0 : i32
    %dma_wait3A_638 = tpu.memref_slice %arg12[%dma_wait3A_636, %dma_wait3A_637] : memref<20x500xi32, #tpu.memory_space<vmem>> -> memref<1x500xi32, #tpu.memory_space<vmem>>
    %dma_wait3A_639 = tpu.memref_squeeze %dma_wait3A_638 : memref<1x500xi32, #tpu.memory_space<vmem>> -> memref<500xi32, #tpu.memory_space<vmem>>
    %dma_wait3A_640 = arith.constant 0 : i32
    %dma_wait3A_641 = arith.constant 0 : i32
    %dma_wait3A_642 = tpu.memref_slice %arg9[%dma_wait3A_640, %dma_wait3A_641] : memref<10240x64xf32, #tpu.memory_space<vmem_shared>> -> memref<10240x64xf32, #tpu.memory_space<vmem_shared>>
    tpu.wait_indirect_dma semaphore(%arg19 : memref<!tpu.dma_semaphore, #tpu.memory_space<semaphore_mem>>) src(%arg14 : memref<500x64xf32, #tpu.memory_space<vmem>>) dst(%dma_wait3A_642 : memref<10240x64xf32, #tpu.memory_space<vmem_shared>>)
    %dma_wait3A_643 = arith.constant 15 : i32
    %dma_wait3A_644 = arith.constant 0 : i32
    %dma_wait3A_645 = tpu.memref_slice %arg12[%dma_wait3A_643, %dma_wait3A_644] : memref<20x500xi32, #tpu.memory_space<vmem>> -> memref<1x500xi32, #tpu.memory_space<vmem>>
    %dma_wait3A_646 = tpu.memref_squeeze %dma_wait3A_645 : memref<1x500xi32, #tpu.memory_space<vmem>> -> memref<500xi32, #tpu.memory_space<vmem>>
    %dma_wait3A_647 = arith.constant 0 : i32
    %dma_wait3A_648 = tpu.memref_slice %arg10[%dma_wait3A_647] : memref<10240xf32, #tpu.memory_space<vmem_shared>> -> memref<10240xf32, #tpu.memory_space<vmem_shared>>
    tpu.wait_indirect_dma semaphore(%arg20 : memref<!tpu.dma_semaphore, #tpu.memory_space<semaphore_mem>>) src(%arg15 : memref<500xf32, #tpu.memory_space<vmem>>) dst(%dma_wait3A_648 : memref<10240xf32, #tpu.memory_space<vmem_shared>>)
    %dma_start3A_649 = arith.constant 17 : i32
    %dma_start3A_650 = arith.constant 0 : i32
    %dma_start3A_651 = tpu.memref_slice %arg11[%dma_start3A_649, %dma_start3A_650] : memref<20x500xi32, #tpu.memory_space<vmem>> -> memref<1x500xi32, #tpu.memory_space<vmem>>
    %dma_start3A_652 = tpu.memref_squeeze %dma_start3A_651 : memref<1x500xi32, #tpu.memory_space<vmem>> -> memref<500xi32, #tpu.memory_space<vmem>>
    %dma_start3A_653 = arith.constant 0 : i32
    %dma_start3A_654 = arith.constant 0 : i32
    %dma_start3A_655 = tpu.memref_slice %arg2[%dma_start3A_653, %dma_start3A_654] : memref<10000x64xf32, #tpu.memory_space<hbm>> -> memref<10000x64xf32, #tpu.memory_space<hbm>>
    tpu.enqueue_indirect_dma source(%dma_start3A_655 : memref<10000x64xf32, #tpu.memory_space<hbm>>) target(%arg14 : memref<500x64xf32, #tpu.memory_space<vmem>>) offsets(%dma_start3A_652 : memref<500xi32, #tpu.memory_space<vmem>>) semaphore(%arg17 : memref<!tpu.dma_semaphore, #tpu.memory_space<semaphore_mem>>)
    %dma_wait3A_656 = arith.constant 16 : i32
    %dma_wait3A_657 = arith.constant 0 : i32
    %dma_wait3A_658 = tpu.memref_slice %arg11[%dma_wait3A_656, %dma_wait3A_657] : memref<20x500xi32, #tpu.memory_space<vmem>> -> memref<1x500xi32, #tpu.memory_space<vmem>>
    %dma_wait3A_659 = tpu.memref_squeeze %dma_wait3A_658 : memref<1x500xi32, #tpu.memory_space<vmem>> -> memref<500xi32, #tpu.memory_space<vmem>>
    %dma_wait3A_660 = arith.constant 0 : i32
    %dma_wait3A_661 = arith.constant 0 : i32
    %dma_wait3A_662 = tpu.memref_slice %arg2[%dma_wait3A_660, %dma_wait3A_661] : memref<10000x64xf32, #tpu.memory_space<hbm>> -> memref<10000x64xf32, #tpu.memory_space<hbm>>
    tpu.wait_indirect_dma semaphore(%arg16 : memref<!tpu.dma_semaphore, #tpu.memory_space<semaphore_mem>>) src(%dma_wait3A_662 : memref<10000x64xf32, #tpu.memory_space<hbm>>) dst(%arg13 : memref<500x64xf32, #tpu.memory_space<vmem>>)
    %dma_start3A_663 = arith.constant 16 : i32
    %dma_start3A_664 = arith.constant 0 : i32
    %dma_start3A_665 = tpu.memref_slice %arg12[%dma_start3A_663, %dma_start3A_664] : memref<20x500xi32, #tpu.memory_space<vmem>> -> memref<1x500xi32, #tpu.memory_space<vmem>>
    %dma_start3A_666 = tpu.memref_squeeze %dma_start3A_665 : memref<1x500xi32, #tpu.memory_space<vmem>> -> memref<500xi32, #tpu.memory_space<vmem>>
    %dma_start3A_667 = arith.constant 0 : i32
    %dma_start3A_668 = tpu.memref_slice %arg10[%dma_start3A_667] : memref<10240xf32, #tpu.memory_space<vmem_shared>> -> memref<10240xf32, #tpu.memory_space<vmem_shared>>
    tpu.enqueue_indirect_dma source(%arg15 : memref<500xf32, #tpu.memory_space<vmem>>) target(%dma_start3A_668 : memref<10240xf32, #tpu.memory_space<vmem_shared>>) offsets(%dma_start3A_666 : memref<500xi32, #tpu.memory_space<vmem>>) semaphore(%arg20 : memref<!tpu.dma_semaphore, #tpu.memory_space<semaphore_mem>>) {add = true}
    %dma_start3A_669 = arith.constant 16 : i32
    %dma_start3A_670 = arith.constant 0 : i32
    %dma_start3A_671 = tpu.memref_slice %arg12[%dma_start3A_669, %dma_start3A_670] : memref<20x500xi32, #tpu.memory_space<vmem>> -> memref<1x500xi32, #tpu.memory_space<vmem>>
    %dma_start3A_672 = tpu.memref_squeeze %dma_start3A_671 : memref<1x500xi32, #tpu.memory_space<vmem>> -> memref<500xi32, #tpu.memory_space<vmem>>
    %dma_start3A_673 = arith.constant 0 : i32
    %dma_start3A_674 = arith.constant 0 : i32
    %dma_start3A_675 = tpu.memref_slice %arg9[%dma_start3A_673, %dma_start3A_674] : memref<10240x64xf32, #tpu.memory_space<vmem_shared>> -> memref<10240x64xf32, #tpu.memory_space<vmem_shared>>
    tpu.enqueue_indirect_dma source(%arg13 : memref<500x64xf32, #tpu.memory_space<vmem>>) target(%dma_start3A_675 : memref<10240x64xf32, #tpu.memory_space<vmem_shared>>) offsets(%dma_start3A_672 : memref<500xi32, #tpu.memory_space<vmem>>) semaphore(%arg18 : memref<!tpu.dma_semaphore, #tpu.memory_space<semaphore_mem>>) {add = true}
    %dma_wait3A_676 = arith.constant 16 : i32
    %dma_wait3A_677 = arith.constant 0 : i32
    %dma_wait3A_678 = tpu.memref_slice %arg12[%dma_wait3A_676, %dma_wait3A_677] : memref<20x500xi32, #tpu.memory_space<vmem>> -> memref<1x500xi32, #tpu.memory_space<vmem>>
    %dma_wait3A_679 = tpu.memref_squeeze %dma_wait3A_678 : memref<1x500xi32, #tpu.memory_space<vmem>> -> memref<500xi32, #tpu.memory_space<vmem>>
    %dma_wait3A_680 = arith.constant 0 : i32
    %dma_wait3A_681 = arith.constant 0 : i32
    %dma_wait3A_682 = tpu.memref_slice %arg9[%dma_wait3A_680, %dma_wait3A_681] : memref<10240x64xf32, #tpu.memory_space<vmem_shared>> -> memref<10240x64xf32, #tpu.memory_space<vmem_shared>>
    tpu.wait_indirect_dma semaphore(%arg18 : memref<!tpu.dma_semaphore, #tpu.memory_space<semaphore_mem>>) src(%arg13 : memref<500x64xf32, #tpu.memory_space<vmem>>) dst(%dma_wait3A_682 : memref<10240x64xf32, #tpu.memory_space<vmem_shared>>)
    %dma_wait3A_683 = arith.constant 16 : i32
    %dma_wait3A_684 = arith.constant 0 : i32
    %dma_wait3A_685 = tpu.memref_slice %arg12[%dma_wait3A_683, %dma_wait3A_684] : memref<20x500xi32, #tpu.memory_space<vmem>> -> memref<1x500xi32, #tpu.memory_space<vmem>>
    %dma_wait3A_686 = tpu.memref_squeeze %dma_wait3A_685 : memref<1x500xi32, #tpu.memory_space<vmem>> -> memref<500xi32, #tpu.memory_space<vmem>>
    %dma_wait3A_687 = arith.constant 0 : i32
    %dma_wait3A_688 = tpu.memref_slice %arg10[%dma_wait3A_687] : memref<10240xf32, #tpu.memory_space<vmem_shared>> -> memref<10240xf32, #tpu.memory_space<vmem_shared>>
    tpu.wait_indirect_dma semaphore(%arg20 : memref<!tpu.dma_semaphore, #tpu.memory_space<semaphore_mem>>) src(%arg15 : memref<500xf32, #tpu.memory_space<vmem>>) dst(%dma_wait3A_688 : memref<10240xf32, #tpu.memory_space<vmem_shared>>)
    %dma_start3A_689 = arith.constant 18 : i32
    %dma_start3A_690 = arith.constant 0 : i32
    %dma_start3A_691 = tpu.memref_slice %arg11[%dma_start3A_689, %dma_start3A_690] : memref<20x500xi32, #tpu.memory_space<vmem>> -> memref<1x500xi32, #tpu.memory_space<vmem>>
    %dma_start3A_692 = tpu.memref_squeeze %dma_start3A_691 : memref<1x500xi32, #tpu.memory_space<vmem>> -> memref<500xi32, #tpu.memory_space<vmem>>
    %dma_start3A_693 = arith.constant 0 : i32
    %dma_start3A_694 = arith.constant 0 : i32
    %dma_start3A_695 = tpu.memref_slice %arg2[%dma_start3A_693, %dma_start3A_694] : memref<10000x64xf32, #tpu.memory_space<hbm>> -> memref<10000x64xf32, #tpu.memory_space<hbm>>
    tpu.enqueue_indirect_dma source(%dma_start3A_695 : memref<10000x64xf32, #tpu.memory_space<hbm>>) target(%arg13 : memref<500x64xf32, #tpu.memory_space<vmem>>) offsets(%dma_start3A_692 : memref<500xi32, #tpu.memory_space<vmem>>) semaphore(%arg16 : memref<!tpu.dma_semaphore, #tpu.memory_space<semaphore_mem>>)
    %dma_wait3A_696 = arith.constant 17 : i32
    %dma_wait3A_697 = arith.constant 0 : i32
    %dma_wait3A_698 = tpu.memref_slice %arg11[%dma_wait3A_696, %dma_wait3A_697] : memref<20x500xi32, #tpu.memory_space<vmem>> -> memref<1x500xi32, #tpu.memory_space<vmem>>
    %dma_wait3A_699 = tpu.memref_squeeze %dma_wait3A_698 : memref<1x500xi32, #tpu.memory_space<vmem>> -> memref<500xi32, #tpu.memory_space<vmem>>
    %dma_wait3A_700 = arith.constant 0 : i32
    %dma_wait3A_701 = arith.constant 0 : i32
    %dma_wait3A_702 = tpu.memref_slice %arg2[%dma_wait3A_700, %dma_wait3A_701] : memref<10000x64xf32, #tpu.memory_space<hbm>> -> memref<10000x64xf32, #tpu.memory_space<hbm>>
    tpu.wait_indirect_dma semaphore(%arg17 : memref<!tpu.dma_semaphore, #tpu.memory_space<semaphore_mem>>) src(%dma_wait3A_702 : memref<10000x64xf32, #tpu.memory_space<hbm>>) dst(%arg14 : memref<500x64xf32, #tpu.memory_space<vmem>>)
    %dma_start3A_703 = arith.constant 17 : i32
    %dma_start3A_704 = arith.constant 0 : i32
    %dma_start3A_705 = tpu.memref_slice %arg12[%dma_start3A_703, %dma_start3A_704] : memref<20x500xi32, #tpu.memory_space<vmem>> -> memref<1x500xi32, #tpu.memory_space<vmem>>
    %dma_start3A_706 = tpu.memref_squeeze %dma_start3A_705 : memref<1x500xi32, #tpu.memory_space<vmem>> -> memref<500xi32, #tpu.memory_space<vmem>>
    %dma_start3A_707 = arith.constant 0 : i32
    %dma_start3A_708 = tpu.memref_slice %arg10[%dma_start3A_707] : memref<10240xf32, #tpu.memory_space<vmem_shared>> -> memref<10240xf32, #tpu.memory_space<vmem_shared>>
    tpu.enqueue_indirect_dma source(%arg15 : memref<500xf32, #tpu.memory_space<vmem>>) target(%dma_start3A_708 : memref<10240xf32, #tpu.memory_space<vmem_shared>>) offsets(%dma_start3A_706 : memref<500xi32, #tpu.memory_space<vmem>>) semaphore(%arg20 : memref<!tpu.dma_semaphore, #tpu.memory_space<semaphore_mem>>) {add = true}
    %dma_start3A_709 = arith.constant 17 : i32
    %dma_start3A_710 = arith.constant 0 : i32
    %dma_start3A_711 = tpu.memref_slice %arg12[%dma_start3A_709, %dma_start3A_710] : memref<20x500xi32, #tpu.memory_space<vmem>> -> memref<1x500xi32, #tpu.memory_space<vmem>>
    %dma_start3A_712 = tpu.memref_squeeze %dma_start3A_711 : memref<1x500xi32, #tpu.memory_space<vmem>> -> memref<500xi32, #tpu.memory_space<vmem>>
    %dma_start3A_713 = arith.constant 0 : i32
    %dma_start3A_714 = arith.constant 0 : i32
    %dma_start3A_715 = tpu.memref_slice %arg9[%dma_start3A_713, %dma_start3A_714] : memref<10240x64xf32, #tpu.memory_space<vmem_shared>> -> memref<10240x64xf32, #tpu.memory_space<vmem_shared>>
    tpu.enqueue_indirect_dma source(%arg14 : memref<500x64xf32, #tpu.memory_space<vmem>>) target(%dma_start3A_715 : memref<10240x64xf32, #tpu.memory_space<vmem_shared>>) offsets(%dma_start3A_712 : memref<500xi32, #tpu.memory_space<vmem>>) semaphore(%arg19 : memref<!tpu.dma_semaphore, #tpu.memory_space<semaphore_mem>>) {add = true}
    %dma_wait3A_716 = arith.constant 17 : i32
    %dma_wait3A_717 = arith.constant 0 : i32
    %dma_wait3A_718 = tpu.memref_slice %arg12[%dma_wait3A_716, %dma_wait3A_717] : memref<20x500xi32, #tpu.memory_space<vmem>> -> memref<1x500xi32, #tpu.memory_space<vmem>>
    %dma_wait3A_719 = tpu.memref_squeeze %dma_wait3A_718 : memref<1x500xi32, #tpu.memory_space<vmem>> -> memref<500xi32, #tpu.memory_space<vmem>>
    %dma_wait3A_720 = arith.constant 0 : i32
    %dma_wait3A_721 = arith.constant 0 : i32
    %dma_wait3A_722 = tpu.memref_slice %arg9[%dma_wait3A_720, %dma_wait3A_721] : memref<10240x64xf32, #tpu.memory_space<vmem_shared>> -> memref<10240x64xf32, #tpu.memory_space<vmem_shared>>
    tpu.wait_indirect_dma semaphore(%arg19 : memref<!tpu.dma_semaphore, #tpu.memory_space<semaphore_mem>>) src(%arg14 : memref<500x64xf32, #tpu.memory_space<vmem>>) dst(%dma_wait3A_722 : memref<10240x64xf32, #tpu.memory_space<vmem_shared>>)
    %dma_wait3A_723 = arith.constant 17 : i32
    %dma_wait3A_724 = arith.constant 0 : i32
    %dma_wait3A_725 = tpu.memref_slice %arg12[%dma_wait3A_723, %dma_wait3A_724] : memref<20x500xi32, #tpu.memory_space<vmem>> -> memref<1x500xi32, #tpu.memory_space<vmem>>
    %dma_wait3A_726 = tpu.memref_squeeze %dma_wait3A_725 : memref<1x500xi32, #tpu.memory_space<vmem>> -> memref<500xi32, #tpu.memory_space<vmem>>
    %dma_wait3A_727 = arith.constant 0 : i32
    %dma_wait3A_728 = tpu.memref_slice %arg10[%dma_wait3A_727] : memref<10240xf32, #tpu.memory_space<vmem_shared>> -> memref<10240xf32, #tpu.memory_space<vmem_shared>>
    tpu.wait_indirect_dma semaphore(%arg20 : memref<!tpu.dma_semaphore, #tpu.memory_space<semaphore_mem>>) src(%arg15 : memref<500xf32, #tpu.memory_space<vmem>>) dst(%dma_wait3A_728 : memref<10240xf32, #tpu.memory_space<vmem_shared>>)
    %dma_start3A_729 = arith.constant 19 : i32
    %dma_start3A_730 = arith.constant 0 : i32
    %dma_start3A_731 = tpu.memref_slice %arg11[%dma_start3A_729, %dma_start3A_730] : memref<20x500xi32, #tpu.memory_space<vmem>> -> memref<1x500xi32, #tpu.memory_space<vmem>>
    %dma_start3A_732 = tpu.memref_squeeze %dma_start3A_731 : memref<1x500xi32, #tpu.memory_space<vmem>> -> memref<500xi32, #tpu.memory_space<vmem>>
    %dma_start3A_733 = arith.constant 0 : i32
    %dma_start3A_734 = arith.constant 0 : i32
    %dma_start3A_735 = tpu.memref_slice %arg2[%dma_start3A_733, %dma_start3A_734] : memref<10000x64xf32, #tpu.memory_space<hbm>> -> memref<10000x64xf32, #tpu.memory_space<hbm>>
    tpu.enqueue_indirect_dma source(%dma_start3A_735 : memref<10000x64xf32, #tpu.memory_space<hbm>>) target(%arg14 : memref<500x64xf32, #tpu.memory_space<vmem>>) offsets(%dma_start3A_732 : memref<500xi32, #tpu.memory_space<vmem>>) semaphore(%arg17 : memref<!tpu.dma_semaphore, #tpu.memory_space<semaphore_mem>>)
    %dma_wait3A_736 = arith.constant 18 : i32
    %dma_wait3A_737 = arith.constant 0 : i32
    %dma_wait3A_738 = tpu.memref_slice %arg11[%dma_wait3A_736, %dma_wait3A_737] : memref<20x500xi32, #tpu.memory_space<vmem>> -> memref<1x500xi32, #tpu.memory_space<vmem>>
    %dma_wait3A_739 = tpu.memref_squeeze %dma_wait3A_738 : memref<1x500xi32, #tpu.memory_space<vmem>> -> memref<500xi32, #tpu.memory_space<vmem>>
    %dma_wait3A_740 = arith.constant 0 : i32
    %dma_wait3A_741 = arith.constant 0 : i32
    %dma_wait3A_742 = tpu.memref_slice %arg2[%dma_wait3A_740, %dma_wait3A_741] : memref<10000x64xf32, #tpu.memory_space<hbm>> -> memref<10000x64xf32, #tpu.memory_space<hbm>>
    tpu.wait_indirect_dma semaphore(%arg16 : memref<!tpu.dma_semaphore, #tpu.memory_space<semaphore_mem>>) src(%dma_wait3A_742 : memref<10000x64xf32, #tpu.memory_space<hbm>>) dst(%arg13 : memref<500x64xf32, #tpu.memory_space<vmem>>)
    %dma_start3A_743 = arith.constant 18 : i32
    %dma_start3A_744 = arith.constant 0 : i32
    %dma_start3A_745 = tpu.memref_slice %arg12[%dma_start3A_743, %dma_start3A_744] : memref<20x500xi32, #tpu.memory_space<vmem>> -> memref<1x500xi32, #tpu.memory_space<vmem>>
    %dma_start3A_746 = tpu.memref_squeeze %dma_start3A_745 : memref<1x500xi32, #tpu.memory_space<vmem>> -> memref<500xi32, #tpu.memory_space<vmem>>
    %dma_start3A_747 = arith.constant 0 : i32
    %dma_start3A_748 = tpu.memref_slice %arg10[%dma_start3A_747] : memref<10240xf32, #tpu.memory_space<vmem_shared>> -> memref<10240xf32, #tpu.memory_space<vmem_shared>>
    tpu.enqueue_indirect_dma source(%arg15 : memref<500xf32, #tpu.memory_space<vmem>>) target(%dma_start3A_748 : memref<10240xf32, #tpu.memory_space<vmem_shared>>) offsets(%dma_start3A_746 : memref<500xi32, #tpu.memory_space<vmem>>) semaphore(%arg20 : memref<!tpu.dma_semaphore, #tpu.memory_space<semaphore_mem>>) {add = true}
    %dma_start3A_749 = arith.constant 18 : i32
    %dma_start3A_750 = arith.constant 0 : i32
    %dma_start3A_751 = tpu.memref_slice %arg12[%dma_start3A_749, %dma_start3A_750] : memref<20x500xi32, #tpu.memory_space<vmem>> -> memref<1x500xi32, #tpu.memory_space<vmem>>
    %dma_start3A_752 = tpu.memref_squeeze %dma_start3A_751 : memref<1x500xi32, #tpu.memory_space<vmem>> -> memref<500xi32, #tpu.memory_space<vmem>>
    %dma_start3A_753 = arith.constant 0 : i32
    %dma_start3A_754 = arith.constant 0 : i32
    %dma_start3A_755 = tpu.memref_slice %arg9[%dma_start3A_753, %dma_start3A_754] : memref<10240x64xf32, #tpu.memory_space<vmem_shared>> -> memref<10240x64xf32, #tpu.memory_space<vmem_shared>>
    tpu.enqueue_indirect_dma source(%arg13 : memref<500x64xf32, #tpu.memory_space<vmem>>) target(%dma_start3A_755 : memref<10240x64xf32, #tpu.memory_space<vmem_shared>>) offsets(%dma_start3A_752 : memref<500xi32, #tpu.memory_space<vmem>>) semaphore(%arg18 : memref<!tpu.dma_semaphore, #tpu.memory_space<semaphore_mem>>) {add = true}
    %dma_wait3A_756 = arith.constant 19 : i32
    %dma_wait3A_757 = arith.constant 0 : i32
    %dma_wait3A_758 = tpu.memref_slice %arg11[%dma_wait3A_756, %dma_wait3A_757] : memref<20x500xi32, #tpu.memory_space<vmem>> -> memref<1x500xi32, #tpu.memory_space<vmem>>
    %dma_wait3A_759 = tpu.memref_squeeze %dma_wait3A_758 : memref<1x500xi32, #tpu.memory_space<vmem>> -> memref<500xi32, #tpu.memory_space<vmem>>
    %dma_wait3A_760 = arith.constant 0 : i32
    %dma_wait3A_761 = arith.constant 0 : i32
    %dma_wait3A_762 = tpu.memref_slice %arg2[%dma_wait3A_760, %dma_wait3A_761] : memref<10000x64xf32, #tpu.memory_space<hbm>> -> memref<10000x64xf32, #tpu.memory_space<hbm>>
    tpu.wait_indirect_dma semaphore(%arg17 : memref<!tpu.dma_semaphore, #tpu.memory_space<semaphore_mem>>) src(%dma_wait3A_762 : memref<10000x64xf32, #tpu.memory_space<hbm>>) dst(%arg14 : memref<500x64xf32, #tpu.memory_space<vmem>>)
    %dma_start3A_763 = arith.constant 19 : i32
    %dma_start3A_764 = arith.constant 0 : i32
    %dma_start3A_765 = tpu.memref_slice %arg12[%dma_start3A_763, %dma_start3A_764] : memref<20x500xi32, #tpu.memory_space<vmem>> -> memref<1x500xi32, #tpu.memory_space<vmem>>
    %dma_start3A_766 = tpu.memref_squeeze %dma_start3A_765 : memref<1x500xi32, #tpu.memory_space<vmem>> -> memref<500xi32, #tpu.memory_space<vmem>>
    %dma_start3A_767 = arith.constant 0 : i32
    %dma_start3A_768 = tpu.memref_slice %arg10[%dma_start3A_767] : memref<10240xf32, #tpu.memory_space<vmem_shared>> -> memref<10240xf32, #tpu.memory_space<vmem_shared>>
    tpu.enqueue_indirect_dma source(%arg15 : memref<500xf32, #tpu.memory_space<vmem>>) target(%dma_start3A_768 : memref<10240xf32, #tpu.memory_space<vmem_shared>>) offsets(%dma_start3A_766 : memref<500xi32, #tpu.memory_space<vmem>>) semaphore(%arg20 : memref<!tpu.dma_semaphore, #tpu.memory_space<semaphore_mem>>) {add = true}
    %dma_start3A_769 = arith.constant 19 : i32
    %dma_start3A_770 = arith.constant 0 : i32
    %dma_start3A_771 = tpu.memref_slice %arg12[%dma_start3A_769, %dma_start3A_770] : memref<20x500xi32, #tpu.memory_space<vmem>> -> memref<1x500xi32, #tpu.memory_space<vmem>>
    %dma_start3A_772 = tpu.memref_squeeze %dma_start3A_771 : memref<1x500xi32, #tpu.memory_space<vmem>> -> memref<500xi32, #tpu.memory_space<vmem>>
    %dma_start3A_773 = arith.constant 0 : i32
    %dma_start3A_774 = arith.constant 0 : i32
    %dma_start3A_775 = tpu.memref_slice %arg9[%dma_start3A_773, %dma_start3A_774] : memref<10240x64xf32, #tpu.memory_space<vmem_shared>> -> memref<10240x64xf32, #tpu.memory_space<vmem_shared>>
    tpu.enqueue_indirect_dma source(%arg14 : memref<500x64xf32, #tpu.memory_space<vmem>>) target(%dma_start3A_775 : memref<10240x64xf32, #tpu.memory_space<vmem_shared>>) offsets(%dma_start3A_772 : memref<500xi32, #tpu.memory_space<vmem>>) semaphore(%arg19 : memref<!tpu.dma_semaphore, #tpu.memory_space<semaphore_mem>>) {add = true}
    %dma_wait3A_776 = arith.constant 19 : i32
    %dma_wait3A_777 = arith.constant 0 : i32
    %dma_wait3A_778 = tpu.memref_slice %arg12[%dma_wait3A_776, %dma_wait3A_777] : memref<20x500xi32, #tpu.memory_space<vmem>> -> memref<1x500xi32, #tpu.memory_space<vmem>>
    %dma_wait3A_779 = tpu.memref_squeeze %dma_wait3A_778 : memref<1x500xi32, #tpu.memory_space<vmem>> -> memref<500xi32, #tpu.memory_space<vmem>>
    %dma_wait3A_780 = arith.constant 0 : i32
    %dma_wait3A_781 = arith.constant 0 : i32
    %dma_wait3A_782 = tpu.memref_slice %arg9[%dma_wait3A_780, %dma_wait3A_781] : memref<10240x64xf32, #tpu.memory_space<vmem_shared>> -> memref<10240x64xf32, #tpu.memory_space<vmem_shared>>
    tpu.wait_indirect_dma semaphore(%arg19 : memref<!tpu.dma_semaphore, #tpu.memory_space<semaphore_mem>>) src(%arg14 : memref<500x64xf32, #tpu.memory_space<vmem>>) dst(%dma_wait3A_782 : memref<10240x64xf32, #tpu.memory_space<vmem_shared>>)
    %dma_wait3A_783 = arith.constant 19 : i32
    %dma_wait3A_784 = arith.constant 0 : i32
    %dma_wait3A_785 = tpu.memref_slice %arg12[%dma_wait3A_783, %dma_wait3A_784] : memref<20x500xi32, #tpu.memory_space<vmem>> -> memref<1x500xi32, #tpu.memory_space<vmem>>
    %dma_wait3A_786 = tpu.memref_squeeze %dma_wait3A_785 : memref<1x500xi32, #tpu.memory_space<vmem>> -> memref<500xi32, #tpu.memory_space<vmem>>
    %dma_wait3A_787 = arith.constant 0 : i32
    %dma_wait3A_788 = tpu.memref_slice %arg10[%dma_wait3A_787] : memref<10240xf32, #tpu.memory_space<vmem_shared>> -> memref<10240xf32, #tpu.memory_space<vmem_shared>>
    tpu.wait_indirect_dma semaphore(%arg20 : memref<!tpu.dma_semaphore, #tpu.memory_space<semaphore_mem>>) src(%arg15 : memref<500xf32, #tpu.memory_space<vmem>>) dst(%dma_wait3A_788 : memref<10240xf32, #tpu.memory_space<vmem_shared>>)
    %dma_wait3A_789 = arith.constant 18 : i32
    %dma_wait3A_790 = arith.constant 0 : i32
    %dma_wait3A_791 = tpu.memref_slice %arg12[%dma_wait3A_789, %dma_wait3A_790] : memref<20x500xi32, #tpu.memory_space<vmem>> -> memref<1x500xi32, #tpu.memory_space<vmem>>
    %dma_wait3A_792 = tpu.memref_squeeze %dma_wait3A_791 : memref<1x500xi32, #tpu.memory_space<vmem>> -> memref<500xi32, #tpu.memory_space<vmem>>
    %dma_wait3A_793 = arith.constant 0 : i32
    %dma_wait3A_794 = arith.constant 0 : i32
    %dma_wait3A_795 = tpu.memref_slice %arg9[%dma_wait3A_793, %dma_wait3A_794] : memref<10240x64xf32, #tpu.memory_space<vmem_shared>> -> memref<10240x64xf32, #tpu.memory_space<vmem_shared>>
    tpu.wait_indirect_dma semaphore(%arg18 : memref<!tpu.dma_semaphore, #tpu.memory_space<semaphore_mem>>) src(%arg13 : memref<500x64xf32, #tpu.memory_space<vmem>>) dst(%dma_wait3A_795 : memref<10240x64xf32, #tpu.memory_space<vmem_shared>>)
    %dma_wait3A_796 = arith.constant 18 : i32
    %dma_wait3A_797 = arith.constant 0 : i32
    %dma_wait3A_798 = tpu.memref_slice %arg12[%dma_wait3A_796, %dma_wait3A_797] : memref<20x500xi32, #tpu.memory_space<vmem>> -> memref<1x500xi32, #tpu.memory_space<vmem>>
    %dma_wait3A_799 = tpu.memref_squeeze %dma_wait3A_798 : memref<1x500xi32, #tpu.memory_space<vmem>> -> memref<500xi32, #tpu.memory_space<vmem>>
    %dma_wait3A_800 = arith.constant 0 : i32
    %dma_wait3A_801 = tpu.memref_slice %arg10[%dma_wait3A_800] : memref<10240xf32, #tpu.memory_space<vmem_shared>> -> memref<10240xf32, #tpu.memory_space<vmem_shared>>
    tpu.wait_indirect_dma semaphore(%arg20 : memref<!tpu.dma_semaphore, #tpu.memory_space<semaphore_mem>>) src(%arg15 : memref<500xf32, #tpu.memory_space<vmem>>) dst(%dma_wait3A_801 : memref<10240xf32, #tpu.memory_space<vmem_shared>>)
    %barrier3A_802 = arith.constant 0 : index
    tpu.barrier barrier_id(%barrier3A_802)
    "tpu.region"() ({
      %run_scoped3A_803 = tpu.sem_alloc : memref<!tpu.dma_semaphore, #tpu.memory_space<semaphore_mem>>
      %dma_start3A_804 = arith.constant 0 : i32
      %dma_start3A_805 = tpu.memref_slice %arg7[%arg0, %multiple_of3A, %dma_start3A_804] : memref<2x10240x64xf32, #tpu.memory_space<hbm>> -> memref<1x640x64xf32, #tpu.memory_space<hbm>>
      %dma_start3A_806 = tpu.memref_squeeze %dma_start3A_805 : memref<1x640x64xf32, #tpu.memory_space<hbm>> -> memref<640x64xf32, #tpu.memory_space<hbm>>
      %dma_start3A_807 = arith.constant 0 : i32
      %dma_start3A_808 = tpu.memref_slice %arg9[%multiple_of3A, %dma_start3A_807] : memref<10240x64xf32, #tpu.memory_space<vmem_shared>> -> memref<640x64xf32, #tpu.memory_space<vmem_shared>>
      tpu.enqueue_dma source(%dma_start3A_808 : memref<640x64xf32, #tpu.memory_space<vmem_shared>>) target(%dma_start3A_806 : memref<640x64xf32, #tpu.memory_space<hbm>>) target_semaphore(%run_scoped3A_803 : memref<!tpu.dma_semaphore, #tpu.memory_space<semaphore_mem>>)
      %dma_wait3A_809 = arith.constant 0 : i32
      %dma_wait3A_810 = tpu.memref_slice %arg7[%arg0, %multiple_of3A, %dma_wait3A_809] : memref<2x10240x64xf32, #tpu.memory_space<hbm>> -> memref<1x640x64xf32, #tpu.memory_space<hbm>>
      %dma_wait3A_811 = tpu.memref_squeeze %dma_wait3A_810 : memref<1x640x64xf32, #tpu.memory_space<hbm>> -> memref<640x64xf32, #tpu.memory_space<hbm>>
      %dma_wait3A_812 = arith.constant 0 : i32
      %dma_wait3A_813 = tpu.memref_slice %arg9[%multiple_of3A, %dma_wait3A_812] : memref<10240x64xf32, #tpu.memory_space<vmem_shared>> -> memref<640x64xf32, #tpu.memory_space<vmem_shared>>
      tpu.wait_dma2 semaphore(%run_scoped3A_803 : memref<!tpu.dma_semaphore, #tpu.memory_space<semaphore_mem>>) src(%dma_wait3A_813 : memref<640x64xf32, #tpu.memory_space<vmem_shared>>) dst(%dma_wait3A_811 : memref<640x64xf32, #tpu.memory_space<hbm>>)
      tpu.yield
    }) : () -> ()
    "tpu.region"() ({
      %run_scoped3A_803 = tpu.sem_alloc : memref<!tpu.dma_semaphore, #tpu.memory_space<semaphore_mem>>
      %dma_start3A_804 = tpu.memref_slice %arg8[%arg0, %multiple_of3A] : memref<2x10240xf32, #tpu.memory_space<hbm>> -> memref<1x640xf32, #tpu.memory_space<hbm>>
      %dma_start3A_805 = tpu.memref_squeeze %dma_start3A_804 : memref<1x640xf32, #tpu.memory_space<hbm>> -> memref<640xf32, #tpu.memory_space<hbm>>
      %dma_start3A_806 = tpu.memref_slice %arg10[%multiple_of3A] : memref<10240xf32, #tpu.memory_space<vmem_shared>> -> memref<640xf32, #tpu.memory_space<vmem_shared>>
      tpu.enqueue_dma source(%dma_start3A_806 : memref<640xf32, #tpu.memory_space<vmem_shared>>) target(%dma_start3A_805 : memref<640xf32, #tpu.memory_space<hbm>>) target_semaphore(%run_scoped3A_803 : memref<!tpu.dma_semaphore, #tpu.memory_space<semaphore_mem>>)
      %dma_wait3A_807 = tpu.memref_slice %arg8[%arg0, %multiple_of3A] : memref<2x10240xf32, #tpu.memory_space<hbm>> -> memref<1x640xf32, #tpu.memory_space<hbm>>
      %dma_wait3A_808 = tpu.memref_squeeze %dma_wait3A_807 : memref<1x640xf32, #tpu.memory_space<hbm>> -> memref<640xf32, #tpu.memory_space<hbm>>
      %dma_wait3A_809 = tpu.memref_slice %arg10[%multiple_of3A] : memref<10240xf32, #tpu.memory_space<vmem_shared>> -> memref<640xf32, #tpu.memory_space<vmem_shared>>
      tpu.wait_dma2 semaphore(%run_scoped3A_803 : memref<!tpu.dma_semaphore, #tpu.memory_space<semaphore_mem>>) src(%dma_wait3A_809 : memref<640xf32, #tpu.memory_space<vmem_shared>>) dst(%dma_wait3A_808 : memref<640xf32, #tpu.memory_space<hbm>>)
      tpu.yield
    }) : () -> ()
    return
  }
}

module attributes {stable_mosaic.version = 14 : i64} {
  func.func @_mm_body(%arg0: i32, %arg1: memref<400x128xf32, #tpu.memory_space<vmem>>, %arg2: memref<4096x128xf32, #tpu.memory_space<vmem>>, %arg3: memref<1x4096xf32, #tpu.memory_space<vmem>>, %arg4: memref<4096x64xf32, #tpu.memory_space<vmem>>, %arg5: memref<400x4096xf32, #tpu.memory_space<vmem>>, %arg6: memref<400x64xf32, #tpu.memory_space<vmem>>) attributes {dimension_semantics = [#tpu.dimension_semantics<arbitrary>], iteration_bounds = array<i64: 25>, scalar_prefetch = 0 : i64, scratch_operands = 0 : i64, tpu.core_type = #tpu.core_type<tc>, window_params = [{transform_indices = @transform_0, window_bounds = array<i64: 400, 128>}, {pipeline_mode = #tpu.pipeline_mode<synchronous>, transform_indices = @transform_1, window_bounds = array<i64: 4096, 128>}, {pipeline_mode = #tpu.pipeline_mode<synchronous>, transform_indices = @transform_2, window_bounds = array<i64: 1, 4096>}, {pipeline_mode = #tpu.pipeline_mode<synchronous>, transform_indices = @transform_3, window_bounds = array<i64: 4096, 64>}, {transform_indices = @transform_4, window_bounds = array<i64: 400, 4096>}, {transform_indices = @transform_5, window_bounds = array<i64: 400, 64>}]} {
    %get3A = arith.constant 0 : index
    %get3A_0 = arith.constant 0 : index
    %get3A_1 = vector.load %arg1[%get3A, %get3A_0] : memref<400x128xf32, #tpu.memory_space<vmem>>, vector<400x128xf32>
    %get3A_2 = arith.constant 0 : index
    %get3A_3 = arith.constant 0 : index
    %get3A_4 = vector.load %arg2[%get3A_2, %get3A_3] : memref<4096x128xf32, #tpu.memory_space<vmem>>, vector<4096x128xf32>
    %dot_general3A = arith.constant dense<0.000000e+00> : vector<400x4096xf32>
    %dot_general3A_5 = tpu.matmul %get3A_1, %get3A_4, %dot_general3A {dimension_numbers = #tpu.dot_dimension_numbers<[1], [1], [0], [0], [0, 0, 1, 0], [], []>, transpose_lhs_hint = false} : vector<400x128xf32>, vector<4096x128xf32>, vector<400x4096xf32> -> vector<400x4096xf32>
    %get3A_6 = arith.constant 0 : index
    %get3A_7 = arith.constant 0 : index
    %get3A_8 = vector.load %arg3[%get3A_6, %get3A_7] : memref<1x4096xf32, #tpu.memory_space<vmem>>, vector<1x4096xf32>
    %add3A = vector.broadcast %get3A_8 : vector<1x4096xf32> to vector<400x4096xf32>
    %add3A_9 = arith.addf %dot_general3A_5, %add3A : vector<400x4096xf32>
    %max3A = arith.constant 0.000000e+00 : f32
    %max3A_10 = vector.broadcast %max3A : f32 to vector<400x4096xf32>
    %max3A_11 = arith.maximumf %add3A_9, %max3A_10 : vector<400x4096xf32>
    %swap3A = arith.constant 0 : index
    %swap3A_12 = arith.constant 0 : index
    %swap3A_13 = vector.load %arg5[%swap3A, %swap3A_12] : memref<400x4096xf32, #tpu.memory_space<vmem>>, vector<400x4096xf32>
    tpu.vector_store %arg5[%swap3A, %swap3A_12], %max3A_11 {strides = array<i32>} : memref<400x4096xf32, #tpu.memory_space<vmem>>, vector<400x4096xf32>,
    %get3A_14 = arith.constant 0 : index
    %get3A_15 = arith.constant 0 : index
    %get3A_16 = vector.load %arg4[%get3A_14, %get3A_15] : memref<4096x64xf32, #tpu.memory_space<vmem>>, vector<4096x64xf32>
    %dot_general3A_17 = arith.constant dense<0.000000e+00> : vector<400x64xf32>
    %dot_general3A_18 = tpu.matmul %max3A_11, %get3A_16, %dot_general3A_17 {dimension_numbers = #tpu.dot_dimension_numbers<[1], [0], [0], [1], [0, 0, 1, 1], [], []>, transpose_lhs_hint = false} : vector<400x4096xf32>, vector<4096x64xf32>, vector<400x64xf32> -> vector<400x64xf32>
    %swap3A_19 = arith.constant 0 : index
    %swap3A_20 = arith.constant 0 : index
    %swap3A_21 = vector.load %arg6[%swap3A_19, %swap3A_20] : memref<400x64xf32, #tpu.memory_space<vmem>>, vector<400x64xf32>
    tpu.vector_store %arg6[%swap3A_19, %swap3A_20], %dot_general3A_18 {strides = array<i32>} : memref<400x64xf32, #tpu.memory_space<vmem>>, vector<400x64xf32>,
    return
  }
  func.func @transform_0(%arg0: i32) -> (i32, i32) {
    %c0_i32 = arith.constant 0 : i32
    %c0_i32_0 = arith.constant 0 : i32
    return %arg0, %c0_i32 : i32, i32
  }
  func.func @transform_1(%arg0: i32) -> (i32, i32) {
    %c0_i32 = arith.constant 0 : i32
    %c0_i32_0 = arith.constant 0 : i32
    %c0_i32_1 = arith.constant 0 : i32
    return %c0_i32, %c0_i32_0 : i32, i32
  }
  func.func @transform_2(%arg0: i32) -> (i32, i32) {
    %c0_i32 = arith.constant 0 : i32
    %c0_i32_0 = arith.constant 0 : i32
    %c0_i32_1 = arith.constant 0 : i32
    return %c0_i32, %c0_i32_0 : i32, i32
  }
  func.func @transform_3(%arg0: i32) -> (i32, i32) {
    %c0_i32 = arith.constant 0 : i32
    %c0_i32_0 = arith.constant 0 : i32
    %c0_i32_1 = arith.constant 0 : i32
    return %c0_i32, %c0_i32_0 : i32, i32
  }
  func.func @transform_4(%arg0: i32) -> (i32, i32) {
    %c0_i32 = arith.constant 0 : i32
    %c0_i32_0 = arith.constant 0 : i32
    return %arg0, %c0_i32 : i32, i32
  }
  func.func @transform_5(%arg0: i32) -> (i32, i32) {
    %c0_i32 = arith.constant 0 : i32
    %c0_i32_0 = arith.constant 0 : i32
    return %arg0, %c0_i32 : i32, i32
  }
}

module attributes {stable_mosaic.version = 14 : i64} {
  func.func @_comb_body(%arg0: i32, %arg1: memref<2x1280x64xf32, #tpu.memory_space<vmem>>, %arg2: memref<2x1280xf32, #tpu.memory_space<vmem>>, %arg3: memref<1280x64xf32, #tpu.memory_space<vmem>>) attributes {dimension_semantics = [#tpu.dimension_semantics<arbitrary>], iteration_bounds = array<i64: 8>, scalar_prefetch = 0 : i64, scratch_operands = 0 : i64, tpu.core_type = #tpu.core_type<tc>, window_params = [{transform_indices = @transform_0, window_bounds = array<i64: 2, 1280, 64>}, {transform_indices = @transform_1, window_bounds = array<i64: 2, 1280>}, {transform_indices = @transform_2, window_bounds = array<i64: 1280, 64>}]} {
    %get3A = arith.constant 0 : index
    %get3A_0 = arith.constant 0 : index
    %get3A_1 = arith.constant 0 : index
    %get3A_2 = vector.load %arg1[%get3A, %get3A_0, %get3A_1] : memref<2x1280x64xf32, #tpu.memory_space<vmem>>, vector<1x1280x64xf32>
    %get3A_3 = vector.shape_cast %get3A_2 : vector<1x1280x64xf32> to vector<1280x64xf32>
    %get3A_4 = arith.constant 1 : index
    %get3A_5 = arith.constant 0 : index
    %get3A_6 = arith.constant 0 : index
    %get3A_7 = vector.load %arg1[%get3A_4, %get3A_5, %get3A_6] : memref<2x1280x64xf32, #tpu.memory_space<vmem>>, vector<1x1280x64xf32>
    %get3A_8 = vector.shape_cast %get3A_7 : vector<1x1280x64xf32> to vector<1280x64xf32>
    %add3A = arith.addf %get3A_3, %get3A_8 : vector<1280x64xf32>
    %get3A_9 = arith.constant 0 : index
    %get3A_10 = arith.constant 0 : index
    %get3A_11 = vector.load %arg2[%get3A_9, %get3A_10] : memref<2x1280xf32, #tpu.memory_space<vmem>>, vector<1x1280xf32>
    %get3A_12 = vector.shape_cast %get3A_11 : vector<1x1280xf32> to vector<1280xf32>
    %get3A_13 = arith.constant 1 : index
    %get3A_14 = arith.constant 0 : index
    %get3A_15 = vector.load %arg2[%get3A_13, %get3A_14] : memref<2x1280xf32, #tpu.memory_space<vmem>>, vector<1x1280xf32>
    %get3A_16 = vector.shape_cast %get3A_15 : vector<1x1280xf32> to vector<1280xf32>
    %add3A_17 = arith.addf %get3A_12, %get3A_16 : vector<1280xf32>
    %gt3A = arith.constant 0.000000e+00 : f32
    %gt3A_18 = vector.broadcast %gt3A : f32 to vector<1280xf32>
    %gt3A_19 = arith.cmpf ogt, %add3A_17, %gt3A_18 : vector<1280xf32>
    %div3A = arith.constant 1.000000e+00 : f32
    %div3A_20 = vector.broadcast %div3A : f32 to vector<1280xf32>
    %div3A_21 = arith.divf %div3A_20, %add3A_17 : vector<1280xf32>
    %jit3A = arith.constant 0.000000e+00 : f32
    %broadcast_in_dim3A = vector.broadcast %jit3A : f32 to vector<1280xf32>
    %select_n3A = arith.select %gt3A_19, %div3A_21, %broadcast_in_dim3A : vector<1280xi1>, vector<1280xf32>
    %broadcast_in_dim3A_22 = vector.shape_cast %select_n3A : vector<1280xf32> to vector<1280x1xf32>
    %mul3A = vector.broadcast %broadcast_in_dim3A_22 : vector<1280x1xf32> to vector<1280x64xf32>
    %mul3A_23 = arith.mulf %add3A, %mul3A : vector<1280x64xf32>
    %swap3A = arith.constant 0 : index
    %swap3A_24 = arith.constant 0 : index
    %swap3A_25 = vector.load %arg3[%swap3A, %swap3A_24] : memref<1280x64xf32, #tpu.memory_space<vmem>>, vector<1280x64xf32>
    tpu.vector_store %arg3[%swap3A, %swap3A_24], %mul3A_23 {strides = array<i32>} : memref<1280x64xf32, #tpu.memory_space<vmem>>, vector<1280x64xf32>,
    return
  }
  func.func @transform_0(%arg0: i32) -> (i32, i32, i32) {
    %c0_i32 = arith.constant 0 : i32
    %c0_i32_0 = arith.constant 0 : i32
    %c0_i32_1 = arith.constant 0 : i32
    return %c0_i32, %arg0, %c0_i32_0 : i32, i32, i32
  }
  func.func @transform_1(%arg0: i32) -> (i32, i32) {
    %c0_i32 = arith.constant 0 : i32
    %c0_i32_0 = arith.constant 0 : i32
    return %c0_i32, %arg0 : i32, i32
  }
  func.func @transform_2(%arg0: i32) -> (i32, i32) {
    %c0_i32 = arith.constant 0 : i32
    %c0_i32_0 = arith.constant 0 : i32
    return %arg0, %c0_i32 : i32, i32
  }
}

module attributes {stable_mosaic.version = 14 : i64} {
  func.func @_fin_body(%arg0: i32, %arg1: memref<2x1280x64xf32, #tpu.memory_space<vmem>>, %arg2: memref<2x1280xf32, #tpu.memory_space<vmem>>, %arg3: memref<1x64xf32, #tpu.memory_space<vmem>>, %arg4: memref<1280x64xf32, #tpu.memory_space<vmem>>, %arg5: memref<1280x64xf32, #tpu.memory_space<vmem>>) attributes {dimension_semantics = [#tpu.dimension_semantics<arbitrary>], iteration_bounds = array<i64: 8>, scalar_prefetch = 0 : i64, scratch_operands = 0 : i64, tpu.core_type = #tpu.core_type<tc>, window_params = [{transform_indices = @transform_0, window_bounds = array<i64: 2, 1280, 64>}, {transform_indices = @transform_1, window_bounds = array<i64: 2, 1280>}, {pipeline_mode = #tpu.pipeline_mode<synchronous>, transform_indices = @transform_2, window_bounds = array<i64: 1, 64>}, {transform_indices = @transform_3, window_bounds = array<i64: 1280, 64>}, {transform_indices = @transform_4, window_bounds = array<i64: 1280, 64>}]} {
    %get3A = arith.constant 0 : index
    %get3A_0 = arith.constant 0 : index
    %get3A_1 = arith.constant 0 : index
    %get3A_2 = vector.load %arg1[%get3A, %get3A_0, %get3A_1] : memref<2x1280x64xf32, #tpu.memory_space<vmem>>, vector<1x1280x64xf32>
    %get3A_3 = vector.shape_cast %get3A_2 : vector<1x1280x64xf32> to vector<1280x64xf32>
    %get3A_4 = arith.constant 1 : index
    %get3A_5 = arith.constant 0 : index
    %get3A_6 = arith.constant 0 : index
    %get3A_7 = vector.load %arg1[%get3A_4, %get3A_5, %get3A_6] : memref<2x1280x64xf32, #tpu.memory_space<vmem>>, vector<1x1280x64xf32>
    %get3A_8 = vector.shape_cast %get3A_7 : vector<1x1280x64xf32> to vector<1280x64xf32>
    %add3A = arith.addf %get3A_3, %get3A_8 : vector<1280x64xf32>
    %get3A_9 = arith.constant 0 : index
    %get3A_10 = arith.constant 0 : index
    %get3A_11 = vector.load %arg2[%get3A_9, %get3A_10] : memref<2x1280xf32, #tpu.memory_space<vmem>>, vector<1x1280xf32>
    %get3A_12 = vector.shape_cast %get3A_11 : vector<1x1280xf32> to vector<1280xf32>
    %get3A_13 = arith.constant 1 : index
    %get3A_14 = arith.constant 0 : index
    %get3A_15 = vector.load %arg2[%get3A_13, %get3A_14] : memref<2x1280xf32, #tpu.memory_space<vmem>>, vector<1x1280xf32>
    %get3A_16 = vector.shape_cast %get3A_15 : vector<1x1280xf32> to vector<1280xf32>
    %add3A_17 = arith.addf %get3A_12, %get3A_16 : vector<1280xf32>
    %gt3A = arith.constant 0.000000e+00 : f32
    %gt3A_18 = vector.broadcast %gt3A : f32 to vector<1280xf32>
    %gt3A_19 = arith.cmpf ogt, %add3A_17, %gt3A_18 : vector<1280xf32>
    %div3A = arith.constant 1.000000e+00 : f32
    %div3A_20 = vector.broadcast %div3A : f32 to vector<1280xf32>
    %div3A_21 = arith.divf %div3A_20, %add3A_17 : vector<1280xf32>
    %jit3A = arith.constant 0.000000e+00 : f32
    %broadcast_in_dim3A = vector.broadcast %jit3A : f32 to vector<1280xf32>
    %select_n3A = arith.select %gt3A_19, %div3A_21, %broadcast_in_dim3A : vector<1280xi1>, vector<1280xf32>
    %broadcast_in_dim3A_22 = vector.shape_cast %select_n3A : vector<1280xf32> to vector<1280x1xf32>
    %mul3A = vector.broadcast %broadcast_in_dim3A_22 : vector<1280x1xf32> to vector<1280x64xf32>
    %mul3A_23 = arith.mulf %add3A, %mul3A : vector<1280x64xf32>
    %get3A_24 = arith.constant 0 : index
    %get3A_25 = arith.constant 0 : index
    %get3A_26 = vector.load %arg3[%get3A_24, %get3A_25] : memref<1x64xf32, #tpu.memory_space<vmem>>, vector<1x64xf32>
    %add3A_27 = vector.broadcast %get3A_26 : vector<1x64xf32> to vector<1280x64xf32>
    %add3A_28 = arith.addf %mul3A_23, %add3A_27 : vector<1280x64xf32>
    %swap3A = arith.constant 0 : index
    %swap3A_29 = arith.constant 0 : index
    %swap3A_30 = vector.load %arg4[%swap3A, %swap3A_29] : memref<1280x64xf32, #tpu.memory_space<vmem>>, vector<1280x64xf32>
    tpu.vector_store %arg4[%swap3A, %swap3A_29], %add3A_28 {strides = array<i32>} : memref<1280x64xf32, #tpu.memory_space<vmem>>, vector<1280x64xf32>,
    %tanh3A = math.tanh %add3A_28 : vector<1280x64xf32>
    %swap3A_31 = arith.constant 0 : index
    %swap3A_32 = arith.constant 0 : index
    %swap3A_33 = vector.load %arg5[%swap3A_31, %swap3A_32] : memref<1280x64xf32, #tpu.memory_space<vmem>>, vector<1280x64xf32>
    tpu.vector_store %arg5[%swap3A_31, %swap3A_32], %tanh3A {strides = array<i32>} : memref<1280x64xf32, #tpu.memory_space<vmem>>, vector<1280x64xf32>,
    return
  }
  func.func @transform_0(%arg0: i32) -> (i32, i32, i32) {
    %c0_i32 = arith.constant 0 : i32
    %c0_i32_0 = arith.constant 0 : i32
    %c0_i32_1 = arith.constant 0 : i32
    return %c0_i32, %arg0, %c0_i32_0 : i32, i32, i32
  }
  func.func @transform_1(%arg0: i32) -> (i32, i32) {
    %c0_i32 = arith.constant 0 : i32
    %c0_i32_0 = arith.constant 0 : i32
    return %c0_i32, %arg0 : i32, i32
  }
  func.func @transform_2(%arg0: i32) -> (i32, i32) {
    %c0_i32 = arith.constant 0 : i32
    %c0_i32_0 = arith.constant 0 : i32
    %c0_i32_1 = arith.constant 0 : i32
    return %c0_i32, %c0_i32_0 : i32, i32
  }
  func.func @transform_3(%arg0: i32) -> (i32, i32) {
    %c0_i32 = arith.constant 0 : i32
    %c0_i32_0 = arith.constant 0 : i32
    return %arg0, %c0_i32 : i32, i32
  }
  func.func @transform_4(%arg0: i32) -> (i32, i32) {
    %c0_i32 = arith.constant 0 : i32
    %c0_i32_0 = arith.constant 0 : i32
    return %arg0, %c0_i32 : i32, i32
  }
}

</mosaic_0001>

<sc_bundles>
// kernel: kernel.10.cloned.1.call-start
scs
__scs_entry_jumppad:
0x0: {  	(pc) =	sbr.rel $0x88, $3  }
0x1: {  	(tag) =	ssettag $0x0;
	lr =	simm.s32 $0x1  }
0x2: {  	[smem:$0x3F9B] =	sst lr;
	_ =	strace $0xD0000000  }
0x3: {  	_ = 	snop  }
0x4: {  	_ = 	snop  }
0x5: {  	_ = 	snop  }
0x6: {  	_ = 	snop  }
0x7: {  	_ = 	snop  }
__scs_overlays_trampoline_lowered:
0x8: {  	[smem:$0x3FAA] =	sst s0  }
0x9: {  	[smem:$0x3FAB] =	sst s1  }
0xa: {  	[smem:$0x3FAC] =	sst s2  }
0xb: {  	[smem:$0x3FAD] =	sst s3  }
0xc: {  	[smem:$0x3FAE] =	sst s4  }
0xd: {  	[smem:$0x3FAF] =	sst s5  }
0xe: {  	[smem:$0x3FB0] =	sst s6  }
0xf: {  	[smem:$0x3FB1] =	sst s7  }
0x10: {  	[smem:$0x3FB2] =	sst s8  }
0x11: {  	[smem:$0x3FB3] =	sst s9;
	s0 =	simm.s32 @!p0 $0x0  }
0x12: {  	s1 =	sld [smem:$0x3F99];
	s0 =	simm.s32 @p0 $0x1  }
0x13: {  	[smem:$0x3FB4] =	sst s0;
	s0 =	simm.s32 @!p1 $0x0  }
0x14: {  	s2 =	sld [smem:$0x3F98];
	s0 =	simm.s32 @p1 $0x1  }
0x15: {  	[smem:$0x3FB5] =	sst s0;
	s0 =	simm.s32 @!p2 $0x0  }
0x16: {  	s3 =	sld [smem:$0x3FDB];
	s0 =	simm.s32 @p2 $0x1  }
0x17: {  	s4 =	simm.s32 $0x1BF5;
	[smem:$0x3FB7] =	sst s0  }
0x18: {  	s0 =	sld [smem:$0x3F9A];
	_ =	swait.ge [sflag:s4], $0x0  }
0x19: {  	s7 =	sld [smem:$0x3F9B]  }
0x1a: {  	s8 =	sadd.s32 $0xFFFFE003, lr  }
0x1b: {  	s9 =	sadd.s32 $0xFFFFFEF7, lr;
	s5 =	simm.s32 $0xFFFFFFFF;
	p2 =	slt.u32 s8, $0xFFFFF086  }
0x1c: {  	p1 =	slt.u32 s9, $0xF7A;
	s5 =	simm.s32 @!p2 $0x0  }
0x1d: {  	s5 =	simm.s32 @p1 $0x1;
	p0 =	seq.s32 s7, s2  }
0x1e: {  	s7 =	smul.u32 @!p0 $0xF7A, s2;
	p2 =	seq.s32 @!p0 s5, $0x0  }
0x1f: {  	s9 =	smul.u32 $0xF7A, s1;
	s8 =	simm.s32 @!p0 $0x1BF5;
	p2 =	por !p2, p0  }
0x20: {  	[sflag:s8] =	ssyncset.s32 @!p0 $0xFFFFF086;
	s6 =	sadd.s32 @!p0 s3, s7;
	s7 =	simm.s32 @!p0 $0x108  }
0x21: {  	s3 =	sadd.s32 s3, s9;
	s6 =	sadd.s32 @!p0 $0x88, s6;
	s7 =	simm.s32 @p2 $0x1082  }
0x22: {  	[simem:s7], [sflag:s8] =	dma.local @!p0 [hbm:s6], $0xF7A  }
0x23: {  	s9 =	sor.u32 $0xD0000000, s2;
	s6 =	simm.s32 $0x108;
	_ =	swait.ge @!p0 [sflag:s8], $0x0  }
0x24: {  	s3 =	sadd.s32 $0x88, s3;
	s6 =	simm.s32 @!p1 $0x1082;
	[sflag:s4] =	ssyncset.s32 $0xFFFFF086  }
0x25: {  	[simem:s6], [sflag:s4] =	dma.local [hbm:s3], $0xF7A  }
0x26: {  	[smem:$0x3F9B] =	sst s1;
	(tag) =	ssettag s2;
	_ =	strace s9  }
0x27: {  	s1 =	sld [smem:$0x3FAB]  }
0x28: {  	s2 =	sld [smem:$0x3FAC]  }
0x29: {  	s4 =	sld [smem:$0x3FAE]  }
0x2a: {  	p0 =	seq.s32 s5, $0x0;
	s5 =	sld [smem:$0x3FAF]  }
0x2b: {  	s6 =	sld [smem:$0x3FB0]  }
0x2c: {  	s7 =	sld [smem:$0x3FB1]  }
0x2d: {  	s3 =	simm.s32 $0x108;
	s8 =	sld [smem:$0x3FB2]  }
0x2e: {  	s3 =	simm.s32 @!p0 $0x1082;
	s9 =	sld [smem:$0x3FB3]  }
0x2f: {  	lr =	sadd.s32 s0, s3;
	s0 =	sld [smem:$0x3FAA]  }
0x30: {  	s3 =	sld [smem:$0x3FAD]  }
0x31: {  	[smem:$0x3FB6] =	sst s10  }
0x32: {  	s10 =	sld [smem:$0x3FB4];
	_ =	sdelay $0x3  }
0x33: {  	p0 =	seq.s32 s10, $0x1;
	s10 =	sld [smem:$0x3FB6];
	_ =	sdelay $0x3  }
0x34: {  	[smem:$0x3FB6] =	sst s10  }
0x35: {  	s10 =	sld [smem:$0x3FB5];
	_ =	sdelay $0x3  }
0x36: {  	p1 =	seq.s32 s10, $0x1;
	s10 =	sld [smem:$0x3FB6];
	_ =	sdelay $0x3  }
0x37: {  	[smem:$0x3FB6] =	sst s10  }
0x38: {  	s10 =	sld [smem:$0x3FB7]  }
0x39: {  	_ = 	snop;
	(pc) =	sbr.ind lr, $3  }
0x3a: {  	_ = 	snop  }
0x3b: {  	_ = 	snop  }
0x3c: {  	p2 =	seq.s32 s10, $0x1;
	s10 =	sld [smem:$0x3FB6]  }
0x3d: {  	_ =	shalt  }
0x3e: {  	_ =	shalt  }
0x3f: {  	_ =	shalt  }
0x40: {  	_ =	shalt  }
0x41: {  	_ =	shalt  }
0x42: {  	_ =	shalt  }
0x43: {  	_ =	shalt  }
0x44: {  	_ =	shalt  }
0x45: {  	_ =	shalt  }
0x46: {  	_ =	shalt  }
0x47: {  	_ =	shalt  }
0x48: {  	_ =	shalt  }
0x49: {  	_ =	shalt  }
0x4a: {  	_ =	shalt  }
0x4b: {  	_ =	shalt  }
0x4c: {  	_ =	shalt  }
0x4d: {  	_ =	shalt  }
0x4e: {  	_ =	shalt  }
0x4f: {  	_ =	shalt  }
0x50: {  	_ =	shalt  }
0x51: {  	_ =	shalt  }
0x52: {  	_ =	shalt  }
0x53: {  	_ =	shalt  }
0x54: {  	_ =	shalt  }
0x55: {  	_ =	shalt  }
0x56: {  	_ =	shalt  }
0x57: {  	_ =	shalt  }
0x58: {  	_ =	shalt  }
0x59: {  	_ =	shalt  }
0x5a: {  	_ =	shalt  }
0x5b: {  	_ =	shalt  }
0x5c: {  	_ =	shalt  }
0x5d: {  	_ =	shalt  }
0x5e: {  	_ =	shalt  }
0x5f: {  	_ =	shalt  }
0x60: {  	_ =	shalt  }
0x61: {  	_ =	shalt  }
0x62: {  	_ =	shalt  }
0x63: {  	_ =	shalt  }
0x64: {  	_ =	shalt  }
0x65: {  	_ =	shalt  }
0x66: {  	_ =	shalt  }
0x67: {  	_ =	shalt  }
0x68: {  	_ =	shalt  }
0x69: {  	_ =	shalt  }
0x6a: {  	_ =	shalt  }
0x6b: {  	_ =	shalt  }
0x6c: {  	_ =	shalt  }
0x6d: {  	_ =	shalt  }
0x6e: {  	_ =	shalt  }
0x6f: {  	_ =	shalt  }
0x70: {  	_ =	shalt  }
0x71: {  	_ =	shalt  }
0x72: {  	_ =	shalt  }
0x73: {  	_ =	shalt  }
0x74: {  	_ =	shalt  }
0x75: {  	_ =	shalt  }
0x76: {  	_ =	shalt  }
0x77: {  	_ =	shalt  }
0x78: {  	_ =	shalt  }
0x79: {  	_ =	shalt  }
0x7a: {  	_ =	shalt  }
0x7b: {  	_ =	shalt  }
0x7c: {  	_ =	shalt  }
0x7d: {  	_ =	shalt  }
0x7e: {  	_ =	shalt  }
0x7f: {  	_ =	shalt  }
0x80: {  	_ =	shalt  }
0x81: {  	_ =	shalt  }
0x82: {  	_ =	shalt  }
0x83: {  	_ =	shalt  }
0x84: {  	_ =	shalt  }
0x85: {  	_ =	shalt  }
0x86: {  	_ =	shalt  }
0x87: {  	_ =	shalt  }
.Lfunc_end0:
.L_simem_size_0:
called_computation.1_lowered:
.L_overlay_start_0:
0x88: {  	s2 =	sld [smem:$0x3FD9]  }
0x89: {  	s3 =	sld [smem:$0x3FFE];
	_ =	sdelay $0x1  }
0x8a: {  	s1 =	srdreg.scid  }
0x8b: {  	s0 =	sand.u32 $0x1, s1  }
0x8c: {  	s14 =	sshll.u32 s0, $0xA;
	s2 =	sadd.s32 s3, s2  }
0x8d: {  	s2 =	sadd.s32 s2, s14  }
0x8e: {  	[smem:$0x3FC2] =	sst s2  }
0x8f: {  	_ = 	snop  }
0x90: {  	s2 =	sld [smem:$0x3FD0];
	_ =	sdelay $0x2  }
0x91: {  	s15 =	simm.s32 $0xA;
	s4 =	simm.s32 $0x10  }
0x92: {  	[smem:s4], [sflag:s15] =	dma.local [hbm:s2], $0x1  }
0x93: {  	_ =	swait.eq [sflag:s15], $0x1  }
0x94: {  	[sflag:s15] =	ssyncset.done $0x0  }
0x95: {  	s16 =	sld [smem:$0x11];
	[sflag:s15] =	ssyncadd.s32 $0xFFFFFFFF  }
0x96: {  	s17 =	sld [smem:$0x12];
	(tm) =	ssettm $0x1  }
0x97: {  	s18 =	sld [smem:$0x3FFB];
	_ =	sdelay $0x3  }
0x98: {  	_ =	strace s18  }
0x99: {  	s4 =	sld [smem:$0x3FFC];
	_ =	sdelay $0x3  }
0x9a: {  	_ =	strace s4  }
0x9b: {  	s4 =	sld [smem:$0x3FFD];
	_ =	sdelay $0x3  }
0x9c: {  	_ =	strace s4  }
0x9d: {  	_ =	strace $0x8FFFFFFF  }
0x9e: {  	s19 =	sld [smem:$0x3FDB];
	_ =	sdelay $0x1  }
0x9f: {  	s5 =	simm.s32 $_scs_section_size  }
0xa0: {  	s6 =	simm.s32 $_size__tile_overlayer_lowered;
	s7 =	simm.s32 $_tile_overlayer_lowered  }
0xa1: {  	s22 =	simm.s32 $0x1BFF;
	s21 =	sshll.u32 s7, $0x1;
	s4 =	sadd.s32 s5, s19  }
0xa2: {  	s8 =	simm.s32 $0x0;
	s20 =	sshll.u32 s6, $0x1;
	s6 =	sadd.s32 s21, s4  }
0xa3: {  	[timem:s8], [sflag:s22] =	dma.local [hbm:s6], s20  }
0xa4: {  	_ =	swait.ge [sflag:s22], s20  }
0xa5: {  	s5 =	ssub.s32 $0x0, s20;
	[sflag:s22] =	ssyncset.done $0x0  }
0xa6: {  	[sflag:s22] =	ssyncadd.s32 s5;
	_ =	sdelay $0x1  }
0xa7: {  	s23 =	simm.s32 $0x1B8B  }
0xa8: {  	_ =	swait.ge [sflag:s23], $0x1  }
0xa9: {  	[sflag:s23] =	ssyncset.done $0x0  }
0xaa: {  	s25 =	simm.s32 $0x1B8E;
	s24 =	sld [smem:$0x3FFE];
	[sflag:s23] =	ssyncadd.s32 $0xFFFFFFFF  }
0xab: {  	s26 =	simm.s32 $execute0_lowered;
	[smem:$0x3FD2] =	sst s25  }
0xac: {  	s6 =	sshll.u32 s26, $0x1;
	_ =	strace $0x80000049;
	[dreg:$0x1] =	wrdreg $0xFFFFFFFF  }
0xad: {  	s28 =	simm.s32 $_size_execute0_lowered;
	s4 =	sadd.s32 s4, s6;
	[dreg:$0x0] =	wrdreg $0x0  }
0xae: {  	s6 =	sshll.u32 s28, $0x1;
	[dreg:$0x2] =	wrdreg s4  }
0xaf: {  	[dreg:$0x3] =	wrdreg s6  }
0xb0: {  	[dreg:$0x4] =	wrdreg $0xC0  }
0xb1: {  	_ =	task [dreg:s8], $0x5FFFF  }
0xb2: {  	[dreg:$0x1] =	wrdreg $0xFFFFFFFF  }
0xb3: {  	[dreg:$0x0] =	wrdreg $0x60  }
0xb4: {  	[dreg:$0x2] =	wrdreg s24  }
0xb5: {  	[dreg:$0x3] =	wrdreg s17  }
0xb6: {  	[dreg:$0x4] =	wrdreg s16  }
0xb7: {  	[dreg:$0x5] =	wrdreg $0x0  }
0xb8: {  	[dreg:$0x6] =	wrdreg $0xA0000  }
0xb9: {  	[dreg:$0x7] =	wrdreg $0x9  }
0xba: {  	_ =	task.clear_ibuf [dreg:s8], $0x8FFFF;
	_ =	strace $0x90000049  }
0xbb: {  	s29 =	simm.s32 $0x9;
	_ =	strace $0x8000004B  }
0xbc: {  	_ =	swait.ge [sflag:s29], $0x1  }
0xbd: {  	[sflag:s29] =	ssyncadd.s32 $0xFFFFFFFF  }
0xbe: {  	_ =	strace $0x9000004B  }
0xbf: {  	_ =	sfence  }
0xc0: {  	s30 =	sld [smem:$0x0];
	_ =	sdelay $0x2  }
0xc1: {  	s31 =	sshll.u32 s1, $0xD;
	s1 =	sshrl.u32 s1, $0x2  }
0xc2: {  	s3 =	sand.u32 $0x4000, s31;
	s1 =	sadd.s32 s1, s30  }
0xc3: {  	s0 =	sor.u32 s3, s0;
	s1 =	sshll.u32 s1, $0x11  }
0xc4: {  	s0 =	sor.u32 s1, s0  }
0xc5: {  	s0 =	sadd.s32 $0x8F2B, s0  }
0xc6: {  	[sflag:s0] =	ssyncadd.remote.s32 $0x1  }
0xc7: {  	_ =	sfence.sel $0xFFFF  }
0xc8: {  	[dreg:$0x0] =	wrdreg $0xFFFFFFFF;
	(pc) =	sbr.abs _section_cstart, $3  }
0xc9: {  	[dreg:$0x1] =	wrdreg $0xFFFFFFFF  }
0xca: {  	_ =	task.clear_ibuf [dreg:s8], $0x2FFFF;
	_ =	strace $0x9FFFFFFF  }
0xcb: {  	(tm) =	ssettm $0x7FFFFFFF  }
tec
execute0_lowered:
.L_overlay_start_1:
0x0: {  	(tag) =	ssettag $0x1  }
0x1: {  	s1 =	rddreg [dreg:$0x0]  }
0x2: {  	s5 =	rddreg [dreg:$0x1]  }
0x3: {  	s6 =	rddreg [dreg:$0x2]  }
0x4: {  	s2 =	rddreg [dreg:$0x3]  }
0x5: {  	s3 =	rddreg [dreg:$0x4]  }
0x6: {  	s0 =	simm.s32 $0x0;
	s7 =	srdreg.scid;
	s13 =	stileid.u32  }
0x7: {  	s22 =	simm.s32 $0xA478;
	s24 =	simm.s32 $0xA670;
	s25 =	simm.s32 $0xA868  }
0x8: {  	p0 =	por $0x0, $0x0;
	s31 =	simm.s32 $0xEB58;
	s30 =	simm.s32 $0xED50  }
0x9: {  	s29 =	simm.s32 $0xEF48;
	[smem:$0x7FF] =	sst s0;
	s8 =	sadd.s32 $0x2600, s1  }
0xa: {  	s10 =	sadd.s32 $0x2400, s1;
	_ =	strace $0x8000004A;
	[dreg:$0x6] =	wrdreg s8  }
0xb: {  	s4 =	sadd.s32 $0x3A00, s1;
	s14 =	sadd.s32 $0x2200, s1;
	[dreg:$0x7] =	wrdreg s10  }
0xc: {  	s7 =	sand.u32 $0x1, s7;
	s26 =	smul.u32 $0xA000, s13;
	[dreg:$0x8] =	wrdreg s14  }
0xd: {  	s16 =	smul.u32 $0x280, s13;
	s23 =	sshll.u32 s13, $0x6;
	[dreg:$0xc] =	wrdreg s22  }
0xe: {  	s9 =	sshll.u32 s7, $0x4;
	s11 =	smul.u32 $0xA0000, s7;
	[dreg:$0xd] =	wrdreg s24  }
0xf: {  	s12 =	smul.u32 $0x2800, s7;
	s7 =	ssub.s32 $0x2, s7;
	[dreg:$0xe] =	wrdreg s25  }
0x10: {  	s14 =	simm.s32 $0xB438;
	s22 =	simm.s32 $0xC9E0;
	s24 =	simm.s32 $0xC3F8  }
0x11: {  	s25 =	simm.s32 $0xC5F0;
	s9 =	sor.u32 s13, s9;
	[dreg:$0x14] =	wrdreg s14  }
0x12: {  	s17 =	sshrl.u32 s7, $0x1;
	s21 =	sadd.s32 s26, s2;
	[dreg:$0x1c] =	wrdreg s24  }
0x13: {  	s13 =	simm.s32 $0xB240;
	s14 =	simm.s32 $0xF140;
	[dreg:$0x1d] =	wrdreg s25  }
0x14: {  	s25 =	simm.s32 $0xDB98;
	s28 =	rddreg [dreg:$0x6];
	s9 =	smul.u32 $0x2760, s9  }
0x15: {  	s15 =	sadd.s32 s26, s11;
	s18 =	sadd.s32 s16, s12;
	s7 =	ssub.s32 s7, s17  }
0x16: {  	s26 =	sadd.s32 s16, s3;
	s11 =	simm.s32 $0xAE50;
	s12 =	simm.s32 $0xB048  }
0x17: {  	[dreg:$0x13] =	wrdreg s13;
	s16 =	simm.s32 $0xB828;
	s17 =	simm.s32 $0xBA20  }
0x18: {  	s13 =	simm.s32 $0x16E40;
	s10 =	sshrl.u32 s15, $0x3;
	[dreg:$0x11] =	wrdreg s11  }
0x19: {  	s19 =	sshrl.u32 s18, $0x3;
	s18 =	smax.u32 s7, $0x1;
	[dreg:$0x12] =	wrdreg s12  }
0x1a: {  	s7 =	sshrl.u32 s21, $0x3;
	s8 =	sshrl.u32 s26, $0x3;
	[dreg:$0x16] =	wrdreg s16  }
0x1b: {  	s15 =	simm.s32 $0xB630;
	[dreg:$0x17] =	wrdreg s17;
	s21 =	simm.s32 $0xC008  }
0x1c: {  	s11 =	simm.s32 $0x3;
	s12 =	simm.s32 $0x5;
	s16 =	simm.s32 $0x2  }
0x1d: {  	s26 =	simm.s32 $0xC7E8;
	s17 =	simm.s32 $0x4;
	s9 =	sshrl.u32 s9, $0x3  }
0x1e: {  	s1 =	sadd.s32 s10, s1;
	s20 =	sadd.s32 s6, s19;
	[dreg:$0x15] =	wrdreg s15  }
0x1f: {  	s10 =	simm.s32 $0xAC58;
	s6 =	simm.s32 $0x6;
	[dreg:$0x1a] =	wrdreg s21  }
0x20: {  	s19 =	simm.s32 $0xBC18;
	s15 =	simm.s32 $0x1;
	[dreg:$0x1e] =	wrdreg s26  }
0x21: {  	p1 =	sne.s32 s18, $0x1;
	s24 =	sadd.s32 $0xFFFFFFFF, s18;
	[dreg:$0xb] =	wrdreg s20  }
0x22: {  	s21 =	simm.s32 $0xD1C0;
	s18 =	simm.s32 $0xE768;
	[dreg:$0x10] =	wrdreg s10  }
0x23: {  	s9 =	sadd.s32 s5, s9;
	s1 =	sadd.s32 $0x17A00, s1;
	[dreg:$0x18] =	wrdreg s19  }
0x24: {  	s5 =	sor.u32 $0x1C06, s23;
	s10 =	simm.s32 $0x1F4;
	[dreg:$0x1f] =	wrdreg s9  }
.Ltmp0:
0x25: {  	s20 =	simm.s32 $0xBE10;
	[dreg:$0xa] =	wrdreg s1;
	(pc) =	sbr.rel @!p1 .LBB2_1-.Ltmp0, $4  }
0x26: {  	s23 =	simm.s32 $0xC200;
	s19 =	simm.s32 $0xD3B8;
	[dreg:$0x19] =	wrdreg s20  }
0x27: {  	s9 =	sadd.s32 $0x9D80, s9;
	[dreg:$0x1b] =	wrdreg s23;
	s1 =	simm.s32 $0xD7A8  }
0x28: {  	s23 =	simm.s32 $0xDF88;
	[dreg:$0x9] =	wrdreg s9;
	s9 =	simm.s32 $0xAA60  }
0x29: {  	s20 =	simm.s32 $0xE378;
	[dreg:$0xf] =	wrdreg s9;
	s9 =	simm.s32 $0x1EB40  }
0x2a: {  	[spmem:s7], [sflag:s5] =	dma.local [hbm:s28], $0x1400  }
0x2b: {  	_ =	swait.ge [sflag:s6], $0x1400  }
0x2c: {  	[sflag:s6] =	ssyncset.done $0x0  }
0x2d: {  	s28 =	rddreg [dreg:$0x7];
	[sflag:s6] =	ssyncadd.s32 $0xFFFFEC00  }
0x2e: {  	[spmem:s8], [sflag:s5] =	dma.local [hbm:s28], $0x50  }
0x2f: {  	_ =	swait.ge [sflag:s6], $0x50  }
0x30: {  	[sflag:s6] =	ssyncset.done $0x0  }
0x31: {  	s28 =	rddreg [dreg:$0x8];
	[sflag:s6] =	ssyncadd.s32 $0xFFFFFFB0  }
0x32: {  	[tilespmem:s9], [sflag:$0x6] =	stream.linear.gather [hbm4b:s28+s0], $0x1F8, $0x38;
	[tilespmem:$0x1ED38] =	vst v63  }
0x33: {  	_ =	swait.ge [sflag:s6], $0x1F8  }
0x34: {  	[sflag:s6] =	ssyncset.done $0x0  }
0x35: {  	s26 =	simm.s32 $0xA280;
	s28 =	rddreg [dreg:$0x9];
	[sflag:s6] =	ssyncadd.s32 $0xFFFFFE08  }
0x36: {  	[tilespmem:s26], [sflag:$0x6] =	stream.linear.gather [hbm4b:s28+s0], $0x2760, $0x38;
	[tilespmem:$0x1ED38] =	vst v63  }
0x37: {  	_ =	swait.ge [sflag:s6], $0x2760  }
0x38: {  	[sflag:s6] =	ssyncset.done $0x0  }
0x39: {  	s28 =	rddreg [dreg:$0x1f];
	[sflag:s6] =	ssyncadd.s32 $0xFFFFD8A0  }
0x3a: {  	[tilespmem:s22], [sflag:$0x6] =	stream.linear.gather [hbm4b:s28+s0], $0x2760, $0x38;
	[tilespmem:$0x1ED38] =	vst v63  }
0x3b: {  	_ =	swait.ge [sflag:s6], $0x2760  }
0x3c: {  	[sflag:s6] =	ssyncset.done $0x0  }
0x3d: {  	[sflag:s6] =	ssyncadd.s32 $0xFFFFD8A0  }
0x3e: {  	[bflag:$0x0] =	sbarrier.arrive $0xFFFF  }
0x3f: {  	[tilespmem:s14], [sflag:$0x1] =	stream.indirect.gather [hbm4b:s4+s10], $0x40, s26, s10, $0xb8;
	[tilespmem:$0x1ED38] =	vst v63  }
0x40: {  	s28 =	rddreg [dreg:$0xc]  }
0x41: {  	[tilespmem:s13], [sflag:$0x2] =	stream.indirect.gather [hbm4b:s4+s10], $0x40, s28, s10, $0xb8;
	[tilespmem:$0x1ED38] =	vst v63  }
0x42: {  	_ =	swait.ge [sflag:s15], $0x7D00  }
0x43: {  	[sflag:s15] =	ssyncset.done $0x0  }
0x44: {  	[sflag:s15] =	ssyncadd.s32 $0xFFFF8300  }
0x45: {  	[spmem:s3] =	stream.indirect.scatter.add.f32 [tilespmem:s9], [sflag:$0x5], $0x1, s22, s10, $0xb8;
	[tilespmem:$0x1ED38] =	vst v63  }
0x46: {  	_ = 	snop  }
0x47: {  	[spmem:s2] =	stream.indirect.scatter.add.f32 [tilespmem:s14], [sflag:$0x3], $0x40, s22, s10, $0xb8;
	[tilespmem:$0x1ED38] =	vst v63  }
0x48: {  	_ =	swait.ge [sflag:s11], $0x7D00  }
0x49: {  	[sflag:s11] =	ssyncset.done $0x0  }
0x4a: {  	[sflag:s11] =	ssyncadd.s32 $0xFFFF8300  }
0x4b: {  	_ =	swait.ge [sflag:s12], $0x1F4  }
0x4c: {  	[sflag:s12] =	ssyncset.done $0x0  }
0x4d: {  	s28 =	rddreg [dreg:$0xd];
	[sflag:s12] =	ssyncadd.s32 $0xFFFFFE0C  }
0x4e: {  	[tilespmem:s14], [sflag:$0x1] =	stream.indirect.gather [hbm4b:s4+s10], $0x40, s28, s10, $0xb8;
	[tilespmem:$0x1ED38] =	vst v63  }
0x4f: {  	_ =	swait.ge [sflag:s16], $0x7D00  }
0x50: {  	[sflag:s16] =	ssyncset.done $0x0  }
0x51: {  	s26 =	smov.u32 s24;
	s24 =	simm.s32 $0xCBD8;
	[sflag:s16] =	ssyncadd.s32 $0xFFFF8300  }
0x52: {  	[spmem:s3] =	stream.indirect.scatter.add.f32 [tilespmem:s9], [sflag:$0x5], $0x1, s24, s10, $0xb8;
	[tilespmem:$0x1ED38] =	vst v63  }
0x53: {  	_ = 	snop  }
0x54: {  	[spmem:s2] =	stream.indirect.scatter.add.f32 [tilespmem:s13], [sflag:$0x4], $0x40, s24, s10, $0xb8;
	[tilespmem:$0x1ED38] =	vst v63  }
0x55: {  	_ =	swait.ge [sflag:s17], $0x7D00  }
0x56: {  	[sflag:s17] =	ssyncset.done $0x0  }
0x57: {  	[sflag:s17] =	ssyncadd.s32 $0xFFFF8300  }
0x58: {  	_ =	swait.ge [sflag:s12], $0x1F4  }
0x59: {  	[sflag:s12] =	ssyncset.done $0x0  }
0x5a: {  	s28 =	rddreg [dreg:$0xe];
	[sflag:s12] =	ssyncadd.s32 $0xFFFFFE0C  }
0x5b: {  	[tilespmem:s13], [sflag:$0x2] =	stream.indirect.gather [hbm4b:s4+s10], $0x40, s28, s10, $0xb8;
	[tilespmem:$0x1ED38] =	vst v63  }
0x5c: {  	_ =	swait.ge [sflag:s15], $0x7D00  }
0x5d: {  	[sflag:s15] =	ssyncset.done $0x0  }
0x5e: {  	s24 =	simm.s32 $0xCDD0;
	[sflag:s15] =	ssyncadd.s32 $0xFFFF8300  }
0x5f: {  	[spmem:s3] =	stream.indirect.scatter.add.f32 [tilespmem:s9], [sflag:$0x5], $0x1, s24, s10, $0xb8;
	[tilespmem:$0x1ED38] =	vst v63  }
0x60: {  	_ = 	snop  }
0x61: {  	[spmem:s2] =	stream.indirect.scatter.add.f32 [tilespmem:s14], [sflag:$0x3], $0x40, s24, s10, $0xb8;
	[tilespmem:$0x1ED38] =	vst v63  }
0x62: {  	_ =	swait.ge [sflag:s11], $0x7D00  }
0x63: {  	[sflag:s11] =	ssyncset.done $0x0  }
0x64: {  	[sflag:s11] =	ssyncadd.s32 $0xFFFF8300  }
0x65: {  	_ =	swait.ge [sflag:s12], $0x1F4  }
0x66: {  	[sflag:s12] =	ssyncset.done $0x0  }
0x67: {  	s28 =	rddreg [dreg:$0xf];
	[sflag:s12] =	ssyncadd.s32 $0xFFFFFE0C  }
0x68: {  	[tilespmem:s14], [sflag:$0x1] =	stream.indirect.gather [hbm4b:s4+s10], $0x40, s28, s10, $0xb8;
	[tilespmem:$0x1ED38] =	vst v63  }
0x69: {  	_ =	swait.ge [sflag:s16], $0x7D00  }
0x6a: {  	[sflag:s16] =	ssyncset.done $0x0  }
0x6b: {  	s24 =	simm.s32 $0xCFC8;
	[sflag:s16] =	ssyncadd.s32 $0xFFFF8300  }
0x6c: {  	[spmem:s3] =	stream.indirect.scatter.add.f32 [tilespmem:s9], [sflag:$0x5], $0x1, s24, s10, $0xb8;
	[tilespmem:$0x1ED38] =	vst v63  }
0x6d: {  	_ = 	snop  }
0x6e: {  	[spmem:s2] =	stream.indirect.scatter.add.f32 [tilespmem:s13], [sflag:$0x4], $0x40, s24, s10, $0xb8;
	[tilespmem:$0x1ED38] =	vst v63  }
0x6f: {  	_ =	swait.ge [sflag:s17], $0x7D00  }
0x70: {  	[sflag:s17] =	ssyncset.done $0x0  }
0x71: {  	[sflag:s17] =	ssyncadd.s32 $0xFFFF8300  }
0x72: {  	_ =	swait.ge [sflag:s12], $0x1F4  }
0x73: {  	[sflag:s12] =	ssyncset.done $0x0  }
0x74: {  	s28 =	rddreg [dreg:$0x10];
	[sflag:s12] =	ssyncadd.s32 $0xFFFFFE0C  }
0x75: {  	[tilespmem:s13], [sflag:$0x2] =	stream.indirect.gather [hbm4b:s4+s10], $0x40, s28, s10, $0xb8;
	[tilespmem:$0x1ED38] =	vst v63  }
0x76: {  	_ =	swait.ge [sflag:s15], $0x7D00  }
0x77: {  	[sflag:s15] =	ssyncset.done $0x0  }
0x78: {  	[sflag:s15] =	ssyncadd.s32 $0xFFFF8300  }
0x79: {  	[spmem:s3] =	stream.indirect.scatter.add.f32 [tilespmem:s9], [sflag:$0x5], $0x1, s21, s10, $0xb8;
	[tilespmem:$0x1ED38] =	vst v63  }
0x7a: {  	_ = 	snop  }
0x7b: {  	[spmem:s2] =	stream.indirect.scatter.add.f32 [tilespmem:s14], [sflag:$0x3], $0x40, s21, s10, $0xb8;
	[tilespmem:$0x1ED38] =	vst v63  }
0x7c: {  	_ =	swait.ge [sflag:s11], $0x7D00  }
0x7d: {  	[sflag:s11] =	ssyncset.done $0x0  }
0x7e: {  	[sflag:s11] =	ssyncadd.s32 $0xFFFF8300  }
0x7f: {  	_ =	swait.ge [sflag:s12], $0x1F4  }
0x80: {  	[sflag:s12] =	ssyncset.done $0x0  }
0x81: {  	s28 =	rddreg [dreg:$0x11];
	[sflag:s12] =	ssyncadd.s32 $0xFFFFFE0C  }
0x82: {  	[tilespmem:s14], [sflag:$0x1] =	stream.indirect.gather [hbm4b:s4+s10], $0x40, s28, s10, $0xb8;
	[tilespmem:$0x1ED38] =	vst v63  }
0x83: {  	_ =	swait.ge [sflag:s16], $0x7D00  }
0x84: {  	[sflag:s16] =	ssyncset.done $0x0  }
0x85: {  	[sflag:s16] =	ssyncadd.s32 $0xFFFF8300  }
0x86: {  	[spmem:s3] =	stream.indirect.scatter.add.f32 [tilespmem:s9], [sflag:$0x5], $0x1, s19, s10, $0xb8;
	[tilespmem:$0x1ED38] =	vst v63  }
0x87: {  	_ = 	snop  }
0x88: {  	[spmem:s2] =	stream.indirect.scatter.add.f32 [tilespmem:s13], [sflag:$0x4], $0x40, s19, s10, $0xb8;
	[tilespmem:$0x1ED38] =	vst v63  }
0x89: {  	_ =	swait.ge [sflag:s17], $0x7D00  }
0x8a: {  	[sflag:s17] =	ssyncset.done $0x0  }
0x8b: {  	[sflag:s17] =	ssyncadd.s32 $0xFFFF8300  }
0x8c: {  	_ =	swait.ge [sflag:s12], $0x1F4  }
0x8d: {  	[sflag:s12] =	ssyncset.done $0x0  }
0x8e: {  	s28 =	rddreg [dreg:$0x12];
	[sflag:s12] =	ssyncadd.s32 $0xFFFFFE0C  }
0x8f: {  	[tilespmem:s13], [sflag:$0x2] =	stream.indirect.gather [hbm4b:s4+s10], $0x40, s28, s10, $0xb8;
	[tilespmem:$0x1ED38] =	vst v63  }
0x90: {  	_ =	swait.ge [sflag:s15], $0x7D00  }
0x91: {  	[sflag:s15] =	ssyncset.done $0x0  }
0x92: {  	s24 =	simm.s32 $0xD5B0;
	[sflag:s15] =	ssyncadd.s32 $0xFFFF8300  }
0x93: {  	[spmem:s3] =	stream.indirect.scatter.add.f32 [tilespmem:s9], [sflag:$0x5], $0x1, s24, s10, $0xb8;
	[tilespmem:$0x1ED38] =	vst v63  }
0x94: {  	_ = 	snop  }
0x95: {  	[spmem:s2] =	stream.indirect.scatter.add.f32 [tilespmem:s14], [sflag:$0x3], $0x40, s24, s10, $0xb8;
	[tilespmem:$0x1ED38] =	vst v63  }
0x96: {  	_ =	swait.ge [sflag:s11], $0x7D00  }
0x97: {  	[sflag:s11] =	ssyncset.done $0x0  }
0x98: {  	[sflag:s11] =	ssyncadd.s32 $0xFFFF8300  }
0x99: {  	_ =	swait.ge [sflag:s12], $0x1F4  }
0x9a: {  	[sflag:s12] =	ssyncset.done $0x0  }
0x9b: {  	s28 =	rddreg [dreg:$0x13];
	[sflag:s12] =	ssyncadd.s32 $0xFFFFFE0C  }
0x9c: {  	[tilespmem:s14], [sflag:$0x1] =	stream.indirect.gather [hbm4b:s4+s10], $0x40, s28, s10, $0xb8;
	[tilespmem:$0x1ED38] =	vst v63  }
0x9d: {  	_ =	swait.ge [sflag:s16], $0x7D00  }
0x9e: {  	[sflag:s16] =	ssyncset.done $0x0  }
0x9f: {  	[sflag:s16] =	ssyncadd.s32 $0xFFFF8300  }
0xa0: {  	[spmem:s3] =	stream.indirect.scatter.add.f32 [tilespmem:s9], [sflag:$0x5], $0x1, s1, s10, $0xb8;
	[tilespmem:$0x1ED38] =	vst v63  }
0xa1: {  	_ = 	snop  }
0xa2: {  	[spmem:s2] =	stream.indirect.scatter.add.f32 [tilespmem:s13], [sflag:$0x4], $0x40, s1, s10, $0xb8;
	[tilespmem:$0x1ED38] =	vst v63  }
0xa3: {  	_ =	swait.ge [sflag:s17], $0x7D00  }
0xa4: {  	[sflag:s17] =	ssyncset.done $0x0  }
0xa5: {  	[sflag:s17] =	ssyncadd.s32 $0xFFFF8300  }
0xa6: {  	_ =	swait.ge [sflag:s12], $0x1F4  }
0xa7: {  	[sflag:s12] =	ssyncset.done $0x0  }
0xa8: {  	s28 =	rddreg [dreg:$0x14];
	[sflag:s12] =	ssyncadd.s32 $0xFFFFFE0C  }
0xa9: {  	[tilespmem:s13], [sflag:$0x2] =	stream.indirect.gather [hbm4b:s4+s10], $0x40, s28, s10, $0xb8;
	[tilespmem:$0x1ED38] =	vst v63  }
0xaa: {  	_ =	swait.ge [sflag:s15], $0x7D00  }
0xab: {  	[sflag:s15] =	ssyncset.done $0x0  }
0xac: {  	s24 =	simm.s32 $0xD9A0;
	[sflag:s15] =	ssyncadd.s32 $0xFFFF8300  }
0xad: {  	[spmem:s3] =	stream.indirect.scatter.add.f32 [tilespmem:s9], [sflag:$0x5], $0x1, s24, s10, $0xb8;
	[tilespmem:$0x1ED38] =	vst v63  }
0xae: {  	_ = 	snop  }
0xaf: {  	[spmem:s2] =	stream.indirect.scatter.add.f32 [tilespmem:s14], [sflag:$0x3], $0x40, s24, s10, $0xb8;
	[tilespmem:$0x1ED38] =	vst v63  }
0xb0: {  	_ =	swait.ge [sflag:s11], $0x7D00  }
0xb1: {  	[sflag:s11] =	ssyncset.done $0x0  }
0xb2: {  	[sflag:s11] =	ssyncadd.s32 $0xFFFF8300  }
0xb3: {  	_ =	swait.ge [sflag:s12], $0x1F4  }
0xb4: {  	[sflag:s12] =	ssyncset.done $0x0  }
0xb5: {  	s28 =	rddreg [dreg:$0x15];
	[sflag:s12] =	ssyncadd.s32 $0xFFFFFE0C  }
0xb6: {  	[tilespmem:s14], [sflag:$0x1] =	stream.indirect.gather [hbm4b:s4+s10], $0x40, s28, s10, $0xb8;
	[tilespmem:$0x1ED38] =	vst v63  }
0xb7: {  	_ =	swait.ge [sflag:s16], $0x7D00  }
0xb8: {  	[sflag:s16] =	ssyncset.done $0x0  }
0xb9: {  	[sflag:s16] =	ssyncadd.s32 $0xFFFF8300  }
0xba: {  	[spmem:s3] =	stream.indirect.scatter.add.f32 [tilespmem:s9], [sflag:$0x5], $0x1, s25, s10, $0xb8;
	[tilespmem:$0x1ED38] =	vst v63  }
0xbb: {  	_ = 	snop  }
0xbc: {  	[spmem:s2] =	stream.indirect.scatter.add.f32 [tilespmem:s13], [sflag:$0x4], $0x40, s25, s10, $0xb8;
	[tilespmem:$0x1ED38] =	vst v63  }
0xbd: {  	_ =	swait.ge [sflag:s17], $0x7D00  }
0xbe: {  	[sflag:s17] =	ssyncset.done $0x0  }
0xbf: {  	[sflag:s17] =	ssyncadd.s32 $0xFFFF8300  }
0xc0: {  	_ =	swait.ge [sflag:s12], $0x1F4  }
0xc1: {  	[sflag:s12] =	ssyncset.done $0x0  }
0xc2: {  	s28 =	rddreg [dreg:$0x16];
	[sflag:s12] =	ssyncadd.s32 $0xFFFFFE0C  }
0xc3: {  	[tilespmem:s13], [sflag:$0x2] =	stream.indirect.gather [hbm4b:s4+s10], $0x40, s28, s10, $0xb8;
	[tilespmem:$0x1ED38] =	vst v63  }
0xc4: {  	_ =	swait.ge [sflag:s15], $0x7D00  }
0xc5: {  	[sflag:s15] =	ssyncset.done $0x0  }
0xc6: {  	s24 =	simm.s32 $0xDD90;
	[sflag:s15] =	ssyncadd.s32 $0xFFFF8300  }
0xc7: {  	[spmem:s3] =	stream.indirect.scatter.add.f32 [tilespmem:s9], [sflag:$0x5], $0x1, s24, s10, $0xb8;
	[tilespmem:$0x1ED38] =	vst v63  }
0xc8: {  	_ = 	snop  }
0xc9: {  	[spmem:s2] =	stream.indirect.scatter.add.f32 [tilespmem:s14], [sflag:$0x3], $0x40, s24, s10, $0xb8;
	[tilespmem:$0x1ED38] =	vst v63  }
0xca: {  	_ =	swait.ge [sflag:s11], $0x7D00  }
0xcb: {  	[sflag:s11] =	ssyncset.done $0x0  }
0xcc: {  	[sflag:s11] =	ssyncadd.s32 $0xFFFF8300  }
0xcd: {  	_ =	swait.ge [sflag:s12], $0x1F4  }
0xce: {  	[sflag:s12] =	ssyncset.done $0x0  }
0xcf: {  	s28 =	rddreg [dreg:$0x17];
	[sflag:s12] =	ssyncadd.s32 $0xFFFFFE0C  }
0xd0: {  	[tilespmem:s14], [sflag:$0x1] =	stream.indirect.gather [hbm4b:s4+s10], $0x40, s28, s10, $0xb8;
	[tilespmem:$0x1ED38] =	vst v63  }
0xd1: {  	_ =	swait.ge [sflag:s16], $0x7D00  }
0xd2: {  	[sflag:s16] =	ssyncset.done $0x0  }
0xd3: {  	[sflag:s16] =	ssyncadd.s32 $0xFFFF8300  }
0xd4: {  	[spmem:s3] =	stream.indirect.scatter.add.f32 [tilespmem:s9], [sflag:$0x5], $0x1, s23, s10, $0xb8;
	[tilespmem:$0x1ED38] =	vst v63  }
0xd5: {  	_ = 	snop  }
0xd6: {  	[spmem:s2] =	stream.indirect.scatter.add.f32 [tilespmem:s13], [sflag:$0x4], $0x40, s23, s10, $0xb8;
	[tilespmem:$0x1ED38] =	vst v63  }
0xd7: {  	_ =	swait.ge [sflag:s17], $0x7D00  }
0xd8: {  	[sflag:s17] =	ssyncset.done $0x0  }
0xd9: {  	[sflag:s17] =	ssyncadd.s32 $0xFFFF8300  }
0xda: {  	_ =	swait.ge [sflag:s12], $0x1F4  }
0xdb: {  	[sflag:s12] =	ssyncset.done $0x0  }
0xdc: {  	s28 =	rddreg [dreg:$0x18];
	[sflag:s12] =	ssyncadd.s32 $0xFFFFFE0C  }
0xdd: {  	[tilespmem:s13], [sflag:$0x2] =	stream.indirect.gather [hbm4b:s4+s10], $0x40, s28, s10, $0xb8;
	[tilespmem:$0x1ED38] =	vst v63  }
0xde: {  	_ =	swait.ge [sflag:s15], $0x7D00  }
0xdf: {  	[sflag:s15] =	ssyncset.done $0x0  }
0xe0: {  	s24 =	simm.s32 $0xE180;
	[sflag:s15] =	ssyncadd.s32 $0xFFFF8300  }
0xe1: {  	[spmem:s3] =	stream.indirect.scatter.add.f32 [tilespmem:s9], [sflag:$0x5], $0x1, s24, s10, $0xb8;
	[tilespmem:$0x1ED38] =	vst v63  }
0xe2: {  	_ = 	snop  }
0xe3: {  	[spmem:s2] =	stream.indirect.scatter.add.f32 [tilespmem:s14], [sflag:$0x3], $0x40, s24, s10, $0xb8;
	[tilespmem:$0x1ED38] =	vst v63  }
0xe4: {  	_ =	swait.ge [sflag:s11], $0x7D00  }
0xe5: {  	[sflag:s11] =	ssyncset.done $0x0  }
0xe6: {  	[sflag:s11] =	ssyncadd.s32 $0xFFFF8300  }
0xe7: {  	_ =	swait.ge [sflag:s12], $0x1F4  }
0xe8: {  	[sflag:s12] =	ssyncset.done $0x0  }
0xe9: {  	s28 =	rddreg [dreg:$0x19];
	[sflag:s12] =	ssyncadd.s32 $0xFFFFFE0C  }
0xea: {  	[tilespmem:s14], [sflag:$0x1] =	stream.indirect.gather [hbm4b:s4+s10], $0x40, s28, s10, $0xb8;
	[tilespmem:$0x1ED38] =	vst v63  }
0xeb: {  	_ =	swait.ge [sflag:s16], $0x7D00  }
0xec: {  	[sflag:s16] =	ssyncset.done $0x0  }
0xed: {  	[sflag:s16] =	ssyncadd.s32 $0xFFFF8300  }
0xee: {  	[spmem:s3] =	stream.indirect.scatter.add.f32 [tilespmem:s9], [sflag:$0x5], $0x1, s20, s10, $0xb8;
	[tilespmem:$0x1ED38] =	vst v63  }
0xef: {  	_ = 	snop  }
0xf0: {  	[spmem:s2] =	stream.indirect.scatter.add.f32 [tilespmem:s13], [sflag:$0x4], $0x40, s20, s10, $0xb8;
	[tilespmem:$0x1ED38] =	vst v63  }
0xf1: {  	_ =	swait.ge [sflag:s17], $0x7D00  }
0xf2: {  	[sflag:s17] =	ssyncset.done $0x0  }
0xf3: {  	[sflag:s17] =	ssyncadd.s32 $0xFFFF8300  }
0xf4: {  	_ =	swait.ge [sflag:s12], $0x1F4  }
0xf5: {  	[sflag:s12] =	ssyncset.done $0x0  }
0xf6: {  	s28 =	rddreg [dreg:$0x1a];
	[sflag:s12] =	ssyncadd.s32 $0xFFFFFE0C  }
0xf7: {  	[tilespmem:s13], [sflag:$0x2] =	stream.indirect.gather [hbm4b:s4+s10], $0x40, s28, s10, $0xb8;
	[tilespmem:$0x1ED38] =	vst v63  }
0xf8: {  	_ =	swait.ge [sflag:s15], $0x7D00  }
0xf9: {  	[sflag:s15] =	ssyncset.done $0x0  }
0xfa: {  	s24 =	simm.s32 $0xE570;
	[sflag:s15] =	ssyncadd.s32 $0xFFFF8300  }
0xfb: {  	[spmem:s3] =	stream.indirect.scatter.add.f32 [tilespmem:s9], [sflag:$0x5], $0x1, s24, s10, $0xb8;
	[tilespmem:$0x1ED38] =	vst v63  }
0xfc: {  	_ = 	snop  }
0xfd: {  	[spmem:s2] =	stream.indirect.scatter.add.f32 [tilespmem:s14], [sflag:$0x3], $0x40, s24, s10, $0xb8;
	[tilespmem:$0x1ED38] =	vst v63  }
0xfe: {  	_ =	swait.ge [sflag:s11], $0x7D00  }
0xff: {  	[sflag:s11] =	ssyncset.done $0x0  }
0x100: {  	[sflag:s11] =	ssyncadd.s32 $0xFFFF8300  }
0x101: {  	_ =	swait.ge [sflag:s12], $0x1F4  }
0x102: {  	[sflag:s12] =	ssyncset.done $0x0  }
0x103: {  	s28 =	rddreg [dreg:$0x1b];
	[sflag:s12] =	ssyncadd.s32 $0xFFFFFE0C  }
0x104: {  	[tilespmem:s14], [sflag:$0x1] =	stream.indirect.gather [hbm4b:s4+s10], $0x40, s28, s10, $0xb8;
	[tilespmem:$0x1ED38] =	vst v63  }
0x105: {  	_ =	swait.ge [sflag:s16], $0x7D00  }
0x106: {  	[sflag:s16] =	ssyncset.done $0x0  }
0x107: {  	[sflag:s16] =	ssyncadd.s32 $0xFFFF8300  }
0x108: {  	[spmem:s3] =	stream.indirect.scatter.add.f32 [tilespmem:s9], [sflag:$0x5], $0x1, s18, s10, $0xb8;
	[tilespmem:$0x1ED38] =	vst v63  }
0x109: {  	_ = 	snop  }
0x10a: {  	[spmem:s2] =	stream.indirect.scatter.add.f32 [tilespmem:s13], [sflag:$0x4], $0x40, s18, s10, $0xb8;
	[tilespmem:$0x1ED38] =	vst v63  }
0x10b: {  	_ =	swait.ge [sflag:s17], $0x7D00  }
0x10c: {  	[sflag:s17] =	ssyncset.done $0x0  }
0x10d: {  	[sflag:s17] =	ssyncadd.s32 $0xFFFF8300  }
0x10e: {  	_ =	swait.ge [sflag:s12], $0x1F4  }
0x10f: {  	[sflag:s12] =	ssyncset.done $0x0  }
0x110: {  	s28 =	rddreg [dreg:$0x1c];
	[sflag:s12] =	ssyncadd.s32 $0xFFFFFE0C  }
0x111: {  	[tilespmem:s13], [sflag:$0x2] =	stream.indirect.gather [hbm4b:s4+s10], $0x40, s28, s10, $0xb8;
	[tilespmem:$0x1ED38] =	vst v63  }
0x112: {  	_ =	swait.ge [sflag:s15], $0x7D00  }
0x113: {  	[sflag:s15] =	ssyncset.done $0x0  }
0x114: {  	s24 =	simm.s32 $0xE960;
	[sflag:s15] =	ssyncadd.s32 $0xFFFF8300  }
0x115: {  	[spmem:s3] =	stream.indirect.scatter.add.f32 [tilespmem:s9], [sflag:$0x5], $0x1, s24, s10, $0xb8;
	[tilespmem:$0x1ED38] =	vst v63  }
0x116: {  	_ = 	snop  }
0x117: {  	[spmem:s2] =	stream.indirect.scatter.add.f32 [tilespmem:s14], [sflag:$0x3], $0x40, s24, s10, $0xb8;
	[tilespmem:$0x1ED38] =	vst v63  }
0x118: {  	_ =	swait.ge [sflag:s11], $0x7D00  }
0x119: {  	[sflag:s11] =	ssyncset.done $0x0  }
0x11a: {  	[sflag:s11] =	ssyncadd.s32 $0xFFFF8300  }
0x11b: {  	_ =	swait.ge [sflag:s12], $0x1F4  }
0x11c: {  	[sflag:s12] =	ssyncset.done $0x0  }
0x11d: {  	s28 =	rddreg [dreg:$0x1d];
	[sflag:s12] =	ssyncadd.s32 $0xFFFFFE0C  }
0x11e: {  	[tilespmem:s14], [sflag:$0x1] =	stream.indirect.gather [hbm4b:s4+s10], $0x40, s28, s10, $0xb8;
	[tilespmem:$0x1ED38] =	vst v63  }
0x11f: {  	_ =	swait.ge [sflag:s16], $0x7D00  }
0x120: {  	[sflag:s16] =	ssyncset.done $0x0  }
0x121: {  	[sflag:s16] =	ssyncadd.s32 $0xFFFF8300  }
0x122: {  	[spmem:s3] =	stream.indirect.scatter.add.f32 [tilespmem:s9], [sflag:$0x5], $0x1, s31, s10, $0xb8;
	[tilespmem:$0x1ED38] =	vst v63  }
0x123: {  	_ = 	snop  }
0x124: {  	[spmem:s2] =	stream.indirect.scatter.add.f32 [tilespmem:s13], [sflag:$0x4], $0x40, s31, s10, $0xb8;
	[tilespmem:$0x1ED38] =	vst v63  }
0x125: {  	_ =	swait.ge [sflag:s17], $0x7D00  }
0x126: {  	[sflag:s17] =	ssyncset.done $0x0  }
0x127: {  	[sflag:s17] =	ssyncadd.s32 $0xFFFF8300  }
0x128: {  	_ =	swait.ge [sflag:s12], $0x1F4  }
0x129: {  	[sflag:s12] =	ssyncset.done $0x0  }
0x12a: {  	s28 =	rddreg [dreg:$0x1e];
	[sflag:s12] =	ssyncadd.s32 $0xFFFFFE0C  }
0x12b: {  	[tilespmem:s13], [sflag:$0x2] =	stream.indirect.gather [hbm4b:s4+s10], $0x40, s28, s10, $0xb8;
	[tilespmem:$0x1ED38] =	vst v63  }
0x12c: {  	_ =	swait.ge [sflag:s15], $0x7D00  }
0x12d: {  	[sflag:s15] =	ssyncset.done $0x0  }
0x12e: {  	[sflag:s15] =	ssyncadd.s32 $0xFFFF8300  }
0x12f: {  	[spmem:s3] =	stream.indirect.scatter.add.f32 [tilespmem:s9], [sflag:$0x5], $0x1, s30, s10, $0xb8;
	[tilespmem:$0x1ED38] =	vst v63  }
0x130: {  	_ = 	snop  }
0x131: {  	[spmem:s2] =	stream.indirect.scatter.add.f32 [tilespmem:s14], [sflag:$0x3], $0x40, s30, s10, $0xb8;
	[tilespmem:$0x1ED38] =	vst v63  }
0x132: {  	_ =	swait.ge [sflag:s16], $0x7D00  }
0x133: {  	[sflag:s16] =	ssyncset.done $0x0  }
0x134: {  	[sflag:s16] =	ssyncadd.s32 $0xFFFF8300  }
0x135: {  	[spmem:s3] =	stream.indirect.scatter.add.f32 [tilespmem:s9], [sflag:$0x5], $0x1, s29, s10, $0xb8;
	[tilespmem:$0x1ED38] =	vst v63  }
0x136: {  	_ = 	snop  }
0x137: {  	[spmem:s2] =	stream.indirect.scatter.add.f32 [tilespmem:s13], [sflag:$0x4], $0x40, s29, s10, $0xb8;
	[tilespmem:$0x1ED38] =	vst v63  }
0x138: {  	_ =	swait.ge [sflag:s17], $0x7D00  }
0x139: {  	[sflag:s17] =	ssyncset.done $0x0  }
0x13a: {  	[sflag:s17] =	ssyncadd.s32 $0xFFFF8300  }
0x13b: {  	_ =	swait.ge [sflag:s12], $0x1F4  }
0x13c: {  	[sflag:s12] =	ssyncset.done $0x0  }
0x13d: {  	[sflag:s12] =	ssyncadd.s32 $0xFFFFFE0C  }
0x13e: {  	_ =	swait.ge [sflag:s11], $0x7D00  }
0x13f: {  	[sflag:s11] =	ssyncset.done $0x0  }
0x140: {  	[sflag:s11] =	ssyncadd.s32 $0xFFFF8300  }
0x141: {  	_ =	swait.ge [sflag:s12], $0x1F4  }
0x142: {  	[sflag:s12] =	ssyncset.done $0x0  }
0x143: {  	[sflag:s12] =	ssyncadd.s32 $0xFFFFFE0C  }
0x144: {  	[bflag:$0x0] =	sbarrier.arrive $0xFFFF  }
0x145: {  	s28 =	rddreg [dreg:$0xa]  }
0x146: {  	[hbm:s28], [sflag:s5] =	dma.local [spmem:s7], $0x1400  }
0x147: {  	p1 =	sne.s32 s26, $0x1;
	_ =	swait.ge [sflag:s6], $0x1400  }
.Ltmp1:
0x148: {  	[sflag:s6] =	ssyncset.done $0x0;
	(pc) =	sbr.rel @!p1 .LBB2_3-.Ltmp1, $4  }
0x149: {  	s28 =	rddreg [dreg:$0xb];
	[sflag:s6] =	ssyncadd.s32 $0xFFFFEC00  }
0x14a: {  	[hbm:s28], [sflag:s5] =	dma.local [spmem:s8], $0x50  }
0x14b: {  	p0 =	por $0x1, $0x1;
	_ =	swait.ge [sflag:s6], $0x50  }
0x14c: {  	s26 =	sadd.s32 $0xFFFFFFFF, s26;
	s28 =	rddreg [dreg:$0x6];
	[sflag:s6] =	ssyncset.done $0x0  }
.LBB2_4:
0x14d: {  	[sflag:s6] =	ssyncadd.s32 $0xFFFFFFB0  }
0x14e: {  	[spmem:s7], [sflag:s5] =	dma.local [hbm:s28], $0x1400  }
0x14f: {  	_ =	swait.ge [sflag:s6], $0x1400  }
0x150: {  	[sflag:s6] =	ssyncset.done $0x0  }
0x151: {  	s28 =	rddreg [dreg:$0x7];
	[sflag:s6] =	ssyncadd.s32 $0xFFFFEC00  }
0x152: {  	[spmem:s8], [sflag:s5] =	dma.local [hbm:s28], $0x50  }
0x153: {  	_ =	swait.ge [sflag:s6], $0x50  }
0x154: {  	[sflag:s6] =	ssyncset.done $0x0  }
0x155: {  	s28 =	rddreg [dreg:$0x8];
	[sflag:s6] =	ssyncadd.s32 $0xFFFFFFB0  }
0x156: {  	[tilespmem:s9], [sflag:$0x6] =	stream.linear.gather [hbm4b:s28+s0], $0x1F8, $0x38;
	[tilespmem:$0x1ED38] =	vst v63  }
0x157: {  	_ =	swait.ge [sflag:s6], $0x1F8  }
0x158: {  	[sflag:s6] =	ssyncset.done $0x0  }
0x159: {  	s24 =	simm.s32 $0xA280;
	s28 =	rddreg [dreg:$0x9];
	[sflag:s6] =	ssyncadd.s32 $0xFFFFFE08  }
0x15a: {  	[tilespmem:s24], [sflag:$0x6] =	stream.linear.gather [hbm4b:s28+s0], $0x2760, $0x38;
	[tilespmem:$0x1ED38] =	vst v63  }
0x15b: {  	_ =	swait.ge [sflag:s6], $0x2760  }
0x15c: {  	[sflag:s6] =	ssyncset.done $0x0  }
0x15d: {  	s28 =	rddreg [dreg:$0x1f];
	[sflag:s6] =	ssyncadd.s32 $0xFFFFD8A0  }
0x15e: {  	[tilespmem:s22], [sflag:$0x6] =	stream.linear.gather [hbm4b:s28+s0], $0x2760, $0x38;
	[tilespmem:$0x1ED38] =	vst v63  }
0x15f: {  	_ =	swait.ge [sflag:s6], $0x2760  }
0x160: {  	[sflag:s6] =	ssyncset.done $0x0  }
0x161: {  	[sflag:s6] =	ssyncadd.s32 $0xFFFFD8A0  }
0x162: {  	[bflag:$0x0] =	sbarrier.arrive $0xFFFF  }
0x163: {  	[tilespmem:s14], [sflag:$0x1] =	stream.indirect.gather [hbm4b:s4+s10], $0x40, s24, s10, $0xb8;
	[tilespmem:$0x1ED38] =	vst v63  }
0x164: {  	s28 =	rddreg [dreg:$0xc]  }
0x165: {  	[tilespmem:s13], [sflag:$0x2] =	stream.indirect.gather [hbm4b:s4+s10], $0x40, s28, s10, $0xb8;
	[tilespmem:$0x1ED38] =	vst v63  }
0x166: {  	_ =	swait.ge [sflag:s15], $0x7D00  }
0x167: {  	[sflag:s15] =	ssyncset.done $0x0  }
0x168: {  	[sflag:s15] =	ssyncadd.s32 $0xFFFF8300  }
0x169: {  	[spmem:s3] =	stream.indirect.scatter.add.f32 [tilespmem:s9], [sflag:$0x5], $0x1, s22, s10, $0xb8;
	[tilespmem:$0x1ED38] =	vst v63  }
0x16a: {  	_ = 	snop  }
0x16b: {  	[spmem:s2] =	stream.indirect.scatter.add.f32 [tilespmem:s14], [sflag:$0x3], $0x40, s22, s10, $0xb8;
	[tilespmem:$0x1ED38] =	vst v63  }
0x16c: {  	_ =	swait.ge [sflag:s11], $0x7D00  }
0x16d: {  	[sflag:s11] =	ssyncset.done $0x0  }
0x16e: {  	[sflag:s11] =	ssyncadd.s32 $0xFFFF8300  }
0x16f: {  	_ =	swait.ge [sflag:s12], $0x1F4  }
0x170: {  	[sflag:s12] =	ssyncset.done $0x0  }
0x171: {  	s28 =	rddreg [dreg:$0xd];
	[sflag:s12] =	ssyncadd.s32 $0xFFFFFE0C  }
0x172: {  	[tilespmem:s14], [sflag:$0x1] =	stream.indirect.gather [hbm4b:s4+s10], $0x40, s28, s10, $0xb8;
	[tilespmem:$0x1ED38] =	vst v63  }
0x173: {  	_ =	swait.ge [sflag:s16], $0x7D00  }
0x174: {  	[sflag:s16] =	ssyncset.done $0x0  }
0x175: {  	s24 =	simm.s32 $0xCBD8;
	[sflag:s16] =	ssyncadd.s32 $0xFFFF8300  }
0x176: {  	[spmem:s3] =	stream.indirect.scatter.add.f32 [tilespmem:s9], [sflag:$0x5], $0x1, s24, s10, $0xb8;
	[tilespmem:$0x1ED38] =	vst v63  }
0x177: {  	_ = 	snop  }
0x178: {  	[spmem:s2] =	stream.indirect.scatter.add.f32 [tilespmem:s13], [sflag:$0x4], $0x40, s24, s10, $0xb8;
	[tilespmem:$0x1ED38] =	vst v63  }
0x179: {  	_ =	swait.ge [sflag:s17], $0x7D00  }
0x17a: {  	[sflag:s17] =	ssyncset.done $0x0  }
0x17b: {  	[sflag:s17] =	ssyncadd.s32 $0xFFFF8300  }
0x17c: {  	_ =	swait.ge [sflag:s12], $0x1F4  }
0x17d: {  	[sflag:s12] =	ssyncset.done $0x0  }
0x17e: {  	s28 =	rddreg [dreg:$0xe];
	[sflag:s12] =	ssyncadd.s32 $0xFFFFFE0C  }
0x17f: {  	[tilespmem:s13], [sflag:$0x2] =	stream.indirect.gather [hbm4b:s4+s10], $0x40, s28, s10, $0xb8;
	[tilespmem:$0x1ED38] =	vst v63  }
0x180: {  	_ =	swait.ge [sflag:s15], $0x7D00  }
0x181: {  	[sflag:s15] =	ssyncset.done $0x0  }
0x182: {  	s24 =	simm.s32 $0xCDD0;
	[sflag:s15] =	ssyncadd.s32 $0xFFFF8300  }
0x183: {  	[spmem:s3] =	stream.indirect.scatter.add.f32 [tilespmem:s9], [sflag:$0x5], $0x1, s24, s10, $0xb8;
	[tilespmem:$0x1ED38] =	vst v63  }
0x184: {  	_ = 	snop  }
0x185: {  	[spmem:s2] =	stream.indirect.scatter.add.f32 [tilespmem:s14], [sflag:$0x3], $0x40, s24, s10, $0xb8;
	[tilespmem:$0x1ED38] =	vst v63  }
0x186: {  	_ =	swait.ge [sflag:s11], $0x7D00  }
0x187: {  	[sflag:s11] =	ssyncset.done $0x0  }
0x188: {  	[sflag:s11] =	ssyncadd.s32 $0xFFFF8300  }
0x189: {  	_ =	swait.ge [sflag:s12], $0x1F4  }
0x18a: {  	[sflag:s12] =	ssyncset.done $0x0  }
0x18b: {  	s28 =	rddreg [dreg:$0xf];
	[sflag:s12] =	ssyncadd.s32 $0xFFFFFE0C  }
0x18c: {  	[tilespmem:s14], [sflag:$0x1] =	stream.indirect.gather [hbm4b:s4+s10], $0x40, s28, s10, $0xb8;
	[tilespmem:$0x1ED38] =	vst v63  }
0x18d: {  	_ =	swait.ge [sflag:s16], $0x7D00  }
0x18e: {  	[sflag:s16] =	ssyncset.done $0x0  }
0x18f: {  	s24 =	simm.s32 $0xCFC8;
	[sflag:s16] =	ssyncadd.s32 $0xFFFF8300  }
0x190: {  	[spmem:s3] =	stream.indirect.scatter.add.f32 [tilespmem:s9], [sflag:$0x5], $0x1, s24, s10, $0xb8;
	[tilespmem:$0x1ED38] =	vst v63  }
0x191: {  	_ = 	snop  }
0x192: {  	[spmem:s2] =	stream.indirect.scatter.add.f32 [tilespmem:s13], [sflag:$0x4], $0x40, s24, s10, $0xb8;
	[tilespmem:$0x1ED38] =	vst v63  }
0x193: {  	_ =	swait.ge [sflag:s17], $0x7D00  }
0x194: {  	[sflag:s17] =	ssyncset.done $0x0  }
0x195: {  	[sflag:s17] =	ssyncadd.s32 $0xFFFF8300  }
0x196: {  	_ =	swait.ge [sflag:s12], $0x1F4  }
0x197: {  	[sflag:s12] =	ssyncset.done $0x0  }
0x198: {  	s28 =	rddreg [dreg:$0x10];
	[sflag:s12] =	ssyncadd.s32 $0xFFFFFE0C  }
0x199: {  	[tilespmem:s13], [sflag:$0x2] =	stream.indirect.gather [hbm4b:s4+s10], $0x40, s28, s10, $0xb8;
	[tilespmem:$0x1ED38] =	vst v63  }
0x19a: {  	_ =	swait.ge [sflag:s15], $0x7D00  }
0x19b: {  	[sflag:s15] =	ssyncset.done $0x0  }
0x19c: {  	[sflag:s15] =	ssyncadd.s32 $0xFFFF8300  }
0x19d: {  	[spmem:s3] =	stream.indirect.scatter.add.f32 [tilespmem:s9], [sflag:$0x5], $0x1, s21, s10, $0xb8;
	[tilespmem:$0x1ED38] =	vst v63  }
0x19e: {  	_ = 	snop  }
0x19f: {  	[spmem:s2] =	stream.indirect.scatter.add.f32 [tilespmem:s14], [sflag:$0x3], $0x40, s21, s10, $0xb8;
	[tilespmem:$0x1ED38] =	vst v63  }
0x1a0: {  	_ =	swait.ge [sflag:s11], $0x7D00  }
0x1a1: {  	[sflag:s11] =	ssyncset.done $0x0  }
0x1a2: {  	[sflag:s11] =	ssyncadd.s32 $0xFFFF8300  }
0x1a3: {  	_ =	swait.ge [sflag:s12], $0x1F4  }
0x1a4: {  	[sflag:s12] =	ssyncset.done $0x0  }
0x1a5: {  	s28 =	rddreg [dreg:$0x11];
	[sflag:s12] =	ssyncadd.s32 $0xFFFFFE0C  }
0x1a6: {  	[tilespmem:s14], [sflag:$0x1] =	stream.indirect.gather [hbm4b:s4+s10], $0x40, s28, s10, $0xb8;
	[tilespmem:$0x1ED38] =	vst v63  }
0x1a7: {  	_ =	swait.ge [sflag:s16], $0x7D00  }
0x1a8: {  	[sflag:s16] =	ssyncset.done $0x0  }
0x1a9: {  	[sflag:s16] =	ssyncadd.s32 $0xFFFF8300  }
0x1aa: {  	[spmem:s3] =	stream.indirect.scatter.add.f32 [tilespmem:s9], [sflag:$0x5], $0x1, s19, s10, $0xb8;
	[tilespmem:$0x1ED38] =	vst v63  }
0x1ab: {  	_ = 	snop  }
0x1ac: {  	[spmem:s2] =	stream.indirect.scatter.add.f32 [tilespmem:s13], [sflag:$0x4], $0x40, s19, s10, $0xb8;
	[tilespmem:$0x1ED38] =	vst v63  }
0x1ad: {  	_ =	swait.ge [sflag:s17], $0x7D00  }
0x1ae: {  	[sflag:s17] =	ssyncset.done $0x0  }
0x1af: {  	[sflag:s17] =	ssyncadd.s32 $0xFFFF8300  }
0x1b0: {  	_ =	swait.ge [sflag:s12], $0x1F4  }
0x1b1: {  	[sflag:s12] =	ssyncset.done $0x0  }
0x1b2: {  	s28 =	rddreg [dreg:$0x12];
	[sflag:s12] =	ssyncadd.s32 $0xFFFFFE0C  }
0x1b3: {  	[tilespmem:s13], [sflag:$0x2] =	stream.indirect.gather [hbm4b:s4+s10], $0x40, s28, s10, $0xb8;
	[tilespmem:$0x1ED38] =	vst v63  }
0x1b4: {  	_ =	swait.ge [sflag:s15], $0x7D00  }
0x1b5: {  	[sflag:s15] =	ssyncset.done $0x0  }
0x1b6: {  	s24 =	simm.s32 $0xD5B0;
	[sflag:s15] =	ssyncadd.s32 $0xFFFF8300  }
0x1b7: {  	[spmem:s3] =	stream.indirect.scatter.add.f32 [tilespmem:s9], [sflag:$0x5], $0x1, s24, s10, $0xb8;
	[tilespmem:$0x1ED38] =	vst v63  }
0x1b8: {  	_ = 	snop  }
0x1b9: {  	[spmem:s2] =	stream.indirect.scatter.add.f32 [tilespmem:s14], [sflag:$0x3], $0x40, s24, s10, $0xb8;
	[tilespmem:$0x1ED38] =	vst v63  }
0x1ba: {  	_ =	swait.ge [sflag:s11], $0x7D00  }
0x1bb: {  	[sflag:s11] =	ssyncset.done $0x0  }
0x1bc: {  	[sflag:s11] =	ssyncadd.s32 $0xFFFF8300  }
0x1bd: {  	_ =	swait.ge [sflag:s12], $0x1F4  }
0x1be: {  	[sflag:s12] =	ssyncset.done $0x0  }
0x1bf: {  	s28 =	rddreg [dreg:$0x13];
	[sflag:s12] =	ssyncadd.s32 $0xFFFFFE0C  }
0x1c0: {  	[tilespmem:s14], [sflag:$0x1] =	stream.indirect.gather [hbm4b:s4+s10], $0x40, s28, s10, $0xb8;
	[tilespmem:$0x1ED38] =	vst v63  }
0x1c1: {  	_ =	swait.ge [sflag:s16], $0x7D00  }
0x1c2: {  	[sflag:s16] =	ssyncset.done $0x0  }
0x1c3: {  	[sflag:s16] =	ssyncadd.s32 $0xFFFF8300  }
0x1c4: {  	[spmem:s3] =	stream.indirect.scatter.add.f32 [tilespmem:s9], [sflag:$0x5], $0x1, s1, s10, $0xb8;
	[tilespmem:$0x1ED38] =	vst v63  }
0x1c5: {  	_ = 	snop  }
0x1c6: {  	[spmem:s2] =	stream.indirect.scatter.add.f32 [tilespmem:s13], [sflag:$0x4], $0x40, s1, s10, $0xb8;
	[tilespmem:$0x1ED38] =	vst v63  }
0x1c7: {  	_ =	swait.ge [sflag:s17], $0x7D00  }
0x1c8: {  	[sflag:s17] =	ssyncset.done $0x0  }
0x1c9: {  	[sflag:s17] =	ssyncadd.s32 $0xFFFF8300  }
0x1ca: {  	_ =	swait.ge [sflag:s12], $0x1F4  }
0x1cb: {  	[sflag:s12] =	ssyncset.done $0x0  }
0x1cc: {  	s28 =	rddreg [dreg:$0x14];
	[sflag:s12] =	ssyncadd.s32 $0xFFFFFE0C  }
0x1cd: {  	[tilespmem:s13], [sflag:$0x2] =	stream.indirect.gather [hbm4b:s4+s10], $0x40, s28, s10, $0xb8;
	[tilespmem:$0x1ED38] =	vst v63  }
0x1ce: {  	_ =	swait.ge [sflag:s15], $0x7D00  }
0x1cf: {  	[sflag:s15] =	ssyncset.done $0x0  }
0x1d0: {  	s24 =	simm.s32 $0xD9A0;
	[sflag:s15] =	ssyncadd.s32 $0xFFFF8300  }
0x1d1: {  	[spmem:s3] =	stream.indirect.scatter.add.f32 [tilespmem:s9], [sflag:$0x5], $0x1, s24, s10, $0xb8;
	[tilespmem:$0x1ED38] =	vst v63  }
0x1d2: {  	_ = 	snop  }
0x1d3: {  	[spmem:s2] =	stream.indirect.scatter.add.f32 [tilespmem:s14], [sflag:$0x3], $0x40, s24, s10, $0xb8;
	[tilespmem:$0x1ED38] =	vst v63  }
0x1d4: {  	_ =	swait.ge [sflag:s11], $0x7D00  }
0x1d5: {  	[sflag:s11] =	ssyncset.done $0x0  }
0x1d6: {  	[sflag:s11] =	ssyncadd.s32 $0xFFFF8300  }
0x1d7: {  	_ =	swait.ge [sflag:s12], $0x1F4  }
0x1d8: {  	[sflag:s12] =	ssyncset.done $0x0  }
0x1d9: {  	s28 =	rddreg [dreg:$0x15];
	[sflag:s12] =	ssyncadd.s32 $0xFFFFFE0C  }
0x1da: {  	[tilespmem:s14], [sflag:$0x1] =	stream.indirect.gather [hbm4b:s4+s10], $0x40, s28, s10, $0xb8;
	[tilespmem:$0x1ED38] =	vst v63  }
0x1db: {  	_ =	swait.ge [sflag:s16], $0x7D00  }
0x1dc: {  	[sflag:s16] =	ssyncset.done $0x0  }
0x1dd: {  	[sflag:s16] =	ssyncadd.s32 $0xFFFF8300  }
0x1de: {  	[spmem:s3] =	stream.indirect.scatter.add.f32 [tilespmem:s9], [sflag:$0x5], $0x1, s25, s10, $0xb8;
	[tilespmem:$0x1ED38] =	vst v63  }
0x1df: {  	_ = 	snop  }
0x1e0: {  	[spmem:s2] =	stream.indirect.scatter.add.f32 [tilespmem:s13], [sflag:$0x4], $0x40, s25, s10, $0xb8;
	[tilespmem:$0x1ED38] =	vst v63  }
0x1e1: {  	_ =	swait.ge [sflag:s17], $0x7D00  }
0x1e2: {  	[sflag:s17] =	ssyncset.done $0x0  }
0x1e3: {  	[sflag:s17] =	ssyncadd.s32 $0xFFFF8300  }
0x1e4: {  	_ =	swait.ge [sflag:s12], $0x1F4  }
0x1e5: {  	[sflag:s12] =	ssyncset.done $0x0  }
0x1e6: {  	s28 =	rddreg [dreg:$0x16];
	[sflag:s12] =	ssyncadd.s32 $0xFFFFFE0C  }
0x1e7: {  	[tilespmem:s13], [sflag:$0x2] =	stream.indirect.gather [hbm4b:s4+s10], $0x40, s28, s10, $0xb8;
	[tilespmem:$0x1ED38] =	vst v63  }
0x1e8: {  	_ =	swait.ge [sflag:s15], $0x7D00  }
0x1e9: {  	[sflag:s15] =	ssyncset.done $0x0  }
0x1ea: {  	s24 =	simm.s32 $0xDD90;
	[sflag:s15] =	ssyncadd.s32 $0xFFFF8300  }
0x1eb: {  	[spmem:s3] =	stream.indirect.scatter.add.f32 [tilespmem:s9], [sflag:$0x5], $0x1, s24, s10, $0xb8;
	[tilespmem:$0x1ED38] =	vst v63  }
0x1ec: {  	_ = 	snop  }
0x1ed: {  	[spmem:s2] =	stream.indirect.scatter.add.f32 [tilespmem:s14], [sflag:$0x3], $0x40, s24, s10, $0xb8;
	[tilespmem:$0x1ED38] =	vst v63  }
0x1ee: {  	_ =	swait.ge [sflag:s11], $0x7D00  }
0x1ef: {  	[sflag:s11] =	ssyncset.done $0x0  }
0x1f0: {  	[sflag:s11] =	ssyncadd.s32 $0xFFFF8300  }
0x1f1: {  	_ =	swait.ge [sflag:s12], $0x1F4  }
0x1f2: {  	[sflag:s12] =	ssyncset.done $0x0  }
0x1f3: {  	s28 =	rddreg [dreg:$0x17];
	[sflag:s12] =	ssyncadd.s32 $0xFFFFFE0C  }
0x1f4: {  	[tilespmem:s14], [sflag:$0x1] =	stream.indirect.gather [hbm4b:s4+s10], $0x40, s28, s10, $0xb8;
	[tilespmem:$0x1ED38] =	vst v63  }
0x1f5: {  	_ =	swait.ge [sflag:s16], $0x7D00  }
0x1f6: {  	[sflag:s16] =	ssyncset.done $0x0  }
0x1f7: {  	[sflag:s16] =	ssyncadd.s32 $0xFFFF8300  }
0x1f8: {  	[spmem:s3] =	stream.indirect.scatter.add.f32 [tilespmem:s9], [sflag:$0x5], $0x1, s23, s10, $0xb8;
	[tilespmem:$0x1ED38] =	vst v63  }
0x1f9: {  	_ = 	snop  }
0x1fa: {  	[spmem:s2] =	stream.indirect.scatter.add.f32 [tilespmem:s13], [sflag:$0x4], $0x40, s23, s10, $0xb8;
	[tilespmem:$0x1ED38] =	vst v63  }
0x1fb: {  	_ =	swait.ge [sflag:s17], $0x7D00  }
0x1fc: {  	[sflag:s17] =	ssyncset.done $0x0  }
0x1fd: {  	[sflag:s17] =	ssyncadd.s32 $0xFFFF8300  }
0x1fe: {  	_ =	swait.ge [sflag:s12], $0x1F4  }
0x1ff: {  	[sflag:s12] =	ssyncset.done $0x0  }
0x200: {  	s28 =	rddreg [dreg:$0x18];
	[sflag:s12] =	ssyncadd.s32 $0xFFFFFE0C  }
0x201: {  	[tilespmem:s13], [sflag:$0x2] =	stream.indirect.gather [hbm4b:s4+s10], $0x40, s28, s10, $0xb8;
	[tilespmem:$0x1ED38] =	vst v63  }
0x202: {  	_ =	swait.ge [sflag:s15], $0x7D00  }
0x203: {  	[sflag:s15] =	ssyncset.done $0x0  }
0x204: {  	s24 =	simm.s32 $0xE180;
	[sflag:s15] =	ssyncadd.s32 $0xFFFF8300  }
0x205: {  	[spmem:s3] =	stream.indirect.scatter.add.f32 [tilespmem:s9], [sflag:$0x5], $0x1, s24, s10, $0xb8;
	[tilespmem:$0x1ED38] =	vst v63  }
0x206: {  	_ = 	snop  }
0x207: {  	[spmem:s2] =	stream.indirect.scatter.add.f32 [tilespmem:s14], [sflag:$0x3], $0x40, s24, s10, $0xb8;
	[tilespmem:$0x1ED38] =	vst v63  }
0x208: {  	_ =	swait.ge [sflag:s11], $0x7D00  }
0x209: {  	[sflag:s11] =	ssyncset.done $0x0  }
0x20a: {  	[sflag:s11] =	ssyncadd.s32 $0xFFFF8300  }
0x20b: {  	_ =	swait.ge [sflag:s12], $0x1F4  }
0x20c: {  	[sflag:s12] =	ssyncset.done $0x0  }
0x20d: {  	s28 =	rddreg [dreg:$0x19];
	[sflag:s12] =	ssyncadd.s32 $0xFFFFFE0C  }
0x20e: {  	[tilespmem:s14], [sflag:$0x1] =	stream.indirect.gather [hbm4b:s4+s10], $0x40, s28, s10, $0xb8;
	[tilespmem:$0x1ED38] =	vst v63  }
0x20f: {  	_ =	swait.ge [sflag:s16], $0x7D00  }
0x210: {  	[sflag:s16] =	ssyncset.done $0x0  }
0x211: {  	[sflag:s16] =	ssyncadd.s32 $0xFFFF8300  }
0x212: {  	[spmem:s3] =	stream.indirect.scatter.add.f32 [tilespmem:s9], [sflag:$0x5], $0x1, s20, s10, $0xb8;
	[tilespmem:$0x1ED38] =	vst v63  }
0x213: {  	_ = 	snop  }
0x214: {  	[spmem:s2] =	stream.indirect.scatter.add.f32 [tilespmem:s13], [sflag:$0x4], $0x40, s20, s10, $0xb8;
	[tilespmem:$0x1ED38] =	vst v63  }
0x215: {  	_ =	swait.ge [sflag:s17], $0x7D00  }
0x216: {  	[sflag:s17] =	ssyncset.done $0x0  }
0x217: {  	[sflag:s17] =	ssyncadd.s32 $0xFFFF8300  }
0x218: {  	_ =	swait.ge [sflag:s12], $0x1F4  }
0x219: {  	[sflag:s12] =	ssyncset.done $0x0  }
0x21a: {  	s28 =	rddreg [dreg:$0x1a];
	[sflag:s12] =	ssyncadd.s32 $0xFFFFFE0C  }
0x21b: {  	[tilespmem:s13], [sflag:$0x2] =	stream.indirect.gather [hbm4b:s4+s10], $0x40, s28, s10, $0xb8;
	[tilespmem:$0x1ED38] =	vst v63  }
0x21c: {  	_ =	swait.ge [sflag:s15], $0x7D00  }
0x21d: {  	[sflag:s15] =	ssyncset.done $0x0  }
0x21e: {  	s24 =	simm.s32 $0xE570;
	[sflag:s15] =	ssyncadd.s32 $0xFFFF8300  }
0x21f: {  	[spmem:s3] =	stream.indirect.scatter.add.f32 [tilespmem:s9], [sflag:$0x5], $0x1, s24, s10, $0xb8;
	[tilespmem:$0x1ED38] =	vst v63  }
0x220: {  	_ = 	snop  }
0x221: {  	[spmem:s2] =	stream.indirect.scatter.add.f32 [tilespmem:s14], [sflag:$0x3], $0x40, s24, s10, $0xb8;
	[tilespmem:$0x1ED38] =	vst v63  }
0x222: {  	_ =	swait.ge [sflag:s11], $0x7D00  }
0x223: {  	[sflag:s11] =	ssyncset.done $0x0  }
0x224: {  	[sflag:s11] =	ssyncadd.s32 $0xFFFF8300  }
0x225: {  	_ =	swait.ge [sflag:s12], $0x1F4  }
0x226: {  	[sflag:s12] =	ssyncset.done $0x0  }
0x227: {  	s28 =	rddreg [dreg:$0x1b];
	[sflag:s12] =	ssyncadd.s32 $0xFFFFFE0C  }
0x228: {  	[tilespmem:s14], [sflag:$0x1] =	stream.indirect.gather [hbm4b:s4+s10], $0x40, s28, s10, $0xb8;
	[tilespmem:$0x1ED38] =	vst v63  }
0x229: {  	_ =	swait.ge [sflag:s16], $0x7D00  }
0x22a: {  	[sflag:s16] =	ssyncset.done $0x0  }
0x22b: {  	[sflag:s16] =	ssyncadd.s32 $0xFFFF8300  }
0x22c: {  	[spmem:s3] =	stream.indirect.scatter.add.f32 [tilespmem:s9], [sflag:$0x5], $0x1, s18, s10, $0xb8;
	[tilespmem:$0x1ED38] =	vst v63  }
0x22d: {  	_ = 	snop  }
0x22e: {  	[spmem:s2] =	stream.indirect.scatter.add.f32 [tilespmem:s13], [sflag:$0x4], $0x40, s18, s10, $0xb8;
	[tilespmem:$0x1ED38] =	vst v63  }
0x22f: {  	_ =	swait.ge [sflag:s17], $0x7D00  }
0x230: {  	[sflag:s17] =	ssyncset.done $0x0  }
0x231: {  	[sflag:s17] =	ssyncadd.s32 $0xFFFF8300  }
0x232: {  	_ =	swait.ge [sflag:s12], $0x1F4  }
0x233: {  	[sflag:s12] =	ssyncset.done $0x0  }
0x234: {  	s28 =	rddreg [dreg:$0x1c];
	[sflag:s12] =	ssyncadd.s32 $0xFFFFFE0C  }
0x235: {  	[tilespmem:s13], [sflag:$0x2] =	stream.indirect.gather [hbm4b:s4+s10], $0x40, s28, s10, $0xb8;
	[tilespmem:$0x1ED38] =	vst v63  }
0x236: {  	_ =	swait.ge [sflag:s15], $0x7D00  }
0x237: {  	[sflag:s15] =	ssyncset.done $0x0  }
0x238: {  	s24 =	simm.s32 $0xE960;
	[sflag:s15] =	ssyncadd.s32 $0xFFFF8300  }
0x239: {  	[spmem:s3] =	stream.indirect.scatter.add.f32 [tilespmem:s9], [sflag:$0x5], $0x1, s24, s10, $0xb8;
	[tilespmem:$0x1ED38] =	vst v63  }
0x23a: {  	_ = 	snop  }
0x23b: {  	[spmem:s2] =	stream.indirect.scatter.add.f32 [tilespmem:s14], [sflag:$0x3], $0x40, s24, s10, $0xb8;
	[tilespmem:$0x1ED38] =	vst v63  }
0x23c: {  	_ =	swait.ge [sflag:s11], $0x7D00  }
0x23d: {  	[sflag:s11] =	ssyncset.done $0x0  }
0x23e: {  	[sflag:s11] =	ssyncadd.s32 $0xFFFF8300  }
0x23f: {  	_ =	swait.ge [sflag:s12], $0x1F4  }
0x240: {  	[sflag:s12] =	ssyncset.done $0x0  }
0x241: {  	s28 =	rddreg [dreg:$0x1d];
	[sflag:s12] =	ssyncadd.s32 $0xFFFFFE0C  }
0x242: {  	[tilespmem:s14], [sflag:$0x1] =	stream.indirect.gather [hbm4b:s4+s10], $0x40, s28, s10, $0xb8;
	[tilespmem:$0x1ED38] =	vst v63  }
0x243: {  	_ =	swait.ge [sflag:s16], $0x7D00  }
0x244: {  	[sflag:s16] =	ssyncset.done $0x0  }
0x245: {  	[sflag:s16] =	ssyncadd.s32 $0xFFFF8300  }
0x246: {  	[spmem:s3] =	stream.indirect.scatter.add.f32 [tilespmem:s9], [sflag:$0x5], $0x1, s31, s10, $0xb8;
	[tilespmem:$0x1ED38] =	vst v63  }
0x247: {  	_ = 	snop  }
0x248: {  	[spmem:s2] =	stream.indirect.scatter.add.f32 [tilespmem:s13], [sflag:$0x4], $0x40, s31, s10, $0xb8;
	[tilespmem:$0x1ED38] =	vst v63  }
0x249: {  	_ =	swait.ge [sflag:s17], $0x7D00  }
0x24a: {  	[sflag:s17] =	ssyncset.done $0x0  }
0x24b: {  	[sflag:s17] =	ssyncadd.s32 $0xFFFF8300  }
0x24c: {  	_ =	swait.ge [sflag:s12], $0x1F4  }
0x24d: {  	[sflag:s12] =	ssyncset.done $0x0  }
0x24e: {  	s28 =	rddreg [dreg:$0x1e];
	[sflag:s12] =	ssyncadd.s32 $0xFFFFFE0C  }
0x24f: {  	[tilespmem:s13], [sflag:$0x2] =	stream.indirect.gather [hbm4b:s4+s10], $0x40, s28, s10, $0xb8;
	[tilespmem:$0x1ED38] =	vst v63  }
0x250: {  	_ =	swait.ge [sflag:s15], $0x7D00  }
0x251: {  	[sflag:s15] =	ssyncset.done $0x0  }
0x252: {  	[sflag:s15] =	ssyncadd.s32 $0xFFFF8300  }
0x253: {  	[spmem:s3] =	stream.indirect.scatter.add.f32 [tilespmem:s9], [sflag:$0x5], $0x1, s30, s10, $0xb8;
	[tilespmem:$0x1ED38] =	vst v63  }
0x254: {  	_ = 	snop  }
0x255: {  	[spmem:s2] =	stream.indirect.scatter.add.f32 [tilespmem:s14], [sflag:$0x3], $0x40, s30, s10, $0xb8;
	[tilespmem:$0x1ED38] =	vst v63  }
0x256: {  	_ =	swait.ge [sflag:s16], $0x7D00  }
0x257: {  	[sflag:s16] =	ssyncset.done $0x0  }
0x258: {  	[sflag:s16] =	ssyncadd.s32 $0xFFFF8300  }
0x259: {  	[spmem:s3] =	stream.indirect.scatter.add.f32 [tilespmem:s9], [sflag:$0x5], $0x1, s29, s10, $0xb8;
	[tilespmem:$0x1ED38] =	vst v63  }
0x25a: {  	_ = 	snop  }
0x25b: {  	[spmem:s2] =	stream.indirect.scatter.add.f32 [tilespmem:s13], [sflag:$0x4], $0x40, s29, s10, $0xb8;
	[tilespmem:$0x1ED38] =	vst v63  }
0x25c: {  	_ =	swait.ge [sflag:s17], $0x7D00  }
0x25d: {  	[sflag:s17] =	ssyncset.done $0x0  }
0x25e: {  	[sflag:s17] =	ssyncadd.s32 $0xFFFF8300  }
0x25f: {  	_ =	swait.ge [sflag:s12], $0x1F4  }
0x260: {  	[sflag:s12] =	ssyncset.done $0x0  }
0x261: {  	[sflag:s12] =	ssyncadd.s32 $0xFFFFFE0C  }
0x262: {  	_ =	swait.ge [sflag:s11], $0x7D00  }
0x263: {  	[sflag:s11] =	ssyncset.done $0x0  }
0x264: {  	[sflag:s11] =	ssyncadd.s32 $0xFFFF8300  }
0x265: {  	_ =	swait.ge [sflag:s12], $0x1F4  }
0x266: {  	[sflag:s12] =	ssyncset.done $0x0  }
0x267: {  	[sflag:s12] =	ssyncadd.s32 $0xFFFFFE0C  }
0x268: {  	[bflag:$0x0] =	sbarrier.arrive $0xFFFF  }
0x269: {  	s28 =	rddreg [dreg:$0xa]  }
0x26a: {  	[hbm:s28], [sflag:s5] =	dma.local [spmem:s7], $0x1400  }
0x26b: {  	p1 =	sne.s32 s26, $0x1;
	_ =	swait.ge [sflag:s6], $0x1400  }
.Ltmp2:
0x26c: {  	[sflag:s6] =	ssyncset.done $0x0;
	(pc) =	sbr.rel @p1 .LBB2_4-.Ltmp2, $4  }
0x26d: {  	s28 =	rddreg [dreg:$0xb];
	[sflag:s6] =	ssyncadd.s32 $0xFFFFEC00  }
0x26e: {  	[hbm:s28], [sflag:s5] =	dma.local [spmem:s8], $0x50  }
0x26f: {  	_ =	swait.ge [sflag:s6], $0x50  }
0x270: {  	s26 =	sadd.s32 $0xFFFFFFFF, s26;
	s28 =	rddreg [dreg:$0x6];
	[sflag:s6] =	ssyncset.done $0x0  }
0x271: {  	s1 =	rddreg [dreg:$0x1f]  }
.LBB2_6:
0x272: {  	[sflag:s6] =	ssyncadd.s32 @p0 $0xFFFFFFB0  }
0x273: {  	[spmem:s7], [sflag:s5] =	dma.local [hbm:s28], $0x1400  }
0x274: {  	_ =	swait.ge [sflag:s6], $0x1400  }
0x275: {  	[sflag:s6] =	ssyncset.done $0x0  }
0x276: {  	s26 =	rddreg [dreg:$0x7];
	[sflag:s6] =	ssyncadd.s32 $0xFFFFEC00  }
0x277: {  	[spmem:s8], [sflag:s5] =	dma.local [hbm:s26], $0x50  }
0x278: {  	_ =	swait.ge [sflag:s6], $0x50  }
0x279: {  	[sflag:s6] =	ssyncset.done $0x0  }
0x27a: {  	s30 =	rddreg [dreg:$0x8];
	[sflag:s6] =	ssyncadd.s32 $0xFFFFFFB0  }
0x27b: {  	[tilespmem:s9], [sflag:$0x6] =	stream.linear.gather [hbm4b:s30+s0], $0x1F8, $0x38;
	[tilespmem:$0x1ED38] =	vst v63  }
0x27c: {  	_ =	swait.ge [sflag:s6], $0x1F8  }
0x27d: {  	[sflag:s6] =	ssyncset.done $0x0  }
0x27e: {  	s18 =	simm.s32 $0xA280;
	s31 =	rddreg [dreg:$0x9];
	[sflag:s6] =	ssyncadd.s32 $0xFFFFFE08  }
0x27f: {  	[tilespmem:s18], [sflag:$0x6] =	stream.linear.gather [hbm4b:s31+s0], $0x2760, $0x38;
	[tilespmem:$0x1ED38] =	vst v63  }
0x280: {  	_ =	swait.ge [sflag:s6], $0x2760  }
0x281: {  	[sflag:s6] =	ssyncset.done $0x0  }
0x282: {  	[sflag:s6] =	ssyncadd.s32 $0xFFFFD8A0  }
0x283: {  	[tilespmem:s22], [sflag:$0x6] =	stream.linear.gather [hbm4b:s1+s0], $0x2760, $0x38;
	[tilespmem:$0x1ED38] =	vst v63  }
0x284: {  	_ =	swait.ge [sflag:s6], $0x2760  }
0x285: {  	[sflag:s6] =	ssyncset.done $0x0  }
0x286: {  	[sflag:s6] =	ssyncadd.s32 $0xFFFFD8A0  }
0x287: {  	[bflag:$0x0] =	sbarrier.arrive $0xFFFF  }
0x288: {  	[tilespmem:s14], [sflag:$0x1] =	stream.indirect.gather [hbm4b:s4+s10], $0x40, s18, s10, $0xb8;
	[tilespmem:$0x1ED38] =	vst v63  }
0x289: {  	s1 =	rddreg [dreg:$0xc]  }
0x28a: {  	[tilespmem:s13], [sflag:$0x2] =	stream.indirect.gather [hbm4b:s4+s10], $0x40, s1, s10, $0xb8;
	[tilespmem:$0x1ED38] =	vst v63  }
0x28b: {  	_ =	swait.ge [sflag:s15], $0x7D00  }
0x28c: {  	[sflag:s15] =	ssyncset.done $0x0  }
0x28d: {  	[sflag:s15] =	ssyncadd.s32 $0xFFFF8300  }
0x28e: {  	[spmem:s3] =	stream.indirect.scatter.add.f32 [tilespmem:s9], [sflag:$0x5], $0x1, s22, s10, $0xb8;
	[tilespmem:$0x1ED38] =	vst v63  }
0x28f: {  	_ = 	snop  }
0x290: {  	[spmem:s2] =	stream.indirect.scatter.add.f32 [tilespmem:s14], [sflag:$0x3], $0x40, s22, s10, $0xb8;
	[tilespmem:$0x1ED38] =	vst v63  }
0x291: {  	_ =	swait.ge [sflag:s11], $0x7D00  }
0x292: {  	[sflag:s11] =	ssyncset.done $0x0  }
0x293: {  	[sflag:s11] =	ssyncadd.s32 $0xFFFF8300  }
0x294: {  	_ =	swait.ge [sflag:s12], $0x1F4  }
0x295: {  	[sflag:s12] =	ssyncset.done $0x0  }
0x296: {  	s19 =	rddreg [dreg:$0xd];
	[sflag:s12] =	ssyncadd.s32 $0xFFFFFE0C  }
0x297: {  	[tilespmem:s14], [sflag:$0x1] =	stream.indirect.gather [hbm4b:s4+s10], $0x40, s19, s10, $0xb8;
	[tilespmem:$0x1ED38] =	vst v63  }
0x298: {  	_ =	swait.ge [sflag:s16], $0x7D00  }
0x299: {  	[sflag:s16] =	ssyncset.done $0x0  }
0x29a: {  	s20 =	simm.s32 $0xCBD8;
	[sflag:s16] =	ssyncadd.s32 $0xFFFF8300  }
0x29b: {  	[spmem:s3] =	stream.indirect.scatter.add.f32 [tilespmem:s9], [sflag:$0x5], $0x1, s20, s10, $0xb8;
	[tilespmem:$0x1ED38] =	vst v63  }
0x29c: {  	_ = 	snop  }
0x29d: {  	[spmem:s2] =	stream.indirect.scatter.add.f32 [tilespmem:s13], [sflag:$0x4], $0x40, s20, s10, $0xb8;
	[tilespmem:$0x1ED38] =	vst v63  }
0x29e: {  	_ =	swait.ge [sflag:s17], $0x7D00  }
0x29f: {  	[sflag:s17] =	ssyncset.done $0x0  }
0x2a0: {  	[sflag:s17] =	ssyncadd.s32 $0xFFFF8300  }
0x2a1: {  	_ =	swait.ge [sflag:s12], $0x1F4  }
0x2a2: {  	[sflag:s12] =	ssyncset.done $0x0  }
0x2a3: {  	s21 =	rddreg [dreg:$0xe];
	[sflag:s12] =	ssyncadd.s32 $0xFFFFFE0C  }
0x2a4: {  	[tilespmem:s13], [sflag:$0x2] =	stream.indirect.gather [hbm4b:s4+s10], $0x40, s21, s10, $0xb8;
	[tilespmem:$0x1ED38] =	vst v63  }
0x2a5: {  	_ =	swait.ge [sflag:s15], $0x7D00  }
0x2a6: {  	[sflag:s15] =	ssyncset.done $0x0  }
0x2a7: {  	s22 =	simm.s32 $0xCDD0;
	[sflag:s15] =	ssyncadd.s32 $0xFFFF8300  }
0x2a8: {  	[spmem:s3] =	stream.indirect.scatter.add.f32 [tilespmem:s9], [sflag:$0x5], $0x1, s22, s10, $0xb8;
	[tilespmem:$0x1ED38] =	vst v63  }
0x2a9: {  	_ = 	snop  }
0x2aa: {  	[spmem:s2] =	stream.indirect.scatter.add.f32 [tilespmem:s14], [sflag:$0x3], $0x40, s22, s10, $0xb8;
	[tilespmem:$0x1ED38] =	vst v63  }
0x2ab: {  	_ =	swait.ge [sflag:s11], $0x7D00  }
0x2ac: {  	[sflag:s11] =	ssyncset.done $0x0  }
0x2ad: {  	[sflag:s11] =	ssyncadd.s32 $0xFFFF8300  }
0x2ae: {  	_ =	swait.ge [sflag:s12], $0x1F4  }
0x2af: {  	[sflag:s12] =	ssyncset.done $0x0  }
0x2b0: {  	s23 =	rddreg [dreg:$0xf];
	[sflag:s12] =	ssyncadd.s32 $0xFFFFFE0C  }
0x2b1: {  	[tilespmem:s14], [sflag:$0x1] =	stream.indirect.gather [hbm4b:s4+s10], $0x40, s23, s10, $0xb8;
	[tilespmem:$0x1ED38] =	vst v63  }
0x2b2: {  	_ =	swait.ge [sflag:s16], $0x7D00  }
0x2b3: {  	[sflag:s16] =	ssyncset.done $0x0  }
0x2b4: {  	s24 =	simm.s32 $0xCFC8;
	[sflag:s16] =	ssyncadd.s32 $0xFFFF8300  }
0x2b5: {  	[spmem:s3] =	stream.indirect.scatter.add.f32 [tilespmem:s9], [sflag:$0x5], $0x1, s24, s10, $0xb8;
	[tilespmem:$0x1ED38] =	vst v63  }
0x2b6: {  	_ = 	snop  }
0x2b7: {  	[spmem:s2] =	stream.indirect.scatter.add.f32 [tilespmem:s13], [sflag:$0x4], $0x40, s24, s10, $0xb8;
	[tilespmem:$0x1ED38] =	vst v63  }
0x2b8: {  	_ =	swait.ge [sflag:s17], $0x7D00  }
0x2b9: {  	[sflag:s17] =	ssyncset.done $0x0  }
0x2ba: {  	[sflag:s17] =	ssyncadd.s32 $0xFFFF8300  }
0x2bb: {  	_ =	swait.ge [sflag:s12], $0x1F4  }
0x2bc: {  	[sflag:s12] =	ssyncset.done $0x0  }
0x2bd: {  	s25 =	rddreg [dreg:$0x10];
	[sflag:s12] =	ssyncadd.s32 $0xFFFFFE0C  }
0x2be: {  	[tilespmem:s13], [sflag:$0x2] =	stream.indirect.gather [hbm4b:s4+s10], $0x40, s25, s10, $0xb8;
	[tilespmem:$0x1ED38] =	vst v63  }
0x2bf: {  	_ =	swait.ge [sflag:s15], $0x7D00  }
0x2c0: {  	[sflag:s15] =	ssyncset.done $0x0  }
0x2c1: {  	s26 =	simm.s32 $0xD1C0;
	[sflag:s15] =	ssyncadd.s32 $0xFFFF8300  }
0x2c2: {  	[spmem:s3] =	stream.indirect.scatter.add.f32 [tilespmem:s9], [sflag:$0x5], $0x1, s26, s10, $0xb8;
	[tilespmem:$0x1ED38] =	vst v63  }
0x2c3: {  	_ = 	snop  }
0x2c4: {  	[spmem:s2] =	stream.indirect.scatter.add.f32 [tilespmem:s14], [sflag:$0x3], $0x40, s26, s10, $0xb8;
	[tilespmem:$0x1ED38] =	vst v63  }
0x2c5: {  	_ =	swait.ge [sflag:s11], $0x7D00  }
0x2c6: {  	[sflag:s11] =	ssyncset.done $0x0  }
0x2c7: {  	[sflag:s11] =	ssyncadd.s32 $0xFFFF8300  }
0x2c8: {  	_ =	swait.ge [sflag:s12], $0x1F4  }
0x2c9: {  	[sflag:s12] =	ssyncset.done $0x0  }
0x2ca: {  	s28 =	rddreg [dreg:$0x11];
	[sflag:s12] =	ssyncadd.s32 $0xFFFFFE0C  }
0x2cb: {  	[tilespmem:s14], [sflag:$0x1] =	stream.indirect.gather [hbm4b:s4+s10], $0x40, s28, s10, $0xb8;
	[tilespmem:$0x1ED38] =	vst v63  }
0x2cc: {  	_ =	swait.ge [sflag:s16], $0x7D00  }
0x2cd: {  	[sflag:s16] =	ssyncset.done $0x0  }
0x2ce: {  	s29 =	simm.s32 $0xD3B8;
	[sflag:s16] =	ssyncadd.s32 $0xFFFF8300  }
0x2cf: {  	[spmem:s3] =	stream.indirect.scatter.add.f32 [tilespmem:s9], [sflag:$0x5], $0x1, s29, s10, $0xb8;
	[tilespmem:$0x1ED38] =	vst v63  }
0x2d0: {  	_ = 	snop  }
0x2d1: {  	[spmem:s2] =	stream.indirect.scatter.add.f32 [tilespmem:s13], [sflag:$0x4], $0x40, s29, s10, $0xb8;
	[tilespmem:$0x1ED38] =	vst v63  }
0x2d2: {  	_ =	swait.ge [sflag:s17], $0x7D00  }
0x2d3: {  	[sflag:s17] =	ssyncset.done $0x0  }
0x2d4: {  	[sflag:s17] =	ssyncadd.s32 $0xFFFF8300  }
0x2d5: {  	_ =	swait.ge [sflag:s12], $0x1F4  }
0x2d6: {  	[sflag:s12] =	ssyncset.done $0x0  }
0x2d7: {  	s30 =	rddreg [dreg:$0x12];
	[sflag:s12] =	ssyncadd.s32 $0xFFFFFE0C  }
0x2d8: {  	[tilespmem:s13], [sflag:$0x2] =	stream.indirect.gather [hbm4b:s4+s10], $0x40, s30, s10, $0xb8;
	[tilespmem:$0x1ED38] =	vst v63  }
0x2d9: {  	_ =	swait.ge [sflag:s15], $0x7D00  }
0x2da: {  	[sflag:s15] =	ssyncset.done $0x0  }
0x2db: {  	s31 =	simm.s32 $0xD5B0;
	[sflag:s15] =	ssyncadd.s32 $0xFFFF8300  }
0x2dc: {  	[spmem:s3] =	stream.indirect.scatter.add.f32 [tilespmem:s9], [sflag:$0x5], $0x1, s31, s10, $0xb8;
	[tilespmem:$0x1ED38] =	vst v63  }
0x2dd: {  	_ = 	snop  }
0x2de: {  	[spmem:s2] =	stream.indirect.scatter.add.f32 [tilespmem:s14], [sflag:$0x3], $0x40, s31, s10, $0xb8;
	[tilespmem:$0x1ED38] =	vst v63  }
0x2df: {  	_ =	swait.ge [sflag:s11], $0x7D00  }
0x2e0: {  	[sflag:s11] =	ssyncset.done $0x0  }
0x2e1: {  	[sflag:s11] =	ssyncadd.s32 $0xFFFF8300  }
0x2e2: {  	_ =	swait.ge [sflag:s12], $0x1F4  }
0x2e3: {  	[sflag:s12] =	ssyncset.done $0x0  }
0x2e4: {  	s1 =	rddreg [dreg:$0x13];
	[sflag:s12] =	ssyncadd.s32 $0xFFFFFE0C  }
0x2e5: {  	[tilespmem:s14], [sflag:$0x1] =	stream.indirect.gather [hbm4b:s4+s10], $0x40, s1, s10, $0xb8;
	[tilespmem:$0x1ED38] =	vst v63  }
0x2e6: {  	_ =	swait.ge [sflag:s16], $0x7D00  }
0x2e7: {  	[sflag:s16] =	ssyncset.done $0x0  }
0x2e8: {  	s18 =	simm.s32 $0xD7A8;
	[sflag:s16] =	ssyncadd.s32 $0xFFFF8300  }
0x2e9: {  	[spmem:s3] =	stream.indirect.scatter.add.f32 [tilespmem:s9], [sflag:$0x5], $0x1, s18, s10, $0xb8;
	[tilespmem:$0x1ED38] =	vst v63  }
0x2ea: {  	_ = 	snop  }
0x2eb: {  	[spmem:s2] =	stream.indirect.scatter.add.f32 [tilespmem:s13], [sflag:$0x4], $0x40, s18, s10, $0xb8;
	[tilespmem:$0x1ED38] =	vst v63  }
0x2ec: {  	_ =	swait.ge [sflag:s17], $0x7D00  }
0x2ed: {  	[sflag:s17] =	ssyncset.done $0x0  }
0x2ee: {  	[sflag:s17] =	ssyncadd.s32 $0xFFFF8300  }
0x2ef: {  	_ =	swait.ge [sflag:s12], $0x1F4  }
0x2f0: {  	[sflag:s12] =	ssyncset.done $0x0  }
0x2f1: {  	s19 =	rddreg [dreg:$0x14];
	[sflag:s12] =	ssyncadd.s32 $0xFFFFFE0C  }
0x2f2: {  	[tilespmem:s13], [sflag:$0x2] =	stream.indirect.gather [hbm4b:s4+s10], $0x40, s19, s10, $0xb8;
	[tilespmem:$0x1ED38] =	vst v63  }
0x2f3: {  	_ =	swait.ge [sflag:s15], $0x7D00  }
0x2f4: {  	[sflag:s15] =	ssyncset.done $0x0  }
0x2f5: {  	s20 =	simm.s32 $0xD9A0;
	[sflag:s15] =	ssyncadd.s32 $0xFFFF8300  }
0x2f6: {  	[spmem:s3] =	stream.indirect.scatter.add.f32 [tilespmem:s9], [sflag:$0x5], $0x1, s20, s10, $0xb8;
	[tilespmem:$0x1ED38] =	vst v63  }
0x2f7: {  	_ = 	snop  }
0x2f8: {  	[spmem:s2] =	stream.indirect.scatter.add.f32 [tilespmem:s14], [sflag:$0x3], $0x40, s20, s10, $0xb8;
	[tilespmem:$0x1ED38] =	vst v63  }
0x2f9: {  	_ =	swait.ge [sflag:s11], $0x7D00  }
0x2fa: {  	[sflag:s11] =	ssyncset.done $0x0  }
0x2fb: {  	[sflag:s11] =	ssyncadd.s32 $0xFFFF8300  }
0x2fc: {  	_ =	swait.ge [sflag:s12], $0x1F4  }
0x2fd: {  	[sflag:s12] =	ssyncset.done $0x0  }
0x2fe: {  	s21 =	rddreg [dreg:$0x15];
	[sflag:s12] =	ssyncadd.s32 $0xFFFFFE0C  }
0x2ff: {  	[tilespmem:s14], [sflag:$0x1] =	stream.indirect.gather [hbm4b:s4+s10], $0x40, s21, s10, $0xb8;
	[tilespmem:$0x1ED38] =	vst v63  }
0x300: {  	_ =	swait.ge [sflag:s16], $0x7D00  }
0x301: {  	[sflag:s16] =	ssyncset.done $0x0  }
0x302: {  	s22 =	simm.s32 $0xDB98;
	[sflag:s16] =	ssyncadd.s32 $0xFFFF8300  }
0x303: {  	[spmem:s3] =	stream.indirect.scatter.add.f32 [tilespmem:s9], [sflag:$0x5], $0x1, s22, s10, $0xb8;
	[tilespmem:$0x1ED38] =	vst v63  }
0x304: {  	_ = 	snop  }
0x305: {  	[spmem:s2] =	stream.indirect.scatter.add.f32 [tilespmem:s13], [sflag:$0x4], $0x40, s22, s10, $0xb8;
	[tilespmem:$0x1ED38] =	vst v63  }
0x306: {  	_ =	swait.ge [sflag:s17], $0x7D00  }
0x307: {  	[sflag:s17] =	ssyncset.done $0x0  }
0x308: {  	[sflag:s17] =	ssyncadd.s32 $0xFFFF8300  }
0x309: {  	_ =	swait.ge [sflag:s12], $0x1F4  }
0x30a: {  	[sflag:s12] =	ssyncset.done $0x0  }
0x30b: {  	s23 =	rddreg [dreg:$0x16];
	[sflag:s12] =	ssyncadd.s32 $0xFFFFFE0C  }
0x30c: {  	[tilespmem:s13], [sflag:$0x2] =	stream.indirect.gather [hbm4b:s4+s10], $0x40, s23, s10, $0xb8;
	[tilespmem:$0x1ED38] =	vst v63  }
0x30d: {  	_ =	swait.ge [sflag:s15], $0x7D00  }
0x30e: {  	[sflag:s15] =	ssyncset.done $0x0  }
0x30f: {  	s24 =	simm.s32 $0xDD90;
	[sflag:s15] =	ssyncadd.s32 $0xFFFF8300  }
0x310: {  	[spmem:s3] =	stream.indirect.scatter.add.f32 [tilespmem:s9], [sflag:$0x5], $0x1, s24, s10, $0xb8;
	[tilespmem:$0x1ED38] =	vst v63  }
0x311: {  	_ = 	snop  }
0x312: {  	[spmem:s2] =	stream.indirect.scatter.add.f32 [tilespmem:s14], [sflag:$0x3], $0x40, s24, s10, $0xb8;
	[tilespmem:$0x1ED38] =	vst v63  }
0x313: {  	_ =	swait.ge [sflag:s11], $0x7D00  }
0x314: {  	[sflag:s11] =	ssyncset.done $0x0  }
0x315: {  	[sflag:s11] =	ssyncadd.s32 $0xFFFF8300  }
0x316: {  	_ =	swait.ge [sflag:s12], $0x1F4  }
0x317: {  	[sflag:s12] =	ssyncset.done $0x0  }
0x318: {  	s25 =	rddreg [dreg:$0x17];
	[sflag:s12] =	ssyncadd.s32 $0xFFFFFE0C  }
0x319: {  	[tilespmem:s14], [sflag:$0x1] =	stream.indirect.gather [hbm4b:s4+s10], $0x40, s25, s10, $0xb8;
	[tilespmem:$0x1ED38] =	vst v63  }
0x31a: {  	_ =	swait.ge [sflag:s16], $0x7D00  }
0x31b: {  	[sflag:s16] =	ssyncset.done $0x0  }
0x31c: {  	s26 =	simm.s32 $0xDF88;
	[sflag:s16] =	ssyncadd.s32 $0xFFFF8300  }
0x31d: {  	[spmem:s3] =	stream.indirect.scatter.add.f32 [tilespmem:s9], [sflag:$0x5], $0x1, s26, s10, $0xb8;
	[tilespmem:$0x1ED38] =	vst v63  }
0x31e: {  	_ = 	snop  }
0x31f: {  	[spmem:s2] =	stream.indirect.scatter.add.f32 [tilespmem:s13], [sflag:$0x4], $0x40, s26, s10, $0xb8;
	[tilespmem:$0x1ED38] =	vst v63  }
0x320: {  	_ =	swait.ge [sflag:s17], $0x7D00  }
0x321: {  	[sflag:s17] =	ssyncset.done $0x0  }
0x322: {  	[sflag:s17] =	ssyncadd.s32 $0xFFFF8300  }
0x323: {  	_ =	swait.ge [sflag:s12], $0x1F4  }
0x324: {  	[sflag:s12] =	ssyncset.done $0x0  }
0x325: {  	s28 =	rddreg [dreg:$0x18];
	[sflag:s12] =	ssyncadd.s32 $0xFFFFFE0C  }
0x326: {  	[tilespmem:s13], [sflag:$0x2] =	stream.indirect.gather [hbm4b:s4+s10], $0x40, s28, s10, $0xb8;
	[tilespmem:$0x1ED38] =	vst v63  }
0x327: {  	_ =	swait.ge [sflag:s15], $0x7D00  }
0x328: {  	[sflag:s15] =	ssyncset.done $0x0  }
0x329: {  	s29 =	simm.s32 $0xE180;
	[sflag:s15] =	ssyncadd.s32 $0xFFFF8300  }
0x32a: {  	[spmem:s3] =	stream.indirect.scatter.add.f32 [tilespmem:s9], [sflag:$0x5], $0x1, s29, s10, $0xb8;
	[tilespmem:$0x1ED38] =	vst v63  }
0x32b: {  	_ = 	snop  }
0x32c: {  	[spmem:s2] =	stream.indirect.scatter.add.f32 [tilespmem:s14], [sflag:$0x3], $0x40, s29, s10, $0xb8;
	[tilespmem:$0x1ED38] =	vst v63  }
0x32d: {  	_ =	swait.ge [sflag:s11], $0x7D00  }
0x32e: {  	[sflag:s11] =	ssyncset.done $0x0  }
0x32f: {  	[sflag:s11] =	ssyncadd.s32 $0xFFFF8300  }
0x330: {  	_ =	swait.ge [sflag:s12], $0x1F4  }
0x331: {  	[sflag:s12] =	ssyncset.done $0x0  }
0x332: {  	s30 =	rddreg [dreg:$0x19];
	[sflag:s12] =	ssyncadd.s32 $0xFFFFFE0C  }
0x333: {  	[tilespmem:s14], [sflag:$0x1] =	stream.indirect.gather [hbm4b:s4+s10], $0x40, s30, s10, $0xb8;
	[tilespmem:$0x1ED38] =	vst v63  }
0x334: {  	_ =	swait.ge [sflag:s16], $0x7D00  }
0x335: {  	[sflag:s16] =	ssyncset.done $0x0  }
0x336: {  	s31 =	simm.s32 $0xE378;
	[sflag:s16] =	ssyncadd.s32 $0xFFFF8300  }
0x337: {  	[spmem:s3] =	stream.indirect.scatter.add.f32 [tilespmem:s9], [sflag:$0x5], $0x1, s31, s10, $0xb8;
	[tilespmem:$0x1ED38] =	vst v63  }
0x338: {  	_ = 	snop  }
0x339: {  	[spmem:s2] =	stream.indirect.scatter.add.f32 [tilespmem:s13], [sflag:$0x4], $0x40, s31, s10, $0xb8;
	[tilespmem:$0x1ED38] =	vst v63  }
0x33a: {  	_ =	swait.ge [sflag:s17], $0x7D00  }
0x33b: {  	[sflag:s17] =	ssyncset.done $0x0  }
0x33c: {  	[sflag:s17] =	ssyncadd.s32 $0xFFFF8300  }
0x33d: {  	_ =	swait.ge [sflag:s12], $0x1F4  }
0x33e: {  	[sflag:s12] =	ssyncset.done $0x0  }
0x33f: {  	s1 =	rddreg [dreg:$0x1a];
	[sflag:s12] =	ssyncadd.s32 $0xFFFFFE0C  }
0x340: {  	[tilespmem:s13], [sflag:$0x2] =	stream.indirect.gather [hbm4b:s4+s10], $0x40, s1, s10, $0xb8;
	[tilespmem:$0x1ED38] =	vst v63  }
0x341: {  	_ =	swait.ge [sflag:s15], $0x7D00  }
0x342: {  	[sflag:s15] =	ssyncset.done $0x0  }
0x343: {  	s18 =	simm.s32 $0xE570;
	[sflag:s15] =	ssyncadd.s32 $0xFFFF8300  }
0x344: {  	[spmem:s3] =	stream.indirect.scatter.add.f32 [tilespmem:s9], [sflag:$0x5], $0x1, s18, s10, $0xb8;
	[tilespmem:$0x1ED38] =	vst v63  }
0x345: {  	_ = 	snop  }
0x346: {  	[spmem:s2] =	stream.indirect.scatter.add.f32 [tilespmem:s14], [sflag:$0x3], $0x40, s18, s10, $0xb8;
	[tilespmem:$0x1ED38] =	vst v63  }
0x347: {  	_ =	swait.ge [sflag:s11], $0x7D00  }
0x348: {  	[sflag:s11] =	ssyncset.done $0x0  }
0x349: {  	[sflag:s11] =	ssyncadd.s32 $0xFFFF8300  }
0x34a: {  	_ =	swait.ge [sflag:s12], $0x1F4  }
0x34b: {  	[sflag:s12] =	ssyncset.done $0x0  }
0x34c: {  	s19 =	rddreg [dreg:$0x1b];
	[sflag:s12] =	ssyncadd.s32 $0xFFFFFE0C  }
0x34d: {  	[tilespmem:s14], [sflag:$0x1] =	stream.indirect.gather [hbm4b:s4+s10], $0x40, s19, s10, $0xb8;
	[tilespmem:$0x1ED38] =	vst v63  }
0x34e: {  	_ =	swait.ge [sflag:s16], $0x7D00  }
0x34f: {  	[sflag:s16] =	ssyncset.done $0x0  }
0x350: {  	s20 =	simm.s32 $0xE768;
	[sflag:s16] =	ssyncadd.s32 $0xFFFF8300  }
0x351: {  	[spmem:s3] =	stream.indirect.scatter.add.f32 [tilespmem:s9], [sflag:$0x5], $0x1, s20, s10, $0xb8;
	[tilespmem:$0x1ED38] =	vst v63  }
0x352: {  	_ = 	snop  }
0x353: {  	[spmem:s2] =	stream.indirect.scatter.add.f32 [tilespmem:s13], [sflag:$0x4], $0x40, s20, s10, $0xb8;
	[tilespmem:$0x1ED38] =	vst v63  }
0x354: {  	_ =	swait.ge [sflag:s17], $0x7D00  }
0x355: {  	[sflag:s17] =	ssyncset.done $0x0  }
0x356: {  	[sflag:s17] =	ssyncadd.s32 $0xFFFF8300  }
0x357: {  	_ =	swait.ge [sflag:s12], $0x1F4  }
0x358: {  	[sflag:s12] =	ssyncset.done $0x0  }
0x359: {  	s21 =	rddreg [dreg:$0x1c];
	[sflag:s12] =	ssyncadd.s32 $0xFFFFFE0C  }
0x35a: {  	[tilespmem:s13], [sflag:$0x2] =	stream.indirect.gather [hbm4b:s4+s10], $0x40, s21, s10, $0xb8;
	[tilespmem:$0x1ED38] =	vst v63  }
0x35b: {  	_ =	swait.ge [sflag:s15], $0x7D00  }
0x35c: {  	[sflag:s15] =	ssyncset.done $0x0  }
0x35d: {  	s22 =	simm.s32 $0xE960;
	[sflag:s15] =	ssyncadd.s32 $0xFFFF8300  }
0x35e: {  	[spmem:s3] =	stream.indirect.scatter.add.f32 [tilespmem:s9], [sflag:$0x5], $0x1, s22, s10, $0xb8;
	[tilespmem:$0x1ED38] =	vst v63  }
0x35f: {  	_ = 	snop  }
0x360: {  	[spmem:s2] =	stream.indirect.scatter.add.f32 [tilespmem:s14], [sflag:$0x3], $0x40, s22, s10, $0xb8;
	[tilespmem:$0x1ED38] =	vst v63  }
0x361: {  	_ =	swait.ge [sflag:s11], $0x7D00  }
0x362: {  	[sflag:s11] =	ssyncset.done $0x0  }
0x363: {  	[sflag:s11] =	ssyncadd.s32 $0xFFFF8300  }
0x364: {  	_ =	swait.ge [sflag:s12], $0x1F4  }
0x365: {  	[sflag:s12] =	ssyncset.done $0x0  }
0x366: {  	s23 =	rddreg [dreg:$0x1d];
	[sflag:s12] =	ssyncadd.s32 $0xFFFFFE0C  }
0x367: {  	[tilespmem:s14], [sflag:$0x1] =	stream.indirect.gather [hbm4b:s4+s10], $0x40, s23, s10, $0xb8;
	[tilespmem:$0x1ED38] =	vst v63  }
0x368: {  	_ =	swait.ge [sflag:s16], $0x7D00  }
0x369: {  	[sflag:s16] =	ssyncset.done $0x0  }
0x36a: {  	s24 =	simm.s32 $0xEB58;
	[sflag:s16] =	ssyncadd.s32 $0xFFFF8300  }
0x36b: {  	[spmem:s3] =	stream.indirect.scatter.add.f32 [tilespmem:s9], [sflag:$0x5], $0x1, s24, s10, $0xb8;
	[tilespmem:$0x1ED38] =	vst v63  }
0x36c: {  	_ = 	snop  }
0x36d: {  	[spmem:s2] =	stream.indirect.scatter.add.f32 [tilespmem:s13], [sflag:$0x4], $0x40, s24, s10, $0xb8;
	[tilespmem:$0x1ED38] =	vst v63  }
0x36e: {  	_ =	swait.ge [sflag:s17], $0x7D00  }
0x36f: {  	[sflag:s17] =	ssyncset.done $0x0  }
0x370: {  	[sflag:s17] =	ssyncadd.s32 $0xFFFF8300  }
0x371: {  	_ =	swait.ge [sflag:s12], $0x1F4  }
0x372: {  	[sflag:s12] =	ssyncset.done $0x0  }
0x373: {  	s25 =	rddreg [dreg:$0x1e];
	[sflag:s12] =	ssyncadd.s32 $0xFFFFFE0C  }
0x374: {  	[tilespmem:s13], [sflag:$0x2] =	stream.indirect.gather [hbm4b:s4+s10], $0x40, s25, s10, $0xb8;
	[tilespmem:$0x1ED38] =	vst v63  }
0x375: {  	_ =	swait.ge [sflag:s15], $0x7D00  }
0x376: {  	[sflag:s15] =	ssyncset.done $0x0  }
0x377: {  	s26 =	simm.s32 $0xED50;
	[sflag:s15] =	ssyncadd.s32 $0xFFFF8300  }
0x378: {  	[spmem:s3] =	stream.indirect.scatter.add.f32 [tilespmem:s9], [sflag:$0x5], $0x1, s26, s10, $0xb8;
	[tilespmem:$0x1ED38] =	vst v63  }
0x379: {  	_ = 	snop  }
0x37a: {  	[spmem:s2] =	stream.indirect.scatter.add.f32 [tilespmem:s14], [sflag:$0x3], $0x40, s26, s10, $0xb8;
	[tilespmem:$0x1ED38] =	vst v63  }
0x37b: {  	_ =	swait.ge [sflag:s16], $0x7D00  }
0x37c: {  	[sflag:s16] =	ssyncset.done $0x0  }
0x37d: {  	s28 =	simm.s32 $0xEF48;
	[sflag:s16] =	ssyncadd.s32 $0xFFFF8300  }
0x37e: {  	[spmem:s3] =	stream.indirect.scatter.add.f32 [tilespmem:s9], [sflag:$0x5], $0x1, s28, s10, $0xb8;
	[tilespmem:$0x1ED38] =	vst v63  }
0x37f: {  	_ = 	snop  }
0x380: {  	[spmem:s2] =	stream.indirect.scatter.add.f32 [tilespmem:s13], [sflag:$0x4], $0x40, s28, s10, $0xb8;
	[tilespmem:$0x1ED38] =	vst v63  }
0x381: {  	_ =	swait.ge [sflag:s17], $0x7D00  }
0x382: {  	[sflag:s17] =	ssyncset.done $0x0  }
0x383: {  	[sflag:s17] =	ssyncadd.s32 $0xFFFF8300  }
0x384: {  	_ =	swait.ge [sflag:s12], $0x1F4  }
0x385: {  	[sflag:s12] =	ssyncset.done $0x0  }
0x386: {  	[sflag:s12] =	ssyncadd.s32 $0xFFFFFE0C  }
0x387: {  	_ =	swait.ge [sflag:s11], $0x7D00  }
0x388: {  	[sflag:s11] =	ssyncset.done $0x0  }
0x389: {  	[sflag:s11] =	ssyncadd.s32 $0xFFFF8300  }
0x38a: {  	_ =	swait.ge [sflag:s12], $0x1F4  }
0x38b: {  	[sflag:s12] =	ssyncset.done $0x0  }
0x38c: {  	[sflag:s12] =	ssyncadd.s32 $0xFFFFFE0C  }
0x38d: {  	[bflag:$0x0] =	sbarrier.arrive $0xFFFF  }
0x38e: {  	s29 =	rddreg [dreg:$0xa]  }
0x38f: {  	[hbm:s29], [sflag:s5] =	dma.local [spmem:s7], $0x1400  }
0x390: {  	_ =	swait.ge [sflag:s6], $0x1400  }
0x391: {  	[sflag:s6] =	ssyncset.done $0x0  }
0x392: {  	s30 =	rddreg [dreg:$0xb];
	[sflag:s6] =	ssyncadd.s32 $0xFFFFEC00  }
0x393: {  	[hbm:s30], [sflag:s5] =	dma.local [spmem:s8], $0x50  }
0x394: {  	_ =	swait.ge [sflag:s6], $0x50  }
0x395: {  	[sflag:s6] =	ssyncset.done $0x0  }
0x396: {  	[sflag:s6] =	ssyncadd.s32 $0xFFFFFFB0  }
0x397: {  	_ =	sfence.sel $0x180000  }
0x398: {  	[bflag:$0x0] =	sbarrier.arrive $0xFFFF  }
0x399: {  	_ =	strace $0x9000004A  }
0x39a: {  	s31 =	stileid.u32;
	[bflag:$0x2] =	sbarrier.arrive $0xFFFF  }
0x39b: {  	p0 =	sne.s32 s31, $0x0;
	s0 =	rddreg [dreg:$0x5]  }
0x39c: {  	s0 =	sadd.s32 @!p0 $0x100000, s0  }
0x39d: {  	[sflag:s0] =	ssyncadd.tile.s32 @!p0 $0x1;
	_ =	shalt  }
.LBB2_1:
.Ltmp3:
0x39e: {  	(pc) =	sbr.rel .LBB2_6-.Ltmp3, $2  }
0x39f: {  	_ =	sdelay $0x2  }
0x3a0: {  	s1 =	rddreg [dreg:$0x1f]  }
.LBB2_3:
.Ltmp4:
0x3a1: {  	(pc) =	sbr.rel .LBB2_6-.Ltmp4, $2  }
0x3a2: {  	_ =	sdelay $0x2  }
0x3a3: {  	s1 =	rddreg [dreg:$0x1f]  }
.Lfunc_end2:
_tile_overlayer_lowered:
.L_overlay_start_2:
0x3a4: {  	(tag) =	ssettag $0x2  }
0x3a5: {  	s0 =	rddreg [dreg:$0x0];
	s2 =	stileid.u32  }
0x3a6: {  	s1 =	rddreg [dreg:$0x1];
	p0 =	sne.s32 s2, $0x0  }
0x3a7: {  	s3 =	rddreg [dreg:$0x2];
	[bflag:$0x3] =	sbarrier.arrive $0xFFFF;
	s2 =	simm.s32 @!p0 $0x1C06  }
0x3a8: {  	[timem:s3], [sflag:s2] =	dma.local @!p0 [hbm:s0], s1  }
0x3a9: {  	s0 =	simm.s32 @!p0 $0x6  }
0x3aa: {  	_ =	swait.ge @!p0 [sflag:s0], s1  }
0x3ab: {  	s1 =	ssub.s32 @!p0 $0x0, s1;
	[sflag:s0] =	ssyncset.done @!p0 $0x0  }
0x3ac: {  	[sflag:s0] =	ssyncadd.s32 @!p0 s1  }
0x3ad: {  	[bflag:$0x3] =	sbarrier.arrive $0xFFFF  }
0x3ae: {  	_ =	shalt  }

// kernel: kernel.7.cloned.1.call-start
scs
__scs_entry_jumppad:
0x0: {  	(pc) =	sbr.rel $0x88, $3  }
0x1: {  	(tag) =	ssettag $0x0;
	lr =	simm.s32 $0x1  }
0x2: {  	[smem:$0x3F9B] =	sst lr;
	_ =	strace $0xD0000000  }
0x3: {  	_ = 	snop  }
0x4: {  	_ = 	snop  }
0x5: {  	_ = 	snop  }
0x6: {  	_ = 	snop  }
0x7: {  	_ = 	snop  }
__scs_overlays_trampoline_lowered:
0x8: {  	[smem:$0x3FAA] =	sst s0  }
0x9: {  	[smem:$0x3FAB] =	sst s1  }
0xa: {  	[smem:$0x3FAC] =	sst s2  }
0xb: {  	[smem:$0x3FAD] =	sst s3  }
0xc: {  	[smem:$0x3FAE] =	sst s4  }
0xd: {  	[smem:$0x3FAF] =	sst s5  }
0xe: {  	[smem:$0x3FB0] =	sst s6  }
0xf: {  	[smem:$0x3FB1] =	sst s7  }
0x10: {  	[smem:$0x3FB2] =	sst s8  }
0x11: {  	[smem:$0x3FB3] =	sst s9;
	s0 =	simm.s32 @!p0 $0x0  }
0x12: {  	s1 =	sld [smem:$0x3F99];
	s0 =	simm.s32 @p0 $0x1  }
0x13: {  	[smem:$0x3FB4] =	sst s0;
	s0 =	simm.s32 @!p1 $0x0  }
0x14: {  	s2 =	sld [smem:$0x3F98];
	s0 =	simm.s32 @p1 $0x1  }
0x15: {  	[smem:$0x3FB5] =	sst s0;
	s0 =	simm.s32 @!p2 $0x0  }
0x16: {  	s3 =	sld [smem:$0x3FDB];
	s0 =	simm.s32 @p2 $0x1  }
0x17: {  	s4 =	simm.s32 $0x1BF5;
	[smem:$0x3FB7] =	sst s0  }
0x18: {  	s0 =	sld [smem:$0x3F9A];
	_ =	swait.ge [sflag:s4], $0x0  }
0x19: {  	s7 =	sld [smem:$0x3F9B]  }
0x1a: {  	s8 =	sadd.s32 $0xFFFFE003, lr  }
0x1b: {  	s9 =	sadd.s32 $0xFFFFFEF7, lr;
	s5 =	simm.s32 $0xFFFFFFFF;
	p2 =	slt.u32 s8, $0xFFFFF086  }
0x1c: {  	p1 =	slt.u32 s9, $0xF7A;
	s5 =	simm.s32 @!p2 $0x0  }
0x1d: {  	s5 =	simm.s32 @p1 $0x1;
	p0 =	seq.s32 s7, s2  }
0x1e: {  	s7 =	smul.u32 @!p0 $0xF7A, s2;
	p2 =	seq.s32 @!p0 s5, $0x0  }
0x1f: {  	s9 =	smul.u32 $0xF7A, s1;
	s8 =	simm.s32 @!p0 $0x1BF5;
	p2 =	por !p2, p0  }
0x20: {  	[sflag:s8] =	ssyncset.s32 @!p0 $0xFFFFF086;
	s6 =	sadd.s32 @!p0 s3, s7;
	s7 =	simm.s32 @!p0 $0x108  }
0x21: {  	s3 =	sadd.s32 s3, s9;
	s6 =	sadd.s32 @!p0 $0x88, s6;
	s7 =	simm.s32 @p2 $0x1082  }
0x22: {  	[simem:s7], [sflag:s8] =	dma.local @!p0 [hbm:s6], $0xF7A  }
0x23: {  	s9 =	sor.u32 $0xD0000000, s2;
	s6 =	simm.s32 $0x108;
	_ =	swait.ge @!p0 [sflag:s8], $0x0  }
0x24: {  	s3 =	sadd.s32 $0x88, s3;
	s6 =	simm.s32 @!p1 $0x1082;
	[sflag:s4] =	ssyncset.s32 $0xFFFFF086  }
0x25: {  	[simem:s6], [sflag:s4] =	dma.local [hbm:s3], $0xF7A  }
0x26: {  	[smem:$0x3F9B] =	sst s1;
	(tag) =	ssettag s2;
	_ =	strace s9  }
0x27: {  	s1 =	sld [smem:$0x3FAB]  }
0x28: {  	s2 =	sld [smem:$0x3FAC]  }
0x29: {  	s4 =	sld [smem:$0x3FAE]  }
0x2a: {  	p0 =	seq.s32 s5, $0x0;
	s5 =	sld [smem:$0x3FAF]  }
0x2b: {  	s6 =	sld [smem:$0x3FB0]  }
0x2c: {  	s7 =	sld [smem:$0x3FB1]  }
0x2d: {  	s3 =	simm.s32 $0x108;
	s8 =	sld [smem:$0x3FB2]  }
0x2e: {  	s3 =	simm.s32 @!p0 $0x1082;
	s9 =	sld [smem:$0x3FB3]  }
0x2f: {  	lr =	sadd.s32 s0, s3;
	s0 =	sld [smem:$0x3FAA]  }
0x30: {  	s3 =	sld [smem:$0x3FAD]  }
0x31: {  	[smem:$0x3FB6] =	sst s10  }
0x32: {  	s10 =	sld [smem:$0x3FB4];
	_ =	sdelay $0x3  }
0x33: {  	p0 =	seq.s32 s10, $0x1;
	s10 =	sld [smem:$0x3FB6];
	_ =	sdelay $0x3  }
0x34: {  	[smem:$0x3FB6] =	sst s10  }
0x35: {  	s10 =	sld [smem:$0x3FB5];
	_ =	sdelay $0x3  }
0x36: {  	p1 =	seq.s32 s10, $0x1;
	s10 =	sld [smem:$0x3FB6];
	_ =	sdelay $0x3  }
0x37: {  	[smem:$0x3FB6] =	sst s10  }
0x38: {  	s10 =	sld [smem:$0x3FB7]  }
0x39: {  	_ = 	snop;
	(pc) =	sbr.ind lr, $3  }
0x3a: {  	_ = 	snop  }
0x3b: {  	_ = 	snop  }
0x3c: {  	p2 =	seq.s32 s10, $0x1;
	s10 =	sld [smem:$0x3FB6]  }
0x3d: {  	_ =	shalt  }
0x3e: {  	_ =	shalt  }
0x3f: {  	_ =	shalt  }
0x40: {  	_ =	shalt  }
0x41: {  	_ =	shalt  }
0x42: {  	_ =	shalt  }
0x43: {  	_ =	shalt  }
0x44: {  	_ =	shalt  }
0x45: {  	_ =	shalt  }
0x46: {  	_ =	shalt  }
0x47: {  	_ =	shalt  }
0x48: {  	_ =	shalt  }
0x49: {  	_ =	shalt  }
0x4a: {  	_ =	shalt  }
0x4b: {  	_ =	shalt  }
0x4c: {  	_ =	shalt  }
0x4d: {  	_ =	shalt  }
0x4e: {  	_ =	shalt  }
0x4f: {  	_ =	shalt  }
0x50: {  	_ =	shalt  }
0x51: {  	_ =	shalt  }
0x52: {  	_ =	shalt  }
0x53: {  	_ =	shalt  }
0x54: {  	_ =	shalt  }
0x55: {  	_ =	shalt  }
0x56: {  	_ =	shalt  }
0x57: {  	_ =	shalt  }
0x58: {  	_ =	shalt  }
0x59: {  	_ =	shalt  }
0x5a: {  	_ =	shalt  }
0x5b: {  	_ =	shalt  }
0x5c: {  	_ =	shalt  }
0x5d: {  	_ =	shalt  }
0x5e: {  	_ =	shalt  }
0x5f: {  	_ =	shalt  }
0x60: {  	_ =	shalt  }
0x61: {  	_ =	shalt  }
0x62: {  	_ =	shalt  }
0x63: {  	_ =	shalt  }
0x64: {  	_ =	shalt  }
0x65: {  	_ =	shalt  }
0x66: {  	_ =	shalt  }
0x67: {  	_ =	shalt  }
0x68: {  	_ =	shalt  }
0x69: {  	_ =	shalt  }
0x6a: {  	_ =	shalt  }
0x6b: {  	_ =	shalt  }
0x6c: {  	_ =	shalt  }
0x6d: {  	_ =	shalt  }
0x6e: {  	_ =	shalt  }
0x6f: {  	_ =	shalt  }
0x70: {  	_ =	shalt  }
0x71: {  	_ =	shalt  }
0x72: {  	_ =	shalt  }
0x73: {  	_ =	shalt  }
0x74: {  	_ =	shalt  }
0x75: {  	_ =	shalt  }
0x76: {  	_ =	shalt  }
0x77: {  	_ =	shalt  }
0x78: {  	_ =	shalt  }
0x79: {  	_ =	shalt  }
0x7a: {  	_ =	shalt  }
0x7b: {  	_ =	shalt  }
0x7c: {  	_ =	shalt  }
0x7d: {  	_ =	shalt  }
0x7e: {  	_ =	shalt  }
0x7f: {  	_ =	shalt  }
0x80: {  	_ =	shalt  }
0x81: {  	_ =	shalt  }
0x82: {  	_ =	shalt  }
0x83: {  	_ =	shalt  }
0x84: {  	_ =	shalt  }
0x85: {  	_ =	shalt  }
0x86: {  	_ =	shalt  }
0x87: {  	_ =	shalt  }
.Lfunc_end0:
.L_simem_size_0:
called_computation_lowered:
.L_overlay_start_0:
0x88: {  	s2 =	sld [smem:$0x3FD9]  }
0x89: {  	s3 =	sld [smem:$0x3FFE];
	_ =	sdelay $0x1  }
0x8a: {  	s1 =	srdreg.scid  }
0x8b: {  	s0 =	sand.u32 $0x1, s1  }
0x8c: {  	s14 =	sshll.u32 s0, $0xA;
	s2 =	sadd.s32 s3, s2  }
0x8d: {  	s2 =	sadd.s32 s2, s14  }
0x8e: {  	[smem:$0x3FC2] =	sst s2  }
0x8f: {  	_ = 	snop  }
0x90: {  	s2 =	sld [smem:$0x3FD0];
	_ =	sdelay $0x2  }
0x91: {  	s15 =	simm.s32 $0xA;
	s4 =	simm.s32 $0x10  }
0x92: {  	[smem:s4], [sflag:s15] =	dma.local [hbm:s2], $0x1  }
0x93: {  	_ =	swait.eq [sflag:s15], $0x1  }
0x94: {  	[sflag:s15] =	ssyncset.done $0x0  }
0x95: {  	s16 =	sld [smem:$0x11];
	[sflag:s15] =	ssyncadd.s32 $0xFFFFFFFF  }
0x96: {  	s17 =	sld [smem:$0x12];
	(tm) =	ssettm $0x1  }
0x97: {  	s18 =	sld [smem:$0x3FFB];
	_ =	sdelay $0x3  }
0x98: {  	_ =	strace s18  }
0x99: {  	s4 =	sld [smem:$0x3FFC];
	_ =	sdelay $0x3  }
0x9a: {  	_ =	strace s4  }
0x9b: {  	s4 =	sld [smem:$0x3FFD];
	_ =	sdelay $0x3  }
0x9c: {  	_ =	strace s4  }
0x9d: {  	_ =	strace $0x8FFFFFFF  }
0x9e: {  	s19 =	sld [smem:$0x3FDB];
	_ =	sdelay $0x1  }
0x9f: {  	s5 =	simm.s32 $_scs_section_size  }
0xa0: {  	s6 =	simm.s32 $_size__tile_overlayer_lowered;
	s7 =	simm.s32 $_tile_overlayer_lowered  }
0xa1: {  	s22 =	simm.s32 $0x1BFF;
	s21 =	sshll.u32 s7, $0x1;
	s4 =	sadd.s32 s5, s19  }
0xa2: {  	s8 =	simm.s32 $0x0;
	s20 =	sshll.u32 s6, $0x1;
	s6 =	sadd.s32 s21, s4  }
0xa3: {  	[timem:s8], [sflag:s22] =	dma.local [hbm:s6], s20  }
0xa4: {  	_ =	swait.ge [sflag:s22], s20  }
0xa5: {  	s5 =	ssub.s32 $0x0, s20;
	[sflag:s22] =	ssyncset.done $0x0  }
0xa6: {  	[sflag:s22] =	ssyncadd.s32 s5;
	_ =	sdelay $0x1  }
0xa7: {  	s23 =	simm.s32 $0x1B8B  }
0xa8: {  	_ =	swait.ge [sflag:s23], $0x1  }
0xa9: {  	[sflag:s23] =	ssyncset.done $0x0  }
0xaa: {  	s25 =	simm.s32 $0x1B8E;
	s24 =	sld [smem:$0x3FFE];
	[sflag:s23] =	ssyncadd.s32 $0xFFFFFFFF  }
0xab: {  	s26 =	simm.s32 $execute0_lowered;
	[smem:$0x3FD2] =	sst s25  }
0xac: {  	s6 =	sshll.u32 s26, $0x1;
	_ =	strace $0x80000046;
	[dreg:$0x1] =	wrdreg $0xFFFFFFFF  }
0xad: {  	s28 =	simm.s32 $_size_execute0_lowered;
	s4 =	sadd.s32 s4, s6;
	[dreg:$0x0] =	wrdreg $0x0  }
0xae: {  	s6 =	sshll.u32 s28, $0x1;
	[dreg:$0x2] =	wrdreg s4  }
0xaf: {  	[dreg:$0x3] =	wrdreg s6  }
0xb0: {  	[dreg:$0x4] =	wrdreg $0xC0  }
0xb1: {  	_ =	task [dreg:s8], $0x5FFFF  }
0xb2: {  	[dreg:$0x1] =	wrdreg $0xFFFFFFFF  }
0xb3: {  	[dreg:$0x0] =	wrdreg $0x60  }
0xb4: {  	[dreg:$0x2] =	wrdreg s16  }
0xb5: {  	[dreg:$0x3] =	wrdreg s17  }
0xb6: {  	[dreg:$0x4] =	wrdreg s24  }
0xb7: {  	[dreg:$0x5] =	wrdreg $0x0  }
0xb8: {  	[dreg:$0x6] =	wrdreg $0xA0000  }
0xb9: {  	[dreg:$0x7] =	wrdreg $0x9  }
0xba: {  	_ =	task.clear_ibuf [dreg:s8], $0x8FFFF;
	_ =	strace $0x90000046  }
0xbb: {  	s29 =	simm.s32 $0x9;
	_ =	strace $0x80000048  }
0xbc: {  	_ =	swait.ge [sflag:s29], $0x1  }
0xbd: {  	[sflag:s29] =	ssyncadd.s32 $0xFFFFFFFF  }
0xbe: {  	_ =	strace $0x90000048  }
0xbf: {  	_ =	sfence  }
0xc0: {  	s30 =	sld [smem:$0x0];
	_ =	sdelay $0x2  }
0xc1: {  	s31 =	sshll.u32 s1, $0xD;
	s1 =	sshrl.u32 s1, $0x2  }
0xc2: {  	s3 =	sand.u32 $0x4000, s31;
	s1 =	sadd.s32 s1, s30  }
0xc3: {  	s0 =	sor.u32 s3, s0;
	s1 =	sshll.u32 s1, $0x11  }
0xc4: {  	s0 =	sor.u32 s1, s0  }
0xc5: {  	s0 =	sadd.s32 $0x8F2B, s0  }
0xc6: {  	[sflag:s0] =	ssyncadd.remote.s32 $0x1  }
0xc7: {  	_ =	sfence.sel $0xFFFF  }
0xc8: {  	[dreg:$0x0] =	wrdreg $0xFFFFFFFF;
	(pc) =	sbr.abs _section_cstart, $3  }
0xc9: {  	[dreg:$0x1] =	wrdreg $0xFFFFFFFF  }
0xca: {  	_ =	task.clear_ibuf [dreg:s8], $0x2FFFF;
	_ =	strace $0x9FFFFFFF  }
0xcb: {  	(tm) =	ssettm $0x7FFFFFFF  }
tec
execute0_lowered:
.L_overlay_start_1:
0x0: {  	(tag) =	ssettag $0x1  }
0x1: {  	s4 =	rddreg [dreg:$0x0]  }
0x2: {  	s1 =	rddreg [dreg:$0x1]  }
0x3: {  	s5 =	rddreg [dreg:$0x2]  }
0x4: {  	s2 =	rddreg [dreg:$0x3]  }
0x5: {  	s3 =	rddreg [dreg:$0x4]  }
0x6: {  	s0 =	simm.s32 $0x0;
	s6 =	srdreg.scid;
	s13 =	stileid.u32  }
0x7: {  	s23 =	simm.s32 $0xA478;
	s25 =	simm.s32 $0xA670;
	s26 =	simm.s32 $0xA868  }
0x8: {  	p0 =	por $0x0, $0x0;
	s31 =	simm.s32 $0xEB58;
	s30 =	simm.s32 $0xED50  }
0x9: {  	[smem:$0x7FF] =	sst s0;
	s6 =	sand.u32 $0x1, s6;
	s8 =	sadd.s32 $0x2600, s5  }
0xa: {  	s11 =	sadd.s32 $0x2400, s5;
	_ =	strace $0x80000047;
	[dreg:$0x6] =	wrdreg s8  }
0xb: {  	s7 =	smul.u32 $0xA000, s13;
	s14 =	sadd.s32 $0x2200, s5;
	[dreg:$0x7] =	wrdreg s11  }
0xc: {  	s29 =	simm.s32 $0xEF48;
	s9 =	smul.u32 $0xA0000, s6;
	[dreg:$0x8] =	wrdreg s14  }
0xd: {  	s24 =	sshll.u32 s13, $0x6;
	s8 =	smul.u32 $0x280, s13;
	[dreg:$0xc] =	wrdreg s23  }
0xe: {  	s10 =	sshll.u32 s6, $0x4;
	s12 =	smul.u32 $0x2800, s6;
	[dreg:$0xd] =	wrdreg s25  }
0xf: {  	s17 =	ssub.s32 $0x2, s6;
	[dreg:$0xe] =	wrdreg s26;
	s6 =	simm.s32 $0x6  }
0x10: {  	s14 =	simm.s32 $0xB438;
	s23 =	simm.s32 $0xC200;
	s25 =	simm.s32 $0xC5F0  }
0x11: {  	s26 =	simm.s32 $0xC7E8;
	s10 =	sor.u32 s13, s10;
	[dreg:$0x14] =	wrdreg s14  }
0x12: {  	s19 =	sshrl.u32 s17, $0x1;
	s22 =	sadd.s32 s7, s2;
	[dreg:$0x1b] =	wrdreg s23  }
0x13: {  	s13 =	simm.s32 $0xB240;
	s14 =	simm.s32 $0xF140;
	[dreg:$0x1d] =	wrdreg s25  }
0x14: {  	[dreg:$0x1e] =	wrdreg s26;
	s25 =	simm.s32 $0xDB98;
	s23 =	simm.s32 $0xDF88  }
0x15: {  	s28 =	rddreg [dreg:$0x6];
	s10 =	smul.u32 $0x2760, s10;
	s9 =	sadd.s32 s7, s9  }
0x16: {  	s15 =	sadd.s32 s8, s12;
	s21 =	ssub.s32 s17, s19;
	s8 =	sadd.s32 s8, s3  }
0x17: {  	s7 =	simm.s32 $0xAA60;
	s12 =	simm.s32 $0xB048;
	[dreg:$0x13] =	wrdreg s13  }
0x18: {  	s17 =	simm.s32 $0xBA20;
	s19 =	simm.s32 $0xBC18;
	s13 =	simm.s32 $0x16E40  }
0x19: {  	s9 =	sshrl.u32 s9, $0x3;
	s11 =	sshrl.u32 s15, $0x3;
	[dreg:$0xf] =	wrdreg s7  }
0x1a: {  	s7 =	sshrl.u32 s22, $0x3;
	s8 =	sshrl.u32 s8, $0x3;
	[dreg:$0x12] =	wrdreg s12  }
0x1b: {  	s15 =	simm.s32 $0xB630;
	s22 =	simm.s32 $0xC9E0;
	[dreg:$0x17] =	wrdreg s17  }
0x1c: {  	[dreg:$0x18] =	wrdreg s19;
	s12 =	simm.s32 $0x5;
	s17 =	simm.s32 $0x4  }
0x1d: {  	s19 =	simm.s32 $0xD3B8;
	s10 =	sshrl.u32 s10, $0x3;
	s9 =	sadd.s32 s9, s5  }
0x1e: {  	s16 =	sadd.s32 s11, s5;
	s11 =	simm.s32 $0xAE50;
	[dreg:$0x15] =	wrdreg s15  }
0x1f: {  	s5 =	sor.u32 $0x1C06, s24;
	s24 =	simm.s32 $0xC3F8;
	[dreg:$0x11] =	wrdreg s11  }
0x20: {  	s15 =	simm.s32 $0x1;
	s10 =	sadd.s32 s1, s10;
	[dreg:$0x1c] =	wrdreg s24  }
0x21: {  	s20 =	sadd.s32 $0x4400, s9;
	s1 =	sadd.s32 $0x3A00, s16;
	[dreg:$0x1f] =	wrdreg s10  }
0x22: {  	s9 =	simm.s32 $0x1EB40;
	s18 =	sadd.s32 $0x9D80, s10;
	[dreg:$0xa] =	wrdreg s20  }
0x23: {  	s16 =	simm.s32 $0xB828;
	[dreg:$0x9] =	wrdreg s18;
	s18 =	smax.u32 s21, $0x1  }
0x24: {  	s11 =	simm.s32 $0x3;
	[dreg:$0xb] =	wrdreg s1;
	p1 =	sne.s32 s18, $0x1  }
.Ltmp0:
0x25: {  	s10 =	simm.s32 $0xAC58;
	[dreg:$0x16] =	wrdreg s16;
	(pc) =	sbr.rel @!p1 .LBB2_1-.Ltmp0, $4  }
0x26: {  	s20 =	simm.s32 $0xBE10;
	s16 =	simm.s32 $0x2;
	[dreg:$0x10] =	wrdreg s10  }
0x27: {  	s1 =	simm.s32 $0xD7A8;
	[dreg:$0x19] =	wrdreg s20;
	s21 =	simm.s32 $0xC008  }
0x28: {  	s10 =	simm.s32 $0x1F4;
	s20 =	simm.s32 $0xE378;
	[dreg:$0x1a] =	wrdreg s21  }
0x29: {  	s24 =	sadd.s32 $0xFFFFFFFF, s18;
	s21 =	simm.s32 $0xD1C0;
	s18 =	simm.s32 $0xE768  }
0x2a: {  	[spmem:s7], [sflag:s5] =	dma.local [hbm:s28], $0x1400  }
0x2b: {  	_ =	swait.ge [sflag:s6], $0x1400  }
0x2c: {  	[sflag:s6] =	ssyncset.done $0x0  }
0x2d: {  	s28 =	rddreg [dreg:$0x7];
	[sflag:s6] =	ssyncadd.s32 $0xFFFFEC00  }
0x2e: {  	[spmem:s8], [sflag:s5] =	dma.local [hbm:s28], $0x50  }
0x2f: {  	_ =	swait.ge [sflag:s6], $0x50  }
0x30: {  	[sflag:s6] =	ssyncset.done $0x0  }
0x31: {  	s28 =	rddreg [dreg:$0x8];
	[sflag:s6] =	ssyncadd.s32 $0xFFFFFFB0  }
0x32: {  	[tilespmem:s9], [sflag:$0x6] =	stream.linear.gather [hbm4b:s28+s0], $0x1F8, $0x38;
	[tilespmem:$0x1ED38] =	vst v63  }
0x33: {  	_ =	swait.ge [sflag:s6], $0x1F8  }
0x34: {  	[sflag:s6] =	ssyncset.done $0x0  }
0x35: {  	s26 =	simm.s32 $0xA280;
	s28 =	rddreg [dreg:$0x1f];
	[sflag:s6] =	ssyncadd.s32 $0xFFFFFE08  }
0x36: {  	[tilespmem:s26], [sflag:$0x6] =	stream.linear.gather [hbm4b:s28+s0], $0x2760, $0x38;
	[tilespmem:$0x1ED38] =	vst v63  }
0x37: {  	_ =	swait.ge [sflag:s6], $0x2760  }
0x38: {  	[sflag:s6] =	ssyncset.done $0x0  }
0x39: {  	s28 =	rddreg [dreg:$0x9];
	[sflag:s6] =	ssyncadd.s32 $0xFFFFD8A0  }
0x3a: {  	[tilespmem:s22], [sflag:$0x6] =	stream.linear.gather [hbm4b:s28+s0], $0x2760, $0x38;
	[tilespmem:$0x1ED38] =	vst v63  }
0x3b: {  	_ =	swait.ge [sflag:s6], $0x2760  }
0x3c: {  	[sflag:s6] =	ssyncset.done $0x0  }
0x3d: {  	[sflag:s6] =	ssyncadd.s32 $0xFFFFD8A0  }
0x3e: {  	[bflag:$0x0] =	sbarrier.arrive $0xFFFF  }
0x3f: {  	[tilespmem:s14], [sflag:$0x1] =	stream.indirect.gather [hbm4b:s4+s10], $0x40, s26, s10, $0xb8;
	[tilespmem:$0x1ED38] =	vst v63  }
0x40: {  	s28 =	rddreg [dreg:$0xc]  }
0x41: {  	[tilespmem:s13], [sflag:$0x2] =	stream.indirect.gather [hbm4b:s4+s10], $0x40, s28, s10, $0xb8;
	[tilespmem:$0x1ED38] =	vst v63  }
0x42: {  	_ =	swait.ge [sflag:s15], $0x7D00  }
0x43: {  	[sflag:s15] =	ssyncset.done $0x0  }
0x44: {  	[sflag:s15] =	ssyncadd.s32 $0xFFFF8300  }
0x45: {  	[spmem:s3] =	stream.indirect.scatter.add.f32 [tilespmem:s9], [sflag:$0x5], $0x1, s22, s10, $0xb8;
	[tilespmem:$0x1ED38] =	vst v63  }
0x46: {  	_ = 	snop  }
0x47: {  	[spmem:s2] =	stream.indirect.scatter.add.f32 [tilespmem:s14], [sflag:$0x3], $0x40, s22, s10, $0xb8;
	[tilespmem:$0x1ED38] =	vst v63  }
0x48: {  	_ =	swait.ge [sflag:s11], $0x7D00  }
0x49: {  	[sflag:s11] =	ssyncset.done $0x0  }
0x4a: {  	[sflag:s11] =	ssyncadd.s32 $0xFFFF8300  }
0x4b: {  	_ =	swait.ge [sflag:s12], $0x1F4  }
0x4c: {  	[sflag:s12] =	ssyncset.done $0x0  }
0x4d: {  	s28 =	rddreg [dreg:$0xd];
	[sflag:s12] =	ssyncadd.s32 $0xFFFFFE0C  }
0x4e: {  	[tilespmem:s14], [sflag:$0x1] =	stream.indirect.gather [hbm4b:s4+s10], $0x40, s28, s10, $0xb8;
	[tilespmem:$0x1ED38] =	vst v63  }
0x4f: {  	_ =	swait.ge [sflag:s16], $0x7D00  }
0x50: {  	[sflag:s16] =	ssyncset.done $0x0  }
0x51: {  	s26 =	smov.u32 s24;
	s24 =	simm.s32 $0xCBD8;
	[sflag:s16] =	ssyncadd.s32 $0xFFFF8300  }
0x52: {  	[spmem:s3] =	stream.indirect.scatter.add.f32 [tilespmem:s9], [sflag:$0x5], $0x1, s24, s10, $0xb8;
	[tilespmem:$0x1ED38] =	vst v63  }
0x53: {  	_ = 	snop  }
0x54: {  	[spmem:s2] =	stream.indirect.scatter.add.f32 [tilespmem:s13], [sflag:$0x4], $0x40, s24, s10, $0xb8;
	[tilespmem:$0x1ED38] =	vst v63  }
0x55: {  	_ =	swait.ge [sflag:s17], $0x7D00  }
0x56: {  	[sflag:s17] =	ssyncset.done $0x0  }
0x57: {  	[sflag:s17] =	ssyncadd.s32 $0xFFFF8300  }
0x58: {  	_ =	swait.ge [sflag:s12], $0x1F4  }
0x59: {  	[sflag:s12] =	ssyncset.done $0x0  }
0x5a: {  	s28 =	rddreg [dreg:$0xe];
	[sflag:s12] =	ssyncadd.s32 $0xFFFFFE0C  }
0x5b: {  	[tilespmem:s13], [sflag:$0x2] =	stream.indirect.gather [hbm4b:s4+s10], $0x40, s28, s10, $0xb8;
	[tilespmem:$0x1ED38] =	vst v63  }
0x5c: {  	_ =	swait.ge [sflag:s15], $0x7D00  }
0x5d: {  	[sflag:s15] =	ssyncset.done $0x0  }
0x5e: {  	s24 =	simm.s32 $0xCDD0;
	[sflag:s15] =	ssyncadd.s32 $0xFFFF8300  }
0x5f: {  	[spmem:s3] =	stream.indirect.scatter.add.f32 [tilespmem:s9], [sflag:$0x5], $0x1, s24, s10, $0xb8;
	[tilespmem:$0x1ED38] =	vst v63  }
0x60: {  	_ = 	snop  }
0x61: {  	[spmem:s2] =	stream.indirect.scatter.add.f32 [tilespmem:s14], [sflag:$0x3], $0x40, s24, s10, $0xb8;
	[tilespmem:$0x1ED38] =	vst v63  }
0x62: {  	_ =	swait.ge [sflag:s11], $0x7D00  }
0x63: {  	[sflag:s11] =	ssyncset.done $0x0  }
0x64: {  	[sflag:s11] =	ssyncadd.s32 $0xFFFF8300  }
0x65: {  	_ =	swait.ge [sflag:s12], $0x1F4  }
0x66: {  	[sflag:s12] =	ssyncset.done $0x0  }
0x67: {  	s28 =	rddreg [dreg:$0xf];
	[sflag:s12] =	ssyncadd.s32 $0xFFFFFE0C  }
0x68: {  	[tilespmem:s14], [sflag:$0x1] =	stream.indirect.gather [hbm4b:s4+s10], $0x40, s28, s10, $0xb8;
	[tilespmem:$0x1ED38] =	vst v63  }
0x69: {  	_ =	swait.ge [sflag:s16], $0x7D00  }
0x6a: {  	[sflag:s16] =	ssyncset.done $0x0  }
0x6b: {  	s24 =	simm.s32 $0xCFC8;
	[sflag:s16] =	ssyncadd.s32 $0xFFFF8300  }
0x6c: {  	[spmem:s3] =	stream.indirect.scatter.add.f32 [tilespmem:s9], [sflag:$0x5], $0x1, s24, s10, $0xb8;
	[tilespmem:$0x1ED38] =	vst v63  }
0x6d: {  	_ = 	snop  }
0x6e: {  	[spmem:s2] =	stream.indirect.scatter.add.f32 [tilespmem:s13], [sflag:$0x4], $0x40, s24, s10, $0xb8;
	[tilespmem:$0x1ED38] =	vst v63  }
0x6f: {  	_ =	swait.ge [sflag:s17], $0x7D00  }
0x70: {  	[sflag:s17] =	ssyncset.done $0x0  }
0x71: {  	[sflag:s17] =	ssyncadd.s32 $0xFFFF8300  }
0x72: {  	_ =	swait.ge [sflag:s12], $0x1F4  }
0x73: {  	[sflag:s12] =	ssyncset.done $0x0  }
0x74: {  	s28 =	rddreg [dreg:$0x10];
	[sflag:s12] =	ssyncadd.s32 $0xFFFFFE0C  }
0x75: {  	[tilespmem:s13], [sflag:$0x2] =	stream.indirect.gather [hbm4b:s4+s10], $0x40, s28, s10, $0xb8;
	[tilespmem:$0x1ED38] =	vst v63  }
0x76: {  	_ =	swait.ge [sflag:s15], $0x7D00  }
0x77: {  	[sflag:s15] =	ssyncset.done $0x0  }
0x78: {  	[sflag:s15] =	ssyncadd.s32 $0xFFFF8300  }
0x79: {  	[spmem:s3] =	stream.indirect.scatter.add.f32 [tilespmem:s9], [sflag:$0x5], $0x1, s21, s10, $0xb8;
	[tilespmem:$0x1ED38] =	vst v63  }
0x7a: {  	_ = 	snop  }
0x7b: {  	[spmem:s2] =	stream.indirect.scatter.add.f32 [tilespmem:s14], [sflag:$0x3], $0x40, s21, s10, $0xb8;
	[tilespmem:$0x1ED38] =	vst v63  }
0x7c: {  	_ =	swait.ge [sflag:s11], $0x7D00  }
0x7d: {  	[sflag:s11] =	ssyncset.done $0x0  }
0x7e: {  	[sflag:s11] =	ssyncadd.s32 $0xFFFF8300  }
0x7f: {  	_ =	swait.ge [sflag:s12], $0x1F4  }
0x80: {  	[sflag:s12] =	ssyncset.done $0x0  }
0x81: {  	s28 =	rddreg [dreg:$0x11];
	[sflag:s12] =	ssyncadd.s32 $0xFFFFFE0C  }
0x82: {  	[tilespmem:s14], [sflag:$0x1] =	stream.indirect.gather [hbm4b:s4+s10], $0x40, s28, s10, $0xb8;
	[tilespmem:$0x1ED38] =	vst v63  }
0x83: {  	_ =	swait.ge [sflag:s16], $0x7D00  }
0x84: {  	[sflag:s16] =	ssyncset.done $0x0  }
0x85: {  	[sflag:s16] =	ssyncadd.s32 $0xFFFF8300  }
0x86: {  	[spmem:s3] =	stream.indirect.scatter.add.f32 [tilespmem:s9], [sflag:$0x5], $0x1, s19, s10, $0xb8;
	[tilespmem:$0x1ED38] =	vst v63  }
0x87: {  	_ = 	snop  }
0x88: {  	[spmem:s2] =	stream.indirect.scatter.add.f32 [tilespmem:s13], [sflag:$0x4], $0x40, s19, s10, $0xb8;
	[tilespmem:$0x1ED38] =	vst v63  }
0x89: {  	_ =	swait.ge [sflag:s17], $0x7D00  }
0x8a: {  	[sflag:s17] =	ssyncset.done $0x0  }
0x8b: {  	[sflag:s17] =	ssyncadd.s32 $0xFFFF8300  }
0x8c: {  	_ =	swait.ge [sflag:s12], $0x1F4  }
0x8d: {  	[sflag:s12] =	ssyncset.done $0x0  }
0x8e: {  	s28 =	rddreg [dreg:$0x12];
	[sflag:s12] =	ssyncadd.s32 $0xFFFFFE0C  }
0x8f: {  	[tilespmem:s13], [sflag:$0x2] =	stream.indirect.gather [hbm4b:s4+s10], $0x40, s28, s10, $0xb8;
	[tilespmem:$0x1ED38] =	vst v63  }
0x90: {  	_ =	swait.ge [sflag:s15], $0x7D00  }
0x91: {  	[sflag:s15] =	ssyncset.done $0x0  }
0x92: {  	s24 =	simm.s32 $0xD5B0;
	[sflag:s15] =	ssyncadd.s32 $0xFFFF8300  }
0x93: {  	[spmem:s3] =	stream.indirect.scatter.add.f32 [tilespmem:s9], [sflag:$0x5], $0x1, s24, s10, $0xb8;
	[tilespmem:$0x1ED38] =	vst v63  }
0x94: {  	_ = 	snop  }
0x95: {  	[spmem:s2] =	stream.indirect.scatter.add.f32 [tilespmem:s14], [sflag:$0x3], $0x40, s24, s10, $0xb8;
	[tilespmem:$0x1ED38] =	vst v63  }
0x96: {  	_ =	swait.ge [sflag:s11], $0x7D00  }
0x97: {  	[sflag:s11] =	ssyncset.done $0x0  }
0x98: {  	[sflag:s11] =	ssyncadd.s32 $0xFFFF8300  }
0x99: {  	_ =	swait.ge [sflag:s12], $0x1F4  }
0x9a: {  	[sflag:s12] =	ssyncset.done $0x0  }
0x9b: {  	s28 =	rddreg [dreg:$0x13];
	[sflag:s12] =	ssyncadd.s32 $0xFFFFFE0C  }
0x9c: {  	[tilespmem:s14], [sflag:$0x1] =	stream.indirect.gather [hbm4b:s4+s10], $0x40, s28, s10, $0xb8;
	[tilespmem:$0x1ED38] =	vst v63  }
0x9d: {  	_ =	swait.ge [sflag:s16], $0x7D00  }
0x9e: {  	[sflag:s16] =	ssyncset.done $0x0  }
0x9f: {  	[sflag:s16] =	ssyncadd.s32 $0xFFFF8300  }
0xa0: {  	[spmem:s3] =	stream.indirect.scatter.add.f32 [tilespmem:s9], [sflag:$0x5], $0x1, s1, s10, $0xb8;
	[tilespmem:$0x1ED38] =	vst v63  }
0xa1: {  	_ = 	snop  }
0xa2: {  	[spmem:s2] =	stream.indirect.scatter.add.f32 [tilespmem:s13], [sflag:$0x4], $0x40, s1, s10, $0xb8;
	[tilespmem:$0x1ED38] =	vst v63  }
0xa3: {  	_ =	swait.ge [sflag:s17], $0x7D00  }
0xa4: {  	[sflag:s17] =	ssyncset.done $0x0  }
0xa5: {  	[sflag:s17] =	ssyncadd.s32 $0xFFFF8300  }
0xa6: {  	_ =	swait.ge [sflag:s12], $0x1F4  }
0xa7: {  	[sflag:s12] =	ssyncset.done $0x0  }
0xa8: {  	s28 =	rddreg [dreg:$0x14];
	[sflag:s12] =	ssyncadd.s32 $0xFFFFFE0C  }
0xa9: {  	[tilespmem:s13], [sflag:$0x2] =	stream.indirect.gather [hbm4b:s4+s10], $0x40, s28, s10, $0xb8;
	[tilespmem:$0x1ED38] =	vst v63  }
0xaa: {  	_ =	swait.ge [sflag:s15], $0x7D00  }
0xab: {  	[sflag:s15] =	ssyncset.done $0x0  }
0xac: {  	s24 =	simm.s32 $0xD9A0;
	[sflag:s15] =	ssyncadd.s32 $0xFFFF8300  }
0xad: {  	[spmem:s3] =	stream.indirect.scatter.add.f32 [tilespmem:s9], [sflag:$0x5], $0x1, s24, s10, $0xb8;
	[tilespmem:$0x1ED38] =	vst v63  }
0xae: {  	_ = 	snop  }
0xaf: {  	[spmem:s2] =	stream.indirect.scatter.add.f32 [tilespmem:s14], [sflag:$0x3], $0x40, s24, s10, $0xb8;
	[tilespmem:$0x1ED38] =	vst v63  }
0xb0: {  	_ =	swait.ge [sflag:s11], $0x7D00  }
0xb1: {  	[sflag:s11] =	ssyncset.done $0x0  }
0xb2: {  	[sflag:s11] =	ssyncadd.s32 $0xFFFF8300  }
0xb3: {  	_ =	swait.ge [sflag:s12], $0x1F4  }
0xb4: {  	[sflag:s12] =	ssyncset.done $0x0  }
0xb5: {  	s28 =	rddreg [dreg:$0x15];
	[sflag:s12] =	ssyncadd.s32 $0xFFFFFE0C  }
0xb6: {  	[tilespmem:s14], [sflag:$0x1] =	stream.indirect.gather [hbm4b:s4+s10], $0x40, s28, s10, $0xb8;
	[tilespmem:$0x1ED38] =	vst v63  }
0xb7: {  	_ =	swait.ge [sflag:s16], $0x7D00  }
0xb8: {  	[sflag:s16] =	ssyncset.done $0x0  }
0xb9: {  	[sflag:s16] =	ssyncadd.s32 $0xFFFF8300  }
0xba: {  	[spmem:s3] =	stream.indirect.scatter.add.f32 [tilespmem:s9], [sflag:$0x5], $0x1, s25, s10, $0xb8;
	[tilespmem:$0x1ED38] =	vst v63  }
0xbb: {  	_ = 	snop  }
0xbc: {  	[spmem:s2] =	stream.indirect.scatter.add.f32 [tilespmem:s13], [sflag:$0x4], $0x40, s25, s10, $0xb8;
	[tilespmem:$0x1ED38] =	vst v63  }
0xbd: {  	_ =	swait.ge [sflag:s17], $0x7D00  }
0xbe: {  	[sflag:s17] =	ssyncset.done $0x0  }
0xbf: {  	[sflag:s17] =	ssyncadd.s32 $0xFFFF8300  }
0xc0: {  	_ =	swait.ge [sflag:s12], $0x1F4  }
0xc1: {  	[sflag:s12] =	ssyncset.done $0x0  }
0xc2: {  	s28 =	rddreg [dreg:$0x16];
	[sflag:s12] =	ssyncadd.s32 $0xFFFFFE0C  }
0xc3: {  	[tilespmem:s13], [sflag:$0x2] =	stream.indirect.gather [hbm4b:s4+s10], $0x40, s28, s10, $0xb8;
	[tilespmem:$0x1ED38] =	vst v63  }
0xc4: {  	_ =	swait.ge [sflag:s15], $0x7D00  }
0xc5: {  	[sflag:s15] =	ssyncset.done $0x0  }
0xc6: {  	s24 =	simm.s32 $0xDD90;
	[sflag:s15] =	ssyncadd.s32 $0xFFFF8300  }
0xc7: {  	[spmem:s3] =	stream.indirect.scatter.add.f32 [tilespmem:s9], [sflag:$0x5], $0x1, s24, s10, $0xb8;
	[tilespmem:$0x1ED38] =	vst v63  }
0xc8: {  	_ = 	snop  }
0xc9: {  	[spmem:s2] =	stream.indirect.scatter.add.f32 [tilespmem:s14], [sflag:$0x3], $0x40, s24, s10, $0xb8;
	[tilespmem:$0x1ED38] =	vst v63  }
0xca: {  	_ =	swait.ge [sflag:s11], $0x7D00  }
0xcb: {  	[sflag:s11] =	ssyncset.done $0x0  }
0xcc: {  	[sflag:s11] =	ssyncadd.s32 $0xFFFF8300  }
0xcd: {  	_ =	swait.ge [sflag:s12], $0x1F4  }
0xce: {  	[sflag:s12] =	ssyncset.done $0x0  }
0xcf: {  	s28 =	rddreg [dreg:$0x17];
	[sflag:s12] =	ssyncadd.s32 $0xFFFFFE0C  }
0xd0: {  	[tilespmem:s14], [sflag:$0x1] =	stream.indirect.gather [hbm4b:s4+s10], $0x40, s28, s10, $0xb8;
	[tilespmem:$0x1ED38] =	vst v63  }
0xd1: {  	_ =	swait.ge [sflag:s16], $0x7D00  }
0xd2: {  	[sflag:s16] =	ssyncset.done $0x0  }
0xd3: {  	[sflag:s16] =	ssyncadd.s32 $0xFFFF8300  }
0xd4: {  	[spmem:s3] =	stream.indirect.scatter.add.f32 [tilespmem:s9], [sflag:$0x5], $0x1, s23, s10, $0xb8;
	[tilespmem:$0x1ED38] =	vst v63  }
0xd5: {  	_ = 	snop  }
0xd6: {  	[spmem:s2] =	stream.indirect.scatter.add.f32 [tilespmem:s13], [sflag:$0x4], $0x40, s23, s10, $0xb8;
	[tilespmem:$0x1ED38] =	vst v63  }
0xd7: {  	_ =	swait.ge [sflag:s17], $0x7D00  }
0xd8: {  	[sflag:s17] =	ssyncset.done $0x0  }
0xd9: {  	[sflag:s17] =	ssyncadd.s32 $0xFFFF8300  }
0xda: {  	_ =	swait.ge [sflag:s12], $0x1F4  }
0xdb: {  	[sflag:s12] =	ssyncset.done $0x0  }
0xdc: {  	s28 =	rddreg [dreg:$0x18];
	[sflag:s12] =	ssyncadd.s32 $0xFFFFFE0C  }
0xdd: {  	[tilespmem:s13], [sflag:$0x2] =	stream.indirect.gather [hbm4b:s4+s10], $0x40, s28, s10, $0xb8;
	[tilespmem:$0x1ED38] =	vst v63  }
0xde: {  	_ =	swait.ge [sflag:s15], $0x7D00  }
0xdf: {  	[sflag:s15] =	ssyncset.done $0x0  }
0xe0: {  	s24 =	simm.s32 $0xE180;
	[sflag:s15] =	ssyncadd.s32 $0xFFFF8300  }
0xe1: {  	[spmem:s3] =	stream.indirect.scatter.add.f32 [tilespmem:s9], [sflag:$0x5], $0x1, s24, s10, $0xb8;
	[tilespmem:$0x1ED38] =	vst v63  }
0xe2: {  	_ = 	snop  }
0xe3: {  	[spmem:s2] =	stream.indirect.scatter.add.f32 [tilespmem:s14], [sflag:$0x3], $0x40, s24, s10, $0xb8;
	[tilespmem:$0x1ED38] =	vst v63  }
0xe4: {  	_ =	swait.ge [sflag:s11], $0x7D00  }
0xe5: {  	[sflag:s11] =	ssyncset.done $0x0  }
0xe6: {  	[sflag:s11] =	ssyncadd.s32 $0xFFFF8300  }
0xe7: {  	_ =	swait.ge [sflag:s12], $0x1F4  }
0xe8: {  	[sflag:s12] =	ssyncset.done $0x0  }
0xe9: {  	s28 =	rddreg [dreg:$0x19];
	[sflag:s12] =	ssyncadd.s32 $0xFFFFFE0C  }
0xea: {  	[tilespmem:s14], [sflag:$0x1] =	stream.indirect.gather [hbm4b:s4+s10], $0x40, s28, s10, $0xb8;
	[tilespmem:$0x1ED38] =	vst v63  }
0xeb: {  	_ =	swait.ge [sflag:s16], $0x7D00  }
0xec: {  	[sflag:s16] =	ssyncset.done $0x0  }
0xed: {  	[sflag:s16] =	ssyncadd.s32 $0xFFFF8300  }
0xee: {  	[spmem:s3] =	stream.indirect.scatter.add.f32 [tilespmem:s9], [sflag:$0x5], $0x1, s20, s10, $0xb8;
	[tilespmem:$0x1ED38] =	vst v63  }
0xef: {  	_ = 	snop  }
0xf0: {  	[spmem:s2] =	stream.indirect.scatter.add.f32 [tilespmem:s13], [sflag:$0x4], $0x40, s20, s10, $0xb8;
	[tilespmem:$0x1ED38] =	vst v63  }
0xf1: {  	_ =	swait.ge [sflag:s17], $0x7D00  }
0xf2: {  	[sflag:s17] =	ssyncset.done $0x0  }
0xf3: {  	[sflag:s17] =	ssyncadd.s32 $0xFFFF8300  }
0xf4: {  	_ =	swait.ge [sflag:s12], $0x1F4  }
0xf5: {  	[sflag:s12] =	ssyncset.done $0x0  }
0xf6: {  	s28 =	rddreg [dreg:$0x1a];
	[sflag:s12] =	ssyncadd.s32 $0xFFFFFE0C  }
0xf7: {  	[tilespmem:s13], [sflag:$0x2] =	stream.indirect.gather [hbm4b:s4+s10], $0x40, s28, s10, $0xb8;
	[tilespmem:$0x1ED38] =	vst v63  }
0xf8: {  	_ =	swait.ge [sflag:s15], $0x7D00  }
0xf9: {  	[sflag:s15] =	ssyncset.done $0x0  }
0xfa: {  	s24 =	simm.s32 $0xE570;
	[sflag:s15] =	ssyncadd.s32 $0xFFFF8300  }
0xfb: {  	[spmem:s3] =	stream.indirect.scatter.add.f32 [tilespmem:s9], [sflag:$0x5], $0x1, s24, s10, $0xb8;
	[tilespmem:$0x1ED38] =	vst v63  }
0xfc: {  	_ = 	snop  }
0xfd: {  	[spmem:s2] =	stream.indirect.scatter.add.f32 [tilespmem:s14], [sflag:$0x3], $0x40, s24, s10, $0xb8;
	[tilespmem:$0x1ED38] =	vst v63  }
0xfe: {  	_ =	swait.ge [sflag:s11], $0x7D00  }
0xff: {  	[sflag:s11] =	ssyncset.done $0x0  }
0x100: {  	[sflag:s11] =	ssyncadd.s32 $0xFFFF8300  }
0x101: {  	_ =	swait.ge [sflag:s12], $0x1F4  }
0x102: {  	[sflag:s12] =	ssyncset.done $0x0  }
0x103: {  	s28 =	rddreg [dreg:$0x1b];
	[sflag:s12] =	ssyncadd.s32 $0xFFFFFE0C  }
0x104: {  	[tilespmem:s14], [sflag:$0x1] =	stream.indirect.gather [hbm4b:s4+s10], $0x40, s28, s10, $0xb8;
	[tilespmem:$0x1ED38] =	vst v63  }
0x105: {  	_ =	swait.ge [sflag:s16], $0x7D00  }
0x106: {  	[sflag:s16] =	ssyncset.done $0x0  }
0x107: {  	[sflag:s16] =	ssyncadd.s32 $0xFFFF8300  }
0x108: {  	[spmem:s3] =	stream.indirect.scatter.add.f32 [tilespmem:s9], [sflag:$0x5], $0x1, s18, s10, $0xb8;
	[tilespmem:$0x1ED38] =	vst v63  }
0x109: {  	_ = 	snop  }
0x10a: {  	[spmem:s2] =	stream.indirect.scatter.add.f32 [tilespmem:s13], [sflag:$0x4], $0x40, s18, s10, $0xb8;
	[tilespmem:$0x1ED38] =	vst v63  }
0x10b: {  	_ =	swait.ge [sflag:s17], $0x7D00  }
0x10c: {  	[sflag:s17] =	ssyncset.done $0x0  }
0x10d: {  	[sflag:s17] =	ssyncadd.s32 $0xFFFF8300  }
0x10e: {  	_ =	swait.ge [sflag:s12], $0x1F4  }
0x10f: {  	[sflag:s12] =	ssyncset.done $0x0  }
0x110: {  	s28 =	rddreg [dreg:$0x1c];
	[sflag:s12] =	ssyncadd.s32 $0xFFFFFE0C  }
0x111: {  	[tilespmem:s13], [sflag:$0x2] =	stream.indirect.gather [hbm4b:s4+s10], $0x40, s28, s10, $0xb8;
	[tilespmem:$0x1ED38] =	vst v63  }
0x112: {  	_ =	swait.ge [sflag:s15], $0x7D00  }
0x113: {  	[sflag:s15] =	ssyncset.done $0x0  }
0x114: {  	s24 =	simm.s32 $0xE960;
	[sflag:s15] =	ssyncadd.s32 $0xFFFF8300  }
0x115: {  	[spmem:s3] =	stream.indirect.scatter.add.f32 [tilespmem:s9], [sflag:$0x5], $0x1, s24, s10, $0xb8;
	[tilespmem:$0x1ED38] =	vst v63  }
0x116: {  	_ = 	snop  }
0x117: {  	[spmem:s2] =	stream.indirect.scatter.add.f32 [tilespmem:s14], [sflag:$0x3], $0x40, s24, s10, $0xb8;
	[tilespmem:$0x1ED38] =	vst v63  }
0x118: {  	_ =	swait.ge [sflag:s11], $0x7D00  }
0x119: {  	[sflag:s11] =	ssyncset.done $0x0  }
0x11a: {  	[sflag:s11] =	ssyncadd.s32 $0xFFFF8300  }
0x11b: {  	_ =	swait.ge [sflag:s12], $0x1F4  }
0x11c: {  	[sflag:s12] =	ssyncset.done $0x0  }
0x11d: {  	s28 =	rddreg [dreg:$0x1d];
	[sflag:s12] =	ssyncadd.s32 $0xFFFFFE0C  }
0x11e: {  	[tilespmem:s14], [sflag:$0x1] =	stream.indirect.gather [hbm4b:s4+s10], $0x40, s28, s10, $0xb8;
	[tilespmem:$0x1ED38] =	vst v63  }
0x11f: {  	_ =	swait.ge [sflag:s16], $0x7D00  }
0x120: {  	[sflag:s16] =	ssyncset.done $0x0  }
0x121: {  	[sflag:s16] =	ssyncadd.s32 $0xFFFF8300  }
0x122: {  	[spmem:s3] =	stream.indirect.scatter.add.f32 [tilespmem:s9], [sflag:$0x5], $0x1, s31, s10, $0xb8;
	[tilespmem:$0x1ED38] =	vst v63  }
0x123: {  	_ = 	snop  }
0x124: {  	[spmem:s2] =	stream.indirect.scatter.add.f32 [tilespmem:s13], [sflag:$0x4], $0x40, s31, s10, $0xb8;
	[tilespmem:$0x1ED38] =	vst v63  }
0x125: {  	_ =	swait.ge [sflag:s17], $0x7D00  }
0x126: {  	[sflag:s17] =	ssyncset.done $0x0  }
0x127: {  	[sflag:s17] =	ssyncadd.s32 $0xFFFF8300  }
0x128: {  	_ =	swait.ge [sflag:s12], $0x1F4  }
0x129: {  	[sflag:s12] =	ssyncset.done $0x0  }
0x12a: {  	s28 =	rddreg [dreg:$0x1e];
	[sflag:s12] =	ssyncadd.s32 $0xFFFFFE0C  }
0x12b: {  	[tilespmem:s13], [sflag:$0x2] =	stream.indirect.gather [hbm4b:s4+s10], $0x40, s28, s10, $0xb8;
	[tilespmem:$0x1ED38] =	vst v63  }
0x12c: {  	_ =	swait.ge [sflag:s15], $0x7D00  }
0x12d: {  	[sflag:s15] =	ssyncset.done $0x0  }
0x12e: {  	[sflag:s15] =	ssyncadd.s32 $0xFFFF8300  }
0x12f: {  	[spmem:s3] =	stream.indirect.scatter.add.f32 [tilespmem:s9], [sflag:$0x5], $0x1, s30, s10, $0xb8;
	[tilespmem:$0x1ED38] =	vst v63  }
0x130: {  	_ = 	snop  }
0x131: {  	[spmem:s2] =	stream.indirect.scatter.add.f32 [tilespmem:s14], [sflag:$0x3], $0x40, s30, s10, $0xb8;
	[tilespmem:$0x1ED38] =	vst v63  }
0x132: {  	_ =	swait.ge [sflag:s16], $0x7D00  }
0x133: {  	[sflag:s16] =	ssyncset.done $0x0  }
0x134: {  	[sflag:s16] =	ssyncadd.s32 $0xFFFF8300  }
0x135: {  	[spmem:s3] =	stream.indirect.scatter.add.f32 [tilespmem:s9], [sflag:$0x5], $0x1, s29, s10, $0xb8;
	[tilespmem:$0x1ED38] =	vst v63  }
0x136: {  	_ = 	snop  }
0x137: {  	[spmem:s2] =	stream.indirect.scatter.add.f32 [tilespmem:s13], [sflag:$0x4], $0x40, s29, s10, $0xb8;
	[tilespmem:$0x1ED38] =	vst v63  }
0x138: {  	_ =	swait.ge [sflag:s17], $0x7D00  }
0x139: {  	[sflag:s17] =	ssyncset.done $0x0  }
0x13a: {  	[sflag:s17] =	ssyncadd.s32 $0xFFFF8300  }
0x13b: {  	_ =	swait.ge [sflag:s12], $0x1F4  }
0x13c: {  	[sflag:s12] =	ssyncset.done $0x0  }
0x13d: {  	[sflag:s12] =	ssyncadd.s32 $0xFFFFFE0C  }
0x13e: {  	_ =	swait.ge [sflag:s11], $0x7D00  }
0x13f: {  	[sflag:s11] =	ssyncset.done $0x0  }
0x140: {  	[sflag:s11] =	ssyncadd.s32 $0xFFFF8300  }
0x141: {  	_ =	swait.ge [sflag:s12], $0x1F4  }
0x142: {  	[sflag:s12] =	ssyncset.done $0x0  }
0x143: {  	[sflag:s12] =	ssyncadd.s32 $0xFFFFFE0C  }
0x144: {  	[bflag:$0x0] =	sbarrier.arrive $0xFFFF  }
0x145: {  	s28 =	rddreg [dreg:$0xa]  }
0x146: {  	[hbm:s28], [sflag:s5] =	dma.local [spmem:s7], $0x1400  }
0x147: {  	p1 =	sne.s32 s26, $0x1;
	_ =	swait.ge [sflag:s6], $0x1400  }
.Ltmp1:
0x148: {  	[sflag:s6] =	ssyncset.done $0x0;
	(pc) =	sbr.rel @!p1 .LBB2_3-.Ltmp1, $4  }
0x149: {  	s28 =	rddreg [dreg:$0xb];
	[sflag:s6] =	ssyncadd.s32 $0xFFFFEC00  }
0x14a: {  	[hbm:s28], [sflag:s5] =	dma.local [spmem:s8], $0x50  }
0x14b: {  	p0 =	por $0x1, $0x1;
	_ =	swait.ge [sflag:s6], $0x50  }
0x14c: {  	s26 =	sadd.s32 $0xFFFFFFFF, s26;
	s28 =	rddreg [dreg:$0x6];
	[sflag:s6] =	ssyncset.done $0x0  }
.LBB2_4:
0x14d: {  	[sflag:s6] =	ssyncadd.s32 $0xFFFFFFB0  }
0x14e: {  	[spmem:s7], [sflag:s5] =	dma.local [hbm:s28], $0x1400  }
0x14f: {  	_ =	swait.ge [sflag:s6], $0x1400  }
0x150: {  	[sflag:s6] =	ssyncset.done $0x0  }
0x151: {  	s28 =	rddreg [dreg:$0x7];
	[sflag:s6] =	ssyncadd.s32 $0xFFFFEC00  }
0x152: {  	[spmem:s8], [sflag:s5] =	dma.local [hbm:s28], $0x50  }
0x153: {  	_ =	swait.ge [sflag:s6], $0x50  }
0x154: {  	[sflag:s6] =	ssyncset.done $0x0  }
0x155: {  	s28 =	rddreg [dreg:$0x8];
	[sflag:s6] =	ssyncadd.s32 $0xFFFFFFB0  }
0x156: {  	[tilespmem:s9], [sflag:$0x6] =	stream.linear.gather [hbm4b:s28+s0], $0x1F8, $0x38;
	[tilespmem:$0x1ED38] =	vst v63  }
0x157: {  	_ =	swait.ge [sflag:s6], $0x1F8  }
0x158: {  	[sflag:s6] =	ssyncset.done $0x0  }
0x159: {  	s24 =	simm.s32 $0xA280;
	s28 =	rddreg [dreg:$0x1f];
	[sflag:s6] =	ssyncadd.s32 $0xFFFFFE08  }
0x15a: {  	[tilespmem:s24], [sflag:$0x6] =	stream.linear.gather [hbm4b:s28+s0], $0x2760, $0x38;
	[tilespmem:$0x1ED38] =	vst v63  }
0x15b: {  	_ =	swait.ge [sflag:s6], $0x2760  }
0x15c: {  	[sflag:s6] =	ssyncset.done $0x0  }
0x15d: {  	s28 =	rddreg [dreg:$0x9];
	[sflag:s6] =	ssyncadd.s32 $0xFFFFD8A0  }
0x15e: {  	[tilespmem:s22], [sflag:$0x6] =	stream.linear.gather [hbm4b:s28+s0], $0x2760, $0x38;
	[tilespmem:$0x1ED38] =	vst v63  }
0x15f: {  	_ =	swait.ge [sflag:s6], $0x2760  }
0x160: {  	[sflag:s6] =	ssyncset.done $0x0  }
0x161: {  	[sflag:s6] =	ssyncadd.s32 $0xFFFFD8A0  }
0x162: {  	[bflag:$0x0] =	sbarrier.arrive $0xFFFF  }
0x163: {  	[tilespmem:s14], [sflag:$0x1] =	stream.indirect.gather [hbm4b:s4+s10], $0x40, s24, s10, $0xb8;
	[tilespmem:$0x1ED38] =	vst v63  }
0x164: {  	s28 =	rddreg [dreg:$0xc]  }
0x165: {  	[tilespmem:s13], [sflag:$0x2] =	stream.indirect.gather [hbm4b:s4+s10], $0x40, s28, s10, $0xb8;
	[tilespmem:$0x1ED38] =	vst v63  }
0x166: {  	_ =	swait.ge [sflag:s15], $0x7D00  }
0x167: {  	[sflag:s15] =	ssyncset.done $0x0  }
0x168: {  	[sflag:s15] =	ssyncadd.s32 $0xFFFF8300  }
0x169: {  	[spmem:s3] =	stream.indirect.scatter.add.f32 [tilespmem:s9], [sflag:$0x5], $0x1, s22, s10, $0xb8;
	[tilespmem:$0x1ED38] =	vst v63  }
0x16a: {  	_ = 	snop  }
0x16b: {  	[spmem:s2] =	stream.indirect.scatter.add.f32 [tilespmem:s14], [sflag:$0x3], $0x40, s22, s10, $0xb8;
	[tilespmem:$0x1ED38] =	vst v63  }
0x16c: {  	_ =	swait.ge [sflag:s11], $0x7D00  }
0x16d: {  	[sflag:s11] =	ssyncset.done $0x0  }
0x16e: {  	[sflag:s11] =	ssyncadd.s32 $0xFFFF8300  }
0x16f: {  	_ =	swait.ge [sflag:s12], $0x1F4  }
0x170: {  	[sflag:s12] =	ssyncset.done $0x0  }
0x171: {  	s28 =	rddreg [dreg:$0xd];
	[sflag:s12] =	ssyncadd.s32 $0xFFFFFE0C  }
0x172: {  	[tilespmem:s14], [sflag:$0x1] =	stream.indirect.gather [hbm4b:s4+s10], $0x40, s28, s10, $0xb8;
	[tilespmem:$0x1ED38] =	vst v63  }
0x173: {  	_ =	swait.ge [sflag:s16], $0x7D00  }
0x174: {  	[sflag:s16] =	ssyncset.done $0x0  }
0x175: {  	s24 =	simm.s32 $0xCBD8;
	[sflag:s16] =	ssyncadd.s32 $0xFFFF8300  }
0x176: {  	[spmem:s3] =	stream.indirect.scatter.add.f32 [tilespmem:s9], [sflag:$0x5], $0x1, s24, s10, $0xb8;
	[tilespmem:$0x1ED38] =	vst v63  }
0x177: {  	_ = 	snop  }
0x178: {  	[spmem:s2] =	stream.indirect.scatter.add.f32 [tilespmem:s13], [sflag:$0x4], $0x40, s24, s10, $0xb8;
	[tilespmem:$0x1ED38] =	vst v63  }
0x179: {  	_ =	swait.ge [sflag:s17], $0x7D00  }
0x17a: {  	[sflag:s17] =	ssyncset.done $0x0  }
0x17b: {  	[sflag:s17] =	ssyncadd.s32 $0xFFFF8300  }
0x17c: {  	_ =	swait.ge [sflag:s12], $0x1F4  }
0x17d: {  	[sflag:s12] =	ssyncset.done $0x0  }
0x17e: {  	s28 =	rddreg [dreg:$0xe];
	[sflag:s12] =	ssyncadd.s32 $0xFFFFFE0C  }
0x17f: {  	[tilespmem:s13], [sflag:$0x2] =	stream.indirect.gather [hbm4b:s4+s10], $0x40, s28, s10, $0xb8;
	[tilespmem:$0x1ED38] =	vst v63  }
0x180: {  	_ =	swait.ge [sflag:s15], $0x7D00  }
0x181: {  	[sflag:s15] =	ssyncset.done $0x0  }
0x182: {  	s24 =	simm.s32 $0xCDD0;
	[sflag:s15] =	ssyncadd.s32 $0xFFFF8300  }
0x183: {  	[spmem:s3] =	stream.indirect.scatter.add.f32 [tilespmem:s9], [sflag:$0x5], $0x1, s24, s10, $0xb8;
	[tilespmem:$0x1ED38] =	vst v63  }
0x184: {  	_ = 	snop  }
0x185: {  	[spmem:s2] =	stream.indirect.scatter.add.f32 [tilespmem:s14], [sflag:$0x3], $0x40, s24, s10, $0xb8;
	[tilespmem:$0x1ED38] =	vst v63  }
0x186: {  	_ =	swait.ge [sflag:s11], $0x7D00  }
0x187: {  	[sflag:s11] =	ssyncset.done $0x0  }
0x188: {  	[sflag:s11] =	ssyncadd.s32 $0xFFFF8300  }
0x189: {  	_ =	swait.ge [sflag:s12], $0x1F4  }
0x18a: {  	[sflag:s12] =	ssyncset.done $0x0  }
0x18b: {  	s28 =	rddreg [dreg:$0xf];
	[sflag:s12] =	ssyncadd.s32 $0xFFFFFE0C  }
0x18c: {  	[tilespmem:s14], [sflag:$0x1] =	stream.indirect.gather [hbm4b:s4+s10], $0x40, s28, s10, $0xb8;
	[tilespmem:$0x1ED38] =	vst v63  }
0x18d: {  	_ =	swait.ge [sflag:s16], $0x7D00  }
0x18e: {  	[sflag:s16] =	ssyncset.done $0x0  }
0x18f: {  	s24 =	simm.s32 $0xCFC8;
	[sflag:s16] =	ssyncadd.s32 $0xFFFF8300  }
0x190: {  	[spmem:s3] =	stream.indirect.scatter.add.f32 [tilespmem:s9], [sflag:$0x5], $0x1, s24, s10, $0xb8;
	[tilespmem:$0x1ED38] =	vst v63  }
0x191: {  	_ = 	snop  }
0x192: {  	[spmem:s2] =	stream.indirect.scatter.add.f32 [tilespmem:s13], [sflag:$0x4], $0x40, s24, s10, $0xb8;
	[tilespmem:$0x1ED38] =	vst v63  }
0x193: {  	_ =	swait.ge [sflag:s17], $0x7D00  }
0x194: {  	[sflag:s17] =	ssyncset.done $0x0  }
0x195: {  	[sflag:s17] =	ssyncadd.s32 $0xFFFF8300  }
0x196: {  	_ =	swait.ge [sflag:s12], $0x1F4  }
0x197: {  	[sflag:s12] =	ssyncset.done $0x0  }
0x198: {  	s28 =	rddreg [dreg:$0x10];
	[sflag:s12] =	ssyncadd.s32 $0xFFFFFE0C  }
0x199: {  	[tilespmem:s13], [sflag:$0x2] =	stream.indirect.gather [hbm4b:s4+s10], $0x40, s28, s10, $0xb8;
	[tilespmem:$0x1ED38] =	vst v63  }
0x19a: {  	_ =	swait.ge [sflag:s15], $0x7D00  }
0x19b: {  	[sflag:s15] =	ssyncset.done $0x0  }
0x19c: {  	[sflag:s15] =	ssyncadd.s32 $0xFFFF8300  }
0x19d: {  	[spmem:s3] =	stream.indirect.scatter.add.f32 [tilespmem:s9], [sflag:$0x5], $0x1, s21, s10, $0xb8;
	[tilespmem:$0x1ED38] =	vst v63  }
0x19e: {  	_ = 	snop  }
0x19f: {  	[spmem:s2] =	stream.indirect.scatter.add.f32 [tilespmem:s14], [sflag:$0x3], $0x40, s21, s10, $0xb8;
	[tilespmem:$0x1ED38] =	vst v63  }
0x1a0: {  	_ =	swait.ge [sflag:s11], $0x7D00  }
0x1a1: {  	[sflag:s11] =	ssyncset.done $0x0  }
0x1a2: {  	[sflag:s11] =	ssyncadd.s32 $0xFFFF8300  }
0x1a3: {  	_ =	swait.ge [sflag:s12], $0x1F4  }
0x1a4: {  	[sflag:s12] =	ssyncset.done $0x0  }
0x1a5: {  	s28 =	rddreg [dreg:$0x11];
	[sflag:s12] =	ssyncadd.s32 $0xFFFFFE0C  }
0x1a6: {  	[tilespmem:s14], [sflag:$0x1] =	stream.indirect.gather [hbm4b:s4+s10], $0x40, s28, s10, $0xb8;
	[tilespmem:$0x1ED38] =	vst v63  }
0x1a7: {  	_ =	swait.ge [sflag:s16], $0x7D00  }
0x1a8: {  	[sflag:s16] =	ssyncset.done $0x0  }
0x1a9: {  	[sflag:s16] =	ssyncadd.s32 $0xFFFF8300  }
0x1aa: {  	[spmem:s3] =	stream.indirect.scatter.add.f32 [tilespmem:s9], [sflag:$0x5], $0x1, s19, s10, $0xb8;
	[tilespmem:$0x1ED38] =	vst v63  }
0x1ab: {  	_ = 	snop  }
0x1ac: {  	[spmem:s2] =	stream.indirect.scatter.add.f32 [tilespmem:s13], [sflag:$0x4], $0x40, s19, s10, $0xb8;
	[tilespmem:$0x1ED38] =	vst v63  }
0x1ad: {  	_ =	swait.ge [sflag:s17], $0x7D00  }
0x1ae: {  	[sflag:s17] =	ssyncset.done $0x0  }
0x1af: {  	[sflag:s17] =	ssyncadd.s32 $0xFFFF8300  }
0x1b0: {  	_ =	swait.ge [sflag:s12], $0x1F4  }
0x1b1: {  	[sflag:s12] =	ssyncset.done $0x0  }
0x1b2: {  	s28 =	rddreg [dreg:$0x12];
	[sflag:s12] =	ssyncadd.s32 $0xFFFFFE0C  }
0x1b3: {  	[tilespmem:s13], [sflag:$0x2] =	stream.indirect.gather [hbm4b:s4+s10], $0x40, s28, s10, $0xb8;
	[tilespmem:$0x1ED38] =	vst v63  }
0x1b4: {  	_ =	swait.ge [sflag:s15], $0x7D00  }
0x1b5: {  	[sflag:s15] =	ssyncset.done $0x0  }
0x1b6: {  	s24 =	simm.s32 $0xD5B0;
	[sflag:s15] =	ssyncadd.s32 $0xFFFF8300  }
0x1b7: {  	[spmem:s3] =	stream.indirect.scatter.add.f32 [tilespmem:s9], [sflag:$0x5], $0x1, s24, s10, $0xb8;
	[tilespmem:$0x1ED38] =	vst v63  }
0x1b8: {  	_ = 	snop  }
0x1b9: {  	[spmem:s2] =	stream.indirect.scatter.add.f32 [tilespmem:s14], [sflag:$0x3], $0x40, s24, s10, $0xb8;
	[tilespmem:$0x1ED38] =	vst v63  }
0x1ba: {  	_ =	swait.ge [sflag:s11], $0x7D00  }
0x1bb: {  	[sflag:s11] =	ssyncset.done $0x0  }
0x1bc: {  	[sflag:s11] =	ssyncadd.s32 $0xFFFF8300  }
0x1bd: {  	_ =	swait.ge [sflag:s12], $0x1F4  }
0x1be: {  	[sflag:s12] =	ssyncset.done $0x0  }
0x1bf: {  	s28 =	rddreg [dreg:$0x13];
	[sflag:s12] =	ssyncadd.s32 $0xFFFFFE0C  }
0x1c0: {  	[tilespmem:s14], [sflag:$0x1] =	stream.indirect.gather [hbm4b:s4+s10], $0x40, s28, s10, $0xb8;
	[tilespmem:$0x1ED38] =	vst v63  }
0x1c1: {  	_ =	swait.ge [sflag:s16], $0x7D00  }
0x1c2: {  	[sflag:s16] =	ssyncset.done $0x0  }
0x1c3: {  	[sflag:s16] =	ssyncadd.s32 $0xFFFF8300  }
0x1c4: {  	[spmem:s3] =	stream.indirect.scatter.add.f32 [tilespmem:s9], [sflag:$0x5], $0x1, s1, s10, $0xb8;
	[tilespmem:$0x1ED38] =	vst v63  }
0x1c5: {  	_ = 	snop  }
0x1c6: {  	[spmem:s2] =	stream.indirect.scatter.add.f32 [tilespmem:s13], [sflag:$0x4], $0x40, s1, s10, $0xb8;
	[tilespmem:$0x1ED38] =	vst v63  }
0x1c7: {  	_ =	swait.ge [sflag:s17], $0x7D00  }
0x1c8: {  	[sflag:s17] =	ssyncset.done $0x0  }
0x1c9: {  	[sflag:s17] =	ssyncadd.s32 $0xFFFF8300  }
0x1ca: {  	_ =	swait.ge [sflag:s12], $0x1F4  }
0x1cb: {  	[sflag:s12] =	ssyncset.done $0x0  }
0x1cc: {  	s28 =	rddreg [dreg:$0x14];
	[sflag:s12] =	ssyncadd.s32 $0xFFFFFE0C  }
0x1cd: {  	[tilespmem:s13], [sflag:$0x2] =	stream.indirect.gather [hbm4b:s4+s10], $0x40, s28, s10, $0xb8;
	[tilespmem:$0x1ED38] =	vst v63  }
0x1ce: {  	_ =	swait.ge [sflag:s15], $0x7D00  }
0x1cf: {  	[sflag:s15] =	ssyncset.done $0x0  }
0x1d0: {  	s24 =	simm.s32 $0xD9A0;
	[sflag:s15] =	ssyncadd.s32 $0xFFFF8300  }
0x1d1: {  	[spmem:s3] =	stream.indirect.scatter.add.f32 [tilespmem:s9], [sflag:$0x5], $0x1, s24, s10, $0xb8;
	[tilespmem:$0x1ED38] =	vst v63  }
0x1d2: {  	_ = 	snop  }
0x1d3: {  	[spmem:s2] =	stream.indirect.scatter.add.f32 [tilespmem:s14], [sflag:$0x3], $0x40, s24, s10, $0xb8;
	[tilespmem:$0x1ED38] =	vst v63  }
0x1d4: {  	_ =	swait.ge [sflag:s11], $0x7D00  }
0x1d5: {  	[sflag:s11] =	ssyncset.done $0x0  }
0x1d6: {  	[sflag:s11] =	ssyncadd.s32 $0xFFFF8300  }
0x1d7: {  	_ =	swait.ge [sflag:s12], $0x1F4  }
0x1d8: {  	[sflag:s12] =	ssyncset.done $0x0  }
0x1d9: {  	s28 =	rddreg [dreg:$0x15];
	[sflag:s12] =	ssyncadd.s32 $0xFFFFFE0C  }
0x1da: {  	[tilespmem:s14], [sflag:$0x1] =	stream.indirect.gather [hbm4b:s4+s10], $0x40, s28, s10, $0xb8;
	[tilespmem:$0x1ED38] =	vst v63  }
0x1db: {  	_ =	swait.ge [sflag:s16], $0x7D00  }
0x1dc: {  	[sflag:s16] =	ssyncset.done $0x0  }
0x1dd: {  	[sflag:s16] =	ssyncadd.s32 $0xFFFF8300  }
0x1de: {  	[spmem:s3] =	stream.indirect.scatter.add.f32 [tilespmem:s9], [sflag:$0x5], $0x1, s25, s10, $0xb8;
	[tilespmem:$0x1ED38] =	vst v63  }
0x1df: {  	_ = 	snop  }
0x1e0: {  	[spmem:s2] =	stream.indirect.scatter.add.f32 [tilespmem:s13], [sflag:$0x4], $0x40, s25, s10, $0xb8;
	[tilespmem:$0x1ED38] =	vst v63  }
0x1e1: {  	_ =	swait.ge [sflag:s17], $0x7D00  }
0x1e2: {  	[sflag:s17] =	ssyncset.done $0x0  }
0x1e3: {  	[sflag:s17] =	ssyncadd.s32 $0xFFFF8300  }
0x1e4: {  	_ =	swait.ge [sflag:s12], $0x1F4  }
0x1e5: {  	[sflag:s12] =	ssyncset.done $0x0  }
0x1e6: {  	s28 =	rddreg [dreg:$0x16];
	[sflag:s12] =	ssyncadd.s32 $0xFFFFFE0C  }
0x1e7: {  	[tilespmem:s13], [sflag:$0x2] =	stream.indirect.gather [hbm4b:s4+s10], $0x40, s28, s10, $0xb8;
	[tilespmem:$0x1ED38] =	vst v63  }
0x1e8: {  	_ =	swait.ge [sflag:s15], $0x7D00  }
0x1e9: {  	[sflag:s15] =	ssyncset.done $0x0  }
0x1ea: {  	s24 =	simm.s32 $0xDD90;
	[sflag:s15] =	ssyncadd.s32 $0xFFFF8300  }
0x1eb: {  	[spmem:s3] =	stream.indirect.scatter.add.f32 [tilespmem:s9], [sflag:$0x5], $0x1, s24, s10, $0xb8;
	[tilespmem:$0x1ED38] =	vst v63  }
0x1ec: {  	_ = 	snop  }
0x1ed: {  	[spmem:s2] =	stream.indirect.scatter.add.f32 [tilespmem:s14], [sflag:$0x3], $0x40, s24, s10, $0xb8;
	[tilespmem:$0x1ED38] =	vst v63  }
0x1ee: {  	_ =	swait.ge [sflag:s11], $0x7D00  }
0x1ef: {  	[sflag:s11] =	ssyncset.done $0x0  }
0x1f0: {  	[sflag:s11] =	ssyncadd.s32 $0xFFFF8300  }
0x1f1: {  	_ =	swait.ge [sflag:s12], $0x1F4  }
0x1f2: {  	[sflag:s12] =	ssyncset.done $0x0  }
0x1f3: {  	s28 =	rddreg [dreg:$0x17];
	[sflag:s12] =	ssyncadd.s32 $0xFFFFFE0C  }
0x1f4: {  	[tilespmem:s14], [sflag:$0x1] =	stream.indirect.gather [hbm4b:s4+s10], $0x40, s28, s10, $0xb8;
	[tilespmem:$0x1ED38] =	vst v63  }
0x1f5: {  	_ =	swait.ge [sflag:s16], $0x7D00  }
0x1f6: {  	[sflag:s16] =	ssyncset.done $0x0  }
0x1f7: {  	[sflag:s16] =	ssyncadd.s32 $0xFFFF8300  }
0x1f8: {  	[spmem:s3] =	stream.indirect.scatter.add.f32 [tilespmem:s9], [sflag:$0x5], $0x1, s23, s10, $0xb8;
	[tilespmem:$0x1ED38] =	vst v63  }
0x1f9: {  	_ = 	snop  }
0x1fa: {  	[spmem:s2] =	stream.indirect.scatter.add.f32 [tilespmem:s13], [sflag:$0x4], $0x40, s23, s10, $0xb8;
	[tilespmem:$0x1ED38] =	vst v63  }
0x1fb: {  	_ =	swait.ge [sflag:s17], $0x7D00  }
0x1fc: {  	[sflag:s17] =	ssyncset.done $0x0  }
0x1fd: {  	[sflag:s17] =	ssyncadd.s32 $0xFFFF8300  }
0x1fe: {  	_ =	swait.ge [sflag:s12], $0x1F4  }
0x1ff: {  	[sflag:s12] =	ssyncset.done $0x0  }
0x200: {  	s28 =	rddreg [dreg:$0x18];
	[sflag:s12] =	ssyncadd.s32 $0xFFFFFE0C  }
0x201: {  	[tilespmem:s13], [sflag:$0x2] =	stream.indirect.gather [hbm4b:s4+s10], $0x40, s28, s10, $0xb8;
	[tilespmem:$0x1ED38] =	vst v63  }
0x202: {  	_ =	swait.ge [sflag:s15], $0x7D00  }
0x203: {  	[sflag:s15] =	ssyncset.done $0x0  }
0x204: {  	s24 =	simm.s32 $0xE180;
	[sflag:s15] =	ssyncadd.s32 $0xFFFF8300  }
0x205: {  	[spmem:s3] =	stream.indirect.scatter.add.f32 [tilespmem:s9], [sflag:$0x5], $0x1, s24, s10, $0xb8;
	[tilespmem:$0x1ED38] =	vst v63  }
0x206: {  	_ = 	snop  }
0x207: {  	[spmem:s2] =	stream.indirect.scatter.add.f32 [tilespmem:s14], [sflag:$0x3], $0x40, s24, s10, $0xb8;
	[tilespmem:$0x1ED38] =	vst v63  }
0x208: {  	_ =	swait.ge [sflag:s11], $0x7D00  }
0x209: {  	[sflag:s11] =	ssyncset.done $0x0  }
0x20a: {  	[sflag:s11] =	ssyncadd.s32 $0xFFFF8300  }
0x20b: {  	_ =	swait.ge [sflag:s12], $0x1F4  }
0x20c: {  	[sflag:s12] =	ssyncset.done $0x0  }
0x20d: {  	s28 =	rddreg [dreg:$0x19];
	[sflag:s12] =	ssyncadd.s32 $0xFFFFFE0C  }
0x20e: {  	[tilespmem:s14], [sflag:$0x1] =	stream.indirect.gather [hbm4b:s4+s10], $0x40, s28, s10, $0xb8;
	[tilespmem:$0x1ED38] =	vst v63  }
0x20f: {  	_ =	swait.ge [sflag:s16], $0x7D00  }
0x210: {  	[sflag:s16] =	ssyncset.done $0x0  }
0x211: {  	[sflag:s16] =	ssyncadd.s32 $0xFFFF8300  }
0x212: {  	[spmem:s3] =	stream.indirect.scatter.add.f32 [tilespmem:s9], [sflag:$0x5], $0x1, s20, s10, $0xb8;
	[tilespmem:$0x1ED38] =	vst v63  }
0x213: {  	_ = 	snop  }
0x214: {  	[spmem:s2] =	stream.indirect.scatter.add.f32 [tilespmem:s13], [sflag:$0x4], $0x40, s20, s10, $0xb8;
	[tilespmem:$0x1ED38] =	vst v63  }
0x215: {  	_ =	swait.ge [sflag:s17], $0x7D00  }
0x216: {  	[sflag:s17] =	ssyncset.done $0x0  }
0x217: {  	[sflag:s17] =	ssyncadd.s32 $0xFFFF8300  }
0x218: {  	_ =	swait.ge [sflag:s12], $0x1F4  }
0x219: {  	[sflag:s12] =	ssyncset.done $0x0  }
0x21a: {  	s28 =	rddreg [dreg:$0x1a];
	[sflag:s12] =	ssyncadd.s32 $0xFFFFFE0C  }
0x21b: {  	[tilespmem:s13], [sflag:$0x2] =	stream.indirect.gather [hbm4b:s4+s10], $0x40, s28, s10, $0xb8;
	[tilespmem:$0x1ED38] =	vst v63  }
0x21c: {  	_ =	swait.ge [sflag:s15], $0x7D00  }
0x21d: {  	[sflag:s15] =	ssyncset.done $0x0  }
0x21e: {  	s24 =	simm.s32 $0xE570;
	[sflag:s15] =	ssyncadd.s32 $0xFFFF8300  }
0x21f: {  	[spmem:s3] =	stream.indirect.scatter.add.f32 [tilespmem:s9], [sflag:$0x5], $0x1, s24, s10, $0xb8;
	[tilespmem:$0x1ED38] =	vst v63  }
0x220: {  	_ = 	snop  }
0x221: {  	[spmem:s2] =	stream.indirect.scatter.add.f32 [tilespmem:s14], [sflag:$0x3], $0x40, s24, s10, $0xb8;
	[tilespmem:$0x1ED38] =	vst v63  }
0x222: {  	_ =	swait.ge [sflag:s11], $0x7D00  }
0x223: {  	[sflag:s11] =	ssyncset.done $0x0  }
0x224: {  	[sflag:s11] =	ssyncadd.s32 $0xFFFF8300  }
0x225: {  	_ =	swait.ge [sflag:s12], $0x1F4  }
0x226: {  	[sflag:s12] =	ssyncset.done $0x0  }
0x227: {  	s28 =	rddreg [dreg:$0x1b];
	[sflag:s12] =	ssyncadd.s32 $0xFFFFFE0C  }
0x228: {  	[tilespmem:s14], [sflag:$0x1] =	stream.indirect.gather [hbm4b:s4+s10], $0x40, s28, s10, $0xb8;
	[tilespmem:$0x1ED38] =	vst v63  }
0x229: {  	_ =	swait.ge [sflag:s16], $0x7D00  }
0x22a: {  	[sflag:s16] =	ssyncset.done $0x0  }
0x22b: {  	[sflag:s16] =	ssyncadd.s32 $0xFFFF8300  }
0x22c: {  	[spmem:s3] =	stream.indirect.scatter.add.f32 [tilespmem:s9], [sflag:$0x5], $0x1, s18, s10, $0xb8;
	[tilespmem:$0x1ED38] =	vst v63  }
0x22d: {  	_ = 	snop  }
0x22e: {  	[spmem:s2] =	stream.indirect.scatter.add.f32 [tilespmem:s13], [sflag:$0x4], $0x40, s18, s10, $0xb8;
	[tilespmem:$0x1ED38] =	vst v63  }
0x22f: {  	_ =	swait.ge [sflag:s17], $0x7D00  }
0x230: {  	[sflag:s17] =	ssyncset.done $0x0  }
0x231: {  	[sflag:s17] =	ssyncadd.s32 $0xFFFF8300  }
0x232: {  	_ =	swait.ge [sflag:s12], $0x1F4  }
0x233: {  	[sflag:s12] =	ssyncset.done $0x0  }
0x234: {  	s28 =	rddreg [dreg:$0x1c];
	[sflag:s12] =	ssyncadd.s32 $0xFFFFFE0C  }
0x235: {  	[tilespmem:s13], [sflag:$0x2] =	stream.indirect.gather [hbm4b:s4+s10], $0x40, s28, s10, $0xb8;
	[tilespmem:$0x1ED38] =	vst v63  }
0x236: {  	_ =	swait.ge [sflag:s15], $0x7D00  }
0x237: {  	[sflag:s15] =	ssyncset.done $0x0  }
0x238: {  	s24 =	simm.s32 $0xE960;
	[sflag:s15] =	ssyncadd.s32 $0xFFFF8300  }
0x239: {  	[spmem:s3] =	stream.indirect.scatter.add.f32 [tilespmem:s9], [sflag:$0x5], $0x1, s24, s10, $0xb8;
	[tilespmem:$0x1ED38] =	vst v63  }
0x23a: {  	_ = 	snop  }
0x23b: {  	[spmem:s2] =	stream.indirect.scatter.add.f32 [tilespmem:s14], [sflag:$0x3], $0x40, s24, s10, $0xb8;
	[tilespmem:$0x1ED38] =	vst v63  }
0x23c: {  	_ =	swait.ge [sflag:s11], $0x7D00  }
0x23d: {  	[sflag:s11] =	ssyncset.done $0x0  }
0x23e: {  	[sflag:s11] =	ssyncadd.s32 $0xFFFF8300  }
0x23f: {  	_ =	swait.ge [sflag:s12], $0x1F4  }
0x240: {  	[sflag:s12] =	ssyncset.done $0x0  }
0x241: {  	s28 =	rddreg [dreg:$0x1d];
	[sflag:s12] =	ssyncadd.s32 $0xFFFFFE0C  }
0x242: {  	[tilespmem:s14], [sflag:$0x1] =	stream.indirect.gather [hbm4b:s4+s10], $0x40, s28, s10, $0xb8;
	[tilespmem:$0x1ED38] =	vst v63  }
0x243: {  	_ =	swait.ge [sflag:s16], $0x7D00  }
0x244: {  	[sflag:s16] =	ssyncset.done $0x0  }
0x245: {  	[sflag:s16] =	ssyncadd.s32 $0xFFFF8300  }
0x246: {  	[spmem:s3] =	stream.indirect.scatter.add.f32 [tilespmem:s9], [sflag:$0x5], $0x1, s31, s10, $0xb8;
	[tilespmem:$0x1ED38] =	vst v63  }
0x247: {  	_ = 	snop  }
0x248: {  	[spmem:s2] =	stream.indirect.scatter.add.f32 [tilespmem:s13], [sflag:$0x4], $0x40, s31, s10, $0xb8;
	[tilespmem:$0x1ED38] =	vst v63  }
0x249: {  	_ =	swait.ge [sflag:s17], $0x7D00  }
0x24a: {  	[sflag:s17] =	ssyncset.done $0x0  }
0x24b: {  	[sflag:s17] =	ssyncadd.s32 $0xFFFF8300  }
0x24c: {  	_ =	swait.ge [sflag:s12], $0x1F4  }
0x24d: {  	[sflag:s12] =	ssyncset.done $0x0  }
0x24e: {  	s28 =	rddreg [dreg:$0x1e];
	[sflag:s12] =	ssyncadd.s32 $0xFFFFFE0C  }
0x24f: {  	[tilespmem:s13], [sflag:$0x2] =	stream.indirect.gather [hbm4b:s4+s10], $0x40, s28, s10, $0xb8;
	[tilespmem:$0x1ED38] =	vst v63  }
0x250: {  	_ =	swait.ge [sflag:s15], $0x7D00  }
0x251: {  	[sflag:s15] =	ssyncset.done $0x0  }
0x252: {  	[sflag:s15] =	ssyncadd.s32 $0xFFFF8300  }
0x253: {  	[spmem:s3] =	stream.indirect.scatter.add.f32 [tilespmem:s9], [sflag:$0x5], $0x1, s30, s10, $0xb8;
	[tilespmem:$0x1ED38] =	vst v63  }
0x254: {  	_ = 	snop  }
0x255: {  	[spmem:s2] =	stream.indirect.scatter.add.f32 [tilespmem:s14], [sflag:$0x3], $0x40, s30, s10, $0xb8;
	[tilespmem:$0x1ED38] =	vst v63  }
0x256: {  	_ =	swait.ge [sflag:s16], $0x7D00  }
0x257: {  	[sflag:s16] =	ssyncset.done $0x0  }
0x258: {  	[sflag:s16] =	ssyncadd.s32 $0xFFFF8300  }
0x259: {  	[spmem:s3] =	stream.indirect.scatter.add.f32 [tilespmem:s9], [sflag:$0x5], $0x1, s29, s10, $0xb8;
	[tilespmem:$0x1ED38] =	vst v63  }
0x25a: {  	_ = 	snop  }
0x25b: {  	[spmem:s2] =	stream.indirect.scatter.add.f32 [tilespmem:s13], [sflag:$0x4], $0x40, s29, s10, $0xb8;
	[tilespmem:$0x1ED38] =	vst v63  }
0x25c: {  	_ =	swait.ge [sflag:s17], $0x7D00  }
0x25d: {  	[sflag:s17] =	ssyncset.done $0x0  }
0x25e: {  	[sflag:s17] =	ssyncadd.s32 $0xFFFF8300  }
0x25f: {  	_ =	swait.ge [sflag:s12], $0x1F4  }
0x260: {  	[sflag:s12] =	ssyncset.done $0x0  }
0x261: {  	[sflag:s12] =	ssyncadd.s32 $0xFFFFFE0C  }
0x262: {  	_ =	swait.ge [sflag:s11], $0x7D00  }
0x263: {  	[sflag:s11] =	ssyncset.done $0x0  }
0x264: {  	[sflag:s11] =	ssyncadd.s32 $0xFFFF8300  }
0x265: {  	_ =	swait.ge [sflag:s12], $0x1F4  }
0x266: {  	[sflag:s12] =	ssyncset.done $0x0  }
0x267: {  	[sflag:s12] =	ssyncadd.s32 $0xFFFFFE0C  }
0x268: {  	[bflag:$0x0] =	sbarrier.arrive $0xFFFF  }
0x269: {  	s28 =	rddreg [dreg:$0xa]  }
0x26a: {  	[hbm:s28], [sflag:s5] =	dma.local [spmem:s7], $0x1400  }
0x26b: {  	p1 =	sne.s32 s26, $0x1;
	_ =	swait.ge [sflag:s6], $0x1400  }
.Ltmp2:
0x26c: {  	[sflag:s6] =	ssyncset.done $0x0;
	(pc) =	sbr.rel @p1 .LBB2_4-.Ltmp2, $4  }
0x26d: {  	s28 =	rddreg [dreg:$0xb];
	[sflag:s6] =	ssyncadd.s32 $0xFFFFEC00  }
0x26e: {  	[hbm:s28], [sflag:s5] =	dma.local [spmem:s8], $0x50  }
0x26f: {  	_ =	swait.ge [sflag:s6], $0x50  }
0x270: {  	s26 =	sadd.s32 $0xFFFFFFFF, s26;
	s28 =	rddreg [dreg:$0x6];
	[sflag:s6] =	ssyncset.done $0x0  }
0x271: {  	s1 =	rddreg [dreg:$0x1f]  }
.LBB2_6:
0x272: {  	[sflag:s6] =	ssyncadd.s32 @p0 $0xFFFFFFB0  }
0x273: {  	[spmem:s7], [sflag:s5] =	dma.local [hbm:s28], $0x1400  }
0x274: {  	_ =	swait.ge [sflag:s6], $0x1400  }
0x275: {  	[sflag:s6] =	ssyncset.done $0x0  }
0x276: {  	s26 =	rddreg [dreg:$0x7];
	[sflag:s6] =	ssyncadd.s32 $0xFFFFEC00  }
0x277: {  	[spmem:s8], [sflag:s5] =	dma.local [hbm:s26], $0x50  }
0x278: {  	_ =	swait.ge [sflag:s6], $0x50  }
0x279: {  	[sflag:s6] =	ssyncset.done $0x0  }
0x27a: {  	s31 =	rddreg [dreg:$0x8];
	[sflag:s6] =	ssyncadd.s32 $0xFFFFFFB0  }
0x27b: {  	[tilespmem:s9], [sflag:$0x6] =	stream.linear.gather [hbm4b:s31+s0], $0x1F8, $0x38;
	[tilespmem:$0x1ED38] =	vst v63  }
0x27c: {  	_ =	swait.ge [sflag:s6], $0x1F8  }
0x27d: {  	[sflag:s6] =	ssyncset.done $0x0  }
0x27e: {  	s18 =	simm.s32 $0xA280;
	[sflag:s6] =	ssyncadd.s32 $0xFFFFFE08  }
0x27f: {  	[tilespmem:s18], [sflag:$0x6] =	stream.linear.gather [hbm4b:s1+s0], $0x2760, $0x38;
	[tilespmem:$0x1ED38] =	vst v63  }
0x280: {  	_ =	swait.ge [sflag:s6], $0x2760  }
0x281: {  	[sflag:s6] =	ssyncset.done $0x0  }
0x282: {  	s19 =	rddreg [dreg:$0x9];
	[sflag:s6] =	ssyncadd.s32 $0xFFFFD8A0  }
0x283: {  	[tilespmem:s22], [sflag:$0x6] =	stream.linear.gather [hbm4b:s19+s0], $0x2760, $0x38;
	[tilespmem:$0x1ED38] =	vst v63  }
0x284: {  	_ =	swait.ge [sflag:s6], $0x2760  }
0x285: {  	[sflag:s6] =	ssyncset.done $0x0  }
0x286: {  	[sflag:s6] =	ssyncadd.s32 $0xFFFFD8A0  }
0x287: {  	[bflag:$0x0] =	sbarrier.arrive $0xFFFF  }
0x288: {  	[tilespmem:s14], [sflag:$0x1] =	stream.indirect.gather [hbm4b:s4+s10], $0x40, s18, s10, $0xb8;
	[tilespmem:$0x1ED38] =	vst v63  }
0x289: {  	s1 =	rddreg [dreg:$0xc]  }
0x28a: {  	[tilespmem:s13], [sflag:$0x2] =	stream.indirect.gather [hbm4b:s4+s10], $0x40, s1, s10, $0xb8;
	[tilespmem:$0x1ED38] =	vst v63  }
0x28b: {  	_ =	swait.ge [sflag:s15], $0x7D00  }
0x28c: {  	[sflag:s15] =	ssyncset.done $0x0  }
0x28d: {  	[sflag:s15] =	ssyncadd.s32 $0xFFFF8300  }
0x28e: {  	[spmem:s3] =	stream.indirect.scatter.add.f32 [tilespmem:s9], [sflag:$0x5], $0x1, s22, s10, $0xb8;
	[tilespmem:$0x1ED38] =	vst v63  }
0x28f: {  	_ = 	snop  }
0x290: {  	[spmem:s2] =	stream.indirect.scatter.add.f32 [tilespmem:s14], [sflag:$0x3], $0x40, s22, s10, $0xb8;
	[tilespmem:$0x1ED38] =	vst v63  }
0x291: {  	_ =	swait.ge [sflag:s11], $0x7D00  }
0x292: {  	[sflag:s11] =	ssyncset.done $0x0  }
0x293: {  	[sflag:s11] =	ssyncadd.s32 $0xFFFF8300  }
0x294: {  	_ =	swait.ge [sflag:s12], $0x1F4  }
0x295: {  	[sflag:s12] =	ssyncset.done $0x0  }
0x296: {  	s19 =	rddreg [dreg:$0xd];
	[sflag:s12] =	ssyncadd.s32 $0xFFFFFE0C  }
0x297: {  	[tilespmem:s14], [sflag:$0x1] =	stream.indirect.gather [hbm4b:s4+s10], $0x40, s19, s10, $0xb8;
	[tilespmem:$0x1ED38] =	vst v63  }
0x298: {  	_ =	swait.ge [sflag:s16], $0x7D00  }
0x299: {  	[sflag:s16] =	ssyncset.done $0x0  }
0x29a: {  	s20 =	simm.s32 $0xCBD8;
	[sflag:s16] =	ssyncadd.s32 $0xFFFF8300  }
0x29b: {  	[spmem:s3] =	stream.indirect.scatter.add.f32 [tilespmem:s9], [sflag:$0x5], $0x1, s20, s10, $0xb8;
	[tilespmem:$0x1ED38] =	vst v63  }
0x29c: {  	_ = 	snop  }
0x29d: {  	[spmem:s2] =	stream.indirect.scatter.add.f32 [tilespmem:s13], [sflag:$0x4], $0x40, s20, s10, $0xb8;
	[tilespmem:$0x1ED38] =	vst v63  }
0x29e: {  	_ =	swait.ge [sflag:s17], $0x7D00  }
0x29f: {  	[sflag:s17] =	ssyncset.done $0x0  }
0x2a0: {  	[sflag:s17] =	ssyncadd.s32 $0xFFFF8300  }
0x2a1: {  	_ =	swait.ge [sflag:s12], $0x1F4  }
0x2a2: {  	[sflag:s12] =	ssyncset.done $0x0  }
0x2a3: {  	s21 =	rddreg [dreg:$0xe];
	[sflag:s12] =	ssyncadd.s32 $0xFFFFFE0C  }
0x2a4: {  	[tilespmem:s13], [sflag:$0x2] =	stream.indirect.gather [hbm4b:s4+s10], $0x40, s21, s10, $0xb8;
	[tilespmem:$0x1ED38] =	vst v63  }
0x2a5: {  	_ =	swait.ge [sflag:s15], $0x7D00  }
0x2a6: {  	[sflag:s15] =	ssyncset.done $0x0  }
0x2a7: {  	s22 =	simm.s32 $0xCDD0;
	[sflag:s15] =	ssyncadd.s32 $0xFFFF8300  }
0x2a8: {  	[spmem:s3] =	stream.indirect.scatter.add.f32 [tilespmem:s9], [sflag:$0x5], $0x1, s22, s10, $0xb8;
	[tilespmem:$0x1ED38] =	vst v63  }
0x2a9: {  	_ = 	snop  }
0x2aa: {  	[spmem:s2] =	stream.indirect.scatter.add.f32 [tilespmem:s14], [sflag:$0x3], $0x40, s22, s10, $0xb8;
	[tilespmem:$0x1ED38] =	vst v63  }
0x2ab: {  	_ =	swait.ge [sflag:s11], $0x7D00  }
0x2ac: {  	[sflag:s11] =	ssyncset.done $0x0  }
0x2ad: {  	[sflag:s11] =	ssyncadd.s32 $0xFFFF8300  }
0x2ae: {  	_ =	swait.ge [sflag:s12], $0x1F4  }
0x2af: {  	[sflag:s12] =	ssyncset.done $0x0  }
0x2b0: {  	s23 =	rddreg [dreg:$0xf];
	[sflag:s12] =	ssyncadd.s32 $0xFFFFFE0C  }
0x2b1: {  	[tilespmem:s14], [sflag:$0x1] =	stream.indirect.gather [hbm4b:s4+s10], $0x40, s23, s10, $0xb8;
	[tilespmem:$0x1ED38] =	vst v63  }
0x2b2: {  	_ =	swait.ge [sflag:s16], $0x7D00  }
0x2b3: {  	[sflag:s16] =	ssyncset.done $0x0  }
0x2b4: {  	s24 =	simm.s32 $0xCFC8;
	[sflag:s16] =	ssyncadd.s32 $0xFFFF8300  }
0x2b5: {  	[spmem:s3] =	stream.indirect.scatter.add.f32 [tilespmem:s9], [sflag:$0x5], $0x1, s24, s10, $0xb8;
	[tilespmem:$0x1ED38] =	vst v63  }
0x2b6: {  	_ = 	snop  }
0x2b7: {  	[spmem:s2] =	stream.indirect.scatter.add.f32 [tilespmem:s13], [sflag:$0x4], $0x40, s24, s10, $0xb8;
	[tilespmem:$0x1ED38] =	vst v63  }
0x2b8: {  	_ =	swait.ge [sflag:s17], $0x7D00  }
0x2b9: {  	[sflag:s17] =	ssyncset.done $0x0  }
0x2ba: {  	[sflag:s17] =	ssyncadd.s32 $0xFFFF8300  }
0x2bb: {  	_ =	swait.ge [sflag:s12], $0x1F4  }
0x2bc: {  	[sflag:s12] =	ssyncset.done $0x0  }
0x2bd: {  	s25 =	rddreg [dreg:$0x10];
	[sflag:s12] =	ssyncadd.s32 $0xFFFFFE0C  }
0x2be: {  	[tilespmem:s13], [sflag:$0x2] =	stream.indirect.gather [hbm4b:s4+s10], $0x40, s25, s10, $0xb8;
	[tilespmem:$0x1ED38] =	vst v63  }
0x2bf: {  	_ =	swait.ge [sflag:s15], $0x7D00  }
0x2c0: {  	[sflag:s15] =	ssyncset.done $0x0  }
0x2c1: {  	s26 =	simm.s32 $0xD1C0;
	[sflag:s15] =	ssyncadd.s32 $0xFFFF8300  }
0x2c2: {  	[spmem:s3] =	stream.indirect.scatter.add.f32 [tilespmem:s9], [sflag:$0x5], $0x1, s26, s10, $0xb8;
	[tilespmem:$0x1ED38] =	vst v63  }
0x2c3: {  	_ = 	snop  }
0x2c4: {  	[spmem:s2] =	stream.indirect.scatter.add.f32 [tilespmem:s14], [sflag:$0x3], $0x40, s26, s10, $0xb8;
	[tilespmem:$0x1ED38] =	vst v63  }
0x2c5: {  	_ =	swait.ge [sflag:s11], $0x7D00  }
0x2c6: {  	[sflag:s11] =	ssyncset.done $0x0  }
0x2c7: {  	[sflag:s11] =	ssyncadd.s32 $0xFFFF8300  }
0x2c8: {  	_ =	swait.ge [sflag:s12], $0x1F4  }
0x2c9: {  	[sflag:s12] =	ssyncset.done $0x0  }
0x2ca: {  	s28 =	rddreg [dreg:$0x11];
	[sflag:s12] =	ssyncadd.s32 $0xFFFFFE0C  }
0x2cb: {  	[tilespmem:s14], [sflag:$0x1] =	stream.indirect.gather [hbm4b:s4+s10], $0x40, s28, s10, $0xb8;
	[tilespmem:$0x1ED38] =	vst v63  }
0x2cc: {  	_ =	swait.ge [sflag:s16], $0x7D00  }
0x2cd: {  	[sflag:s16] =	ssyncset.done $0x0  }
0x2ce: {  	s29 =	simm.s32 $0xD3B8;
	[sflag:s16] =	ssyncadd.s32 $0xFFFF8300  }
0x2cf: {  	[spmem:s3] =	stream.indirect.scatter.add.f32 [tilespmem:s9], [sflag:$0x5], $0x1, s29, s10, $0xb8;
	[tilespmem:$0x1ED38] =	vst v63  }
0x2d0: {  	_ = 	snop  }
0x2d1: {  	[spmem:s2] =	stream.indirect.scatter.add.f32 [tilespmem:s13], [sflag:$0x4], $0x40, s29, s10, $0xb8;
	[tilespmem:$0x1ED38] =	vst v63  }
0x2d2: {  	_ =	swait.ge [sflag:s17], $0x7D00  }
0x2d3: {  	[sflag:s17] =	ssyncset.done $0x0  }
0x2d4: {  	[sflag:s17] =	ssyncadd.s32 $0xFFFF8300  }
0x2d5: {  	_ =	swait.ge [sflag:s12], $0x1F4  }
0x2d6: {  	[sflag:s12] =	ssyncset.done $0x0  }
0x2d7: {  	s30 =	rddreg [dreg:$0x12];
	[sflag:s12] =	ssyncadd.s32 $0xFFFFFE0C  }
0x2d8: {  	[tilespmem:s13], [sflag:$0x2] =	stream.indirect.gather [hbm4b:s4+s10], $0x40, s30, s10, $0xb8;
	[tilespmem:$0x1ED38] =	vst v63  }
0x2d9: {  	_ =	swait.ge [sflag:s15], $0x7D00  }
0x2da: {  	[sflag:s15] =	ssyncset.done $0x0  }
0x2db: {  	s31 =	simm.s32 $0xD5B0;
	[sflag:s15] =	ssyncadd.s32 $0xFFFF8300  }
0x2dc: {  	[spmem:s3] =	stream.indirect.scatter.add.f32 [tilespmem:s9], [sflag:$0x5], $0x1, s31, s10, $0xb8;
	[tilespmem:$0x1ED38] =	vst v63  }
0x2dd: {  	_ = 	snop  }
0x2de: {  	[spmem:s2] =	stream.indirect.scatter.add.f32 [tilespmem:s14], [sflag:$0x3], $0x40, s31, s10, $0xb8;
	[tilespmem:$0x1ED38] =	vst v63  }
0x2df: {  	_ =	swait.ge [sflag:s11], $0x7D00  }
0x2e0: {  	[sflag:s11] =	ssyncset.done $0x0  }
0x2e1: {  	[sflag:s11] =	ssyncadd.s32 $0xFFFF8300  }
0x2e2: {  	_ =	swait.ge [sflag:s12], $0x1F4  }
0x2e3: {  	[sflag:s12] =	ssyncset.done $0x0  }
0x2e4: {  	s1 =	rddreg [dreg:$0x13];
	[sflag:s12] =	ssyncadd.s32 $0xFFFFFE0C  }
0x2e5: {  	[tilespmem:s14], [sflag:$0x1] =	stream.indirect.gather [hbm4b:s4+s10], $0x40, s1, s10, $0xb8;
	[tilespmem:$0x1ED38] =	vst v63  }
0x2e6: {  	_ =	swait.ge [sflag:s16], $0x7D00  }
0x2e7: {  	[sflag:s16] =	ssyncset.done $0x0  }
0x2e8: {  	s18 =	simm.s32 $0xD7A8;
	[sflag:s16] =	ssyncadd.s32 $0xFFFF8300  }
0x2e9: {  	[spmem:s3] =	stream.indirect.scatter.add.f32 [tilespmem:s9], [sflag:$0x5], $0x1, s18, s10, $0xb8;
	[tilespmem:$0x1ED38] =	vst v63  }
0x2ea: {  	_ = 	snop  }
0x2eb: {  	[spmem:s2] =	stream.indirect.scatter.add.f32 [tilespmem:s13], [sflag:$0x4], $0x40, s18, s10, $0xb8;
	[tilespmem:$0x1ED38] =	vst v63  }
0x2ec: {  	_ =	swait.ge [sflag:s17], $0x7D00  }
0x2ed: {  	[sflag:s17] =	ssyncset.done $0x0  }
0x2ee: {  	[sflag:s17] =	ssyncadd.s32 $0xFFFF8300  }
0x2ef: {  	_ =	swait.ge [sflag:s12], $0x1F4  }
0x2f0: {  	[sflag:s12] =	ssyncset.done $0x0  }
0x2f1: {  	s19 =	rddreg [dreg:$0x14];
	[sflag:s12] =	ssyncadd.s32 $0xFFFFFE0C  }
0x2f2: {  	[tilespmem:s13], [sflag:$0x2] =	stream.indirect.gather [hbm4b:s4+s10], $0x40, s19, s10, $0xb8;
	[tilespmem:$0x1ED38] =	vst v63  }
0x2f3: {  	_ =	swait.ge [sflag:s15], $0x7D00  }
0x2f4: {  	[sflag:s15] =	ssyncset.done $0x0  }
0x2f5: {  	s20 =	simm.s32 $0xD9A0;
	[sflag:s15] =	ssyncadd.s32 $0xFFFF8300  }
0x2f6: {  	[spmem:s3] =	stream.indirect.scatter.add.f32 [tilespmem:s9], [sflag:$0x5], $0x1, s20, s10, $0xb8;
	[tilespmem:$0x1ED38] =	vst v63  }
0x2f7: {  	_ = 	snop  }
0x2f8: {  	[spmem:s2] =	stream.indirect.scatter.add.f32 [tilespmem:s14], [sflag:$0x3], $0x40, s20, s10, $0xb8;
	[tilespmem:$0x1ED38] =	vst v63  }
0x2f9: {  	_ =	swait.ge [sflag:s11], $0x7D00  }
0x2fa: {  	[sflag:s11] =	ssyncset.done $0x0  }
0x2fb: {  	[sflag:s11] =	ssyncadd.s32 $0xFFFF8300  }
0x2fc: {  	_ =	swait.ge [sflag:s12], $0x1F4  }
0x2fd: {  	[sflag:s12] =	ssyncset.done $0x0  }
0x2fe: {  	s21 =	rddreg [dreg:$0x15];
	[sflag:s12] =	ssyncadd.s32 $0xFFFFFE0C  }
0x2ff: {  	[tilespmem:s14], [sflag:$0x1] =	stream.indirect.gather [hbm4b:s4+s10], $0x40, s21, s10, $0xb8;
	[tilespmem:$0x1ED38] =	vst v63  }
0x300: {  	_ =	swait.ge [sflag:s16], $0x7D00  }
0x301: {  	[sflag:s16] =	ssyncset.done $0x0  }
0x302: {  	s22 =	simm.s32 $0xDB98;
	[sflag:s16] =	ssyncadd.s32 $0xFFFF8300  }
0x303: {  	[spmem:s3] =	stream.indirect.scatter.add.f32 [tilespmem:s9], [sflag:$0x5], $0x1, s22, s10, $0xb8;
	[tilespmem:$0x1ED38] =	vst v63  }
0x304: {  	_ = 	snop  }
0x305: {  	[spmem:s2] =	stream.indirect.scatter.add.f32 [tilespmem:s13], [sflag:$0x4], $0x40, s22, s10, $0xb8;
	[tilespmem:$0x1ED38] =	vst v63  }
0x306: {  	_ =	swait.ge [sflag:s17], $0x7D00  }
0x307: {  	[sflag:s17] =	ssyncset.done $0x0  }
0x308: {  	[sflag:s17] =	ssyncadd.s32 $0xFFFF8300  }
0x309: {  	_ =	swait.ge [sflag:s12], $0x1F4  }
0x30a: {  	[sflag:s12] =	ssyncset.done $0x0  }
0x30b: {  	s23 =	rddreg [dreg:$0x16];
	[sflag:s12] =	ssyncadd.s32 $0xFFFFFE0C  }
0x30c: {  	[tilespmem:s13], [sflag:$0x2] =	stream.indirect.gather [hbm4b:s4+s10], $0x40, s23, s10, $0xb8;
	[tilespmem:$0x1ED38] =	vst v63  }
0x30d: {  	_ =	swait.ge [sflag:s15], $0x7D00  }
0x30e: {  	[sflag:s15] =	ssyncset.done $0x0  }
0x30f: {  	s24 =	simm.s32 $0xDD90;
	[sflag:s15] =	ssyncadd.s32 $0xFFFF8300  }
0x310: {  	[spmem:s3] =	stream.indirect.scatter.add.f32 [tilespmem:s9], [sflag:$0x5], $0x1, s24, s10, $0xb8;
	[tilespmem:$0x1ED38] =	vst v63  }
0x311: {  	_ = 	snop  }
0x312: {  	[spmem:s2] =	stream.indirect.scatter.add.f32 [tilespmem:s14], [sflag:$0x3], $0x40, s24, s10, $0xb8;
	[tilespmem:$0x1ED38] =	vst v63  }
0x313: {  	_ =	swait.ge [sflag:s11], $0x7D00  }
0x314: {  	[sflag:s11] =	ssyncset.done $0x0  }
0x315: {  	[sflag:s11] =	ssyncadd.s32 $0xFFFF8300  }
0x316: {  	_ =	swait.ge [sflag:s12], $0x1F4  }
0x317: {  	[sflag:s12] =	ssyncset.done $0x0  }
0x318: {  	s25 =	rddreg [dreg:$0x17];
	[sflag:s12] =	ssyncadd.s32 $0xFFFFFE0C  }
0x319: {  	[tilespmem:s14], [sflag:$0x1] =	stream.indirect.gather [hbm4b:s4+s10], $0x40, s25, s10, $0xb8;
	[tilespmem:$0x1ED38] =	vst v63  }
0x31a: {  	_ =	swait.ge [sflag:s16], $0x7D00  }
0x31b: {  	[sflag:s16] =	ssyncset.done $0x0  }
0x31c: {  	s26 =	simm.s32 $0xDF88;
	[sflag:s16] =	ssyncadd.s32 $0xFFFF8300  }
0x31d: {  	[spmem:s3] =	stream.indirect.scatter.add.f32 [tilespmem:s9], [sflag:$0x5], $0x1, s26, s10, $0xb8;
	[tilespmem:$0x1ED38] =	vst v63  }
0x31e: {  	_ = 	snop  }
0x31f: {  	[spmem:s2] =	stream.indirect.scatter.add.f32 [tilespmem:s13], [sflag:$0x4], $0x40, s26, s10, $0xb8;
	[tilespmem:$0x1ED38] =	vst v63  }
0x320: {  	_ =	swait.ge [sflag:s17], $0x7D00  }
0x321: {  	[sflag:s17] =	ssyncset.done $0x0  }
0x322: {  	[sflag:s17] =	ssyncadd.s32 $0xFFFF8300  }
0x323: {  	_ =	swait.ge [sflag:s12], $0x1F4  }
0x324: {  	[sflag:s12] =	ssyncset.done $0x0  }
0x325: {  	s28 =	rddreg [dreg:$0x18];
	[sflag:s12] =	ssyncadd.s32 $0xFFFFFE0C  }
0x326: {  	[tilespmem:s13], [sflag:$0x2] =	stream.indirect.gather [hbm4b:s4+s10], $0x40, s28, s10, $0xb8;
	[tilespmem:$0x1ED38] =	vst v63  }
0x327: {  	_ =	swait.ge [sflag:s15], $0x7D00  }
0x328: {  	[sflag:s15] =	ssyncset.done $0x0  }
0x329: {  	s29 =	simm.s32 $0xE180;
	[sflag:s15] =	ssyncadd.s32 $0xFFFF8300  }
0x32a: {  	[spmem:s3] =	stream.indirect.scatter.add.f32 [tilespmem:s9], [sflag:$0x5], $0x1, s29, s10, $0xb8;
	[tilespmem:$0x1ED38] =	vst v63  }
0x32b: {  	_ = 	snop  }
0x32c: {  	[spmem:s2] =	stream.indirect.scatter.add.f32 [tilespmem:s14], [sflag:$0x3], $0x40, s29, s10, $0xb8;
	[tilespmem:$0x1ED38] =	vst v63  }
0x32d: {  	_ =	swait.ge [sflag:s11], $0x7D00  }
0x32e: {  	[sflag:s11] =	ssyncset.done $0x0  }
0x32f: {  	[sflag:s11] =	ssyncadd.s32 $0xFFFF8300  }
0x330: {  	_ =	swait.ge [sflag:s12], $0x1F4  }
0x331: {  	[sflag:s12] =	ssyncset.done $0x0  }
0x332: {  	s30 =	rddreg [dreg:$0x19];
	[sflag:s12] =	ssyncadd.s32 $0xFFFFFE0C  }
0x333: {  	[tilespmem:s14], [sflag:$0x1] =	stream.indirect.gather [hbm4b:s4+s10], $0x40, s30, s10, $0xb8;
	[tilespmem:$0x1ED38] =	vst v63  }
0x334: {  	_ =	swait.ge [sflag:s16], $0x7D00  }
0x335: {  	[sflag:s16] =	ssyncset.done $0x0  }
0x336: {  	s31 =	simm.s32 $0xE378;
	[sflag:s16] =	ssyncadd.s32 $0xFFFF8300  }
0x337: {  	[spmem:s3] =	stream.indirect.scatter.add.f32 [tilespmem:s9], [sflag:$0x5], $0x1, s31, s10, $0xb8;
	[tilespmem:$0x1ED38] =	vst v63  }
0x338: {  	_ = 	snop  }
0x339: {  	[spmem:s2] =	stream.indirect.scatter.add.f32 [tilespmem:s13], [sflag:$0x4], $0x40, s31, s10, $0xb8;
	[tilespmem:$0x1ED38] =	vst v63  }
0x33a: {  	_ =	swait.ge [sflag:s17], $0x7D00  }
0x33b: {  	[sflag:s17] =	ssyncset.done $0x0  }
0x33c: {  	[sflag:s17] =	ssyncadd.s32 $0xFFFF8300  }
0x33d: {  	_ =	swait.ge [sflag:s12], $0x1F4  }
0x33e: {  	[sflag:s12] =	ssyncset.done $0x0  }
0x33f: {  	s1 =	rddreg [dreg:$0x1a];
	[sflag:s12] =	ssyncadd.s32 $0xFFFFFE0C  }
0x340: {  	[tilespmem:s13], [sflag:$0x2] =	stream.indirect.gather [hbm4b:s4+s10], $0x40, s1, s10, $0xb8;
	[tilespmem:$0x1ED38] =	vst v63  }
0x341: {  	_ =	swait.ge [sflag:s15], $0x7D00  }
0x342: {  	[sflag:s15] =	ssyncset.done $0x0  }
0x343: {  	s18 =	simm.s32 $0xE570;
	[sflag:s15] =	ssyncadd.s32 $0xFFFF8300  }
0x344: {  	[spmem:s3] =	stream.indirect.scatter.add.f32 [tilespmem:s9], [sflag:$0x5], $0x1, s18, s10, $0xb8;
	[tilespmem:$0x1ED38] =	vst v63  }
0x345: {  	_ = 	snop  }
0x346: {  	[spmem:s2] =	stream.indirect.scatter.add.f32 [tilespmem:s14], [sflag:$0x3], $0x40, s18, s10, $0xb8;
	[tilespmem:$0x1ED38] =	vst v63  }
0x347: {  	_ =	swait.ge [sflag:s11], $0x7D00  }
0x348: {  	[sflag:s11] =	ssyncset.done $0x0  }
0x349: {  	[sflag:s11] =	ssyncadd.s32 $0xFFFF8300  }
0x34a: {  	_ =	swait.ge [sflag:s12], $0x1F4  }
0x34b: {  	[sflag:s12] =	ssyncset.done $0x0  }
0x34c: {  	s19 =	rddreg [dreg:$0x1b];
	[sflag:s12] =	ssyncadd.s32 $0xFFFFFE0C  }
0x34d: {  	[tilespmem:s14], [sflag:$0x1] =	stream.indirect.gather [hbm4b:s4+s10], $0x40, s19, s10, $0xb8;
	[tilespmem:$0x1ED38] =	vst v63  }
0x34e: {  	_ =	swait.ge [sflag:s16], $0x7D00  }
0x34f: {  	[sflag:s16] =	ssyncset.done $0x0  }
0x350: {  	s20 =	simm.s32 $0xE768;
	[sflag:s16] =	ssyncadd.s32 $0xFFFF8300  }
0x351: {  	[spmem:s3] =	stream.indirect.scatter.add.f32 [tilespmem:s9], [sflag:$0x5], $0x1, s20, s10, $0xb8;
	[tilespmem:$0x1ED38] =	vst v63  }
0x352: {  	_ = 	snop  }
0x353: {  	[spmem:s2] =	stream.indirect.scatter.add.f32 [tilespmem:s13], [sflag:$0x4], $0x40, s20, s10, $0xb8;
	[tilespmem:$0x1ED38] =	vst v63  }
0x354: {  	_ =	swait.ge [sflag:s17], $0x7D00  }
0x355: {  	[sflag:s17] =	ssyncset.done $0x0  }
0x356: {  	[sflag:s17] =	ssyncadd.s32 $0xFFFF8300  }
0x357: {  	_ =	swait.ge [sflag:s12], $0x1F4  }
0x358: {  	[sflag:s12] =	ssyncset.done $0x0  }
0x359: {  	s21 =	rddreg [dreg:$0x1c];
	[sflag:s12] =	ssyncadd.s32 $0xFFFFFE0C  }
0x35a: {  	[tilespmem:s13], [sflag:$0x2] =	stream.indirect.gather [hbm4b:s4+s10], $0x40, s21, s10, $0xb8;
	[tilespmem:$0x1ED38] =	vst v63  }
0x35b: {  	_ =	swait.ge [sflag:s15], $0x7D00  }
0x35c: {  	[sflag:s15] =	ssyncset.done $0x0  }
0x35d: {  	s22 =	simm.s32 $0xE960;
	[sflag:s15] =	ssyncadd.s32 $0xFFFF8300  }
0x35e: {  	[spmem:s3] =	stream.indirect.scatter.add.f32 [tilespmem:s9], [sflag:$0x5], $0x1, s22, s10, $0xb8;
	[tilespmem:$0x1ED38] =	vst v63  }
0x35f: {  	_ = 	snop  }
0x360: {  	[spmem:s2] =	stream.indirect.scatter.add.f32 [tilespmem:s14], [sflag:$0x3], $0x40, s22, s10, $0xb8;
	[tilespmem:$0x1ED38] =	vst v63  }
0x361: {  	_ =	swait.ge [sflag:s11], $0x7D00  }
0x362: {  	[sflag:s11] =	ssyncset.done $0x0  }
0x363: {  	[sflag:s11] =	ssyncadd.s32 $0xFFFF8300  }
0x364: {  	_ =	swait.ge [sflag:s12], $0x1F4  }
0x365: {  	[sflag:s12] =	ssyncset.done $0x0  }
0x366: {  	s23 =	rddreg [dreg:$0x1d];
	[sflag:s12] =	ssyncadd.s32 $0xFFFFFE0C  }
0x367: {  	[tilespmem:s14], [sflag:$0x1] =	stream.indirect.gather [hbm4b:s4+s10], $0x40, s23, s10, $0xb8;
	[tilespmem:$0x1ED38] =	vst v63  }
0x368: {  	_ =	swait.ge [sflag:s16], $0x7D00  }
0x369: {  	[sflag:s16] =	ssyncset.done $0x0  }
0x36a: {  	s24 =	simm.s32 $0xEB58;
	[sflag:s16] =	ssyncadd.s32 $0xFFFF8300  }
0x36b: {  	[spmem:s3] =	stream.indirect.scatter.add.f32 [tilespmem:s9], [sflag:$0x5], $0x1, s24, s10, $0xb8;
	[tilespmem:$0x1ED38] =	vst v63  }
0x36c: {  	_ = 	snop  }
0x36d: {  	[spmem:s2] =	stream.indirect.scatter.add.f32 [tilespmem:s13], [sflag:$0x4], $0x40, s24, s10, $0xb8;
	[tilespmem:$0x1ED38] =	vst v63  }
0x36e: {  	_ =	swait.ge [sflag:s17], $0x7D00  }
0x36f: {  	[sflag:s17] =	ssyncset.done $0x0  }
0x370: {  	[sflag:s17] =	ssyncadd.s32 $0xFFFF8300  }
0x371: {  	_ =	swait.ge [sflag:s12], $0x1F4  }
0x372: {  	[sflag:s12] =	ssyncset.done $0x0  }
0x373: {  	s25 =	rddreg [dreg:$0x1e];
	[sflag:s12] =	ssyncadd.s32 $0xFFFFFE0C  }
0x374: {  	[tilespmem:s13], [sflag:$0x2] =	stream.indirect.gather [hbm4b:s4+s10], $0x40, s25, s10, $0xb8;
	[tilespmem:$0x1ED38] =	vst v63  }
0x375: {  	_ =	swait.ge [sflag:s15], $0x7D00  }
0x376: {  	[sflag:s15] =	ssyncset.done $0x0  }
0x377: {  	s26 =	simm.s32 $0xED50;
	[sflag:s15] =	ssyncadd.s32 $0xFFFF8300  }
0x378: {  	[spmem:s3] =	stream.indirect.scatter.add.f32 [tilespmem:s9], [sflag:$0x5], $0x1, s26, s10, $0xb8;
	[tilespmem:$0x1ED38] =	vst v63  }
0x379: {  	_ = 	snop  }
0x37a: {  	[spmem:s2] =	stream.indirect.scatter.add.f32 [tilespmem:s14], [sflag:$0x3], $0x40, s26, s10, $0xb8;
	[tilespmem:$0x1ED38] =	vst v63  }
0x37b: {  	_ =	swait.ge [sflag:s16], $0x7D00  }
0x37c: {  	[sflag:s16] =	ssyncset.done $0x0  }
0x37d: {  	s28 =	simm.s32 $0xEF48;
	[sflag:s16] =	ssyncadd.s32 $0xFFFF8300  }
0x37e: {  	[spmem:s3] =	stream.indirect.scatter.add.f32 [tilespmem:s9], [sflag:$0x5], $0x1, s28, s10, $0xb8;
	[tilespmem:$0x1ED38] =	vst v63  }
0x37f: {  	_ = 	snop  }
0x380: {  	[spmem:s2] =	stream.indirect.scatter.add.f32 [tilespmem:s13], [sflag:$0x4], $0x40, s28, s10, $0xb8;
	[tilespmem:$0x1ED38] =	vst v63  }
0x381: {  	_ =	swait.ge [sflag:s17], $0x7D00  }
0x382: {  	[sflag:s17] =	ssyncset.done $0x0  }
0x383: {  	[sflag:s17] =	ssyncadd.s32 $0xFFFF8300  }
0x384: {  	_ =	swait.ge [sflag:s12], $0x1F4  }
0x385: {  	[sflag:s12] =	ssyncset.done $0x0  }
0x386: {  	[sflag:s12] =	ssyncadd.s32 $0xFFFFFE0C  }
0x387: {  	_ =	swait.ge [sflag:s11], $0x7D00  }
0x388: {  	[sflag:s11] =	ssyncset.done $0x0  }
0x389: {  	[sflag:s11] =	ssyncadd.s32 $0xFFFF8300  }
0x38a: {  	_ =	swait.ge [sflag:s12], $0x1F4  }
0x38b: {  	[sflag:s12] =	ssyncset.done $0x0  }
0x38c: {  	[sflag:s12] =	ssyncadd.s32 $0xFFFFFE0C  }
0x38d: {  	[bflag:$0x0] =	sbarrier.arrive $0xFFFF  }
0x38e: {  	s29 =	rddreg [dreg:$0xa]  }
0x38f: {  	[hbm:s29], [sflag:s5] =	dma.local [spmem:s7], $0x1400  }
0x390: {  	_ =	swait.ge [sflag:s6], $0x1400  }
0x391: {  	[sflag:s6] =	ssyncset.done $0x0  }
0x392: {  	s30 =	rddreg [dreg:$0xb];
	[sflag:s6] =	ssyncadd.s32 $0xFFFFEC00  }
0x393: {  	[hbm:s30], [sflag:s5] =	dma.local [spmem:s8], $0x50  }
0x394: {  	_ =	swait.ge [sflag:s6], $0x50  }
0x395: {  	[sflag:s6] =	ssyncset.done $0x0  }
0x396: {  	[sflag:s6] =	ssyncadd.s32 $0xFFFFFFB0  }
0x397: {  	_ =	sfence.sel $0x180000  }
0x398: {  	[bflag:$0x0] =	sbarrier.arrive $0xFFFF  }
0x399: {  	_ =	strace $0x90000047  }
0x39a: {  	s31 =	stileid.u32;
	[bflag:$0x2] =	sbarrier.arrive $0xFFFF  }
0x39b: {  	p0 =	sne.s32 s31, $0x0;
	s0 =	rddreg [dreg:$0x5]  }
0x39c: {  	s0 =	sadd.s32 @!p0 $0x100000, s0  }
0x39d: {  	[sflag:s0] =	ssyncadd.tile.s32 @!p0 $0x1;
	_ =	shalt  }
.LBB2_1:
.Ltmp3:
0x39e: {  	(pc) =	sbr.rel .LBB2_6-.Ltmp3, $2  }
0x39f: {  	_ =	sdelay $0x2  }
0x3a0: {  	s1 =	rddreg [dreg:$0x1f]  }
.LBB2_3:
.Ltmp4:
0x3a1: {  	(pc) =	sbr.rel .LBB2_6-.Ltmp4, $2  }
0x3a2: {  	_ =	sdelay $0x2  }
0x3a3: {  	s1 =	rddreg [dreg:$0x1f]  }
.Lfunc_end2:
_tile_overlayer_lowered:
.L_overlay_start_2:
0x3a4: {  	(tag) =	ssettag $0x2  }
0x3a5: {  	s0 =	rddreg [dreg:$0x0];
	s2 =	stileid.u32  }
0x3a6: {  	s1 =	rddreg [dreg:$0x1];
	p0 =	sne.s32 s2, $0x0  }
0x3a7: {  	s3 =	rddreg [dreg:$0x2];
	[bflag:$0x3] =	sbarrier.arrive $0xFFFF;
	s2 =	simm.s32 @!p0 $0x1C06  }
0x3a8: {  	[timem:s3], [sflag:s2] =	dma.local @!p0 [hbm:s0], s1  }
0x3a9: {  	s0 =	simm.s32 @!p0 $0x6  }
0x3aa: {  	_ =	swait.ge @!p0 [sflag:s0], s1  }
0x3ab: {  	s1 =	ssub.s32 @!p0 $0x0, s1;
	[sflag:s0] =	ssyncset.done @!p0 $0x0  }
0x3ac: {  	[sflag:s0] =	ssyncadd.s32 @!p0 s1  }
0x3ad: {  	[bflag:$0x3] =	sbarrier.arrive $0xFFFF  }
0x3ae: {  	_ =	shalt  }

</sc_bundles>
